<compile_context>
chip_gen: v7x
topology: tpu7x:2x2x1
jax: 0.10.2.dev20260603
libtpu: 0.0.44.dev20260713+nightly
codegen_flags: <defaults>
</compile_context>

<pallas_src>
import functools

import jax
import jax.numpy as jnp
from jax import lax
from jax.experimental import pallas as pl
from jax.experimental.pallas import tpu as pltpu
from jax.experimental.pallas import tpu_sc as plsc

N = 10000
E = 320000
G_DIM = 128
H1 = 256
H2 = 256
HEADS = 4

_NC = 2
_NS = 16
_NW = _NC * _NS
NPAD = 10240
_EW = E // _NW
_ET = E // _NS

_sc_mesh = functools.partial(
    pl.kernel,
    mesh=plsc.VectorSubcoreMesh(core_axis_name="c", subcore_axis_name="s"),
)


def _sc_deg_body(dst_hbm, w_hbm, zeros_hbm, out_hbm, dst_v, w_v, acc_sh, sem):
    c = lax.axis_index("c")
    s = lax.axis_index("s")
    nper = NPAD // _NS
    pltpu.sync_copy(zeros_hbm.at[pl.ds(s * nper, nper)],
                    acc_sh.at[pl.ds(s * nper, nper)])
    plsc.subcore_barrier()
    base = (s * _NC + c) * _EW
    pltpu.sync_copy(dst_hbm.at[pl.ds(base, _EW)], dst_v)
    pltpu.sync_copy(w_hbm.at[pl.ds(base, _EW)], w_v)
    pltpu.sync_copy(w_v, acc_sh.at[dst_v], add=True)
    plsc.subcore_barrier()
    pltpu.sync_copy(acc_sh.at[pl.ds(s * nper, nper)],
                    out_hbm.at[pl.ds(c * NPAD + s * nper, nper)])


def _sc_deg(dst, w):
    zeros = jnp.zeros((NPAD,), jnp.float32)
    k = _sc_mesh(
        _sc_deg_body,
        out_type=jax.ShapeDtypeStruct((_NC * NPAD,), jnp.float32),
        scratch_types=[
            pltpu.VMEM((_EW,), jnp.int32),
            pltpu.VMEM((_EW,), jnp.float32),
            pltpu.VMEM_SHARED((NPAD,), jnp.float32),
            pltpu.SemaphoreType.DMA,
        ],
    )
    return k(dst, w, zeros)


_GB = 200


def _sc_gcn_gather_body(h_hbm, dinv_hbm, src_hbm, dst_hbm,
                        g1_hbm, dsrc_hbm, ddst_hbm,
                        sidx_v, didx_v, ra_v, rb_v,
                        dsa_v, dsb_v, dda_v, ddb_v, sem, sem2):
    c = lax.axis_index("c")
    s = lax.axis_index("s")
    base = (s * _NC + c) * _EW

    def step(i, _):
        offa = base + 2 * i * _GB
        offb = offa + _GB
        pltpu.sync_copy(src_hbm.at[pl.ds(offa, 2 * _GB)], sidx_v)
        pltpu.sync_copy(dst_hbm.at[pl.ds(offa, 2 * _GB)], didx_v)
        sa = sidx_v.at[pl.ds(0, _GB)]
        sb = sidx_v.at[pl.ds(_GB, _GB)]
        da = didx_v.at[pl.ds(0, _GB)]
        db = didx_v.at[pl.ds(_GB, _GB)]
        c1 = pltpu.async_copy(h_hbm.at[sa], ra_v, sem)
        c2 = pltpu.async_copy(dinv_hbm.at[sa], dsa_v, sem2)
        c3 = pltpu.async_copy(dinv_hbm.at[da], dda_v, sem2)
        c4 = pltpu.async_copy(h_hbm.at[sb], rb_v, sem)
        c5 = pltpu.async_copy(dinv_hbm.at[sb], dsb_v, sem2)
        c6 = pltpu.async_copy(dinv_hbm.at[db], ddb_v, sem2)
        c1.wait()
        pltpu.sync_copy(ra_v, g1_hbm.at[pl.ds(offa, _GB)])
        c2.wait()
        pltpu.sync_copy(dsa_v, dsrc_hbm.at[pl.ds(offa, _GB)])
        c3.wait()
        pltpu.sync_copy(dda_v, ddst_hbm.at[pl.ds(offa, _GB)])
        c4.wait()
        pltpu.sync_copy(rb_v, g1_hbm.at[pl.ds(offb, _GB)])
        c5.wait()
        pltpu.sync_copy(dsb_v, dsrc_hbm.at[pl.ds(offb, _GB)])
        c6.wait()
        pltpu.sync_copy(ddb_v, ddst_hbm.at[pl.ds(offb, _GB)])
        return 0

    lax.fori_loop(0, _EW // (2 * _GB), step, 0)


def _sc_gcn_gather(h, dinv, src, dst):
    k = _sc_mesh(
        _sc_gcn_gather_body,
        out_type=(jax.ShapeDtypeStruct((E, H1 // 2), jnp.int32),
                  jax.ShapeDtypeStruct((E,), jnp.float32),
                  jax.ShapeDtypeStruct((E,), jnp.float32)),
        scratch_types=[
            pltpu.VMEM((2 * _GB,), jnp.int32),
            pltpu.VMEM((2 * _GB,), jnp.int32),
            pltpu.VMEM((_GB, H1 // 2), jnp.int32),
            pltpu.VMEM((_GB, H1 // 2), jnp.int32),
            pltpu.VMEM((_GB,), jnp.float32),
            pltpu.VMEM((_GB,), jnp.float32),
            pltpu.VMEM((_GB,), jnp.float32),
            pltpu.VMEM((_GB,), jnp.float32),
            pltpu.SemaphoreType.DMA,
            pltpu.SemaphoreType.DMA,
        ],
    )
    return k(h, dinv, src, dst)


_SB = 160


def _make_sc_scatter128(M):
    def body(rows_hbm, idx_hbm, zeros_hbm, out_hbm, rows_v, idx_v, acc_sh, sem):
        c = lax.axis_index("c")
        s = lax.axis_index("s")
        nper = NPAD // _NS
        pltpu.sync_copy(zeros_hbm.at[pl.ds(s * nper, nper)],
                        acc_sh.at[pl.ds(s * nper, nper)])
        plsc.subcore_barrier()
        mper = M // _NS
        base = s * mper

        def step(i, _):
            off = base + i * _SB
            pltpu.sync_copy(idx_hbm.at[pl.ds(off, _SB)], idx_v)
            pltpu.sync_copy(rows_hbm.at[pl.ds(c * M + off, _SB)], rows_v)
            pltpu.sync_copy(rows_v, acc_sh.at[idx_v], add=True)
            return 0

        lax.fori_loop(0, mper // _SB, step, 0)
        plsc.subcore_barrier()
        pltpu.sync_copy(acc_sh.at[pl.ds(s * nper, nper)],
                        out_hbm.at[pl.ds(c * NPAD + s * nper, nper)])

    def run(rows2, idx):
        zeros = jnp.zeros((NPAD, 128), jnp.float32)
        k = _sc_mesh(
            body,
            out_type=jax.ShapeDtypeStruct((_NC * NPAD, 128), jnp.float32),
            scratch_types=[
                pltpu.VMEM((_SB, 128), jnp.float32),
                pltpu.VMEM((_SB,), jnp.int32),
                pltpu.VMEM_SHARED((NPAD, 128), jnp.float32),
                pltpu.SemaphoreType.DMA,
            ],
        )
        return k(rows2, idx, zeros)

    return run


_sc_scatter128_E = _make_sc_scatter128(E)


_QB = 40


def _sc_qk_gather_body(q_hbm, k_hbm, dst_hbm, src_hbm, qg_hbm, kg_hbm,
                       didx_v, sidx_v, qa_v, ka_v, qb_v, kb_v, sem):
    c = lax.axis_index("c")
    s = lax.axis_index("s")
    base = (s * _NC + c) * _EW

    def step(i, _):
        offa = base + 2 * i * _QB
        offb = offa + _QB
        pltpu.sync_copy(dst_hbm.at[pl.ds(offa, 2 * _QB)], didx_v)
        pltpu.sync_copy(src_hbm.at[pl.ds(offa, 2 * _QB)], sidx_v)
        cq_a = pltpu.async_copy(q_hbm.at[didx_v.at[pl.ds(0, _QB)]], qa_v, sem)
        ck_a = pltpu.async_copy(k_hbm.at[sidx_v.at[pl.ds(0, _QB)]], ka_v, sem)
        cq_b = pltpu.async_copy(q_hbm.at[didx_v.at[pl.ds(_QB, _QB)]], qb_v, sem)
        ck_b = pltpu.async_copy(k_hbm.at[sidx_v.at[pl.ds(_QB, _QB)]], kb_v, sem)
        cq_a.wait()
        pltpu.sync_copy(qa_v, qg_hbm.at[pl.ds(offa, _QB)])
        ck_a.wait()
        pltpu.sync_copy(ka_v, kg_hbm.at[pl.ds(offa, _QB)])
        cq_b.wait()
        pltpu.sync_copy(qb_v, qg_hbm.at[pl.ds(offb, _QB)])
        ck_b.wait()
        pltpu.sync_copy(kb_v, kg_hbm.at[pl.ds(offb, _QB)])
        return 0

    lax.fori_loop(0, _EW // (2 * _QB), step, 0)


def _sc_qk_gather(q, k, dst, src):
    kk = _sc_mesh(
        _sc_qk_gather_body,
        out_type=(jax.ShapeDtypeStruct((E, HEADS * H2 // 2), jnp.int32),
                  jax.ShapeDtypeStruct((E, HEADS * H2 // 2), jnp.int32)),
        scratch_types=[
            pltpu.VMEM((2 * _QB,), jnp.int32),
            pltpu.VMEM((2 * _QB,), jnp.int32),
            pltpu.VMEM((_QB, HEADS * H2 // 2), jnp.int32),
            pltpu.VMEM((_QB, HEADS * H2 // 2), jnp.int32),
            pltpu.VMEM((_QB, HEADS * H2 // 2), jnp.int32),
            pltpu.VMEM((_QB, HEADS * H2 // 2), jnp.int32),
            pltpu.SemaphoreType.DMA,
        ],
    )
    return kk(q, k, dst, src)


_XB = 2000


def _sc_ex_scatter_body(e0, e1, e2, e3, dst_hbm, zeros_hbm, out_hbm,
                        val_v, idx_v, a0, a1, a2, a3, sem):
    c = lax.axis_index("c")
    s = lax.axis_index("s")
    nper = NPAD // _NS
    exs = (e0, e1, e2, e3)
    accs = (a0, a1, a2, a3)
    for a in accs:
        pltpu.sync_copy(zeros_hbm.at[pl.ds(s * nper, nper)],
                        a.at[pl.ds(s * nper, nper)])
    plsc.subcore_barrier()
    base = (s * _NC + c) * _EW

    def step(i, _):
        off = base + i * _XB
        pltpu.sync_copy(dst_hbm.at[pl.ds(off, _XB)], idx_v)
        for hh in range(HEADS):
            pltpu.sync_copy(exs[hh].at[pl.ds(off, _XB)], val_v)
            pltpu.sync_copy(val_v, accs[hh].at[idx_v], add=True)
        return 0

    lax.fori_loop(0, _EW // _XB, step, 0)
    plsc.subcore_barrier()
    for hh in range(HEADS):
        pltpu.sync_copy(accs[hh].at[pl.ds(s * nper, nper)],
                        out_hbm.at[pl.ds((c * HEADS + hh) * NPAD + s * nper,
                                         nper)])


def _sc_ex_scatter(ex_heads, dst):
    zeros = jnp.zeros((NPAD,), jnp.float32)
    k = _sc_mesh(
        _sc_ex_scatter_body,
        out_type=jax.ShapeDtypeStruct((_NC * HEADS * NPAD,), jnp.float32),
        scratch_types=[
            pltpu.VMEM((_XB,), jnp.float32),
            pltpu.VMEM((_XB,), jnp.int32),
            pltpu.VMEM_SHARED((NPAD,), jnp.float32),
            pltpu.VMEM_SHARED((NPAD,), jnp.float32),
            pltpu.VMEM_SHARED((NPAD,), jnp.float32),
            pltpu.VMEM_SHARED((NPAD,), jnp.float32),
            pltpu.SemaphoreType.DMA,
        ],
    )
    return k(*ex_heads, dst, zeros)


def _sc_vr_gather_body(v_hbm, r0, r1, r2, r3, src_hbm, dst_hbm,
                       vg_hbm, g0, g1, g2, g3,
                       sidx_v, va_v, vb_v, didx_v, rval_v, sem):
    c = lax.axis_index("c")
    s = lax.axis_index("s")
    base = (s * _NC + c) * _EW

    def vstep(i, _):
        offa = base + 2 * i * _QB
        offb = offa + _QB
        pltpu.sync_copy(src_hbm.at[pl.ds(offa, 2 * _QB)], sidx_v)
        ca = pltpu.async_copy(v_hbm.at[sidx_v.at[pl.ds(0, _QB)]], va_v, sem)
        cb = pltpu.async_copy(v_hbm.at[sidx_v.at[pl.ds(_QB, _QB)]], vb_v, sem)
        ca.wait()
        pltpu.sync_copy(va_v, vg_hbm.at[pl.ds(offa, _QB)])
        cb.wait()
        pltpu.sync_copy(vb_v, vg_hbm.at[pl.ds(offb, _QB)])
        return 0

    lax.fori_loop(0, _EW // (2 * _QB), vstep, 0)

    rts = (r0, r1, r2, r3)
    rgs = (g0, g1, g2, g3)

    def rstep(i, _):
        off = base + i * _XB
        pltpu.sync_copy(dst_hbm.at[pl.ds(off, _XB)], didx_v)
        for hh in range(HEADS):
            pltpu.async_copy(rts[hh].at[didx_v], rval_v, sem).wait()
            pltpu.sync_copy(rval_v, rgs[hh].at[pl.ds(off, _XB)])
        return 0

    lax.fori_loop(0, _EW // _XB, rstep, 0)


def _sc_vr_gather(v, r_heads, src, dst):
    k = _sc_mesh(
        _sc_vr_gather_body,
        out_type=(jax.ShapeDtypeStruct((E, HEADS * H2 // 2), jnp.int32),) +
                 tuple(jax.ShapeDtypeStruct((E,), jnp.float32)
                       for _ in range(HEADS)),
        scratch_types=[
            pltpu.VMEM((2 * _QB,), jnp.int32),
            pltpu.VMEM((_QB, HEADS * H2 // 2), jnp.int32),
            pltpu.VMEM((_QB, HEADS * H2 // 2), jnp.int32),
            pltpu.VMEM((_XB,), jnp.int32),
            pltpu.VMEM((_XB,), jnp.float32),
            pltpu.SemaphoreType.DMA,
        ],
    )
    return k(v, *r_heads, src, dst)


def _dinv_body(d_ref, o_ref):
    deg = d_ref[0, :] + d_ref[1, :] + 1.0
    o_ref[...] = jax.lax.rsqrt(deg)[None, :]


def _tc_dinv(deg_parts):
    return pl.pallas_call(
        _dinv_body,
        out_shape=jax.ShapeDtypeStruct((1, NPAD), jnp.float32),
    )(deg_parts.reshape(_NC, NPAD))


def _mm_kernel(x_ref, w_ref, o_ref):
    o_ref[...] = jnp.dot(x_ref[...], w_ref[...],
                         preferred_element_type=jnp.float32)


def _bf16_halves(xi):
    lo = jax.lax.bitcast_convert_type(xi << 16, jnp.float32)
    hi = jax.lax.bitcast_convert_type(xi & jnp.int32(-65536), jnp.float32)
    return lo, hi


def _h_body(x_ref, w_ref, h_ref, hb_ref):
    o = jnp.dot(x_ref[...], w_ref[...], preferred_element_type=jnp.float32)
    h_ref[...] = o[:, :H1]
    hb_ref[...] = o[:, H1:].astype(jnp.bfloat16)


def _tc_h(x, w1cat, block_rows=1000):
    grid = N // block_rows
    return pl.pallas_call(
        _h_body,
        grid=(grid,),
        in_specs=[
            pl.BlockSpec((block_rows, G_DIM), lambda i: (i, 0)),
            pl.BlockSpec((G_DIM, 2 * H1), lambda i: (0, 0)),
        ],
        out_specs=[
            pl.BlockSpec((block_rows, H1), lambda i: (i, 0)),
            pl.BlockSpec((block_rows, H1), lambda i: (i, 0)),
        ],
        out_shape=[
            jax.ShapeDtypeStruct((N, H1), jnp.float32),
            jax.ShapeDtypeStruct((N, H1), jnp.bfloat16),
        ],
    )(x, w1cat)


def _matmul(x, w, block_rows=1024):
    n, d = x.shape
    _, m = w.shape
    grid = (n + block_rows - 1) // block_rows
    return pl.pallas_call(
        _mm_kernel,
        grid=(grid,),
        in_specs=[
            pl.BlockSpec((block_rows, d), lambda i: (i, 0)),
            pl.BlockSpec((d, m), lambda i: (0, 0)),
        ],
        out_specs=pl.BlockSpec((block_rows, m), lambda i: (i, 0)),
        out_shape=jax.ShapeDtypeStruct((n, m), jnp.float32),
    )(x, w)


def _scale_body(g1_ref, dsrc_ref, ddst_ref, w_ref, o_ref):
    norm = dsrc_ref[...] * w_ref[...] * ddst_ref[...]
    ge, go = _bf16_halves(g1_ref[...])
    o_ref[0, :, :] = ge * norm
    o_ref[1, :, :] = go * norm


def _tc_scale(g1, dsrc, ddst, w):
    R = 2000
    grid = E // R
    return pl.pallas_call(
        _scale_body,
        grid=(grid,),
        in_specs=[
            pl.BlockSpec((R, H1 // 2), lambda i: (i, 0)),
            pl.BlockSpec((R, 1), lambda i: (i, 0)),
            pl.BlockSpec((R, 1), lambda i: (i, 0)),
            pl.BlockSpec((R, 1), lambda i: (i, 0)),
        ],
        out_specs=pl.BlockSpec((2, R, 128), lambda i: (0, i, 0)),
        out_shape=jax.ShapeDtypeStruct((2, E, 128), jnp.float32),
    )(g1, dsrc.reshape(E, 1), ddst.reshape(E, 1), w.reshape(E, 1))


def _x1qkvs_body(acc_ref, h_ref, dinv_ref, b1_ref, w_ref, b_ref,
                 q_ref, k_ref, v_ref, s_ref):
    x1 = jnp.concatenate([acc_ref[0], acc_ref[1]], axis=1)
    x1 = x1 + dinv_ref[...] ** 2 * h_ref[...] + b1_ref[...]
    o = jnp.dot(x1, w_ref[...], preferred_element_type=jnp.float32)
    o = o + b_ref[...]
    q_ref[...] = o[:, :1024].astype(jnp.bfloat16)
    k_ref[...] = o[:, 1024:2048].astype(jnp.bfloat16)
    v_ref[...] = o[:, 2048:3072].astype(jnp.bfloat16)
    s_ref[...] = o[:, 3072:]


def _tc_x1qkvs(x1acc, h, dinv, b1, Wqkvs, bqkvs):
    R = 1000
    grid = N // R
    return pl.pallas_call(
        _x1qkvs_body,
        grid=(grid,),
        in_specs=[
            pl.BlockSpec((2, R, 128), lambda i: (0, i, 0)),
            pl.BlockSpec((R, H1), lambda i: (i, 0)),
            pl.BlockSpec((R, 1), lambda i: (i, 0)),
            pl.BlockSpec((1, H1), lambda i: (0, 0)),
            pl.BlockSpec((H1, 3328), lambda i: (0, 0)),
            pl.BlockSpec((1, 3328), lambda i: (0, 0)),
        ],
        out_specs=[
            pl.BlockSpec((R, 1024), lambda i: (i, 0)),
            pl.BlockSpec((R, 1024), lambda i: (i, 0)),
            pl.BlockSpec((R, 1024), lambda i: (i, 0)),
            pl.BlockSpec((R, 256), lambda i: (i, 0)),
        ],
        out_shape=[
            jax.ShapeDtypeStruct((N, 1024), jnp.bfloat16),
            jax.ShapeDtypeStruct((N, 1024), jnp.bfloat16),
            jax.ShapeDtypeStruct((N, 1024), jnp.bfloat16),
            jax.ShapeDtypeStruct((N, 256), jnp.float32),
        ],
    )(x1acc, h, dinv, b1, Wqkvs, bqkvs)


def _ex_body(qg_ref, kg_ref, o_ref):
    qe, qo = _bf16_halves(qg_ref[...])
    ke, ko = _bf16_halves(kg_ref[...])
    p = qe * ke + qo * ko
    cols = [jnp.sum(p[:, hh * 128:(hh + 1) * 128], axis=1, keepdims=True)
            for hh in range(HEADS)]
    a = jnp.concatenate(cols, axis=1) * (1.0 / 16.0)
    o_ref[...] = jnp.exp(a)


def _tc_ex(qg, kg):
    R = 1000
    grid = E // R
    return pl.pallas_call(
        _ex_body,
        grid=(grid,),
        in_specs=[
            pl.BlockSpec((R, 512), lambda i: (i, 0)),
            pl.BlockSpec((R, 512), lambda i: (i, 0)),
        ],
        out_specs=pl.BlockSpec((R, 4), lambda i: (i, 0)),
        out_shape=jax.ShapeDtypeStruct((E, 4), jnp.float32),
    )(qg, kg)


def _recip_body(d_ref, o_ref):
    o_ref[...] = 1.0 / (d_ref[0] + d_ref[1] + 1e-16)


def _tc_recip(denom_parts):
    return pl.pallas_call(
        _recip_body,
        out_shape=jax.ShapeDtypeStruct((HEADS, NPAD), jnp.float32),
    )(denom_parts.reshape(_NC, HEADS, NPAD))


def _m_body(vg_ref, ex_ref, rg_ref, o_ref):
    coef = ex_ref[...] * rg_ref[...]
    ve, vo = _bf16_halves(vg_ref[...])
    m0 = ve[:, :128] * coef[:, 0:1]
    m1 = vo[:, :128] * coef[:, 0:1]
    for hh in range(1, HEADS):
        m0 = m0 + ve[:, hh * 128:(hh + 1) * 128] * coef[:, hh:hh + 1]
        m1 = m1 + vo[:, hh * 128:(hh + 1) * 128] * coef[:, hh:hh + 1]
    o_ref[0, :, :] = m0
    o_ref[1, :, :] = m1


def _tc_m(vg, ex4, rg4):
    R = 1000
    grid = E // R
    return pl.pallas_call(
        _m_body,
        grid=(grid,),
        in_specs=[
            pl.BlockSpec((R, 512), lambda i: (i, 0)),
            pl.BlockSpec((R, 4), lambda i: (i, 0)),
            pl.BlockSpec((R, 4), lambda i: (i, 0)),
        ],
        out_specs=pl.BlockSpec((2, R, 128), lambda i: (0, i, 0)),
        out_shape=jax.ShapeDtypeStruct((2, E, 128), jnp.float32),
    )(vg, ex4, rg4)


def _out1_body(agg_ref, skip_ref, o_ref, ps_ref, pq_ref):
    i = pl.program_id(0)
    o = jnp.concatenate([agg_ref[0], agg_ref[1]], axis=1) * (1.0 / HEADS)
    o = o + skip_ref[...]
    o_ref[...] = o
    ps_ref[pl.ds(i, 1), :] = jnp.sum(o, axis=0, keepdims=True)
    pq_ref[pl.ds(i, 1), :] = jnp.sum(o * o, axis=0, keepdims=True)


def _tc_out1(aggacc, skip):
    R = 1000
    grid = N // R
    return pl.pallas_call(
        _out1_body,
        grid=(grid,),
        in_specs=[
            pl.BlockSpec((2, R, 128), lambda i: (0, i, 0)),
            pl.BlockSpec((R, 256), lambda i: (i, 0)),
        ],
        out_specs=[
            pl.BlockSpec((R, 256), lambda i: (i, 0)),
            pl.BlockSpec((N // R, 256), lambda i: (0, 0)),
            pl.BlockSpec((N // R, 256), lambda i: (0, 0)),
        ],
        out_shape=[
            jax.ShapeDtypeStruct((N, 256), jnp.float32),
            jax.ShapeDtypeStruct((N // R, 256), jnp.float32),
            jax.ShapeDtypeStruct((N // R, 256), jnp.float32),
        ],
    )(aggacc, skip)


def _norm_body(o_ref, ps_ref, pq_ref, g_ref, b_ref, y_ref):
    mu = jnp.sum(ps_ref[...], axis=0, keepdims=True) * (1.0 / N)
    var = jnp.sum(pq_ref[...], axis=0, keepdims=True) * (1.0 / N) - mu * mu
    xn = (o_ref[...] - mu) * jax.lax.rsqrt(var + 1e-5)
    y = g_ref[...] * xn + b_ref[...]
    y_ref[...] = jnp.where(y > 0, y, 0.01 * y)


def _tc_norm(o, ps, pq, gamma, beta):
    R = 1000
    grid = N // R
    G = N // R
    return pl.pallas_call(
        _norm_body,
        grid=(grid,),
        in_specs=[
            pl.BlockSpec((R, 256), lambda i: (i, 0)),
            pl.BlockSpec((G, 256), lambda i: (0, 0)),
            pl.BlockSpec((G, 256), lambda i: (0, 0)),
            pl.BlockSpec((1, 256), lambda i: (0, 0)),
            pl.BlockSpec((1, 256), lambda i: (0, 0)),
        ],
        out_specs=pl.BlockSpec((R, 256), lambda i: (i, 0)),
        out_shape=jax.ShapeDtypeStruct((N, 256), jnp.float32),
    )(o, ps, pq, gamma.reshape(1, 256), beta.reshape(1, 256))


def kernel(node_features, edge_index, edge_weight, W1, b1, Wq, bq, Wk, bk,
           Wv, bv, Wskip, bskip, gamma, beta):
    src = edge_index[0]
    dst = edge_index[1]
    ph = jnp.stack([jnp.arange(128, dtype=jnp.int32),
                    jnp.arange(128, dtype=jnp.int32) + 128],
                   axis=1).reshape(256)
    deg_parts = _sc_deg(dst, edge_weight)
    dinv_pad = _tc_dinv(deg_parts).reshape(NPAD)
    w1cat = jnp.concatenate([W1, W1[:, ph]], axis=1)
    h, hb = _tc_h(node_features, w1cat)
    hpk = jax.lax.bitcast_convert_type(hb.reshape(N, H1 // 2, 2), jnp.int32)
    g1, dsrc, ddst = _sc_gcn_gather(hpk, dinv_pad, src, dst)
    m1 = _tc_scale(g1, dsrc, ddst, edge_weight).reshape(2 * E, 128)
    x1acc = _sc_scatter128_E(m1, dst).reshape(_NC, NPAD, 128)[:, :N, :]
    vperm = jnp.concatenate([hh * 256 + ph for hh in range(HEADS)])
    Wqkvs = jnp.concatenate([Wq, Wk, Wv[:, vperm], Wskip], axis=1)
    bqkvs = jnp.concatenate([bq, bk, bv[vperm], bskip]).reshape(1, 3328)
    dinv_n = dinv_pad[:N].reshape(N, 1)
    q, k, v, skip = _tc_x1qkvs(x1acc, h, dinv_n, b1.reshape(1, H1),
                               Wqkvs, bqkvs)

    def _pack(t):
        return jax.lax.bitcast_convert_type(t.reshape(N, 512, 2), jnp.int32)

    q, k, v = _pack(q), _pack(k), _pack(v)
    qg, kg = _sc_qk_gather(q, k, dst, src)
    ex4 = _tc_ex(qg, kg)
    ex_t = ex4.T
    denom_parts = _sc_ex_scatter([ex_t[hh] for hh in range(HEADS)], dst)
    r_t = _tc_recip(denom_parts)
    vg, *rg_heads = _sc_vr_gather(v, [r_t[hh] for hh in range(HEADS)],
                                  src, dst)
    rg4 = jnp.stack(rg_heads, axis=1)
    m2 = _tc_m(vg, ex4, rg4).reshape(2 * E, 128)
    aggacc = _sc_scatter128_E(m2, dst).reshape(_NC, NPAD, 128)[:, :N, :]
    o, ps, pq = _tc_out1(aggacc, skip)
    return _tc_norm(o, ps, pq, gamma, beta)

# --- scband reference (transcript-rebuilt; emitter-appended) ---
"""Pipeline reference for scband-gnn-63385127354906 (READ-ONLY COPY).

The authoritative reference and input builder live on the scoring server;
editing this copy changes nothing except your own understanding.
"""

import jax, jax.numpy as jnp
import numpy as np

N = 10000
E = 320000
G_DIM = 128
H1 = 256
H2 = 256
HEADS = 4


def setup_inputs(seed: int = 0) -> dict:
    key = jax.random.key(seed)
    ks = jax.random.split(key, 16)
    node_features = jax.random.normal(ks[0], (N, G_DIM), dtype=jnp.float32)
    edge_index = jax.random.randint(ks[1], (2, E), 0, N, dtype=jnp.int32)
    edge_weight = jax.random.uniform(ks[2], (E,), dtype=jnp.float32)
    s = 0.05
    W1 = jax.random.normal(ks[3], (G_DIM, H1), dtype=jnp.float32) * s
    b1 = jnp.zeros((H1,), dtype=jnp.float32)
    Wq = jax.random.normal(ks[4], (H1, HEADS * H2), dtype=jnp.float32) * s
    bq = jnp.zeros((HEADS * H2,), dtype=jnp.float32)
    Wk = jax.random.normal(ks[5], (H1, HEADS * H2), dtype=jnp.float32) * s
    bk = jnp.zeros((HEADS * H2,), dtype=jnp.float32)
    Wv = jax.random.normal(ks[6], (H1, HEADS * H2), dtype=jnp.float32) * s
    bv = jnp.zeros((HEADS * H2,), dtype=jnp.float32)
    Wskip = jax.random.normal(ks[7], (H1, H2), dtype=jnp.float32) * s
    bskip = jnp.zeros((H2,), dtype=jnp.float32)
    gamma = jnp.ones((H2,), dtype=jnp.float32)
    beta = jnp.zeros((H2,), dtype=jnp.float32)
    return {"node_features": node_features, "edge_index": edge_index,
            "edge_weight": edge_weight, "W1": W1, "b1": b1, "Wq": Wq, "bq": bq,
            "Wk": Wk, "bk": bk, "Wv": Wv, "bv": bv, "Wskip": Wskip,
            "bskip": bskip, "gamma": gamma, "beta": beta}


def reference(node_features, edge_index, edge_weight, W1, b1, Wq, bq, Wk, bk,
              Wv, bv, Wskip, bskip, gamma, beta):
    src = edge_index[0]
    dst = edge_index[1]
    # ---- GCNConv (gcn_norm with self loops + edge weights) ----
    loop = jnp.arange(N, dtype=src.dtype)
    src_f = jnp.concatenate([src, loop])
    dst_f = jnp.concatenate([dst, loop])
    w_f = jnp.concatenate([edge_weight, jnp.ones((N,), dtype=edge_weight.dtype)])
    deg = jax.ops.segment_sum(w_f, dst_f, num_segments=N)
    dinv = jnp.where(deg > 0, jax.lax.rsqrt(deg), 0.0)
    norm = dinv[src_f] * w_f * dinv[dst_f]
    h = node_features @ W1
    x1 = jax.ops.segment_sum(h[src_f] * norm[:, None], dst_f, num_segments=N) + b1
    # ---- TransformerConv (heads=4, concat=False, root_weight=True) ----
    q = (x1 @ Wq + bq).reshape(N, HEADS, H2)
    k = (x1 @ Wk + bk).reshape(N, HEADS, H2)
    v = (x1 @ Wv + bv).reshape(N, HEADS, H2)
    alpha = jnp.sum(q[dst] * k[src], axis=-1) / jnp.sqrt(float(H2))  # [E, HEADS]
    amax = jax.ops.segment_max(alpha, dst, num_segments=N)
    amax = jnp.where(jnp.isfinite(amax), amax, 0.0)
    ex = jnp.exp(alpha - amax[dst])
    denom = jax.ops.segment_sum(ex, dst, num_segments=N)
    attn = ex / (denom[dst] + 1e-16)
    msg = v[src] * attn[:, :, None]
    agg = jax.ops.segment_sum(msg, dst, num_segments=N)
    out = agg.mean(axis=1) + (x1 @ Wskip + bskip)
    # ---- BatchNorm1d (training-mode batch stats) + leaky_relu ----
    mu = out.mean(axis=0)
    var = out.var(axis=0)
    xn = (out - mu) * jax.lax.rsqrt(var + 1e-5)
    y = gamma * xn + beta
    return jnp.where(y > 0, y, 0.01 * y)

if __name__ == "__main__":
    import jax
    _d = setup_inputs()
    print(jax.jit(kernel)(*tuple(_d.values())))

</pallas_src>

<mosaic_0001>
#map = affine_map<(d0, d1) -> (0, 0)>
#map1 = affine_map<(d0, d1) -> (0)>
module attributes {stable_mosaic.version = 14 : i64} {
  func.func @body(%arg0: i32, %arg1: i32, %arg2: memref<640000x128xf32, #tpu.memory_space<hbm>>, %arg3: memref<320000xi32, #tpu.memory_space<hbm>>, %arg4: memref<10240x128xf32, #tpu.memory_space<hbm>>, %arg5: memref<20480x128xf32, #tpu.memory_space<hbm>>, %arg6: memref<160x128xf32, #tpu.memory_space<vmem>>, %arg7: memref<160xi32, #tpu.memory_space<vmem>>, %arg8: memref<10240x128xf32, #tpu.memory_space<vmem_shared>>, %arg9: memref<!tpu.dma_semaphore, #tpu.memory_space<semaphore_mem>>) attributes {dimension_semantics = [#tpu.dimension_semantics<core_parallel>, #tpu.dimension_semantics<subcore_parallel>], iteration_bounds = array<i64: 2, 16>, scalar_prefetch = 0 : i64, scratch_operands = 4 : i64, tpu.core_type = #tpu.core_type<sc_vector_subcore>, window_params = [{transform_indices = #map}, {transform_indices = #map1}, {transform_indices = #map}, {transform_indices = #map}]} {
    %mul3A = arith.constant 640 : i32
    %mul3A_0 = arith.muli %arg1, %mul3A : i32
    %mul3A_1 = arith.constant 640 : i32
    %mul3A_2 = arith.muli %arg1, %mul3A_1 : i32
    "tpu.region"() ({
      %run_scoped3A = tpu.sem_alloc : memref<!tpu.dma_semaphore, #tpu.memory_space<semaphore_mem>>
      %dma_start3A = arith.constant 0 : i32
      %dma_start3A_18 = tpu.memref_slice %arg8[%mul3A_2, %dma_start3A] : memref<10240x128xf32, #tpu.memory_space<vmem_shared>> -> memref<640x128xf32, #tpu.memory_space<vmem_shared>>
      %dma_start3A_19 = arith.constant 0 : i32
      %dma_start3A_20 = tpu.memref_slice %arg4[%mul3A_0, %dma_start3A_19] : memref<10240x128xf32, #tpu.memory_space<hbm>> -> memref<640x128xf32, #tpu.memory_space<hbm>>
      tpu.enqueue_dma source(%dma_start3A_20 : memref<640x128xf32, #tpu.memory_space<hbm>>) target(%dma_start3A_18 : memref<640x128xf32, #tpu.memory_space<vmem_shared>>) target_semaphore(%run_scoped3A : memref<!tpu.dma_semaphore, #tpu.memory_space<semaphore_mem>>)
      %dma_wait3A = arith.constant 0 : i32
      %dma_wait3A_21 = tpu.memref_slice %arg8[%mul3A_2, %dma_wait3A] : memref<10240x128xf32, #tpu.memory_space<vmem_shared>> -> memref<640x128xf32, #tpu.memory_space<vmem_shared>>
      %dma_wait3A_22 = arith.constant 0 : i32
      %dma_wait3A_23 = tpu.memref_slice %arg4[%mul3A_0, %dma_wait3A_22] : memref<10240x128xf32, #tpu.memory_space<hbm>> -> memref<640x128xf32, #tpu.memory_space<hbm>>
      tpu.wait_dma2 semaphore(%run_scoped3A : memref<!tpu.dma_semaphore, #tpu.memory_space<semaphore_mem>>) src(%dma_wait3A_23 : memref<640x128xf32, #tpu.memory_space<hbm>>) dst(%dma_wait3A_21 : memref<640x128xf32, #tpu.memory_space<vmem_shared>>)
      tpu.yield
    }) : () -> ()
    %barrier3A = arith.constant 0 : index
    tpu.barrier barrier_id(%barrier3A)
    %mul3A_3 = arith.constant 20000 : i32
    %mul3A_4 = arith.muli %arg1, %mul3A_3 : i32
    %scan3A = arith.constant 0 : i32
    %scan3A_5 = arith.constant 0 : i32
    %scan3A_6 = arith.constant 125 : i32
    %scan3A_7 = arith.addi %scan3A_5, %scan3A_6 : i32
    %scan3A_8 = arith.constant 1 : i32
    %scan3A_9 = scf.for %scan3A_18 = %scan3A_5 to %scan3A_7 step %scan3A_8 iter_args(%scan3A_19 = %scan3A) -> (i32)  : i32 {
      %mul3A_20 = arith.constant 160 : i32
      %mul3A_21 = arith.muli %scan3A_18, %mul3A_20 : i32
      %add3A_22 = arith.addi %mul3A_4, %mul3A_21 : i32
      "tpu.region"() ({
        %run_scoped3A = tpu.sem_alloc : memref<!tpu.dma_semaphore, #tpu.memory_space<semaphore_mem>>
        %dma_start3A = tpu.memref_slice %arg3[%add3A_22] : memref<320000xi32, #tpu.memory_space<hbm>> -> memref<160xi32, #tpu.memory_space<hbm>>
        %dma_start3A_27 = tpu.memref_slice %arg3[%add3A_22] : memref<320000xi32, #tpu.memory_space<hbm>> -> memref<160xi32, #tpu.memory_space<hbm>>
        tpu.enqueue_dma source(%dma_start3A_27 : memref<160xi32, #tpu.memory_space<hbm>>) target(%arg7 : memref<160xi32, #tpu.memory_space<vmem>>) target_semaphore(%run_scoped3A : memref<!tpu.dma_semaphore, #tpu.memory_space<semaphore_mem>>)
        %dma_wait3A = tpu.memref_slice %arg3[%add3A_22] : memref<320000xi32, #tpu.memory_space<hbm>> -> memref<160xi32, #tpu.memory_space<hbm>>
        %dma_wait3A_28 = tpu.memref_slice %arg3[%add3A_22] : memref<320000xi32, #tpu.memory_space<hbm>> -> memref<160xi32, #tpu.memory_space<hbm>>
        tpu.wait_dma2 semaphore(%run_scoped3A : memref<!tpu.dma_semaphore, #tpu.memory_space<semaphore_mem>>) src(%dma_wait3A_28 : memref<160xi32, #tpu.memory_space<hbm>>) dst(%arg7 : memref<160xi32, #tpu.memory_space<vmem>>)
        tpu.yield
      }) : () -> ()
      %mul3A_23 = arith.constant 320000 : i32
      %mul3A_24 = arith.muli %arg0, %mul3A_23 : i32
      %add3A_25 = arith.addi %mul3A_24, %add3A_22 : i32
      "tpu.region"() ({
        %run_scoped3A = tpu.sem_alloc : memref<!tpu.dma_semaphore, #tpu.memory_space<semaphore_mem>>
        %dma_start3A = arith.constant 0 : i32
        %dma_start3A_27 = tpu.memref_slice %arg2[%add3A_25, %dma_start3A] : memref<640000x128xf32, #tpu.memory_space<hbm>> -> memref<160x128xf32, #tpu.memory_space<hbm>>
        %dma_start3A_28 = arith.constant 0 : i32
        %dma_start3A_29 = tpu.memref_slice %arg2[%add3A_25, %dma_start3A_28] : memref<640000x128xf32, #tpu.memory_space<hbm>> -> memref<160x128xf32, #tpu.memory_space<hbm>>
        tpu.enqueue_dma source(%dma_start3A_29 : memref<160x128xf32, #tpu.memory_space<hbm>>) target(%arg6 : memref<160x128xf32, #tpu.memory_space<vmem>>) target_semaphore(%run_scoped3A : memref<!tpu.dma_semaphore, #tpu.memory_space<semaphore_mem>>)
        %dma_wait3A = arith.constant 0 : i32
        %dma_wait3A_30 = tpu.memref_slice %arg2[%add3A_25, %dma_wait3A] : memref<640000x128xf32, #tpu.memory_space<hbm>> -> memref<160x128xf32, #tpu.memory_space<hbm>>
        %dma_wait3A_31 = arith.constant 0 : i32
        %dma_wait3A_32 = tpu.memref_slice %arg2[%add3A_25, %dma_wait3A_31] : memref<640000x128xf32, #tpu.memory_space<hbm>> -> memref<160x128xf32, #tpu.memory_space<hbm>>
        tpu.wait_dma2 semaphore(%run_scoped3A : memref<!tpu.dma_semaphore, #tpu.memory_space<semaphore_mem>>) src(%dma_wait3A_32 : memref<160x128xf32, #tpu.memory_space<hbm>>) dst(%arg6 : memref<160x128xf32, #tpu.memory_space<vmem>>)
        tpu.yield
      }) : () -> ()
      "tpu.region"() ({
        %run_scoped3A = tpu.sem_alloc : memref<!tpu.dma_semaphore, #tpu.memory_space<semaphore_mem>>
        %dma_start3A = arith.constant 0 : i32
        %dma_start3A_27 = arith.constant 0 : i32
        %dma_start3A_28 = tpu.memref_slice %arg8[%dma_start3A, %dma_start3A_27] : memref<10240x128xf32, #tpu.memory_space<vmem_shared>> -> memref<10240x128xf32, #tpu.memory_space<vmem_shared>>
        tpu.enqueue_indirect_dma source(%arg6 : memref<160x128xf32, #tpu.memory_space<vmem>>) target(%dma_start3A_28 : memref<10240x128xf32, #tpu.memory_space<vmem_shared>>) offsets(%arg7 : memref<160xi32, #tpu.memory_space<vmem>>) semaphore(%run_scoped3A : memref<!tpu.dma_semaphore, #tpu.memory_space<semaphore_mem>>) {add = true}
        %dma_wait3A = arith.constant 0 : i32
        %dma_wait3A_29 = arith.constant 0 : i32
        %dma_wait3A_30 = tpu.memref_slice %arg8[%dma_wait3A, %dma_wait3A_29] : memref<10240x128xf32, #tpu.memory_space<vmem_shared>> -> memref<10240x128xf32, #tpu.memory_space<vmem_shared>>
        tpu.wait_indirect_dma semaphore(%run_scoped3A : memref<!tpu.dma_semaphore, #tpu.memory_space<semaphore_mem>>) src(%arg6 : memref<160x128xf32, #tpu.memory_space<vmem>>) dst(%dma_wait3A_30 : memref<10240x128xf32, #tpu.memory_space<vmem_shared>>)
        tpu.yield
      }) : () -> ()
      %scan3A_26 = arith.constant 0 : i32
      scf.yield %scan3A_26 : i32
    }
    %scan3A_10 = arith.constant 125 : i32
    %barrier3A_11 = arith.constant 0 : index
    tpu.barrier barrier_id(%barrier3A_11)
    %mul3A_12 = arith.constant 640 : i32
    %mul3A_13 = arith.muli %arg1, %mul3A_12 : i32
    %mul3A_14 = arith.constant 10240 : i32
    %mul3A_15 = arith.muli %arg0, %mul3A_14 : i32
    %mul3A_16 = arith.constant 640 : i32
    %mul3A_17 = arith.muli %arg1, %mul3A_16 : i32
    %add3A = arith.addi %mul3A_15, %mul3A_17 : i32
    "tpu.region"() ({
      %run_scoped3A = tpu.sem_alloc : memref<!tpu.dma_semaphore, #tpu.memory_space<semaphore_mem>>
      %dma_start3A = arith.constant 0 : i32
      %dma_start3A_18 = tpu.memref_slice %arg5[%add3A, %dma_start3A] : memref<20480x128xf32, #tpu.memory_space<hbm>> -> memref<640x128xf32, #tpu.memory_space<hbm>>
      %dma_start3A_19 = arith.constant 0 : i32
      %dma_start3A_20 = tpu.memref_slice %arg8[%mul3A_13, %dma_start3A_19] : memref<10240x128xf32, #tpu.memory_space<vmem_shared>> -> memref<640x128xf32, #tpu.memory_space<vmem_shared>>
      tpu.enqueue_dma source(%dma_start3A_20 : memref<640x128xf32, #tpu.memory_space<vmem_shared>>) target(%dma_start3A_18 : memref<640x128xf32, #tpu.memory_space<hbm>>) target_semaphore(%run_scoped3A : memref<!tpu.dma_semaphore, #tpu.memory_space<semaphore_mem>>)
      %dma_wait3A = arith.constant 0 : i32
      %dma_wait3A_21 = tpu.memref_slice %arg5[%add3A, %dma_wait3A] : memref<20480x128xf32, #tpu.memory_space<hbm>> -> memref<640x128xf32, #tpu.memory_space<hbm>>
      %dma_wait3A_22 = arith.constant 0 : i32
      %dma_wait3A_23 = tpu.memref_slice %arg8[%mul3A_13, %dma_wait3A_22] : memref<10240x128xf32, #tpu.memory_space<vmem_shared>> -> memref<640x128xf32, #tpu.memory_space<vmem_shared>>
      tpu.wait_dma2 semaphore(%run_scoped3A : memref<!tpu.dma_semaphore, #tpu.memory_space<semaphore_mem>>) src(%dma_wait3A_23 : memref<640x128xf32, #tpu.memory_space<vmem_shared>>) dst(%dma_wait3A_21 : memref<640x128xf32, #tpu.memory_space<hbm>>)
      tpu.yield
    }) : () -> ()
    return
  }
}

#map = affine_map<(d0, d1) -> (0)>
module attributes {stable_mosaic.version = 14 : i64} {
  func.func @_sc_deg_body(%arg0: i32, %arg1: i32, %arg2: memref<320000xi32, #tpu.memory_space<hbm>>, %arg3: memref<320000xf32, #tpu.memory_space<hbm>>, %arg4: memref<10240xf32, #tpu.memory_space<hbm>>, %arg5: memref<20480xf32, #tpu.memory_space<hbm>>, %arg6: memref<10000xi32, #tpu.memory_space<vmem>>, %arg7: memref<10000xf32, #tpu.memory_space<vmem>>, %arg8: memref<10240xf32, #tpu.memory_space<vmem_shared>>, %arg9: memref<!tpu.dma_semaphore, #tpu.memory_space<semaphore_mem>>) attributes {dimension_semantics = [#tpu.dimension_semantics<core_parallel>, #tpu.dimension_semantics<subcore_parallel>], iteration_bounds = array<i64: 2, 16>, scalar_prefetch = 0 : i64, scratch_operands = 4 : i64, tpu.core_type = #tpu.core_type<sc_vector_subcore>, window_params = [{transform_indices = #map}, {transform_indices = #map}, {transform_indices = #map}, {transform_indices = #map}]} {
    %mul3A = arith.constant 640 : i32
    %mul3A_0 = arith.muli %arg1, %mul3A : i32
    %mul3A_1 = arith.constant 640 : i32
    %mul3A_2 = arith.muli %arg1, %mul3A_1 : i32
    "tpu.region"() ({
      %run_scoped3A = tpu.sem_alloc : memref<!tpu.dma_semaphore, #tpu.memory_space<semaphore_mem>>
      %dma_start3A = tpu.memref_slice %arg8[%mul3A_2] : memref<10240xf32, #tpu.memory_space<vmem_shared>> -> memref<640xf32, #tpu.memory_space<vmem_shared>>
      %dma_start3A_15 = tpu.memref_slice %arg4[%mul3A_0] : memref<10240xf32, #tpu.memory_space<hbm>> -> memref<640xf32, #tpu.memory_space<hbm>>
      tpu.enqueue_dma source(%dma_start3A_15 : memref<640xf32, #tpu.memory_space<hbm>>) target(%dma_start3A : memref<640xf32, #tpu.memory_space<vmem_shared>>) target_semaphore(%run_scoped3A : memref<!tpu.dma_semaphore, #tpu.memory_space<semaphore_mem>>)
      %dma_wait3A = tpu.memref_slice %arg8[%mul3A_2] : memref<10240xf32, #tpu.memory_space<vmem_shared>> -> memref<640xf32, #tpu.memory_space<vmem_shared>>
      %dma_wait3A_16 = tpu.memref_slice %arg4[%mul3A_0] : memref<10240xf32, #tpu.memory_space<hbm>> -> memref<640xf32, #tpu.memory_space<hbm>>
      tpu.wait_dma2 semaphore(%run_scoped3A : memref<!tpu.dma_semaphore, #tpu.memory_space<semaphore_mem>>) src(%dma_wait3A_16 : memref<640xf32, #tpu.memory_space<hbm>>) dst(%dma_wait3A : memref<640xf32, #tpu.memory_space<vmem_shared>>)
      tpu.yield
    }) : () -> ()
    %barrier3A = arith.constant 0 : index
    tpu.barrier barrier_id(%barrier3A)
    %mul3A_3 = arith.constant 2 : i32
    %mul3A_4 = arith.muli %arg1, %mul3A_3 : i32
    %add3A = arith.addi %mul3A_4, %arg0 : i32
    %mul3A_5 = arith.constant 10000 : i32
    %mul3A_6 = arith.muli %add3A, %mul3A_5 : i32
    "tpu.region"() ({
      %run_scoped3A = tpu.sem_alloc : memref<!tpu.dma_semaphore, #tpu.memory_space<semaphore_mem>>
      %dma_start3A = tpu.memref_slice %arg2[%mul3A_6] : memref<320000xi32, #tpu.memory_space<hbm>> -> memref<10000xi32, #tpu.memory_space<hbm>>
      %dma_start3A_15 = tpu.memref_slice %arg2[%mul3A_6] : memref<320000xi32, #tpu.memory_space<hbm>> -> memref<10000xi32, #tpu.memory_space<hbm>>
      tpu.enqueue_dma source(%dma_start3A_15 : memref<10000xi32, #tpu.memory_space<hbm>>) target(%arg6 : memref<10000xi32, #tpu.memory_space<vmem>>) target_semaphore(%run_scoped3A : memref<!tpu.dma_semaphore, #tpu.memory_space<semaphore_mem>>)
      %dma_wait3A = tpu.memref_slice %arg2[%mul3A_6] : memref<320000xi32, #tpu.memory_space<hbm>> -> memref<10000xi32, #tpu.memory_space<hbm>>
      %dma_wait3A_16 = tpu.memref_slice %arg2[%mul3A_6] : memref<320000xi32, #tpu.memory_space<hbm>> -> memref<10000xi32, #tpu.memory_space<hbm>>
      tpu.wait_dma2 semaphore(%run_scoped3A : memref<!tpu.dma_semaphore, #tpu.memory_space<semaphore_mem>>) src(%dma_wait3A_16 : memref<10000xi32, #tpu.memory_space<hbm>>) dst(%arg6 : memref<10000xi32, #tpu.memory_space<vmem>>)
      tpu.yield
    }) : () -> ()
    "tpu.region"() ({
      %run_scoped3A = tpu.sem_alloc : memref<!tpu.dma_semaphore, #tpu.memory_space<semaphore_mem>>
      %dma_start3A = tpu.memref_slice %arg3[%mul3A_6] : memref<320000xf32, #tpu.memory_space<hbm>> -> memref<10000xf32, #tpu.memory_space<hbm>>
      %dma_start3A_15 = tpu.memref_slice %arg3[%mul3A_6] : memref<320000xf32, #tpu.memory_space<hbm>> -> memref<10000xf32, #tpu.memory_space<hbm>>
      tpu.enqueue_dma source(%dma_start3A_15 : memref<10000xf32, #tpu.memory_space<hbm>>) target(%arg7 : memref<10000xf32, #tpu.memory_space<vmem>>) target_semaphore(%run_scoped3A : memref<!tpu.dma_semaphore, #tpu.memory_space<semaphore_mem>>)
      %dma_wait3A = tpu.memref_slice %arg3[%mul3A_6] : memref<320000xf32, #tpu.memory_space<hbm>> -> memref<10000xf32, #tpu.memory_space<hbm>>
      %dma_wait3A_16 = tpu.memref_slice %arg3[%mul3A_6] : memref<320000xf32, #tpu.memory_space<hbm>> -> memref<10000xf32, #tpu.memory_space<hbm>>
      tpu.wait_dma2 semaphore(%run_scoped3A : memref<!tpu.dma_semaphore, #tpu.memory_space<semaphore_mem>>) src(%dma_wait3A_16 : memref<10000xf32, #tpu.memory_space<hbm>>) dst(%arg7 : memref<10000xf32, #tpu.memory_space<vmem>>)
      tpu.yield
    }) : () -> ()
    "tpu.region"() ({
      %run_scoped3A = tpu.sem_alloc : memref<!tpu.dma_semaphore, #tpu.memory_space<semaphore_mem>>
      %dma_start3A = arith.constant 0 : i32
      %dma_start3A_15 = tpu.memref_slice %arg8[%dma_start3A] : memref<10240xf32, #tpu.memory_space<vmem_shared>> -> memref<10240xf32, #tpu.memory_space<vmem_shared>>
      tpu.enqueue_indirect_dma source(%arg7 : memref<10000xf32, #tpu.memory_space<vmem>>) target(%dma_start3A_15 : memref<10240xf32, #tpu.memory_space<vmem_shared>>) offsets(%arg6 : memref<10000xi32, #tpu.memory_space<vmem>>) semaphore(%run_scoped3A : memref<!tpu.dma_semaphore, #tpu.memory_space<semaphore_mem>>) {add = true}
      %dma_wait3A = arith.constant 0 : i32
      %dma_wait3A_16 = tpu.memref_slice %arg8[%dma_wait3A] : memref<10240xf32, #tpu.memory_space<vmem_shared>> -> memref<10240xf32, #tpu.memory_space<vmem_shared>>
      tpu.wait_indirect_dma semaphore(%run_scoped3A : memref<!tpu.dma_semaphore, #tpu.memory_space<semaphore_mem>>) src(%arg7 : memref<10000xf32, #tpu.memory_space<vmem>>) dst(%dma_wait3A_16 : memref<10240xf32, #tpu.memory_space<vmem_shared>>)
      tpu.yield
    }) : () -> ()
    %barrier3A_7 = arith.constant 0 : index
    tpu.barrier barrier_id(%barrier3A_7)
    %mul3A_8 = arith.constant 640 : i32
    %mul3A_9 = arith.muli %arg1, %mul3A_8 : i32
    %mul3A_10 = arith.constant 10240 : i32
    %mul3A_11 = arith.muli %arg0, %mul3A_10 : i32
    %mul3A_12 = arith.constant 640 : i32
    %mul3A_13 = arith.muli %arg1, %mul3A_12 : i32
    %add3A_14 = arith.addi %mul3A_11, %mul3A_13 : i32
    "tpu.region"() ({
      %run_scoped3A = tpu.sem_alloc : memref<!tpu.dma_semaphore, #tpu.memory_space<semaphore_mem>>
      %dma_start3A = tpu.memref_slice %arg5[%add3A_14] : memref<20480xf32, #tpu.memory_space<hbm>> -> memref<640xf32, #tpu.memory_space<hbm>>
      %dma_start3A_15 = tpu.memref_slice %arg8[%mul3A_9] : memref<10240xf32, #tpu.memory_space<vmem_shared>> -> memref<640xf32, #tpu.memory_space<vmem_shared>>
      tpu.enqueue_dma source(%dma_start3A_15 : memref<640xf32, #tpu.memory_space<vmem_shared>>) target(%dma_start3A : memref<640xf32, #tpu.memory_space<hbm>>) target_semaphore(%run_scoped3A : memref<!tpu.dma_semaphore, #tpu.memory_space<semaphore_mem>>)
      %dma_wait3A = tpu.memref_slice %arg5[%add3A_14] : memref<20480xf32, #tpu.memory_space<hbm>> -> memref<640xf32, #tpu.memory_space<hbm>>
      %dma_wait3A_16 = tpu.memref_slice %arg8[%mul3A_9] : memref<10240xf32, #tpu.memory_space<vmem_shared>> -> memref<640xf32, #tpu.memory_space<vmem_shared>>
      tpu.wait_dma2 semaphore(%run_scoped3A : memref<!tpu.dma_semaphore, #tpu.memory_space<semaphore_mem>>) src(%dma_wait3A_16 : memref<640xf32, #tpu.memory_space<vmem_shared>>) dst(%dma_wait3A : memref<640xf32, #tpu.memory_space<hbm>>)
      tpu.yield
    }) : () -> ()
    return
  }
}

#map = affine_map<(d0, d1) -> (0, 0)>
#map1 = affine_map<(d0, d1) -> (0)>
module attributes {stable_mosaic.version = 14 : i64} {
  func.func @_sc_gcn_gather_body(%arg0: i32, %arg1: i32, %arg2: memref<10000x128xi32, #tpu.memory_space<hbm>>, %arg3: memref<10240xf32, #tpu.memory_space<hbm>>, %arg4: memref<320000xi32, #tpu.memory_space<hbm>>, %arg5: memref<320000xi32, #tpu.memory_space<hbm>>, %arg6: memref<320000x128xi32, #tpu.memory_space<hbm>>, %arg7: memref<320000xf32, #tpu.memory_space<hbm>>, %arg8: memref<320000xf32, #tpu.memory_space<hbm>>, %arg9: memref<400xi32, #tpu.memory_space<vmem>>, %arg10: memref<400xi32, #tpu.memory_space<vmem>>, %arg11: memref<200x128xi32, #tpu.memory_space<vmem>>, %arg12: memref<200x128xi32, #tpu.memory_space<vmem>>, %arg13: memref<200xf32, #tpu.memory_space<vmem>>, %arg14: memref<200xf32, #tpu.memory_space<vmem>>, %arg15: memref<200xf32, #tpu.memory_space<vmem>>, %arg16: memref<200xf32, #tpu.memory_space<vmem>>, %arg17: memref<!tpu.dma_semaphore, #tpu.memory_space<semaphore_mem>>, %arg18: memref<!tpu.dma_semaphore, #tpu.memory_space<semaphore_mem>>) attributes {dimension_semantics = [#tpu.dimension_semantics<core_parallel>, #tpu.dimension_semantics<subcore_parallel>], iteration_bounds = array<i64: 2, 16>, scalar_prefetch = 0 : i64, scratch_operands = 10 : i64, tpu.core_type = #tpu.core_type<sc_vector_subcore>, window_params = [{transform_indices = #map}, {transform_indices = #map1}, {transform_indices = #map1}, {transform_indices = #map1}, {transform_indices = #map}, {transform_indices = #map1}, {transform_indices = #map1}]} {
    %mul3A = arith.constant 2 : i32
    %mul3A_0 = arith.muli %arg1, %mul3A : i32
    %add3A = arith.addi %mul3A_0, %arg0 : i32
    %mul3A_1 = arith.constant 10000 : i32
    %mul3A_2 = arith.muli %add3A, %mul3A_1 : i32
    %scan3A = arith.constant 0 : i32
    %scan3A_3 = arith.constant 0 : i32
    %scan3A_4 = arith.constant 25 : i32
    %scan3A_5 = arith.addi %scan3A_3, %scan3A_4 : i32
    %scan3A_6 = arith.constant 1 : i32
    %scan3A_7 = scf.for %scan3A_9 = %scan3A_3 to %scan3A_5 step %scan3A_6 iter_args(%scan3A_10 = %scan3A) -> (i32)  : i32 {
      %mul3A_11 = arith.constant 2 : i32
      %mul3A_12 = arith.muli %mul3A_11, %scan3A_9 : i32
      %mul3A_13 = arith.constant 200 : i32
      %mul3A_14 = arith.muli %mul3A_12, %mul3A_13 : i32
      %add3A_15 = arith.addi %mul3A_2, %mul3A_14 : i32
      %add3A_16 = arith.constant 200 : i32
      %add3A_17 = arith.addi %add3A_15, %add3A_16 : i32
      "tpu.region"() ({
        %run_scoped3A = tpu.sem_alloc : memref<!tpu.dma_semaphore, #tpu.memory_space<semaphore_mem>>
        %dma_start3A_69 = tpu.memref_slice %arg4[%add3A_15] : memref<320000xi32, #tpu.memory_space<hbm>> -> memref<400xi32, #tpu.memory_space<hbm>>
        %dma_start3A_70 = tpu.memref_slice %arg4[%add3A_15] : memref<320000xi32, #tpu.memory_space<hbm>> -> memref<400xi32, #tpu.memory_space<hbm>>
        tpu.enqueue_dma source(%dma_start3A_70 : memref<400xi32, #tpu.memory_space<hbm>>) target(%arg9 : memref<400xi32, #tpu.memory_space<vmem>>) target_semaphore(%run_scoped3A : memref<!tpu.dma_semaphore, #tpu.memory_space<semaphore_mem>>)
        %dma_wait3A_71 = tpu.memref_slice %arg4[%add3A_15] : memref<320000xi32, #tpu.memory_space<hbm>> -> memref<400xi32, #tpu.memory_space<hbm>>
        %dma_wait3A_72 = tpu.memref_slice %arg4[%add3A_15] : memref<320000xi32, #tpu.memory_space<hbm>> -> memref<400xi32, #tpu.memory_space<hbm>>
        tpu.wait_dma2 semaphore(%run_scoped3A : memref<!tpu.dma_semaphore, #tpu.memory_space<semaphore_mem>>) src(%dma_wait3A_72 : memref<400xi32, #tpu.memory_space<hbm>>) dst(%arg9 : memref<400xi32, #tpu.memory_space<vmem>>)
        tpu.yield
      }) : () -> ()
      "tpu.region"() ({
        %run_scoped3A = tpu.sem_alloc : memref<!tpu.dma_semaphore, #tpu.memory_space<semaphore_mem>>
        %dma_start3A_69 = tpu.memref_slice %arg5[%add3A_15] : memref<320000xi32, #tpu.memory_space<hbm>> -> memref<400xi32, #tpu.memory_space<hbm>>
        %dma_start3A_70 = tpu.memref_slice %arg5[%add3A_15] : memref<320000xi32, #tpu.memory_space<hbm>> -> memref<400xi32, #tpu.memory_space<hbm>>
        tpu.enqueue_dma source(%dma_start3A_70 : memref<400xi32, #tpu.memory_space<hbm>>) target(%arg10 : memref<400xi32, #tpu.memory_space<vmem>>) target_semaphore(%run_scoped3A : memref<!tpu.dma_semaphore, #tpu.memory_space<semaphore_mem>>)
        %dma_wait3A_71 = tpu.memref_slice %arg5[%add3A_15] : memref<320000xi32, #tpu.memory_space<hbm>> -> memref<400xi32, #tpu.memory_space<hbm>>
        %dma_wait3A_72 = tpu.memref_slice %arg5[%add3A_15] : memref<320000xi32, #tpu.memory_space<hbm>> -> memref<400xi32, #tpu.memory_space<hbm>>
        tpu.wait_dma2 semaphore(%run_scoped3A : memref<!tpu.dma_semaphore, #tpu.memory_space<semaphore_mem>>) src(%dma_wait3A_72 : memref<400xi32, #tpu.memory_space<hbm>>) dst(%arg10 : memref<400xi32, #tpu.memory_space<vmem>>)
        tpu.yield
      }) : () -> ()
      %dma_start3A = arith.constant 0 : i32
      %dma_start3A_18 = tpu.memref_slice %arg9[%dma_start3A] : memref<400xi32, #tpu.memory_space<vmem>> -> memref<200xi32, #tpu.memory_space<vmem>>
      %dma_start3A_19 = arith.constant 0 : i32
      %dma_start3A_20 = arith.constant 0 : i32
      %dma_start3A_21 = tpu.memref_slice %arg2[%dma_start3A_19, %dma_start3A_20] : memref<10000x128xi32, #tpu.memory_space<hbm>> -> memref<10000x128xi32, #tpu.memory_space<hbm>>
      tpu.enqueue_indirect_dma source(%dma_start3A_21 : memref<10000x128xi32, #tpu.memory_space<hbm>>) target(%arg11 : memref<200x128xi32, #tpu.memory_space<vmem>>) offsets(%dma_start3A_18 : memref<200xi32, #tpu.memory_space<vmem>>) semaphore(%arg17 : memref<!tpu.dma_semaphore, #tpu.memory_space<semaphore_mem>>)
      %dma_start3A_22 = arith.constant 0 : i32
      %dma_start3A_23 = tpu.memref_slice %arg9[%dma_start3A_22] : memref<400xi32, #tpu.memory_space<vmem>> -> memref<200xi32, #tpu.memory_space<vmem>>
      %dma_start3A_24 = arith.constant 0 : i32
      %dma_start3A_25 = tpu.memref_slice %arg3[%dma_start3A_24] : memref<10240xf32, #tpu.memory_space<hbm>> -> memref<10240xf32, #tpu.memory_space<hbm>>
      tpu.enqueue_indirect_dma source(%dma_start3A_25 : memref<10240xf32, #tpu.memory_space<hbm>>) target(%arg13 : memref<200xf32, #tpu.memory_space<vmem>>) offsets(%dma_start3A_23 : memref<200xi32, #tpu.memory_space<vmem>>) semaphore(%arg18 : memref<!tpu.dma_semaphore, #tpu.memory_space<semaphore_mem>>)
      %dma_start3A_26 = arith.constant 0 : i32
      %dma_start3A_27 = tpu.memref_slice %arg10[%dma_start3A_26] : memref<400xi32, #tpu.memory_space<vmem>> -> memref<200xi32, #tpu.memory_space<vmem>>
      %dma_start3A_28 = arith.constant 0 : i32
      %dma_start3A_29 = tpu.memref_slice %arg3[%dma_start3A_28] : memref<10240xf32, #tpu.memory_space<hbm>> -> memref<10240xf32, #tpu.memory_space<hbm>>
      tpu.enqueue_indirect_dma source(%dma_start3A_29 : memref<10240xf32, #tpu.memory_space<hbm>>) target(%arg15 : memref<200xf32, #tpu.memory_space<vmem>>) offsets(%dma_start3A_27 : memref<200xi32, #tpu.memory_space<vmem>>) semaphore(%arg18 : memref<!tpu.dma_semaphore, #tpu.memory_space<semaphore_mem>>)
      %dma_start3A_30 = arith.constant 200 : i32
      %dma_start3A_31 = tpu.memref_slice %arg9[%dma_start3A_30] : memref<400xi32, #tpu.memory_space<vmem>> -> memref<200xi32, #tpu.memory_space<vmem>>
      %dma_start3A_32 = arith.constant 0 : i32
      %dma_start3A_33 = arith.constant 0 : i32
      %dma_start3A_34 = tpu.memref_slice %arg2[%dma_start3A_32, %dma_start3A_33] : memref<10000x128xi32, #tpu.memory_space<hbm>> -> memref<10000x128xi32, #tpu.memory_space<hbm>>
      tpu.enqueue_indirect_dma source(%dma_start3A_34 : memref<10000x128xi32, #tpu.memory_space<hbm>>) target(%arg12 : memref<200x128xi32, #tpu.memory_space<vmem>>) offsets(%dma_start3A_31 : memref<200xi32, #tpu.memory_space<vmem>>) semaphore(%arg17 : memref<!tpu.dma_semaphore, #tpu.memory_space<semaphore_mem>>)
      %dma_start3A_35 = arith.constant 200 : i32
      %dma_start3A_36 = tpu.memref_slice %arg9[%dma_start3A_35] : memref<400xi32, #tpu.memory_space<vmem>> -> memref<200xi32, #tpu.memory_space<vmem>>
      %dma_start3A_37 = arith.constant 0 : i32
      %dma_start3A_38 = tpu.memref_slice %arg3[%dma_start3A_37] : memref<10240xf32, #tpu.memory_space<hbm>> -> memref<10240xf32, #tpu.memory_space<hbm>>
      tpu.enqueue_indirect_dma source(%dma_start3A_38 : memref<10240xf32, #tpu.memory_space<hbm>>) target(%arg14 : memref<200xf32, #tpu.memory_space<vmem>>) offsets(%dma_start3A_36 : memref<200xi32, #tpu.memory_space<vmem>>) semaphore(%arg18 : memref<!tpu.dma_semaphore, #tpu.memory_space<semaphore_mem>>)
      %dma_start3A_39 = arith.constant 200 : i32
      %dma_start3A_40 = tpu.memref_slice %arg10[%dma_start3A_39] : memref<400xi32, #tpu.memory_space<vmem>> -> memref<200xi32, #tpu.memory_space<vmem>>
      %dma_start3A_41 = arith.constant 0 : i32
      %dma_start3A_42 = tpu.memref_slice %arg3[%dma_start3A_41] : memref<10240xf32, #tpu.memory_space<hbm>> -> memref<10240xf32, #tpu.memory_space<hbm>>
      tpu.enqueue_indirect_dma source(%dma_start3A_42 : memref<10240xf32, #tpu.memory_space<hbm>>) target(%arg16 : memref<200xf32, #tpu.memory_space<vmem>>) offsets(%dma_start3A_40 : memref<200xi32, #tpu.memory_space<vmem>>) semaphore(%arg18 : memref<!tpu.dma_semaphore, #tpu.memory_space<semaphore_mem>>)
      %dma_wait3A = arith.constant 0 : i32
      %dma_wait3A_43 = tpu.memref_slice %arg9[%dma_wait3A] : memref<400xi32, #tpu.memory_space<vmem>> -> memref<200xi32, #tpu.memory_space<vmem>>
      %dma_wait3A_44 = arith.constant 0 : i32
      %dma_wait3A_45 = arith.constant 0 : i32
      %dma_wait3A_46 = tpu.memref_slice %arg2[%dma_wait3A_44, %dma_wait3A_45] : memref<10000x128xi32, #tpu.memory_space<hbm>> -> memref<10000x128xi32, #tpu.memory_space<hbm>>
      tpu.wait_indirect_dma semaphore(%arg17 : memref<!tpu.dma_semaphore, #tpu.memory_space<semaphore_mem>>) src(%dma_wait3A_46 : memref<10000x128xi32, #tpu.memory_space<hbm>>) dst(%arg11 : memref<200x128xi32, #tpu.memory_space<vmem>>)
      "tpu.region"() ({
        %run_scoped3A = tpu.sem_alloc : memref<!tpu.dma_semaphore, #tpu.memory_space<semaphore_mem>>
        %dma_start3A_69 = arith.constant 0 : i32
        %dma_start3A_70 = tpu.memref_slice %arg6[%add3A_15, %dma_start3A_69] : memref<320000x128xi32, #tpu.memory_space<hbm>> -> memref<200x128xi32, #tpu.memory_space<hbm>>
        %dma_start3A_71 = arith.constant 0 : i32
        %dma_start3A_72 = tpu.memref_slice %arg6[%add3A_15, %dma_start3A_71] : memref<320000x128xi32, #tpu.memory_space<hbm>> -> memref<200x128xi32, #tpu.memory_space<hbm>>
        tpu.enqueue_dma source(%arg11 : memref<200x128xi32, #tpu.memory_space<vmem>>) target(%dma_start3A_72 : memref<200x128xi32, #tpu.memory_space<hbm>>) target_semaphore(%run_scoped3A : memref<!tpu.dma_semaphore, #tpu.memory_space<semaphore_mem>>)
        %dma_wait3A_73 = arith.constant 0 : i32
        %dma_wait3A_74 = tpu.memref_slice %arg6[%add3A_15, %dma_wait3A_73] : memref<320000x128xi32, #tpu.memory_space<hbm>> -> memref<200x128xi32, #tpu.memory_space<hbm>>
        %dma_wait3A_75 = arith.constant 0 : i32
        %dma_wait3A_76 = tpu.memref_slice %arg6[%add3A_15, %dma_wait3A_75] : memref<320000x128xi32, #tpu.memory_space<hbm>> -> memref<200x128xi32, #tpu.memory_space<hbm>>
        tpu.wait_dma2 semaphore(%run_scoped3A : memref<!tpu.dma_semaphore, #tpu.memory_space<semaphore_mem>>) src(%arg11 : memref<200x128xi32, #tpu.memory_space<vmem>>) dst(%dma_wait3A_76 : memref<200x128xi32, #tpu.memory_space<hbm>>)
        tpu.yield
      }) : () -> ()
      %dma_wait3A_47 = arith.constant 0 : i32
      %dma_wait3A_48 = tpu.memref_slice %arg9[%dma_wait3A_47] : memref<400xi32, #tpu.memory_space<vmem>> -> memref<200xi32, #tpu.memory_space<vmem>>
      %dma_wait3A_49 = arith.constant 0 : i32
      %dma_wait3A_50 = tpu.memref_slice %arg3[%dma_wait3A_49] : memref<10240xf32, #tpu.memory_space<hbm>> -> memref<10240xf32, #tpu.memory_space<hbm>>
      tpu.wait_indirect_dma semaphore(%arg18 : memref<!tpu.dma_semaphore, #tpu.memory_space<semaphore_mem>>) src(%dma_wait3A_50 : memref<10240xf32, #tpu.memory_space<hbm>>) dst(%arg13 : memref<200xf32, #tpu.memory_space<vmem>>)
      "tpu.region"() ({
        %run_scoped3A = tpu.sem_alloc : memref<!tpu.dma_semaphore, #tpu.memory_space<semaphore_mem>>
        %dma_start3A_69 = tpu.memref_slice %arg7[%add3A_15] : memref<320000xf32, #tpu.memory_space<hbm>> -> memref<200xf32, #tpu.memory_space<hbm>>
        %dma_start3A_70 = tpu.memref_slice %arg7[%add3A_15] : memref<320000xf32, #tpu.memory_space<hbm>> -> memref<200xf32, #tpu.memory_space<hbm>>
        tpu.enqueue_dma source(%arg13 : memref<200xf32, #tpu.memory_space<vmem>>) target(%dma_start3A_70 : memref<200xf32, #tpu.memory_space<hbm>>) target_semaphore(%run_scoped3A : memref<!tpu.dma_semaphore, #tpu.memory_space<semaphore_mem>>)
        %dma_wait3A_71 = tpu.memref_slice %arg7[%add3A_15] : memref<320000xf32, #tpu.memory_space<hbm>> -> memref<200xf32, #tpu.memory_space<hbm>>
        %dma_wait3A_72 = tpu.memref_slice %arg7[%add3A_15] : memref<320000xf32, #tpu.memory_space<hbm>> -> memref<200xf32, #tpu.memory_space<hbm>>
        tpu.wait_dma2 semaphore(%run_scoped3A : memref<!tpu.dma_semaphore, #tpu.memory_space<semaphore_mem>>) src(%arg13 : memref<200xf32, #tpu.memory_space<vmem>>) dst(%dma_wait3A_72 : memref<200xf32, #tpu.memory_space<hbm>>)
        tpu.yield
      }) : () -> ()
      %dma_wait3A_51 = arith.constant 0 : i32
      %dma_wait3A_52 = tpu.memref_slice %arg10[%dma_wait3A_51] : memref<400xi32, #tpu.memory_space<vmem>> -> memref<200xi32, #tpu.memory_space<vmem>>
      %dma_wait3A_53 = arith.constant 0 : i32
      %dma_wait3A_54 = tpu.memref_slice %arg3[%dma_wait3A_53] : memref<10240xf32, #tpu.memory_space<hbm>> -> memref<10240xf32, #tpu.memory_space<hbm>>
      tpu.wait_indirect_dma semaphore(%arg18 : memref<!tpu.dma_semaphore, #tpu.memory_space<semaphore_mem>>) src(%dma_wait3A_54 : memref<10240xf32, #tpu.memory_space<hbm>>) dst(%arg15 : memref<200xf32, #tpu.memory_space<vmem>>)
      "tpu.region"() ({
        %run_scoped3A = tpu.sem_alloc : memref<!tpu.dma_semaphore, #tpu.memory_space<semaphore_mem>>
        %dma_start3A_69 = tpu.memref_slice %arg8[%add3A_15] : memref<320000xf32, #tpu.memory_space<hbm>> -> memref<200xf32, #tpu.memory_space<hbm>>
        %dma_start3A_70 = tpu.memref_slice %arg8[%add3A_15] : memref<320000xf32, #tpu.memory_space<hbm>> -> memref<200xf32, #tpu.memory_space<hbm>>
        tpu.enqueue_dma source(%arg15 : memref<200xf32, #tpu.memory_space<vmem>>) target(%dma_start3A_70 : memref<200xf32, #tpu.memory_space<hbm>>) target_semaphore(%run_scoped3A : memref<!tpu.dma_semaphore, #tpu.memory_space<semaphore_mem>>)
        %dma_wait3A_71 = tpu.memref_slice %arg8[%add3A_15] : memref<320000xf32, #tpu.memory_space<hbm>> -> memref<200xf32, #tpu.memory_space<hbm>>
        %dma_wait3A_72 = tpu.memref_slice %arg8[%add3A_15] : memref<320000xf32, #tpu.memory_space<hbm>> -> memref<200xf32, #tpu.memory_space<hbm>>
        tpu.wait_dma2 semaphore(%run_scoped3A : memref<!tpu.dma_semaphore, #tpu.memory_space<semaphore_mem>>) src(%arg15 : memref<200xf32, #tpu.memory_space<vmem>>) dst(%dma_wait3A_72 : memref<200xf32, #tpu.memory_space<hbm>>)
        tpu.yield
      }) : () -> ()
      %dma_wait3A_55 = arith.constant 200 : i32
      %dma_wait3A_56 = tpu.memref_slice %arg9[%dma_wait3A_55] : memref<400xi32, #tpu.memory_space<vmem>> -> memref<200xi32, #tpu.memory_space<vmem>>
      %dma_wait3A_57 = arith.constant 0 : i32
      %dma_wait3A_58 = arith.constant 0 : i32
      %dma_wait3A_59 = tpu.memref_slice %arg2[%dma_wait3A_57, %dma_wait3A_58] : memref<10000x128xi32, #tpu.memory_space<hbm>> -> memref<10000x128xi32, #tpu.memory_space<hbm>>
      tpu.wait_indirect_dma semaphore(%arg17 : memref<!tpu.dma_semaphore, #tpu.memory_space<semaphore_mem>>) src(%dma_wait3A_59 : memref<10000x128xi32, #tpu.memory_space<hbm>>) dst(%arg12 : memref<200x128xi32, #tpu.memory_space<vmem>>)
      "tpu.region"() ({
        %run_scoped3A = tpu.sem_alloc : memref<!tpu.dma_semaphore, #tpu.memory_space<semaphore_mem>>
        %dma_start3A_69 = arith.constant 0 : i32
        %dma_start3A_70 = tpu.memref_slice %arg6[%add3A_17, %dma_start3A_69] : memref<320000x128xi32, #tpu.memory_space<hbm>> -> memref<200x128xi32, #tpu.memory_space<hbm>>
        %dma_start3A_71 = arith.constant 0 : i32
        %dma_start3A_72 = tpu.memref_slice %arg6[%add3A_17, %dma_start3A_71] : memref<320000x128xi32, #tpu.memory_space<hbm>> -> memref<200x128xi32, #tpu.memory_space<hbm>>
        tpu.enqueue_dma source(%arg12 : memref<200x128xi32, #tpu.memory_space<vmem>>) target(%dma_start3A_72 : memref<200x128xi32, #tpu.memory_space<hbm>>) target_semaphore(%run_scoped3A : memref<!tpu.dma_semaphore, #tpu.memory_space<semaphore_mem>>)
        %dma_wait3A_73 = arith.constant 0 : i32
        %dma_wait3A_74 = tpu.memref_slice %arg6[%add3A_17, %dma_wait3A_73] : memref<320000x128xi32, #tpu.memory_space<hbm>> -> memref<200x128xi32, #tpu.memory_space<hbm>>
        %dma_wait3A_75 = arith.constant 0 : i32
        %dma_wait3A_76 = tpu.memref_slice %arg6[%add3A_17, %dma_wait3A_75] : memref<320000x128xi32, #tpu.memory_space<hbm>> -> memref<200x128xi32, #tpu.memory_space<hbm>>
        tpu.wait_dma2 semaphore(%run_scoped3A : memref<!tpu.dma_semaphore, #tpu.memory_space<semaphore_mem>>) src(%arg12 : memref<200x128xi32, #tpu.memory_space<vmem>>) dst(%dma_wait3A_76 : memref<200x128xi32, #tpu.memory_space<hbm>>)
        tpu.yield
      }) : () -> ()
      %dma_wait3A_60 = arith.constant 200 : i32
      %dma_wait3A_61 = tpu.memref_slice %arg9[%dma_wait3A_60] : memref<400xi32, #tpu.memory_space<vmem>> -> memref<200xi32, #tpu.memory_space<vmem>>
      %dma_wait3A_62 = arith.constant 0 : i32
      %dma_wait3A_63 = tpu.memref_slice %arg3[%dma_wait3A_62] : memref<10240xf32, #tpu.memory_space<hbm>> -> memref<10240xf32, #tpu.memory_space<hbm>>
      tpu.wait_indirect_dma semaphore(%arg18 : memref<!tpu.dma_semaphore, #tpu.memory_space<semaphore_mem>>) src(%dma_wait3A_63 : memref<10240xf32, #tpu.memory_space<hbm>>) dst(%arg14 : memref<200xf32, #tpu.memory_space<vmem>>)
      "tpu.region"() ({
        %run_scoped3A = tpu.sem_alloc : memref<!tpu.dma_semaphore, #tpu.memory_space<semaphore_mem>>
        %dma_start3A_69 = tpu.memref_slice %arg7[%add3A_17] : memref<320000xf32, #tpu.memory_space<hbm>> -> memref<200xf32, #tpu.memory_space<hbm>>
        %dma_start3A_70 = tpu.memref_slice %arg7[%add3A_17] : memref<320000xf32, #tpu.memory_space<hbm>> -> memref<200xf32, #tpu.memory_space<hbm>>
        tpu.enqueue_dma source(%arg14 : memref<200xf32, #tpu.memory_space<vmem>>) target(%dma_start3A_70 : memref<200xf32, #tpu.memory_space<hbm>>) target_semaphore(%run_scoped3A : memref<!tpu.dma_semaphore, #tpu.memory_space<semaphore_mem>>)
        %dma_wait3A_71 = tpu.memref_slice %arg7[%add3A_17] : memref<320000xf32, #tpu.memory_space<hbm>> -> memref<200xf32, #tpu.memory_space<hbm>>
        %dma_wait3A_72 = tpu.memref_slice %arg7[%add3A_17] : memref<320000xf32, #tpu.memory_space<hbm>> -> memref<200xf32, #tpu.memory_space<hbm>>
        tpu.wait_dma2 semaphore(%run_scoped3A : memref<!tpu.dma_semaphore, #tpu.memory_space<semaphore_mem>>) src(%arg14 : memref<200xf32, #tpu.memory_space<vmem>>) dst(%dma_wait3A_72 : memref<200xf32, #tpu.memory_space<hbm>>)
        tpu.yield
      }) : () -> ()
      %dma_wait3A_64 = arith.constant 200 : i32
      %dma_wait3A_65 = tpu.memref_slice %arg10[%dma_wait3A_64] : memref<400xi32, #tpu.memory_space<vmem>> -> memref<200xi32, #tpu.memory_space<vmem>>
      %dma_wait3A_66 = arith.constant 0 : i32
      %dma_wait3A_67 = tpu.memref_slice %arg3[%dma_wait3A_66] : memref<10240xf32, #tpu.memory_space<hbm>> -> memref<10240xf32, #tpu.memory_space<hbm>>
      tpu.wait_indirect_dma semaphore(%arg18 : memref<!tpu.dma_semaphore, #tpu.memory_space<semaphore_mem>>) src(%dma_wait3A_67 : memref<10240xf32, #tpu.memory_space<hbm>>) dst(%arg16 : memref<200xf32, #tpu.memory_space<vmem>>)
      "tpu.region"() ({
        %run_scoped3A = tpu.sem_alloc : memref<!tpu.dma_semaphore, #tpu.memory_space<semaphore_mem>>
        %dma_start3A_69 = tpu.memref_slice %arg8[%add3A_17] : memref<320000xf32, #tpu.memory_space<hbm>> -> memref<200xf32, #tpu.memory_space<hbm>>
        %dma_start3A_70 = tpu.memref_slice %arg8[%add3A_17] : memref<320000xf32, #tpu.memory_space<hbm>> -> memref<200xf32, #tpu.memory_space<hbm>>
        tpu.enqueue_dma source(%arg16 : memref<200xf32, #tpu.memory_space<vmem>>) target(%dma_start3A_70 : memref<200xf32, #tpu.memory_space<hbm>>) target_semaphore(%run_scoped3A : memref<!tpu.dma_semaphore, #tpu.memory_space<semaphore_mem>>)
        %dma_wait3A_71 = tpu.memref_slice %arg8[%add3A_17] : memref<320000xf32, #tpu.memory_space<hbm>> -> memref<200xf32, #tpu.memory_space<hbm>>
        %dma_wait3A_72 = tpu.memref_slice %arg8[%add3A_17] : memref<320000xf32, #tpu.memory_space<hbm>> -> memref<200xf32, #tpu.memory_space<hbm>>
        tpu.wait_dma2 semaphore(%run_scoped3A : memref<!tpu.dma_semaphore, #tpu.memory_space<semaphore_mem>>) src(%arg16 : memref<200xf32, #tpu.memory_space<vmem>>) dst(%dma_wait3A_72 : memref<200xf32, #tpu.memory_space<hbm>>)
        tpu.yield
      }) : () -> ()
      %scan3A_68 = arith.constant 0 : i32
      scf.yield %scan3A_68 : i32
    }
    %scan3A_8 = arith.constant 25 : i32
    return
  }
}

#map = affine_map<(d0, d1) -> (0, 0)>
#map1 = affine_map<(d0, d1) -> (0)>
module attributes {stable_mosaic.version = 14 : i64} {
  func.func @_sc_qk_gather_body(%arg0: i32, %arg1: i32, %arg2: memref<10000x512xi32, #tpu.memory_space<hbm>>, %arg3: memref<10000x512xi32, #tpu.memory_space<hbm>>, %arg4: memref<320000xi32, #tpu.memory_space<hbm>>, %arg5: memref<320000xi32, #tpu.memory_space<hbm>>, %arg6: memref<320000x512xi32, #tpu.memory_space<hbm>>, %arg7: memref<320000x512xi32, #tpu.memory_space<hbm>>, %arg8: memref<80xi32, #tpu.memory_space<vmem>>, %arg9: memref<80xi32, #tpu.memory_space<vmem>>, %arg10: memref<40x512xi32, #tpu.memory_space<vmem>>, %arg11: memref<40x512xi32, #tpu.memory_space<vmem>>, %arg12: memref<40x512xi32, #tpu.memory_space<vmem>>, %arg13: memref<40x512xi32, #tpu.memory_space<vmem>>, %arg14: memref<!tpu.dma_semaphore, #tpu.memory_space<semaphore_mem>>) attributes {dimension_semantics = [#tpu.dimension_semantics<core_parallel>, #tpu.dimension_semantics<subcore_parallel>], iteration_bounds = array<i64: 2, 16>, scalar_prefetch = 0 : i64, scratch_operands = 7 : i64, tpu.core_type = #tpu.core_type<sc_vector_subcore>, window_params = [{transform_indices = #map}, {transform_indices = #map}, {transform_indices = #map1}, {transform_indices = #map1}, {transform_indices = #map}, {transform_indices = #map}]} {
    %mul3A = arith.constant 2 : i32
    %mul3A_0 = arith.muli %arg1, %mul3A : i32
    %add3A = arith.addi %mul3A_0, %arg0 : i32
    %mul3A_1 = arith.constant 10000 : i32
    %mul3A_2 = arith.muli %add3A, %mul3A_1 : i32
    %scan3A = arith.constant 0 : i32
    %scan3A_3 = arith.constant 0 : i32
    %scan3A_4 = arith.constant 125 : i32
    %scan3A_5 = arith.addi %scan3A_3, %scan3A_4 : i32
    %scan3A_6 = arith.constant 1 : i32
    %scan3A_7 = scf.for %scan3A_9 = %scan3A_3 to %scan3A_5 step %scan3A_6 iter_args(%scan3A_10 = %scan3A) -> (i32)  : i32 {
      %mul3A_11 = arith.constant 2 : i32
      %mul3A_12 = arith.muli %mul3A_11, %scan3A_9 : i32
      %mul3A_13 = arith.constant 40 : i32
      %mul3A_14 = arith.muli %mul3A_12, %mul3A_13 : i32
      %add3A_15 = arith.addi %mul3A_2, %mul3A_14 : i32
      %add3A_16 = arith.constant 40 : i32
      %add3A_17 = arith.addi %add3A_15, %add3A_16 : i32
      "tpu.region"() ({
        %run_scoped3A = tpu.sem_alloc : memref<!tpu.dma_semaphore, #tpu.memory_space<semaphore_mem>>
        %dma_start3A_57 = tpu.memref_slice %arg4[%add3A_15] : memref<320000xi32, #tpu.memory_space<hbm>> -> memref<80xi32, #tpu.memory_space<hbm>>
        %dma_start3A_58 = tpu.memref_slice %arg4[%add3A_15] : memref<320000xi32, #tpu.memory_space<hbm>> -> memref<80xi32, #tpu.memory_space<hbm>>
        tpu.enqueue_dma source(%dma_start3A_58 : memref<80xi32, #tpu.memory_space<hbm>>) target(%arg8 : memref<80xi32, #tpu.memory_space<vmem>>) target_semaphore(%run_scoped3A : memref<!tpu.dma_semaphore, #tpu.memory_space<semaphore_mem>>)
        %dma_wait3A_59 = tpu.memref_slice %arg4[%add3A_15] : memref<320000xi32, #tpu.memory_space<hbm>> -> memref<80xi32, #tpu.memory_space<hbm>>
        %dma_wait3A_60 = tpu.memref_slice %arg4[%add3A_15] : memref<320000xi32, #tpu.memory_space<hbm>> -> memref<80xi32, #tpu.memory_space<hbm>>
        tpu.wait_dma2 semaphore(%run_scoped3A : memref<!tpu.dma_semaphore, #tpu.memory_space<semaphore_mem>>) src(%dma_wait3A_60 : memref<80xi32, #tpu.memory_space<hbm>>) dst(%arg8 : memref<80xi32, #tpu.memory_space<vmem>>)
        tpu.yield
      }) : () -> ()
      "tpu.region"() ({
        %run_scoped3A = tpu.sem_alloc : memref<!tpu.dma_semaphore, #tpu.memory_space<semaphore_mem>>
        %dma_start3A_57 = tpu.memref_slice %arg5[%add3A_15] : memref<320000xi32, #tpu.memory_space<hbm>> -> memref<80xi32, #tpu.memory_space<hbm>>
        %dma_start3A_58 = tpu.memref_slice %arg5[%add3A_15] : memref<320000xi32, #tpu.memory_space<hbm>> -> memref<80xi32, #tpu.memory_space<hbm>>
        tpu.enqueue_dma source(%dma_start3A_58 : memref<80xi32, #tpu.memory_space<hbm>>) target(%arg9 : memref<80xi32, #tpu.memory_space<vmem>>) target_semaphore(%run_scoped3A : memref<!tpu.dma_semaphore, #tpu.memory_space<semaphore_mem>>)
        %dma_wait3A_59 = tpu.memref_slice %arg5[%add3A_15] : memref<320000xi32, #tpu.memory_space<hbm>> -> memref<80xi32, #tpu.memory_space<hbm>>
        %dma_wait3A_60 = tpu.memref_slice %arg5[%add3A_15] : memref<320000xi32, #tpu.memory_space<hbm>> -> memref<80xi32, #tpu.memory_space<hbm>>
        tpu.wait_dma2 semaphore(%run_scoped3A : memref<!tpu.dma_semaphore, #tpu.memory_space<semaphore_mem>>) src(%dma_wait3A_60 : memref<80xi32, #tpu.memory_space<hbm>>) dst(%arg9 : memref<80xi32, #tpu.memory_space<vmem>>)
        tpu.yield
      }) : () -> ()
      %dma_start3A = arith.constant 0 : i32
      %dma_start3A_18 = tpu.memref_slice %arg8[%dma_start3A] : memref<80xi32, #tpu.memory_space<vmem>> -> memref<40xi32, #tpu.memory_space<vmem>>
      %dma_start3A_19 = arith.constant 0 : i32
      %dma_start3A_20 = arith.constant 0 : i32
      %dma_start3A_21 = tpu.memref_slice %arg2[%dma_start3A_19, %dma_start3A_20] : memref<10000x512xi32, #tpu.memory_space<hbm>> -> memref<10000x512xi32, #tpu.memory_space<hbm>>
      tpu.enqueue_indirect_dma source(%dma_start3A_21 : memref<10000x512xi32, #tpu.memory_space<hbm>>) target(%arg10 : memref<40x512xi32, #tpu.memory_space<vmem>>) offsets(%dma_start3A_18 : memref<40xi32, #tpu.memory_space<vmem>>) semaphore(%arg14 : memref<!tpu.dma_semaphore, #tpu.memory_space<semaphore_mem>>)
      %dma_start3A_22 = arith.constant 0 : i32
      %dma_start3A_23 = tpu.memref_slice %arg9[%dma_start3A_22] : memref<80xi32, #tpu.memory_space<vmem>> -> memref<40xi32, #tpu.memory_space<vmem>>
      %dma_start3A_24 = arith.constant 0 : i32
      %dma_start3A_25 = arith.constant 0 : i32
      %dma_start3A_26 = tpu.memref_slice %arg3[%dma_start3A_24, %dma_start3A_25] : memref<10000x512xi32, #tpu.memory_space<hbm>> -> memref<10000x512xi32, #tpu.memory_space<hbm>>
      tpu.enqueue_indirect_dma source(%dma_start3A_26 : memref<10000x512xi32, #tpu.memory_space<hbm>>) target(%arg11 : memref<40x512xi32, #tpu.memory_space<vmem>>) offsets(%dma_start3A_23 : memref<40xi32, #tpu.memory_space<vmem>>) semaphore(%arg14 : memref<!tpu.dma_semaphore, #tpu.memory_space<semaphore_mem>>)
      %dma_start3A_27 = arith.constant 40 : i32
      %dma_start3A_28 = tpu.memref_slice %arg8[%dma_start3A_27] : memref<80xi32, #tpu.memory_space<vmem>> -> memref<40xi32, #tpu.memory_space<vmem>>
      %dma_start3A_29 = arith.constant 0 : i32
      %dma_start3A_30 = arith.constant 0 : i32
      %dma_start3A_31 = tpu.memref_slice %arg2[%dma_start3A_29, %dma_start3A_30] : memref<10000x512xi32, #tpu.memory_space<hbm>> -> memref<10000x512xi32, #tpu.memory_space<hbm>>
      tpu.enqueue_indirect_dma source(%dma_start3A_31 : memref<10000x512xi32, #tpu.memory_space<hbm>>) target(%arg12 : memref<40x512xi32, #tpu.memory_space<vmem>>) offsets(%dma_start3A_28 : memref<40xi32, #tpu.memory_space<vmem>>) semaphore(%arg14 : memref<!tpu.dma_semaphore, #tpu.memory_space<semaphore_mem>>)
      %dma_start3A_32 = arith.constant 40 : i32
      %dma_start3A_33 = tpu.memref_slice %arg9[%dma_start3A_32] : memref<80xi32, #tpu.memory_space<vmem>> -> memref<40xi32, #tpu.memory_space<vmem>>
      %dma_start3A_34 = arith.constant 0 : i32
      %dma_start3A_35 = arith.constant 0 : i32
      %dma_start3A_36 = tpu.memref_slice %arg3[%dma_start3A_34, %dma_start3A_35] : memref<10000x512xi32, #tpu.memory_space<hbm>> -> memref<10000x512xi32, #tpu.memory_space<hbm>>
      tpu.enqueue_indirect_dma source(%dma_start3A_36 : memref<10000x512xi32, #tpu.memory_space<hbm>>) target(%arg13 : memref<40x512xi32, #tpu.memory_space<vmem>>) offsets(%dma_start3A_33 : memref<40xi32, #tpu.memory_space<vmem>>) semaphore(%arg14 : memref<!tpu.dma_semaphore, #tpu.memory_space<semaphore_mem>>)
      %dma_wait3A = arith.constant 0 : i32
      %dma_wait3A_37 = tpu.memref_slice %arg8[%dma_wait3A] : memref<80xi32, #tpu.memory_space<vmem>> -> memref<40xi32, #tpu.memory_space<vmem>>
      %dma_wait3A_38 = arith.constant 0 : i32
      %dma_wait3A_39 = arith.constant 0 : i32
      %dma_wait3A_40 = tpu.memref_slice %arg2[%dma_wait3A_38, %dma_wait3A_39] : memref<10000x512xi32, #tpu.memory_space<hbm>> -> memref<10000x512xi32, #tpu.memory_space<hbm>>
      tpu.wait_indirect_dma semaphore(%arg14 : memref<!tpu.dma_semaphore, #tpu.memory_space<semaphore_mem>>) src(%dma_wait3A_40 : memref<10000x512xi32, #tpu.memory_space<hbm>>) dst(%arg10 : memref<40x512xi32, #tpu.memory_space<vmem>>)
      "tpu.region"() ({
        %run_scoped3A = tpu.sem_alloc : memref<!tpu.dma_semaphore, #tpu.memory_space<semaphore_mem>>
        %dma_start3A_57 = arith.constant 0 : i32
        %dma_start3A_58 = tpu.memref_slice %arg6[%add3A_15, %dma_start3A_57] : memref<320000x512xi32, #tpu.memory_space<hbm>> -> memref<40x512xi32, #tpu.memory_space<hbm>>
        %dma_start3A_59 = arith.constant 0 : i32
        %dma_start3A_60 = tpu.memref_slice %arg6[%add3A_15, %dma_start3A_59] : memref<320000x512xi32, #tpu.memory_space<hbm>> -> memref<40x512xi32, #tpu.memory_space<hbm>>
        tpu.enqueue_dma source(%arg10 : memref<40x512xi32, #tpu.memory_space<vmem>>) target(%dma_start3A_60 : memref<40x512xi32, #tpu.memory_space<hbm>>) target_semaphore(%run_scoped3A : memref<!tpu.dma_semaphore, #tpu.memory_space<semaphore_mem>>)
        %dma_wait3A_61 = arith.constant 0 : i32
        %dma_wait3A_62 = tpu.memref_slice %arg6[%add3A_15, %dma_wait3A_61] : memref<320000x512xi32, #tpu.memory_space<hbm>> -> memref<40x512xi32, #tpu.memory_space<hbm>>
        %dma_wait3A_63 = arith.constant 0 : i32
        %dma_wait3A_64 = tpu.memref_slice %arg6[%add3A_15, %dma_wait3A_63] : memref<320000x512xi32, #tpu.memory_space<hbm>> -> memref<40x512xi32, #tpu.memory_space<hbm>>
        tpu.wait_dma2 semaphore(%run_scoped3A : memref<!tpu.dma_semaphore, #tpu.memory_space<semaphore_mem>>) src(%arg10 : memref<40x512xi32, #tpu.memory_space<vmem>>) dst(%dma_wait3A_64 : memref<40x512xi32, #tpu.memory_space<hbm>>)
        tpu.yield
      }) : () -> ()
      %dma_wait3A_41 = arith.constant 0 : i32
      %dma_wait3A_42 = tpu.memref_slice %arg9[%dma_wait3A_41] : memref<80xi32, #tpu.memory_space<vmem>> -> memref<40xi32, #tpu.memory_space<vmem>>
      %dma_wait3A_43 = arith.constant 0 : i32
      %dma_wait3A_44 = arith.constant 0 : i32
      %dma_wait3A_45 = tpu.memref_slice %arg3[%dma_wait3A_43, %dma_wait3A_44] : memref<10000x512xi32, #tpu.memory_space<hbm>> -> memref<10000x512xi32, #tpu.memory_space<hbm>>
      tpu.wait_indirect_dma semaphore(%arg14 : memref<!tpu.dma_semaphore, #tpu.memory_space<semaphore_mem>>) src(%dma_wait3A_45 : memref<10000x512xi32, #tpu.memory_space<hbm>>) dst(%arg11 : memref<40x512xi32, #tpu.memory_space<vmem>>)
      "tpu.region"() ({
        %run_scoped3A = tpu.sem_alloc : memref<!tpu.dma_semaphore, #tpu.memory_space<semaphore_mem>>
        %dma_start3A_57 = arith.constant 0 : i32
        %dma_start3A_58 = tpu.memref_slice %arg7[%add3A_15, %dma_start3A_57] : memref<320000x512xi32, #tpu.memory_space<hbm>> -> memref<40x512xi32, #tpu.memory_space<hbm>>
        %dma_start3A_59 = arith.constant 0 : i32
        %dma_start3A_60 = tpu.memref_slice %arg7[%add3A_15, %dma_start3A_59] : memref<320000x512xi32, #tpu.memory_space<hbm>> -> memref<40x512xi32, #tpu.memory_space<hbm>>
        tpu.enqueue_dma source(%arg11 : memref<40x512xi32, #tpu.memory_space<vmem>>) target(%dma_start3A_60 : memref<40x512xi32, #tpu.memory_space<hbm>>) target_semaphore(%run_scoped3A : memref<!tpu.dma_semaphore, #tpu.memory_space<semaphore_mem>>)
        %dma_wait3A_61 = arith.constant 0 : i32
        %dma_wait3A_62 = tpu.memref_slice %arg7[%add3A_15, %dma_wait3A_61] : memref<320000x512xi32, #tpu.memory_space<hbm>> -> memref<40x512xi32, #tpu.memory_space<hbm>>
        %dma_wait3A_63 = arith.constant 0 : i32
        %dma_wait3A_64 = tpu.memref_slice %arg7[%add3A_15, %dma_wait3A_63] : memref<320000x512xi32, #tpu.memory_space<hbm>> -> memref<40x512xi32, #tpu.memory_space<hbm>>
        tpu.wait_dma2 semaphore(%run_scoped3A : memref<!tpu.dma_semaphore, #tpu.memory_space<semaphore_mem>>) src(%arg11 : memref<40x512xi32, #tpu.memory_space<vmem>>) dst(%dma_wait3A_64 : memref<40x512xi32, #tpu.memory_space<hbm>>)
        tpu.yield
      }) : () -> ()
      %dma_wait3A_46 = arith.constant 40 : i32
      %dma_wait3A_47 = tpu.memref_slice %arg8[%dma_wait3A_46] : memref<80xi32, #tpu.memory_space<vmem>> -> memref<40xi32, #tpu.memory_space<vmem>>
      %dma_wait3A_48 = arith.constant 0 : i32
      %dma_wait3A_49 = arith.constant 0 : i32
      %dma_wait3A_50 = tpu.memref_slice %arg2[%dma_wait3A_48, %dma_wait3A_49] : memref<10000x512xi32, #tpu.memory_space<hbm>> -> memref<10000x512xi32, #tpu.memory_space<hbm>>
      tpu.wait_indirect_dma semaphore(%arg14 : memref<!tpu.dma_semaphore, #tpu.memory_space<semaphore_mem>>) src(%dma_wait3A_50 : memref<10000x512xi32, #tpu.memory_space<hbm>>) dst(%arg12 : memref<40x512xi32, #tpu.memory_space<vmem>>)
      "tpu.region"() ({
        %run_scoped3A = tpu.sem_alloc : memref<!tpu.dma_semaphore, #tpu.memory_space<semaphore_mem>>
        %dma_start3A_57 = arith.constant 0 : i32
        %dma_start3A_58 = tpu.memref_slice %arg6[%add3A_17, %dma_start3A_57] : memref<320000x512xi32, #tpu.memory_space<hbm>> -> memref<40x512xi32, #tpu.memory_space<hbm>>
        %dma_start3A_59 = arith.constant 0 : i32
        %dma_start3A_60 = tpu.memref_slice %arg6[%add3A_17, %dma_start3A_59] : memref<320000x512xi32, #tpu.memory_space<hbm>> -> memref<40x512xi32, #tpu.memory_space<hbm>>
        tpu.enqueue_dma source(%arg12 : memref<40x512xi32, #tpu.memory_space<vmem>>) target(%dma_start3A_60 : memref<40x512xi32, #tpu.memory_space<hbm>>) target_semaphore(%run_scoped3A : memref<!tpu.dma_semaphore, #tpu.memory_space<semaphore_mem>>)
        %dma_wait3A_61 = arith.constant 0 : i32
        %dma_wait3A_62 = tpu.memref_slice %arg6[%add3A_17, %dma_wait3A_61] : memref<320000x512xi32, #tpu.memory_space<hbm>> -> memref<40x512xi32, #tpu.memory_space<hbm>>
        %dma_wait3A_63 = arith.constant 0 : i32
        %dma_wait3A_64 = tpu.memref_slice %arg6[%add3A_17, %dma_wait3A_63] : memref<320000x512xi32, #tpu.memory_space<hbm>> -> memref<40x512xi32, #tpu.memory_space<hbm>>
        tpu.wait_dma2 semaphore(%run_scoped3A : memref<!tpu.dma_semaphore, #tpu.memory_space<semaphore_mem>>) src(%arg12 : memref<40x512xi32, #tpu.memory_space<vmem>>) dst(%dma_wait3A_64 : memref<40x512xi32, #tpu.memory_space<hbm>>)
        tpu.yield
      }) : () -> ()
      %dma_wait3A_51 = arith.constant 40 : i32
      %dma_wait3A_52 = tpu.memref_slice %arg9[%dma_wait3A_51] : memref<80xi32, #tpu.memory_space<vmem>> -> memref<40xi32, #tpu.memory_space<vmem>>
      %dma_wait3A_53 = arith.constant 0 : i32
      %dma_wait3A_54 = arith.constant 0 : i32
      %dma_wait3A_55 = tpu.memref_slice %arg3[%dma_wait3A_53, %dma_wait3A_54] : memref<10000x512xi32, #tpu.memory_space<hbm>> -> memref<10000x512xi32, #tpu.memory_space<hbm>>
      tpu.wait_indirect_dma semaphore(%arg14 : memref<!tpu.dma_semaphore, #tpu.memory_space<semaphore_mem>>) src(%dma_wait3A_55 : memref<10000x512xi32, #tpu.memory_space<hbm>>) dst(%arg13 : memref<40x512xi32, #tpu.memory_space<vmem>>)
      "tpu.region"() ({
        %run_scoped3A = tpu.sem_alloc : memref<!tpu.dma_semaphore, #tpu.memory_space<semaphore_mem>>
        %dma_start3A_57 = arith.constant 0 : i32
        %dma_start3A_58 = tpu.memref_slice %arg7[%add3A_17, %dma_start3A_57] : memref<320000x512xi32, #tpu.memory_space<hbm>> -> memref<40x512xi32, #tpu.memory_space<hbm>>
        %dma_start3A_59 = arith.constant 0 : i32
        %dma_start3A_60 = tpu.memref_slice %arg7[%add3A_17, %dma_start3A_59] : memref<320000x512xi32, #tpu.memory_space<hbm>> -> memref<40x512xi32, #tpu.memory_space<hbm>>
        tpu.enqueue_dma source(%arg13 : memref<40x512xi32, #tpu.memory_space<vmem>>) target(%dma_start3A_60 : memref<40x512xi32, #tpu.memory_space<hbm>>) target_semaphore(%run_scoped3A : memref<!tpu.dma_semaphore, #tpu.memory_space<semaphore_mem>>)
        %dma_wait3A_61 = arith.constant 0 : i32
        %dma_wait3A_62 = tpu.memref_slice %arg7[%add3A_17, %dma_wait3A_61] : memref<320000x512xi32, #tpu.memory_space<hbm>> -> memref<40x512xi32, #tpu.memory_space<hbm>>
        %dma_wait3A_63 = arith.constant 0 : i32
        %dma_wait3A_64 = tpu.memref_slice %arg7[%add3A_17, %dma_wait3A_63] : memref<320000x512xi32, #tpu.memory_space<hbm>> -> memref<40x512xi32, #tpu.memory_space<hbm>>
        tpu.wait_dma2 semaphore(%run_scoped3A : memref<!tpu.dma_semaphore, #tpu.memory_space<semaphore_mem>>) src(%arg13 : memref<40x512xi32, #tpu.memory_space<vmem>>) dst(%dma_wait3A_64 : memref<40x512xi32, #tpu.memory_space<hbm>>)
        tpu.yield
      }) : () -> ()
      %scan3A_56 = arith.constant 0 : i32
      scf.yield %scan3A_56 : i32
    }
    %scan3A_8 = arith.constant 125 : i32
    return
  }
}

#map = affine_map<(d0, d1) -> (0)>
module attributes {stable_mosaic.version = 14 : i64} {
  func.func @_sc_ex_scatter_body(%arg0: i32, %arg1: i32, %arg2: memref<320000xf32, #tpu.memory_space<hbm>>, %arg3: memref<320000xf32, #tpu.memory_space<hbm>>, %arg4: memref<320000xf32, #tpu.memory_space<hbm>>, %arg5: memref<320000xf32, #tpu.memory_space<hbm>>, %arg6: memref<320000xi32, #tpu.memory_space<hbm>>, %arg7: memref<10240xf32, #tpu.memory_space<hbm>>, %arg8: memref<81920xf32, #tpu.memory_space<hbm>>, %arg9: memref<2000xf32, #tpu.memory_space<vmem>>, %arg10: memref<2000xi32, #tpu.memory_space<vmem>>, %arg11: memref<10240xf32, #tpu.memory_space<vmem_shared>>, %arg12: memref<10240xf32, #tpu.memory_space<vmem_shared>>, %arg13: memref<10240xf32, #tpu.memory_space<vmem_shared>>, %arg14: memref<10240xf32, #tpu.memory_space<vmem_shared>>, %arg15: memref<!tpu.dma_semaphore, #tpu.memory_space<semaphore_mem>>) attributes {dimension_semantics = [#tpu.dimension_semantics<core_parallel>, #tpu.dimension_semantics<subcore_parallel>], iteration_bounds = array<i64: 2, 16>, scalar_prefetch = 0 : i64, scratch_operands = 7 : i64, tpu.core_type = #tpu.core_type<sc_vector_subcore>, window_params = [{transform_indices = #map}, {transform_indices = #map}, {transform_indices = #map}, {transform_indices = #map}, {transform_indices = #map}, {transform_indices = #map}, {transform_indices = #map}]} {
    %mul3A = arith.constant 640 : i32
    %mul3A_0 = arith.muli %arg1, %mul3A : i32
    %mul3A_1 = arith.constant 640 : i32
    %mul3A_2 = arith.muli %arg1, %mul3A_1 : i32
    "tpu.region"() ({
      %run_scoped3A = tpu.sem_alloc : memref<!tpu.dma_semaphore, #tpu.memory_space<semaphore_mem>>
      %dma_start3A = tpu.memref_slice %arg11[%mul3A_2] : memref<10240xf32, #tpu.memory_space<vmem_shared>> -> memref<640xf32, #tpu.memory_space<vmem_shared>>
      %dma_start3A_70 = tpu.memref_slice %arg7[%mul3A_0] : memref<10240xf32, #tpu.memory_space<hbm>> -> memref<640xf32, #tpu.memory_space<hbm>>
      tpu.enqueue_dma source(%dma_start3A_70 : memref<640xf32, #tpu.memory_space<hbm>>) target(%dma_start3A : memref<640xf32, #tpu.memory_space<vmem_shared>>) target_semaphore(%run_scoped3A : memref<!tpu.dma_semaphore, #tpu.memory_space<semaphore_mem>>)
      %dma_wait3A = tpu.memref_slice %arg11[%mul3A_2] : memref<10240xf32, #tpu.memory_space<vmem_shared>> -> memref<640xf32, #tpu.memory_space<vmem_shared>>
      %dma_wait3A_71 = tpu.memref_slice %arg7[%mul3A_0] : memref<10240xf32, #tpu.memory_space<hbm>> -> memref<640xf32, #tpu.memory_space<hbm>>
      tpu.wait_dma2 semaphore(%run_scoped3A : memref<!tpu.dma_semaphore, #tpu.memory_space<semaphore_mem>>) src(%dma_wait3A_71 : memref<640xf32, #tpu.memory_space<hbm>>) dst(%dma_wait3A : memref<640xf32, #tpu.memory_space<vmem_shared>>)
      tpu.yield
    }) : () -> ()
    %mul3A_3 = arith.constant 640 : i32
    %mul3A_4 = arith.muli %arg1, %mul3A_3 : i32
    %mul3A_5 = arith.constant 640 : i32
    %mul3A_6 = arith.muli %arg1, %mul3A_5 : i32
    "tpu.region"() ({
      %run_scoped3A = tpu.sem_alloc : memref<!tpu.dma_semaphore, #tpu.memory_space<semaphore_mem>>
      %dma_start3A = tpu.memref_slice %arg12[%mul3A_6] : memref<10240xf32, #tpu.memory_space<vmem_shared>> -> memref<640xf32, #tpu.memory_space<vmem_shared>>
      %dma_start3A_70 = tpu.memref_slice %arg7[%mul3A_4] : memref<10240xf32, #tpu.memory_space<hbm>> -> memref<640xf32, #tpu.memory_space<hbm>>
      tpu.enqueue_dma source(%dma_start3A_70 : memref<640xf32, #tpu.memory_space<hbm>>) target(%dma_start3A : memref<640xf32, #tpu.memory_space<vmem_shared>>) target_semaphore(%run_scoped3A : memref<!tpu.dma_semaphore, #tpu.memory_space<semaphore_mem>>)
      %dma_wait3A = tpu.memref_slice %arg12[%mul3A_6] : memref<10240xf32, #tpu.memory_space<vmem_shared>> -> memref<640xf32, #tpu.memory_space<vmem_shared>>
      %dma_wait3A_71 = tpu.memref_slice %arg7[%mul3A_4] : memref<10240xf32, #tpu.memory_space<hbm>> -> memref<640xf32, #tpu.memory_space<hbm>>
      tpu.wait_dma2 semaphore(%run_scoped3A : memref<!tpu.dma_semaphore, #tpu.memory_space<semaphore_mem>>) src(%dma_wait3A_71 : memref<640xf32, #tpu.memory_space<hbm>>) dst(%dma_wait3A : memref<640xf32, #tpu.memory_space<vmem_shared>>)
      tpu.yield
    }) : () -> ()
    %mul3A_7 = arith.constant 640 : i32
    %mul3A_8 = arith.muli %arg1, %mul3A_7 : i32
    %mul3A_9 = arith.constant 640 : i32
    %mul3A_10 = arith.muli %arg1, %mul3A_9 : i32
    "tpu.region"() ({
      %run_scoped3A = tpu.sem_alloc : memref<!tpu.dma_semaphore, #tpu.memory_space<semaphore_mem>>
      %dma_start3A = tpu.memref_slice %arg13[%mul3A_10] : memref<10240xf32, #tpu.memory_space<vmem_shared>> -> memref<640xf32, #tpu.memory_space<vmem_shared>>
      %dma_start3A_70 = tpu.memref_slice %arg7[%mul3A_8] : memref<10240xf32, #tpu.memory_space<hbm>> -> memref<640xf32, #tpu.memory_space<hbm>>
      tpu.enqueue_dma source(%dma_start3A_70 : memref<640xf32, #tpu.memory_space<hbm>>) target(%dma_start3A : memref<640xf32, #tpu.memory_space<vmem_shared>>) target_semaphore(%run_scoped3A : memref<!tpu.dma_semaphore, #tpu.memory_space<semaphore_mem>>)
      %dma_wait3A = tpu.memref_slice %arg13[%mul3A_10] : memref<10240xf32, #tpu.memory_space<vmem_shared>> -> memref<640xf32, #tpu.memory_space<vmem_shared>>
      %dma_wait3A_71 = tpu.memref_slice %arg7[%mul3A_8] : memref<10240xf32, #tpu.memory_space<hbm>> -> memref<640xf32, #tpu.memory_space<hbm>>
      tpu.wait_dma2 semaphore(%run_scoped3A : memref<!tpu.dma_semaphore, #tpu.memory_space<semaphore_mem>>) src(%dma_wait3A_71 : memref<640xf32, #tpu.memory_space<hbm>>) dst(%dma_wait3A : memref<640xf32, #tpu.memory_space<vmem_shared>>)
      tpu.yield
    }) : () -> ()
    %mul3A_11 = arith.constant 640 : i32
    %mul3A_12 = arith.muli %arg1, %mul3A_11 : i32
    %mul3A_13 = arith.constant 640 : i32
    %mul3A_14 = arith.muli %arg1, %mul3A_13 : i32
    "tpu.region"() ({
      %run_scoped3A = tpu.sem_alloc : memref<!tpu.dma_semaphore, #tpu.memory_space<semaphore_mem>>
      %dma_start3A = tpu.memref_slice %arg14[%mul3A_14] : memref<10240xf32, #tpu.memory_space<vmem_shared>> -> memref<640xf32, #tpu.memory_space<vmem_shared>>
      %dma_start3A_70 = tpu.memref_slice %arg7[%mul3A_12] : memref<10240xf32, #tpu.memory_space<hbm>> -> memref<640xf32, #tpu.memory_space<hbm>>
      tpu.enqueue_dma source(%dma_start3A_70 : memref<640xf32, #tpu.memory_space<hbm>>) target(%dma_start3A : memref<640xf32, #tpu.memory_space<vmem_shared>>) target_semaphore(%run_scoped3A : memref<!tpu.dma_semaphore, #tpu.memory_space<semaphore_mem>>)
      %dma_wait3A = tpu.memref_slice %arg14[%mul3A_14] : memref<10240xf32, #tpu.memory_space<vmem_shared>> -> memref<640xf32, #tpu.memory_space<vmem_shared>>
      %dma_wait3A_71 = tpu.memref_slice %arg7[%mul3A_12] : memref<10240xf32, #tpu.memory_space<hbm>> -> memref<640xf32, #tpu.memory_space<hbm>>
      tpu.wait_dma2 semaphore(%run_scoped3A : memref<!tpu.dma_semaphore, #tpu.memory_space<semaphore_mem>>) src(%dma_wait3A_71 : memref<640xf32, #tpu.memory_space<hbm>>) dst(%dma_wait3A : memref<640xf32, #tpu.memory_space<vmem_shared>>)
      tpu.yield
    }) : () -> ()
    %barrier3A = arith.constant 0 : index
    tpu.barrier barrier_id(%barrier3A)
    %mul3A_15 = arith.constant 2 : i32
    %mul3A_16 = arith.muli %arg1, %mul3A_15 : i32
    %add3A = arith.addi %mul3A_16, %arg0 : i32
    %mul3A_17 = arith.constant 10000 : i32
    %mul3A_18 = arith.muli %add3A, %mul3A_17 : i32
    %scan3A = arith.constant 0 : i32
    %scan3A_19 = arith.constant 0 : i32
    %scan3A_20 = arith.constant 5 : i32
    %scan3A_21 = arith.addi %scan3A_19, %scan3A_20 : i32
    %scan3A_22 = arith.constant 1 : i32
    %scan3A_23 = scf.for %scan3A_70 = %scan3A_19 to %scan3A_21 step %scan3A_22 iter_args(%scan3A_71 = %scan3A) -> (i32)  : i32 {
      %mul3A_72 = arith.constant 2000 : i32
      %mul3A_73 = arith.muli %scan3A_70, %mul3A_72 : i32
      %add3A_74 = arith.addi %mul3A_18, %mul3A_73 : i32
      "tpu.region"() ({
        %run_scoped3A = tpu.sem_alloc : memref<!tpu.dma_semaphore, #tpu.memory_space<semaphore_mem>>
        %dma_start3A = tpu.memref_slice %arg6[%add3A_74] : memref<320000xi32, #tpu.memory_space<hbm>> -> memref<2000xi32, #tpu.memory_space<hbm>>
        %dma_start3A_76 = tpu.memref_slice %arg6[%add3A_74] : memref<320000xi32, #tpu.memory_space<hbm>> -> memref<2000xi32, #tpu.memory_space<hbm>>
        tpu.enqueue_dma source(%dma_start3A_76 : memref<2000xi32, #tpu.memory_space<hbm>>) target(%arg10 : memref<2000xi32, #tpu.memory_space<vmem>>) target_semaphore(%run_scoped3A : memref<!tpu.dma_semaphore, #tpu.memory_space<semaphore_mem>>)
        %dma_wait3A = tpu.memref_slice %arg6[%add3A_74] : memref<320000xi32, #tpu.memory_space<hbm>> -> memref<2000xi32, #tpu.memory_space<hbm>>
        %dma_wait3A_77 = tpu.memref_slice %arg6[%add3A_74] : memref<320000xi32, #tpu.memory_space<hbm>> -> memref<2000xi32, #tpu.memory_space<hbm>>
        tpu.wait_dma2 semaphore(%run_scoped3A : memref<!tpu.dma_semaphore, #tpu.memory_space<semaphore_mem>>) src(%dma_wait3A_77 : memref<2000xi32, #tpu.memory_space<hbm>>) dst(%arg10 : memref<2000xi32, #tpu.memory_space<vmem>>)
        tpu.yield
      }) : () -> ()
      "tpu.region"() ({
        %run_scoped3A = tpu.sem_alloc : memref<!tpu.dma_semaphore, #tpu.memory_space<semaphore_mem>>
        %dma_start3A = tpu.memref_slice %arg2[%add3A_74] : memref<320000xf32, #tpu.memory_space<hbm>> -> memref<2000xf32, #tpu.memory_space<hbm>>
        %dma_start3A_76 = tpu.memref_slice %arg2[%add3A_74] : memref<320000xf32, #tpu.memory_space<hbm>> -> memref<2000xf32, #tpu.memory_space<hbm>>
        tpu.enqueue_dma source(%dma_start3A_76 : memref<2000xf32, #tpu.memory_space<hbm>>) target(%arg9 : memref<2000xf32, #tpu.memory_space<vmem>>) target_semaphore(%run_scoped3A : memref<!tpu.dma_semaphore, #tpu.memory_space<semaphore_mem>>)
        %dma_wait3A = tpu.memref_slice %arg2[%add3A_74] : memref<320000xf32, #tpu.memory_space<hbm>> -> memref<2000xf32, #tpu.memory_space<hbm>>
        %dma_wait3A_77 = tpu.memref_slice %arg2[%add3A_74] : memref<320000xf32, #tpu.memory_space<hbm>> -> memref<2000xf32, #tpu.memory_space<hbm>>
        tpu.wait_dma2 semaphore(%run_scoped3A : memref<!tpu.dma_semaphore, #tpu.memory_space<semaphore_mem>>) src(%dma_wait3A_77 : memref<2000xf32, #tpu.memory_space<hbm>>) dst(%arg9 : memref<2000xf32, #tpu.memory_space<vmem>>)
        tpu.yield
      }) : () -> ()
      "tpu.region"() ({
        %run_scoped3A = tpu.sem_alloc : memref<!tpu.dma_semaphore, #tpu.memory_space<semaphore_mem>>
        %dma_start3A = arith.constant 0 : i32
        %dma_start3A_76 = tpu.memref_slice %arg11[%dma_start3A] : memref<10240xf32, #tpu.memory_space<vmem_shared>> -> memref<10240xf32, #tpu.memory_space<vmem_shared>>
        tpu.enqueue_indirect_dma source(%arg9 : memref<2000xf32, #tpu.memory_space<vmem>>) target(%dma_start3A_76 : memref<10240xf32, #tpu.memory_space<vmem_shared>>) offsets(%arg10 : memref<2000xi32, #tpu.memory_space<vmem>>) semaphore(%run_scoped3A : memref<!tpu.dma_semaphore, #tpu.memory_space<semaphore_mem>>) {add = true}
        %dma_wait3A = arith.constant 0 : i32
        %dma_wait3A_77 = tpu.memref_slice %arg11[%dma_wait3A] : memref<10240xf32, #tpu.memory_space<vmem_shared>> -> memref<10240xf32, #tpu.memory_space<vmem_shared>>
        tpu.wait_indirect_dma semaphore(%run_scoped3A : memref<!tpu.dma_semaphore, #tpu.memory_space<semaphore_mem>>) src(%arg9 : memref<2000xf32, #tpu.memory_space<vmem>>) dst(%dma_wait3A_77 : memref<10240xf32, #tpu.memory_space<vmem_shared>>)
        tpu.yield
      }) : () -> ()
      "tpu.region"() ({
        %run_scoped3A = tpu.sem_alloc : memref<!tpu.dma_semaphore, #tpu.memory_space<semaphore_mem>>
        %dma_start3A = tpu.memref_slice %arg3[%add3A_74] : memref<320000xf32, #tpu.memory_space<hbm>> -> memref<2000xf32, #tpu.memory_space<hbm>>
        %dma_start3A_76 = tpu.memref_slice %arg3[%add3A_74] : memref<320000xf32, #tpu.memory_space<hbm>> -> memref<2000xf32, #tpu.memory_space<hbm>>
        tpu.enqueue_dma source(%dma_start3A_76 : memref<2000xf32, #tpu.memory_space<hbm>>) target(%arg9 : memref<2000xf32, #tpu.memory_space<vmem>>) target_semaphore(%run_scoped3A : memref<!tpu.dma_semaphore, #tpu.memory_space<semaphore_mem>>)
        %dma_wait3A = tpu.memref_slice %arg3[%add3A_74] : memref<320000xf32, #tpu.memory_space<hbm>> -> memref<2000xf32, #tpu.memory_space<hbm>>
        %dma_wait3A_77 = tpu.memref_slice %arg3[%add3A_74] : memref<320000xf32, #tpu.memory_space<hbm>> -> memref<2000xf32, #tpu.memory_space<hbm>>
        tpu.wait_dma2 semaphore(%run_scoped3A : memref<!tpu.dma_semaphore, #tpu.memory_space<semaphore_mem>>) src(%dma_wait3A_77 : memref<2000xf32, #tpu.memory_space<hbm>>) dst(%arg9 : memref<2000xf32, #tpu.memory_space<vmem>>)
        tpu.yield
      }) : () -> ()
      "tpu.region"() ({
        %run_scoped3A = tpu.sem_alloc : memref<!tpu.dma_semaphore, #tpu.memory_space<semaphore_mem>>
        %dma_start3A = arith.constant 0 : i32
        %dma_start3A_76 = tpu.memref_slice %arg12[%dma_start3A] : memref<10240xf32, #tpu.memory_space<vmem_shared>> -> memref<10240xf32, #tpu.memory_space<vmem_shared>>
        tpu.enqueue_indirect_dma source(%arg9 : memref<2000xf32, #tpu.memory_space<vmem>>) target(%dma_start3A_76 : memref<10240xf32, #tpu.memory_space<vmem_shared>>) offsets(%arg10 : memref<2000xi32, #tpu.memory_space<vmem>>) semaphore(%run_scoped3A : memref<!tpu.dma_semaphore, #tpu.memory_space<semaphore_mem>>) {add = true}
        %dma_wait3A = arith.constant 0 : i32
        %dma_wait3A_77 = tpu.memref_slice %arg12[%dma_wait3A] : memref<10240xf32, #tpu.memory_space<vmem_shared>> -> memref<10240xf32, #tpu.memory_space<vmem_shared>>
        tpu.wait_indirect_dma semaphore(%run_scoped3A : memref<!tpu.dma_semaphore, #tpu.memory_space<semaphore_mem>>) src(%arg9 : memref<2000xf32, #tpu.memory_space<vmem>>) dst(%dma_wait3A_77 : memref<10240xf32, #tpu.memory_space<vmem_shared>>)
        tpu.yield
      }) : () -> ()
      "tpu.region"() ({
        %run_scoped3A = tpu.sem_alloc : memref<!tpu.dma_semaphore, #tpu.memory_space<semaphore_mem>>
        %dma_start3A = tpu.memref_slice %arg4[%add3A_74] : memref<320000xf32, #tpu.memory_space<hbm>> -> memref<2000xf32, #tpu.memory_space<hbm>>
        %dma_start3A_76 = tpu.memref_slice %arg4[%add3A_74] : memref<320000xf32, #tpu.memory_space<hbm>> -> memref<2000xf32, #tpu.memory_space<hbm>>
        tpu.enqueue_dma source(%dma_start3A_76 : memref<2000xf32, #tpu.memory_space<hbm>>) target(%arg9 : memref<2000xf32, #tpu.memory_space<vmem>>) target_semaphore(%run_scoped3A : memref<!tpu.dma_semaphore, #tpu.memory_space<semaphore_mem>>)
        %dma_wait3A = tpu.memref_slice %arg4[%add3A_74] : memref<320000xf32, #tpu.memory_space<hbm>> -> memref<2000xf32, #tpu.memory_space<hbm>>
        %dma_wait3A_77 = tpu.memref_slice %arg4[%add3A_74] : memref<320000xf32, #tpu.memory_space<hbm>> -> memref<2000xf32, #tpu.memory_space<hbm>>
        tpu.wait_dma2 semaphore(%run_scoped3A : memref<!tpu.dma_semaphore, #tpu.memory_space<semaphore_mem>>) src(%dma_wait3A_77 : memref<2000xf32, #tpu.memory_space<hbm>>) dst(%arg9 : memref<2000xf32, #tpu.memory_space<vmem>>)
        tpu.yield
      }) : () -> ()
      "tpu.region"() ({
        %run_scoped3A = tpu.sem_alloc : memref<!tpu.dma_semaphore, #tpu.memory_space<semaphore_mem>>
        %dma_start3A = arith.constant 0 : i32
        %dma_start3A_76 = tpu.memref_slice %arg13[%dma_start3A] : memref<10240xf32, #tpu.memory_space<vmem_shared>> -> memref<10240xf32, #tpu.memory_space<vmem_shared>>
        tpu.enqueue_indirect_dma source(%arg9 : memref<2000xf32, #tpu.memory_space<vmem>>) target(%dma_start3A_76 : memref<10240xf32, #tpu.memory_space<vmem_shared>>) offsets(%arg10 : memref<2000xi32, #tpu.memory_space<vmem>>) semaphore(%run_scoped3A : memref<!tpu.dma_semaphore, #tpu.memory_space<semaphore_mem>>) {add = true}
        %dma_wait3A = arith.constant 0 : i32
        %dma_wait3A_77 = tpu.memref_slice %arg13[%dma_wait3A] : memref<10240xf32, #tpu.memory_space<vmem_shared>> -> memref<10240xf32, #tpu.memory_space<vmem_shared>>
        tpu.wait_indirect_dma semaphore(%run_scoped3A : memref<!tpu.dma_semaphore, #tpu.memory_space<semaphore_mem>>) src(%arg9 : memref<2000xf32, #tpu.memory_space<vmem>>) dst(%dma_wait3A_77 : memref<10240xf32, #tpu.memory_space<vmem_shared>>)
        tpu.yield
      }) : () -> ()
      "tpu.region"() ({
        %run_scoped3A = tpu.sem_alloc : memref<!tpu.dma_semaphore, #tpu.memory_space<semaphore_mem>>
        %dma_start3A = tpu.memref_slice %arg5[%add3A_74] : memref<320000xf32, #tpu.memory_space<hbm>> -> memref<2000xf32, #tpu.memory_space<hbm>>
        %dma_start3A_76 = tpu.memref_slice %arg5[%add3A_74] : memref<320000xf32, #tpu.memory_space<hbm>> -> memref<2000xf32, #tpu.memory_space<hbm>>
        tpu.enqueue_dma source(%dma_start3A_76 : memref<2000xf32, #tpu.memory_space<hbm>>) target(%arg9 : memref<2000xf32, #tpu.memory_space<vmem>>) target_semaphore(%run_scoped3A : memref<!tpu.dma_semaphore, #tpu.memory_space<semaphore_mem>>)
        %dma_wait3A = tpu.memref_slice %arg5[%add3A_74] : memref<320000xf32, #tpu.memory_space<hbm>> -> memref<2000xf32, #tpu.memory_space<hbm>>
        %dma_wait3A_77 = tpu.memref_slice %arg5[%add3A_74] : memref<320000xf32, #tpu.memory_space<hbm>> -> memref<2000xf32, #tpu.memory_space<hbm>>
        tpu.wait_dma2 semaphore(%run_scoped3A : memref<!tpu.dma_semaphore, #tpu.memory_space<semaphore_mem>>) src(%dma_wait3A_77 : memref<2000xf32, #tpu.memory_space<hbm>>) dst(%arg9 : memref<2000xf32, #tpu.memory_space<vmem>>)
        tpu.yield
      }) : () -> ()
      "tpu.region"() ({
        %run_scoped3A = tpu.sem_alloc : memref<!tpu.dma_semaphore, #tpu.memory_space<semaphore_mem>>
        %dma_start3A = arith.constant 0 : i32
        %dma_start3A_76 = tpu.memref_slice %arg14[%dma_start3A] : memref<10240xf32, #tpu.memory_space<vmem_shared>> -> memref<10240xf32, #tpu.memory_space<vmem_shared>>
        tpu.enqueue_indirect_dma source(%arg9 : memref<2000xf32, #tpu.memory_space<vmem>>) target(%dma_start3A_76 : memref<10240xf32, #tpu.memory_space<vmem_shared>>) offsets(%arg10 : memref<2000xi32, #tpu.memory_space<vmem>>) semaphore(%run_scoped3A : memref<!tpu.dma_semaphore, #tpu.memory_space<semaphore_mem>>) {add = true}
        %dma_wait3A = arith.constant 0 : i32
        %dma_wait3A_77 = tpu.memref_slice %arg14[%dma_wait3A] : memref<10240xf32, #tpu.memory_space<vmem_shared>> -> memref<10240xf32, #tpu.memory_space<vmem_shared>>
        tpu.wait_indirect_dma semaphore(%run_scoped3A : memref<!tpu.dma_semaphore, #tpu.memory_space<semaphore_mem>>) src(%arg9 : memref<2000xf32, #tpu.memory_space<vmem>>) dst(%dma_wait3A_77 : memref<10240xf32, #tpu.memory_space<vmem_shared>>)
        tpu.yield
      }) : () -> ()
      %scan3A_75 = arith.constant 0 : i32
      scf.yield %scan3A_75 : i32
    }
    %scan3A_24 = arith.constant 5 : i32
    %barrier3A_25 = arith.constant 0 : index
    tpu.barrier barrier_id(%barrier3A_25)
    %mul3A_26 = arith.constant 640 : i32
    %mul3A_27 = arith.muli %arg1, %mul3A_26 : i32
    %mul3A_28 = arith.constant 4 : i32
    %mul3A_29 = arith.muli %arg0, %mul3A_28 : i32
    %add3A_30 = arith.constant 0 : i32
    %add3A_31 = arith.addi %mul3A_29, %add3A_30 : i32
    %mul3A_32 = arith.constant 10240 : i32
    %mul3A_33 = arith.muli %add3A_31, %mul3A_32 : i32
    %mul3A_34 = arith.constant 640 : i32
    %mul3A_35 = arith.muli %arg1, %mul3A_34 : i32
    %add3A_36 = arith.addi %mul3A_33, %mul3A_35 : i32
    "tpu.region"() ({
      %run_scoped3A = tpu.sem_alloc : memref<!tpu.dma_semaphore, #tpu.memory_space<semaphore_mem>>
      %dma_start3A = tpu.memref_slice %arg8[%add3A_36] : memref<81920xf32, #tpu.memory_space<hbm>> -> memref<640xf32, #tpu.memory_space<hbm>>
      %dma_start3A_70 = tpu.memref_slice %arg11[%mul3A_27] : memref<10240xf32, #tpu.memory_space<vmem_shared>> -> memref<640xf32, #tpu.memory_space<vmem_shared>>
      tpu.enqueue_dma source(%dma_start3A_70 : memref<640xf32, #tpu.memory_space<vmem_shared>>) target(%dma_start3A : memref<640xf32, #tpu.memory_space<hbm>>) target_semaphore(%run_scoped3A : memref<!tpu.dma_semaphore, #tpu.memory_space<semaphore_mem>>)
      %dma_wait3A = tpu.memref_slice %arg8[%add3A_36] : memref<81920xf32, #tpu.memory_space<hbm>> -> memref<640xf32, #tpu.memory_space<hbm>>
      %dma_wait3A_71 = tpu.memref_slice %arg11[%mul3A_27] : memref<10240xf32, #tpu.memory_space<vmem_shared>> -> memref<640xf32, #tpu.memory_space<vmem_shared>>
      tpu.wait_dma2 semaphore(%run_scoped3A : memref<!tpu.dma_semaphore, #tpu.memory_space<semaphore_mem>>) src(%dma_wait3A_71 : memref<640xf32, #tpu.memory_space<vmem_shared>>) dst(%dma_wait3A : memref<640xf32, #tpu.memory_space<hbm>>)
      tpu.yield
    }) : () -> ()
    %mul3A_37 = arith.constant 640 : i32
    %mul3A_38 = arith.muli %arg1, %mul3A_37 : i32
    %mul3A_39 = arith.constant 4 : i32
    %mul3A_40 = arith.muli %arg0, %mul3A_39 : i32
    %add3A_41 = arith.constant 1 : i32
    %add3A_42 = arith.addi %mul3A_40, %add3A_41 : i32
    %mul3A_43 = arith.constant 10240 : i32
    %mul3A_44 = arith.muli %add3A_42, %mul3A_43 : i32
    %mul3A_45 = arith.constant 640 : i32
    %mul3A_46 = arith.muli %arg1, %mul3A_45 : i32
    %add3A_47 = arith.addi %mul3A_44, %mul3A_46 : i32
    "tpu.region"() ({
      %run_scoped3A = tpu.sem_alloc : memref<!tpu.dma_semaphore, #tpu.memory_space<semaphore_mem>>
      %dma_start3A = tpu.memref_slice %arg8[%add3A_47] : memref<81920xf32, #tpu.memory_space<hbm>> -> memref<640xf32, #tpu.memory_space<hbm>>
      %dma_start3A_70 = tpu.memref_slice %arg12[%mul3A_38] : memref<10240xf32, #tpu.memory_space<vmem_shared>> -> memref<640xf32, #tpu.memory_space<vmem_shared>>
      tpu.enqueue_dma source(%dma_start3A_70 : memref<640xf32, #tpu.memory_space<vmem_shared>>) target(%dma_start3A : memref<640xf32, #tpu.memory_space<hbm>>) target_semaphore(%run_scoped3A : memref<!tpu.dma_semaphore, #tpu.memory_space<semaphore_mem>>)
      %dma_wait3A = tpu.memref_slice %arg8[%add3A_47] : memref<81920xf32, #tpu.memory_space<hbm>> -> memref<640xf32, #tpu.memory_space<hbm>>
      %dma_wait3A_71 = tpu.memref_slice %arg12[%mul3A_38] : memref<10240xf32, #tpu.memory_space<vmem_shared>> -> memref<640xf32, #tpu.memory_space<vmem_shared>>
      tpu.wait_dma2 semaphore(%run_scoped3A : memref<!tpu.dma_semaphore, #tpu.memory_space<semaphore_mem>>) src(%dma_wait3A_71 : memref<640xf32, #tpu.memory_space<vmem_shared>>) dst(%dma_wait3A : memref<640xf32, #tpu.memory_space<hbm>>)
      tpu.yield
    }) : () -> ()
    %mul3A_48 = arith.constant 640 : i32
    %mul3A_49 = arith.muli %arg1, %mul3A_48 : i32
    %mul3A_50 = arith.constant 4 : i32
    %mul3A_51 = arith.muli %arg0, %mul3A_50 : i32
    %add3A_52 = arith.constant 2 : i32
    %add3A_53 = arith.addi %mul3A_51, %add3A_52 : i32
    %mul3A_54 = arith.constant 10240 : i32
    %mul3A_55 = arith.muli %add3A_53, %mul3A_54 : i32
    %mul3A_56 = arith.constant 640 : i32
    %mul3A_57 = arith.muli %arg1, %mul3A_56 : i32
    %add3A_58 = arith.addi %mul3A_55, %mul3A_57 : i32
    "tpu.region"() ({
      %run_scoped3A = tpu.sem_alloc : memref<!tpu.dma_semaphore, #tpu.memory_space<semaphore_mem>>
      %dma_start3A = tpu.memref_slice %arg8[%add3A_58] : memref<81920xf32, #tpu.memory_space<hbm>> -> memref<640xf32, #tpu.memory_space<hbm>>
      %dma_start3A_70 = tpu.memref_slice %arg13[%mul3A_49] : memref<10240xf32, #tpu.memory_space<vmem_shared>> -> memref<640xf32, #tpu.memory_space<vmem_shared>>
      tpu.enqueue_dma source(%dma_start3A_70 : memref<640xf32, #tpu.memory_space<vmem_shared>>) target(%dma_start3A : memref<640xf32, #tpu.memory_space<hbm>>) target_semaphore(%run_scoped3A : memref<!tpu.dma_semaphore, #tpu.memory_space<semaphore_mem>>)
      %dma_wait3A = tpu.memref_slice %arg8[%add3A_58] : memref<81920xf32, #tpu.memory_space<hbm>> -> memref<640xf32, #tpu.memory_space<hbm>>
      %dma_wait3A_71 = tpu.memref_slice %arg13[%mul3A_49] : memref<10240xf32, #tpu.memory_space<vmem_shared>> -> memref<640xf32, #tpu.memory_space<vmem_shared>>
      tpu.wait_dma2 semaphore(%run_scoped3A : memref<!tpu.dma_semaphore, #tpu.memory_space<semaphore_mem>>) src(%dma_wait3A_71 : memref<640xf32, #tpu.memory_space<vmem_shared>>) dst(%dma_wait3A : memref<640xf32, #tpu.memory_space<hbm>>)
      tpu.yield
    }) : () -> ()
    %mul3A_59 = arith.constant 640 : i32
    %mul3A_60 = arith.muli %arg1, %mul3A_59 : i32
    %mul3A_61 = arith.constant 4 : i32
    %mul3A_62 = arith.muli %arg0, %mul3A_61 : i32
    %add3A_63 = arith.constant 3 : i32
    %add3A_64 = arith.addi %mul3A_62, %add3A_63 : i32
    %mul3A_65 = arith.constant 10240 : i32
    %mul3A_66 = arith.muli %add3A_64, %mul3A_65 : i32
    %mul3A_67 = arith.constant 640 : i32
    %mul3A_68 = arith.muli %arg1, %mul3A_67 : i32
    %add3A_69 = arith.addi %mul3A_66, %mul3A_68 : i32
    "tpu.region"() ({
      %run_scoped3A = tpu.sem_alloc : memref<!tpu.dma_semaphore, #tpu.memory_space<semaphore_mem>>
      %dma_start3A = tpu.memref_slice %arg8[%add3A_69] : memref<81920xf32, #tpu.memory_space<hbm>> -> memref<640xf32, #tpu.memory_space<hbm>>
      %dma_start3A_70 = tpu.memref_slice %arg14[%mul3A_60] : memref<10240xf32, #tpu.memory_space<vmem_shared>> -> memref<640xf32, #tpu.memory_space<vmem_shared>>
      tpu.enqueue_dma source(%dma_start3A_70 : memref<640xf32, #tpu.memory_space<vmem_shared>>) target(%dma_start3A : memref<640xf32, #tpu.memory_space<hbm>>) target_semaphore(%run_scoped3A : memref<!tpu.dma_semaphore, #tpu.memory_space<semaphore_mem>>)
      %dma_wait3A = tpu.memref_slice %arg8[%add3A_69] : memref<81920xf32, #tpu.memory_space<hbm>> -> memref<640xf32, #tpu.memory_space<hbm>>
      %dma_wait3A_71 = tpu.memref_slice %arg14[%mul3A_60] : memref<10240xf32, #tpu.memory_space<vmem_shared>> -> memref<640xf32, #tpu.memory_space<vmem_shared>>
      tpu.wait_dma2 semaphore(%run_scoped3A : memref<!tpu.dma_semaphore, #tpu.memory_space<semaphore_mem>>) src(%dma_wait3A_71 : memref<640xf32, #tpu.memory_space<vmem_shared>>) dst(%dma_wait3A : memref<640xf32, #tpu.memory_space<hbm>>)
      tpu.yield
    }) : () -> ()
    return
  }
}

#map = affine_map<(d0, d1) -> (0, 0)>
#map1 = affine_map<(d0, d1) -> (0)>
module attributes {stable_mosaic.version = 14 : i64} {
  func.func @_sc_vr_gather_body(%arg0: i32, %arg1: i32, %arg2: memref<10000x512xi32, #tpu.memory_space<hbm>>, %arg3: memref<10240xf32, #tpu.memory_space<hbm>>, %arg4: memref<10240xf32, #tpu.memory_space<hbm>>, %arg5: memref<10240xf32, #tpu.memory_space<hbm>>, %arg6: memref<10240xf32, #tpu.memory_space<hbm>>, %arg7: memref<320000xi32, #tpu.memory_space<hbm>>, %arg8: memref<320000xi32, #tpu.memory_space<hbm>>, %arg9: memref<320000x512xi32, #tpu.memory_space<hbm>>, %arg10: memref<320000xf32, #tpu.memory_space<hbm>>, %arg11: memref<320000xf32, #tpu.memory_space<hbm>>, %arg12: memref<320000xf32, #tpu.memory_space<hbm>>, %arg13: memref<320000xf32, #tpu.memory_space<hbm>>, %arg14: memref<80xi32, #tpu.memory_space<vmem>>, %arg15: memref<40x512xi32, #tpu.memory_space<vmem>>, %arg16: memref<40x512xi32, #tpu.memory_space<vmem>>, %arg17: memref<2000xi32, #tpu.memory_space<vmem>>, %arg18: memref<2000xf32, #tpu.memory_space<vmem>>, %arg19: memref<!tpu.dma_semaphore, #tpu.memory_space<semaphore_mem>>) attributes {dimension_semantics = [#tpu.dimension_semantics<core_parallel>, #tpu.dimension_semantics<subcore_parallel>], iteration_bounds = array<i64: 2, 16>, scalar_prefetch = 0 : i64, scratch_operands = 6 : i64, tpu.core_type = #tpu.core_type<sc_vector_subcore>, window_params = [{transform_indices = #map}, {transform_indices = #map1}, {transform_indices = #map1}, {transform_indices = #map1}, {transform_indices = #map1}, {transform_indices = #map1}, {transform_indices = #map1}, {transform_indices = #map}, {transform_indices = #map1}, {transform_indices = #map1}, {transform_indices = #map1}, {transform_indices = #map1}]} {
    %mul3A = arith.constant 2 : i32
    %mul3A_0 = arith.muli %arg1, %mul3A : i32
    %add3A = arith.addi %mul3A_0, %arg0 : i32
    %mul3A_1 = arith.constant 10000 : i32
    %mul3A_2 = arith.muli %add3A, %mul3A_1 : i32
    %scan3A = arith.constant 0 : i32
    %scan3A_3 = arith.constant 0 : i32
    %scan3A_4 = arith.constant 125 : i32
    %scan3A_5 = arith.addi %scan3A_3, %scan3A_4 : i32
    %scan3A_6 = arith.constant 1 : i32
    %scan3A_7 = scf.for %scan3A_16 = %scan3A_3 to %scan3A_5 step %scan3A_6 iter_args(%scan3A_17 = %scan3A) -> (i32)  : i32 {
      %mul3A_18 = arith.constant 2 : i32
      %mul3A_19 = arith.muli %mul3A_18, %scan3A_16 : i32
      %mul3A_20 = arith.constant 40 : i32
      %mul3A_21 = arith.muli %mul3A_19, %mul3A_20 : i32
      %add3A_22 = arith.addi %mul3A_2, %mul3A_21 : i32
      %add3A_23 = arith.constant 40 : i32
      %add3A_24 = arith.addi %add3A_22, %add3A_23 : i32
      "tpu.region"() ({
        %run_scoped3A = tpu.sem_alloc : memref<!tpu.dma_semaphore, #tpu.memory_space<semaphore_mem>>
        %dma_start3A_44 = tpu.memref_slice %arg7[%add3A_22] : memref<320000xi32, #tpu.memory_space<hbm>> -> memref<80xi32, #tpu.memory_space<hbm>>
        %dma_start3A_45 = tpu.memref_slice %arg7[%add3A_22] : memref<320000xi32, #tpu.memory_space<hbm>> -> memref<80xi32, #tpu.memory_space<hbm>>
        tpu.enqueue_dma source(%dma_start3A_45 : memref<80xi32, #tpu.memory_space<hbm>>) target(%arg14 : memref<80xi32, #tpu.memory_space<vmem>>) target_semaphore(%run_scoped3A : memref<!tpu.dma_semaphore, #tpu.memory_space<semaphore_mem>>)
        %dma_wait3A_46 = tpu.memref_slice %arg7[%add3A_22] : memref<320000xi32, #tpu.memory_space<hbm>> -> memref<80xi32, #tpu.memory_space<hbm>>
        %dma_wait3A_47 = tpu.memref_slice %arg7[%add3A_22] : memref<320000xi32, #tpu.memory_space<hbm>> -> memref<80xi32, #tpu.memory_space<hbm>>
        tpu.wait_dma2 semaphore(%run_scoped3A : memref<!tpu.dma_semaphore, #tpu.memory_space<semaphore_mem>>) src(%dma_wait3A_47 : memref<80xi32, #tpu.memory_space<hbm>>) dst(%arg14 : memref<80xi32, #tpu.memory_space<vmem>>)
        tpu.yield
      }) : () -> ()
      %dma_start3A = arith.constant 0 : i32
      %dma_start3A_25 = tpu.memref_slice %arg14[%dma_start3A] : memref<80xi32, #tpu.memory_space<vmem>> -> memref<40xi32, #tpu.memory_space<vmem>>
      %dma_start3A_26 = arith.constant 0 : i32
      %dma_start3A_27 = arith.constant 0 : i32
      %dma_start3A_28 = tpu.memref_slice %arg2[%dma_start3A_26, %dma_start3A_27] : memref<10000x512xi32, #tpu.memory_space<hbm>> -> memref<10000x512xi32, #tpu.memory_space<hbm>>
      tpu.enqueue_indirect_dma source(%dma_start3A_28 : memref<10000x512xi32, #tpu.memory_space<hbm>>) target(%arg15 : memref<40x512xi32, #tpu.memory_space<vmem>>) offsets(%dma_start3A_25 : memref<40xi32, #tpu.memory_space<vmem>>) semaphore(%arg19 : memref<!tpu.dma_semaphore, #tpu.memory_space<semaphore_mem>>)
      %dma_start3A_29 = arith.constant 40 : i32
      %dma_start3A_30 = tpu.memref_slice %arg14[%dma_start3A_29] : memref<80xi32, #tpu.memory_space<vmem>> -> memref<40xi32, #tpu.memory_space<vmem>>
      %dma_start3A_31 = arith.constant 0 : i32
      %dma_start3A_32 = arith.constant 0 : i32
      %dma_start3A_33 = tpu.memref_slice %arg2[%dma_start3A_31, %dma_start3A_32] : memref<10000x512xi32, #tpu.memory_space<hbm>> -> memref<10000x512xi32, #tpu.memory_space<hbm>>
      tpu.enqueue_indirect_dma source(%dma_start3A_33 : memref<10000x512xi32, #tpu.memory_space<hbm>>) target(%arg16 : memref<40x512xi32, #tpu.memory_space<vmem>>) offsets(%dma_start3A_30 : memref<40xi32, #tpu.memory_space<vmem>>) semaphore(%arg19 : memref<!tpu.dma_semaphore, #tpu.memory_space<semaphore_mem>>)
      %dma_wait3A = arith.constant 0 : i32
      %dma_wait3A_34 = tpu.memref_slice %arg14[%dma_wait3A] : memref<80xi32, #tpu.memory_space<vmem>> -> memref<40xi32, #tpu.memory_space<vmem>>
      %dma_wait3A_35 = arith.constant 0 : i32
      %dma_wait3A_36 = arith.constant 0 : i32
      %dma_wait3A_37 = tpu.memref_slice %arg2[%dma_wait3A_35, %dma_wait3A_36] : memref<10000x512xi32, #tpu.memory_space<hbm>> -> memref<10000x512xi32, #tpu.memory_space<hbm>>
      tpu.wait_indirect_dma semaphore(%arg19 : memref<!tpu.dma_semaphore, #tpu.memory_space<semaphore_mem>>) src(%dma_wait3A_37 : memref<10000x512xi32, #tpu.memory_space<hbm>>) dst(%arg15 : memref<40x512xi32, #tpu.memory_space<vmem>>)
      "tpu.region"() ({
        %run_scoped3A = tpu.sem_alloc : memref<!tpu.dma_semaphore, #tpu.memory_space<semaphore_mem>>
        %dma_start3A_44 = arith.constant 0 : i32
        %dma_start3A_45 = tpu.memref_slice %arg9[%add3A_22, %dma_start3A_44] : memref<320000x512xi32, #tpu.memory_space<hbm>> -> memref<40x512xi32, #tpu.memory_space<hbm>>
        %dma_start3A_46 = arith.constant 0 : i32
        %dma_start3A_47 = tpu.memref_slice %arg9[%add3A_22, %dma_start3A_46] : memref<320000x512xi32, #tpu.memory_space<hbm>> -> memref<40x512xi32, #tpu.memory_space<hbm>>
        tpu.enqueue_dma source(%arg15 : memref<40x512xi32, #tpu.memory_space<vmem>>) target(%dma_start3A_47 : memref<40x512xi32, #tpu.memory_space<hbm>>) target_semaphore(%run_scoped3A : memref<!tpu.dma_semaphore, #tpu.memory_space<semaphore_mem>>)
        %dma_wait3A_48 = arith.constant 0 : i32
        %dma_wait3A_49 = tpu.memref_slice %arg9[%add3A_22, %dma_wait3A_48] : memref<320000x512xi32, #tpu.memory_space<hbm>> -> memref<40x512xi32, #tpu.memory_space<hbm>>
        %dma_wait3A_50 = arith.constant 0 : i32
        %dma_wait3A_51 = tpu.memref_slice %arg9[%add3A_22, %dma_wait3A_50] : memref<320000x512xi32, #tpu.memory_space<hbm>> -> memref<40x512xi32, #tpu.memory_space<hbm>>
        tpu.wait_dma2 semaphore(%run_scoped3A : memref<!tpu.dma_semaphore, #tpu.memory_space<semaphore_mem>>) src(%arg15 : memref<40x512xi32, #tpu.memory_space<vmem>>) dst(%dma_wait3A_51 : memref<40x512xi32, #tpu.memory_space<hbm>>)
        tpu.yield
      }) : () -> ()
      %dma_wait3A_38 = arith.constant 40 : i32
      %dma_wait3A_39 = tpu.memref_slice %arg14[%dma_wait3A_38] : memref<80xi32, #tpu.memory_space<vmem>> -> memref<40xi32, #tpu.memory_space<vmem>>
      %dma_wait3A_40 = arith.constant 0 : i32
      %dma_wait3A_41 = arith.constant 0 : i32
      %dma_wait3A_42 = tpu.memref_slice %arg2[%dma_wait3A_40, %dma_wait3A_41] : memref<10000x512xi32, #tpu.memory_space<hbm>> -> memref<10000x512xi32, #tpu.memory_space<hbm>>
      tpu.wait_indirect_dma semaphore(%arg19 : memref<!tpu.dma_semaphore, #tpu.memory_space<semaphore_mem>>) src(%dma_wait3A_42 : memref<10000x512xi32, #tpu.memory_space<hbm>>) dst(%arg16 : memref<40x512xi32, #tpu.memory_space<vmem>>)
      "tpu.region"() ({
        %run_scoped3A = tpu.sem_alloc : memref<!tpu.dma_semaphore, #tpu.memory_space<semaphore_mem>>
        %dma_start3A_44 = arith.constant 0 : i32
        %dma_start3A_45 = tpu.memref_slice %arg9[%add3A_24, %dma_start3A_44] : memref<320000x512xi32, #tpu.memory_space<hbm>> -> memref<40x512xi32, #tpu.memory_space<hbm>>
        %dma_start3A_46 = arith.constant 0 : i32
        %dma_start3A_47 = tpu.memref_slice %arg9[%add3A_24, %dma_start3A_46] : memref<320000x512xi32, #tpu.memory_space<hbm>> -> memref<40x512xi32, #tpu.memory_space<hbm>>
        tpu.enqueue_dma source(%arg16 : memref<40x512xi32, #tpu.memory_space<vmem>>) target(%dma_start3A_47 : memref<40x512xi32, #tpu.memory_space<hbm>>) target_semaphore(%run_scoped3A : memref<!tpu.dma_semaphore, #tpu.memory_space<semaphore_mem>>)
        %dma_wait3A_48 = arith.constant 0 : i32
        %dma_wait3A_49 = tpu.memref_slice %arg9[%add3A_24, %dma_wait3A_48] : memref<320000x512xi32, #tpu.memory_space<hbm>> -> memref<40x512xi32, #tpu.memory_space<hbm>>
        %dma_wait3A_50 = arith.constant 0 : i32
        %dma_wait3A_51 = tpu.memref_slice %arg9[%add3A_24, %dma_wait3A_50] : memref<320000x512xi32, #tpu.memory_space<hbm>> -> memref<40x512xi32, #tpu.memory_space<hbm>>
        tpu.wait_dma2 semaphore(%run_scoped3A : memref<!tpu.dma_semaphore, #tpu.memory_space<semaphore_mem>>) src(%arg16 : memref<40x512xi32, #tpu.memory_space<vmem>>) dst(%dma_wait3A_51 : memref<40x512xi32, #tpu.memory_space<hbm>>)
        tpu.yield
      }) : () -> ()
      %scan3A_43 = arith.constant 0 : i32
      scf.yield %scan3A_43 : i32
    }
    %scan3A_8 = arith.constant 125 : i32
    %scan3A_9 = arith.constant 0 : i32
    %scan3A_10 = arith.constant 0 : i32
    %scan3A_11 = arith.constant 5 : i32
    %scan3A_12 = arith.addi %scan3A_10, %scan3A_11 : i32
    %scan3A_13 = arith.constant 1 : i32
    %scan3A_14 = scf.for %scan3A_16 = %scan3A_10 to %scan3A_12 step %scan3A_13 iter_args(%scan3A_17 = %scan3A_9) -> (i32)  : i32 {
      %mul3A_18 = arith.constant 2000 : i32
      %mul3A_19 = arith.muli %scan3A_16, %mul3A_18 : i32
      %add3A_20 = arith.addi %mul3A_2, %mul3A_19 : i32
      "tpu.region"() ({
        %run_scoped3A = tpu.sem_alloc : memref<!tpu.dma_semaphore, #tpu.memory_space<semaphore_mem>>
        %dma_start3A_36 = tpu.memref_slice %arg8[%add3A_20] : memref<320000xi32, #tpu.memory_space<hbm>> -> memref<2000xi32, #tpu.memory_space<hbm>>
        %dma_start3A_37 = tpu.memref_slice %arg8[%add3A_20] : memref<320000xi32, #tpu.memory_space<hbm>> -> memref<2000xi32, #tpu.memory_space<hbm>>
        tpu.enqueue_dma source(%dma_start3A_37 : memref<2000xi32, #tpu.memory_space<hbm>>) target(%arg17 : memref<2000xi32, #tpu.memory_space<vmem>>) target_semaphore(%run_scoped3A : memref<!tpu.dma_semaphore, #tpu.memory_space<semaphore_mem>>)
        %dma_wait3A_38 = tpu.memref_slice %arg8[%add3A_20] : memref<320000xi32, #tpu.memory_space<hbm>> -> memref<2000xi32, #tpu.memory_space<hbm>>
        %dma_wait3A_39 = tpu.memref_slice %arg8[%add3A_20] : memref<320000xi32, #tpu.memory_space<hbm>> -> memref<2000xi32, #tpu.memory_space<hbm>>
        tpu.wait_dma2 semaphore(%run_scoped3A : memref<!tpu.dma_semaphore, #tpu.memory_space<semaphore_mem>>) src(%dma_wait3A_39 : memref<2000xi32, #tpu.memory_space<hbm>>) dst(%arg17 : memref<2000xi32, #tpu.memory_space<vmem>>)
        tpu.yield
      }) : () -> ()
      %dma_start3A = arith.constant 0 : i32
      %dma_start3A_21 = tpu.memref_slice %arg3[%dma_start3A] : memref<10240xf32, #tpu.memory_space<hbm>> -> memref<10240xf32, #tpu.memory_space<hbm>>
      tpu.enqueue_indirect_dma source(%dma_start3A_21 : memref<10240xf32, #tpu.memory_space<hbm>>) target(%arg18 : memref<2000xf32, #tpu.memory_space<vmem>>) offsets(%arg17 : memref<2000xi32, #tpu.memory_space<vmem>>) semaphore(%arg19 : memref<!tpu.dma_semaphore, #tpu.memory_space<semaphore_mem>>)
      %dma_wait3A = arith.constant 0 : i32
      %dma_wait3A_22 = tpu.memref_slice %arg3[%dma_wait3A] : memref<10240xf32, #tpu.memory_space<hbm>> -> memref<10240xf32, #tpu.memory_space<hbm>>
      tpu.wait_indirect_dma semaphore(%arg19 : memref<!tpu.dma_semaphore, #tpu.memory_space<semaphore_mem>>) src(%dma_wait3A_22 : memref<10240xf32, #tpu.memory_space<hbm>>) dst(%arg18 : memref<2000xf32, #tpu.memory_space<vmem>>)
      "tpu.region"() ({
        %run_scoped3A = tpu.sem_alloc : memref<!tpu.dma_semaphore, #tpu.memory_space<semaphore_mem>>
        %dma_start3A_36 = tpu.memref_slice %arg10[%add3A_20] : memref<320000xf32, #tpu.memory_space<hbm>> -> memref<2000xf32, #tpu.memory_space<hbm>>
        %dma_start3A_37 = tpu.memref_slice %arg10[%add3A_20] : memref<320000xf32, #tpu.memory_space<hbm>> -> memref<2000xf32, #tpu.memory_space<hbm>>
        tpu.enqueue_dma source(%arg18 : memref<2000xf32, #tpu.memory_space<vmem>>) target(%dma_start3A_37 : memref<2000xf32, #tpu.memory_space<hbm>>) target_semaphore(%run_scoped3A : memref<!tpu.dma_semaphore, #tpu.memory_space<semaphore_mem>>)
        %dma_wait3A_38 = tpu.memref_slice %arg10[%add3A_20] : memref<320000xf32, #tpu.memory_space<hbm>> -> memref<2000xf32, #tpu.memory_space<hbm>>
        %dma_wait3A_39 = tpu.memref_slice %arg10[%add3A_20] : memref<320000xf32, #tpu.memory_space<hbm>> -> memref<2000xf32, #tpu.memory_space<hbm>>
        tpu.wait_dma2 semaphore(%run_scoped3A : memref<!tpu.dma_semaphore, #tpu.memory_space<semaphore_mem>>) src(%arg18 : memref<2000xf32, #tpu.memory_space<vmem>>) dst(%dma_wait3A_39 : memref<2000xf32, #tpu.memory_space<hbm>>)
        tpu.yield
      }) : () -> ()
      %dma_start3A_23 = arith.constant 0 : i32
      %dma_start3A_24 = tpu.memref_slice %arg4[%dma_start3A_23] : memref<10240xf32, #tpu.memory_space<hbm>> -> memref<10240xf32, #tpu.memory_space<hbm>>
      tpu.enqueue_indirect_dma source(%dma_start3A_24 : memref<10240xf32, #tpu.memory_space<hbm>>) target(%arg18 : memref<2000xf32, #tpu.memory_space<vmem>>) offsets(%arg17 : memref<2000xi32, #tpu.memory_space<vmem>>) semaphore(%arg19 : memref<!tpu.dma_semaphore, #tpu.memory_space<semaphore_mem>>)
      %dma_wait3A_25 = arith.constant 0 : i32
      %dma_wait3A_26 = tpu.memref_slice %arg4[%dma_wait3A_25] : memref<10240xf32, #tpu.memory_space<hbm>> -> memref<10240xf32, #tpu.memory_space<hbm>>
      tpu.wait_indirect_dma semaphore(%arg19 : memref<!tpu.dma_semaphore, #tpu.memory_space<semaphore_mem>>) src(%dma_wait3A_26 : memref<10240xf32, #tpu.memory_space<hbm>>) dst(%arg18 : memref<2000xf32, #tpu.memory_space<vmem>>)
      "tpu.region"() ({
        %run_scoped3A = tpu.sem_alloc : memref<!tpu.dma_semaphore, #tpu.memory_space<semaphore_mem>>
        %dma_start3A_36 = tpu.memref_slice %arg11[%add3A_20] : memref<320000xf32, #tpu.memory_space<hbm>> -> memref<2000xf32, #tpu.memory_space<hbm>>
        %dma_start3A_37 = tpu.memref_slice %arg11[%add3A_20] : memref<320000xf32, #tpu.memory_space<hbm>> -> memref<2000xf32, #tpu.memory_space<hbm>>
        tpu.enqueue_dma source(%arg18 : memref<2000xf32, #tpu.memory_space<vmem>>) target(%dma_start3A_37 : memref<2000xf32, #tpu.memory_space<hbm>>) target_semaphore(%run_scoped3A : memref<!tpu.dma_semaphore, #tpu.memory_space<semaphore_mem>>)
        %dma_wait3A_38 = tpu.memref_slice %arg11[%add3A_20] : memref<320000xf32, #tpu.memory_space<hbm>> -> memref<2000xf32, #tpu.memory_space<hbm>>
        %dma_wait3A_39 = tpu.memref_slice %arg11[%add3A_20] : memref<320000xf32, #tpu.memory_space<hbm>> -> memref<2000xf32, #tpu.memory_space<hbm>>
        tpu.wait_dma2 semaphore(%run_scoped3A : memref<!tpu.dma_semaphore, #tpu.memory_space<semaphore_mem>>) src(%arg18 : memref<2000xf32, #tpu.memory_space<vmem>>) dst(%dma_wait3A_39 : memref<2000xf32, #tpu.memory_space<hbm>>)
        tpu.yield
      }) : () -> ()
      %dma_start3A_27 = arith.constant 0 : i32
      %dma_start3A_28 = tpu.memref_slice %arg5[%dma_start3A_27] : memref<10240xf32, #tpu.memory_space<hbm>> -> memref<10240xf32, #tpu.memory_space<hbm>>
      tpu.enqueue_indirect_dma source(%dma_start3A_28 : memref<10240xf32, #tpu.memory_space<hbm>>) target(%arg18 : memref<2000xf32, #tpu.memory_space<vmem>>) offsets(%arg17 : memref<2000xi32, #tpu.memory_space<vmem>>) semaphore(%arg19 : memref<!tpu.dma_semaphore, #tpu.memory_space<semaphore_mem>>)
      %dma_wait3A_29 = arith.constant 0 : i32
      %dma_wait3A_30 = tpu.memref_slice %arg5[%dma_wait3A_29] : memref<10240xf32, #tpu.memory_space<hbm>> -> memref<10240xf32, #tpu.memory_space<hbm>>
      tpu.wait_indirect_dma semaphore(%arg19 : memref<!tpu.dma_semaphore, #tpu.memory_space<semaphore_mem>>) src(%dma_wait3A_30 : memref<10240xf32, #tpu.memory_space<hbm>>) dst(%arg18 : memref<2000xf32, #tpu.memory_space<vmem>>)
      "tpu.region"() ({
        %run_scoped3A = tpu.sem_alloc : memref<!tpu.dma_semaphore, #tpu.memory_space<semaphore_mem>>
        %dma_start3A_36 = tpu.memref_slice %arg12[%add3A_20] : memref<320000xf32, #tpu.memory_space<hbm>> -> memref<2000xf32, #tpu.memory_space<hbm>>
        %dma_start3A_37 = tpu.memref_slice %arg12[%add3A_20] : memref<320000xf32, #tpu.memory_space<hbm>> -> memref<2000xf32, #tpu.memory_space<hbm>>
        tpu.enqueue_dma source(%arg18 : memref<2000xf32, #tpu.memory_space<vmem>>) target(%dma_start3A_37 : memref<2000xf32, #tpu.memory_space<hbm>>) target_semaphore(%run_scoped3A : memref<!tpu.dma_semaphore, #tpu.memory_space<semaphore_mem>>)
        %dma_wait3A_38 = tpu.memref_slice %arg12[%add3A_20] : memref<320000xf32, #tpu.memory_space<hbm>> -> memref<2000xf32, #tpu.memory_space<hbm>>
        %dma_wait3A_39 = tpu.memref_slice %arg12[%add3A_20] : memref<320000xf32, #tpu.memory_space<hbm>> -> memref<2000xf32, #tpu.memory_space<hbm>>
        tpu.wait_dma2 semaphore(%run_scoped3A : memref<!tpu.dma_semaphore, #tpu.memory_space<semaphore_mem>>) src(%arg18 : memref<2000xf32, #tpu.memory_space<vmem>>) dst(%dma_wait3A_39 : memref<2000xf32, #tpu.memory_space<hbm>>)
        tpu.yield
      }) : () -> ()
      %dma_start3A_31 = arith.constant 0 : i32
      %dma_start3A_32 = tpu.memref_slice %arg6[%dma_start3A_31] : memref<10240xf32, #tpu.memory_space<hbm>> -> memref<10240xf32, #tpu.memory_space<hbm>>
      tpu.enqueue_indirect_dma source(%dma_start3A_32 : memref<10240xf32, #tpu.memory_space<hbm>>) target(%arg18 : memref<2000xf32, #tpu.memory_space<vmem>>) offsets(%arg17 : memref<2000xi32, #tpu.memory_space<vmem>>) semaphore(%arg19 : memref<!tpu.dma_semaphore, #tpu.memory_space<semaphore_mem>>)
      %dma_wait3A_33 = arith.constant 0 : i32
      %dma_wait3A_34 = tpu.memref_slice %arg6[%dma_wait3A_33] : memref<10240xf32, #tpu.memory_space<hbm>> -> memref<10240xf32, #tpu.memory_space<hbm>>
      tpu.wait_indirect_dma semaphore(%arg19 : memref<!tpu.dma_semaphore, #tpu.memory_space<semaphore_mem>>) src(%dma_wait3A_34 : memref<10240xf32, #tpu.memory_space<hbm>>) dst(%arg18 : memref<2000xf32, #tpu.memory_space<vmem>>)
      "tpu.region"() ({
        %run_scoped3A = tpu.sem_alloc : memref<!tpu.dma_semaphore, #tpu.memory_space<semaphore_mem>>
        %dma_start3A_36 = tpu.memref_slice %arg13[%add3A_20] : memref<320000xf32, #tpu.memory_space<hbm>> -> memref<2000xf32, #tpu.memory_space<hbm>>
        %dma_start3A_37 = tpu.memref_slice %arg13[%add3A_20] : memref<320000xf32, #tpu.memory_space<hbm>> -> memref<2000xf32, #tpu.memory_space<hbm>>
        tpu.enqueue_dma source(%arg18 : memref<2000xf32, #tpu.memory_space<vmem>>) target(%dma_start3A_37 : memref<2000xf32, #tpu.memory_space<hbm>>) target_semaphore(%run_scoped3A : memref<!tpu.dma_semaphore, #tpu.memory_space<semaphore_mem>>)
        %dma_wait3A_38 = tpu.memref_slice %arg13[%add3A_20] : memref<320000xf32, #tpu.memory_space<hbm>> -> memref<2000xf32, #tpu.memory_space<hbm>>
        %dma_wait3A_39 = tpu.memref_slice %arg13[%add3A_20] : memref<320000xf32, #tpu.memory_space<hbm>> -> memref<2000xf32, #tpu.memory_space<hbm>>
        tpu.wait_dma2 semaphore(%run_scoped3A : memref<!tpu.dma_semaphore, #tpu.memory_space<semaphore_mem>>) src(%arg18 : memref<2000xf32, #tpu.memory_space<vmem>>) dst(%dma_wait3A_39 : memref<2000xf32, #tpu.memory_space<hbm>>)
        tpu.yield
      }) : () -> ()
      %scan3A_35 = arith.constant 0 : i32
      scf.yield %scan3A_35 : i32
    }
    %scan3A_15 = arith.constant 5 : i32
    return
  }
}

#map = affine_map<(d0, d1) -> (0, 0)>
#map1 = affine_map<(d0, d1) -> (0)>
module attributes {stable_mosaic.version = 14 : i64} {
  func.func @body(%arg0: i32, %arg1: i32, %arg2: memref<640000x128xf32, #tpu.memory_space<hbm>>, %arg3: memref<320000xi32, #tpu.memory_space<hbm>>, %arg4: memref<10240x128xf32, #tpu.memory_space<hbm>>, %arg5: memref<20480x128xf32, #tpu.memory_space<hbm>>, %arg6: memref<160x128xf32, #tpu.memory_space<vmem>>, %arg7: memref<160xi32, #tpu.memory_space<vmem>>, %arg8: memref<10240x128xf32, #tpu.memory_space<vmem_shared>>, %arg9: memref<!tpu.dma_semaphore, #tpu.memory_space<semaphore_mem>>) attributes {dimension_semantics = [#tpu.dimension_semantics<core_parallel>, #tpu.dimension_semantics<subcore_parallel>], iteration_bounds = array<i64: 2, 16>, scalar_prefetch = 0 : i64, scratch_operands = 4 : i64, tpu.core_type = #tpu.core_type<sc_vector_subcore>, window_params = [{transform_indices = #map}, {transform_indices = #map1}, {transform_indices = #map}, {transform_indices = #map}]} {
    %mul3A = arith.constant 640 : i32
    %mul3A_0 = arith.muli %arg1, %mul3A : i32
    %mul3A_1 = arith.constant 640 : i32
    %mul3A_2 = arith.muli %arg1, %mul3A_1 : i32
    "tpu.region"() ({
      %run_scoped3A = tpu.sem_alloc : memref<!tpu.dma_semaphore, #tpu.memory_space<semaphore_mem>>
      %dma_start3A = arith.constant 0 : i32
      %dma_start3A_18 = tpu.memref_slice %arg8[%mul3A_2, %dma_start3A] : memref<10240x128xf32, #tpu.memory_space<vmem_shared>> -> memref<640x128xf32, #tpu.memory_space<vmem_shared>>
      %dma_start3A_19 = arith.constant 0 : i32
      %dma_start3A_20 = tpu.memref_slice %arg4[%mul3A_0, %dma_start3A_19] : memref<10240x128xf32, #tpu.memory_space<hbm>> -> memref<640x128xf32, #tpu.memory_space<hbm>>
      tpu.enqueue_dma source(%dma_start3A_20 : memref<640x128xf32, #tpu.memory_space<hbm>>) target(%dma_start3A_18 : memref<640x128xf32, #tpu.memory_space<vmem_shared>>) target_semaphore(%run_scoped3A : memref<!tpu.dma_semaphore, #tpu.memory_space<semaphore_mem>>)
      %dma_wait3A = arith.constant 0 : i32
      %dma_wait3A_21 = tpu.memref_slice %arg8[%mul3A_2, %dma_wait3A] : memref<10240x128xf32, #tpu.memory_space<vmem_shared>> -> memref<640x128xf32, #tpu.memory_space<vmem_shared>>
      %dma_wait3A_22 = arith.constant 0 : i32
      %dma_wait3A_23 = tpu.memref_slice %arg4[%mul3A_0, %dma_wait3A_22] : memref<10240x128xf32, #tpu.memory_space<hbm>> -> memref<640x128xf32, #tpu.memory_space<hbm>>
      tpu.wait_dma2 semaphore(%run_scoped3A : memref<!tpu.dma_semaphore, #tpu.memory_space<semaphore_mem>>) src(%dma_wait3A_23 : memref<640x128xf32, #tpu.memory_space<hbm>>) dst(%dma_wait3A_21 : memref<640x128xf32, #tpu.memory_space<vmem_shared>>)
      tpu.yield
    }) : () -> ()
    %barrier3A = arith.constant 0 : index
    tpu.barrier barrier_id(%barrier3A)
    %mul3A_3 = arith.constant 20000 : i32
    %mul3A_4 = arith.muli %arg1, %mul3A_3 : i32
    %scan3A = arith.constant 0 : i32
    %scan3A_5 = arith.constant 0 : i32
    %scan3A_6 = arith.constant 125 : i32
    %scan3A_7 = arith.addi %scan3A_5, %scan3A_6 : i32
    %scan3A_8 = arith.constant 1 : i32
    %scan3A_9 = scf.for %scan3A_18 = %scan3A_5 to %scan3A_7 step %scan3A_8 iter_args(%scan3A_19 = %scan3A) -> (i32)  : i32 {
      %mul3A_20 = arith.constant 160 : i32
      %mul3A_21 = arith.muli %scan3A_18, %mul3A_20 : i32
      %add3A_22 = arith.addi %mul3A_4, %mul3A_21 : i32
      "tpu.region"() ({
        %run_scoped3A = tpu.sem_alloc : memref<!tpu.dma_semaphore, #tpu.memory_space<semaphore_mem>>
        %dma_start3A = tpu.memref_slice %arg3[%add3A_22] : memref<320000xi32, #tpu.memory_space<hbm>> -> memref<160xi32, #tpu.memory_space<hbm>>
        %dma_start3A_27 = tpu.memref_slice %arg3[%add3A_22] : memref<320000xi32, #tpu.memory_space<hbm>> -> memref<160xi32, #tpu.memory_space<hbm>>
        tpu.enqueue_dma source(%dma_start3A_27 : memref<160xi32, #tpu.memory_space<hbm>>) target(%arg7 : memref<160xi32, #tpu.memory_space<vmem>>) target_semaphore(%run_scoped3A : memref<!tpu.dma_semaphore, #tpu.memory_space<semaphore_mem>>)
        %dma_wait3A = tpu.memref_slice %arg3[%add3A_22] : memref<320000xi32, #tpu.memory_space<hbm>> -> memref<160xi32, #tpu.memory_space<hbm>>
        %dma_wait3A_28 = tpu.memref_slice %arg3[%add3A_22] : memref<320000xi32, #tpu.memory_space<hbm>> -> memref<160xi32, #tpu.memory_space<hbm>>
        tpu.wait_dma2 semaphore(%run_scoped3A : memref<!tpu.dma_semaphore, #tpu.memory_space<semaphore_mem>>) src(%dma_wait3A_28 : memref<160xi32, #tpu.memory_space<hbm>>) dst(%arg7 : memref<160xi32, #tpu.memory_space<vmem>>)
        tpu.yield
      }) : () -> ()
      %mul3A_23 = arith.constant 320000 : i32
      %mul3A_24 = arith.muli %arg0, %mul3A_23 : i32
      %add3A_25 = arith.addi %mul3A_24, %add3A_22 : i32
      "tpu.region"() ({
        %run_scoped3A = tpu.sem_alloc : memref<!tpu.dma_semaphore, #tpu.memory_space<semaphore_mem>>
        %dma_start3A = arith.constant 0 : i32
        %dma_start3A_27 = tpu.memref_slice %arg2[%add3A_25, %dma_start3A] : memref<640000x128xf32, #tpu.memory_space<hbm>> -> memref<160x128xf32, #tpu.memory_space<hbm>>
        %dma_start3A_28 = arith.constant 0 : i32
        %dma_start3A_29 = tpu.memref_slice %arg2[%add3A_25, %dma_start3A_28] : memref<640000x128xf32, #tpu.memory_space<hbm>> -> memref<160x128xf32, #tpu.memory_space<hbm>>
        tpu.enqueue_dma source(%dma_start3A_29 : memref<160x128xf32, #tpu.memory_space<hbm>>) target(%arg6 : memref<160x128xf32, #tpu.memory_space<vmem>>) target_semaphore(%run_scoped3A : memref<!tpu.dma_semaphore, #tpu.memory_space<semaphore_mem>>)
        %dma_wait3A = arith.constant 0 : i32
        %dma_wait3A_30 = tpu.memref_slice %arg2[%add3A_25, %dma_wait3A] : memref<640000x128xf32, #tpu.memory_space<hbm>> -> memref<160x128xf32, #tpu.memory_space<hbm>>
        %dma_wait3A_31 = arith.constant 0 : i32
        %dma_wait3A_32 = tpu.memref_slice %arg2[%add3A_25, %dma_wait3A_31] : memref<640000x128xf32, #tpu.memory_space<hbm>> -> memref<160x128xf32, #tpu.memory_space<hbm>>
        tpu.wait_dma2 semaphore(%run_scoped3A : memref<!tpu.dma_semaphore, #tpu.memory_space<semaphore_mem>>) src(%dma_wait3A_32 : memref<160x128xf32, #tpu.memory_space<hbm>>) dst(%arg6 : memref<160x128xf32, #tpu.memory_space<vmem>>)
        tpu.yield
      }) : () -> ()
      "tpu.region"() ({
        %run_scoped3A = tpu.sem_alloc : memref<!tpu.dma_semaphore, #tpu.memory_space<semaphore_mem>>
        %dma_start3A = arith.constant 0 : i32
        %dma_start3A_27 = arith.constant 0 : i32
        %dma_start3A_28 = tpu.memref_slice %arg8[%dma_start3A, %dma_start3A_27] : memref<10240x128xf32, #tpu.memory_space<vmem_shared>> -> memref<10240x128xf32, #tpu.memory_space<vmem_shared>>
        tpu.enqueue_indirect_dma source(%arg6 : memref<160x128xf32, #tpu.memory_space<vmem>>) target(%dma_start3A_28 : memref<10240x128xf32, #tpu.memory_space<vmem_shared>>) offsets(%arg7 : memref<160xi32, #tpu.memory_space<vmem>>) semaphore(%run_scoped3A : memref<!tpu.dma_semaphore, #tpu.memory_space<semaphore_mem>>) {add = true}
        %dma_wait3A = arith.constant 0 : i32
        %dma_wait3A_29 = arith.constant 0 : i32
        %dma_wait3A_30 = tpu.memref_slice %arg8[%dma_wait3A, %dma_wait3A_29] : memref<10240x128xf32, #tpu.memory_space<vmem_shared>> -> memref<10240x128xf32, #tpu.memory_space<vmem_shared>>
        tpu.wait_indirect_dma semaphore(%run_scoped3A : memref<!tpu.dma_semaphore, #tpu.memory_space<semaphore_mem>>) src(%arg6 : memref<160x128xf32, #tpu.memory_space<vmem>>) dst(%dma_wait3A_30 : memref<10240x128xf32, #tpu.memory_space<vmem_shared>>)
        tpu.yield
      }) : () -> ()
      %scan3A_26 = arith.constant 0 : i32
      scf.yield %scan3A_26 : i32
    }
    %scan3A_10 = arith.constant 125 : i32
    %barrier3A_11 = arith.constant 0 : index
    tpu.barrier barrier_id(%barrier3A_11)
    %mul3A_12 = arith.constant 640 : i32
    %mul3A_13 = arith.muli %arg1, %mul3A_12 : i32
    %mul3A_14 = arith.constant 10240 : i32
    %mul3A_15 = arith.muli %arg0, %mul3A_14 : i32
    %mul3A_16 = arith.constant 640 : i32
    %mul3A_17 = arith.muli %arg1, %mul3A_16 : i32
    %add3A = arith.addi %mul3A_15, %mul3A_17 : i32
    "tpu.region"() ({
      %run_scoped3A = tpu.sem_alloc : memref<!tpu.dma_semaphore, #tpu.memory_space<semaphore_mem>>
      %dma_start3A = arith.constant 0 : i32
      %dma_start3A_18 = tpu.memref_slice %arg5[%add3A, %dma_start3A] : memref<20480x128xf32, #tpu.memory_space<hbm>> -> memref<640x128xf32, #tpu.memory_space<hbm>>
      %dma_start3A_19 = arith.constant 0 : i32
      %dma_start3A_20 = tpu.memref_slice %arg8[%mul3A_13, %dma_start3A_19] : memref<10240x128xf32, #tpu.memory_space<vmem_shared>> -> memref<640x128xf32, #tpu.memory_space<vmem_shared>>
      tpu.enqueue_dma source(%dma_start3A_20 : memref<640x128xf32, #tpu.memory_space<vmem_shared>>) target(%dma_start3A_18 : memref<640x128xf32, #tpu.memory_space<hbm>>) target_semaphore(%run_scoped3A : memref<!tpu.dma_semaphore, #tpu.memory_space<semaphore_mem>>)
      %dma_wait3A = arith.constant 0 : i32
      %dma_wait3A_21 = tpu.memref_slice %arg5[%add3A, %dma_wait3A] : memref<20480x128xf32, #tpu.memory_space<hbm>> -> memref<640x128xf32, #tpu.memory_space<hbm>>
      %dma_wait3A_22 = arith.constant 0 : i32
      %dma_wait3A_23 = tpu.memref_slice %arg8[%mul3A_13, %dma_wait3A_22] : memref<10240x128xf32, #tpu.memory_space<vmem_shared>> -> memref<640x128xf32, #tpu.memory_space<vmem_shared>>
      tpu.wait_dma2 semaphore(%run_scoped3A : memref<!tpu.dma_semaphore, #tpu.memory_space<semaphore_mem>>) src(%dma_wait3A_23 : memref<640x128xf32, #tpu.memory_space<vmem_shared>>) dst(%dma_wait3A_21 : memref<640x128xf32, #tpu.memory_space<hbm>>)
      tpu.yield
    }) : () -> ()
    return
  }
}

module attributes {stable_mosaic.version = 14 : i64} {
  func.func @_h_body(%arg0: i32, %arg1: memref<1000x128xf32, #tpu.memory_space<vmem>>, %arg2: memref<128x512xf32, #tpu.memory_space<vmem>>, %arg3: memref<1000x256xf32, #tpu.memory_space<vmem>>, %arg4: memref<1000x256xbf16, #tpu.memory_space<vmem>>) attributes {dimension_semantics = [#tpu.dimension_semantics<arbitrary>], iteration_bounds = array<i64: 10>, scalar_prefetch = 0 : i64, scratch_operands = 0 : i64, tpu.core_type = #tpu.core_type<tc>, window_params = [{transform_indices = @transform_0, window_bounds = array<i64: 1000, 128>}, {pipeline_mode = #tpu.pipeline_mode<synchronous>, transform_indices = @transform_1, window_bounds = array<i64: 128, 512>}, {transform_indices = @transform_2, window_bounds = array<i64: 1000, 256>}, {transform_indices = @transform_3, window_bounds = array<i64: 1000, 256>}]} {
    %get3A = arith.constant 0 : index
    %get3A_0 = arith.constant 0 : index
    %get3A_1 = vector.load %arg1[%get3A, %get3A_0] : memref<1000x128xf32, #tpu.memory_space<vmem>>, vector<1000x128xf32>
    %get3A_2 = arith.constant 0 : index
    %get3A_3 = arith.constant 0 : index
    %get3A_4 = vector.load %arg2[%get3A_2, %get3A_3] : memref<128x512xf32, #tpu.memory_space<vmem>>, vector<128x512xf32>
    %dot_general3A = arith.constant dense<0.000000e+00> : vector<1000x512xf32>
    %dot_general3A_5 = tpu.matmul %get3A_1, %get3A_4, %dot_general3A {dimension_numbers = #tpu.dot_dimension_numbers<[1], [0], [0], [1], [0, 0, 1, 1], [], []>, transpose_lhs_hint = false} : vector<1000x128xf32>, vector<128x512xf32>, vector<1000x512xf32> -> vector<1000x512xf32>
    %slice3A = vector.extract_strided_slice %dot_general3A_5 {offsets = [0, 0], sizes = [1000, 256], strides = [1, 1]} : vector<1000x512xf32> to vector<1000x256xf32>
    %swap3A = arith.constant 0 : index
    %swap3A_6 = arith.constant 0 : index
    %swap3A_7 = vector.load %arg3[%swap3A, %swap3A_6] : memref<1000x256xf32, #tpu.memory_space<vmem>>, vector<1000x256xf32>
    tpu.vector_store %arg3[%swap3A, %swap3A_6], %slice3A {strides = array<i32>} : memref<1000x256xf32, #tpu.memory_space<vmem>>, vector<1000x256xf32>,
    %slice3A_8 = vector.extract_strided_slice %dot_general3A_5 {offsets = [0, 256], sizes = [1000, 256], strides = [1, 1]} : vector<1000x512xf32> to vector<1000x256xf32>
    %convert_element_type3A = arith.truncf %slice3A_8 : vector<1000x256xf32> to vector<1000x256xbf16>
    %swap3A_9 = arith.constant 0 : index
    %swap3A_10 = arith.constant 0 : index
    %swap3A_11 = vector.load %arg4[%swap3A_9, %swap3A_10] : memref<1000x256xbf16, #tpu.memory_space<vmem>>, vector<1000x256xbf16>
    tpu.vector_store %arg4[%swap3A_9, %swap3A_10], %convert_element_type3A {strides = array<i32>} : memref<1000x256xbf16, #tpu.memory_space<vmem>>, vector<1000x256xbf16>,
    return
  }
  func.func @transform_0(%arg0: i32) -> (i32, i32) {
    %c0_i32 = arith.constant 0 : i32
    %c0_i32_0 = arith.constant 0 : i32
    return %arg0, %c0_i32 : i32, i32
  }
  func.func @transform_1(%arg0: i32) -> (i32, i32) {
    %c0_i32 = arith.constant 0 : i32
    %c0_i32_0 = arith.constant 0 : i32
    %c0_i32_1 = arith.constant 0 : i32
    return %c0_i32, %c0_i32_0 : i32, i32
  }
  func.func @transform_2(%arg0: i32) -> (i32, i32) {
    %c0_i32 = arith.constant 0 : i32
    %c0_i32_0 = arith.constant 0 : i32
    return %arg0, %c0_i32 : i32, i32
  }
  func.func @transform_3(%arg0: i32) -> (i32, i32) {
    %c0_i32 = arith.constant 0 : i32
    %c0_i32_0 = arith.constant 0 : i32
    return %arg0, %c0_i32 : i32, i32
  }
}

module attributes {stable_mosaic.version = 14 : i64} {
  func.func @_dinv_body(%arg0: memref<2x10240xf32, #tpu.memory_space<vmem>>, %arg1: memref<1x10240xf32, #tpu.memory_space<vmem>>) attributes {dimension_semantics = [], scalar_prefetch = 0 : i64, scratch_operands = 0 : i64, tpu.core_type = #tpu.core_type<tc>} {
    %get3A = arith.constant 0 : index
    %get3A_0 = arith.constant 0 : index
    %get3A_1 = vector.load %arg0[%get3A, %get3A_0] : memref<2x10240xf32, #tpu.memory_space<vmem>>, vector<1x10240xf32>
    %get3A_2 = vector.shape_cast %get3A_1 : vector<1x10240xf32> to vector<10240xf32>
    %get3A_3 = arith.constant 1 : index
    %get3A_4 = arith.constant 0 : index
    %get3A_5 = vector.load %arg0[%get3A_3, %get3A_4] : memref<2x10240xf32, #tpu.memory_space<vmem>>, vector<1x10240xf32>
    %get3A_6 = vector.shape_cast %get3A_5 : vector<1x10240xf32> to vector<10240xf32>
    %add3A = arith.addf %get3A_2, %get3A_6 : vector<10240xf32>
    %add3A_7 = arith.constant 1.000000e+00 : f32
    %add3A_8 = vector.broadcast %add3A_7 : f32 to vector<10240xf32>
    %add3A_9 = arith.addf %add3A, %add3A_8 : vector<10240xf32>
    %rsqrt3A = math.rsqrt %add3A_9 : vector<10240xf32>
    %broadcast_in_dim3A = vector.shape_cast %rsqrt3A : vector<10240xf32> to vector<1x10240xf32>
    %swap3A = arith.constant 0 : index
    %swap3A_10 = arith.constant 0 : index
    %swap3A_11 = vector.load %arg1[%swap3A, %swap3A_10] : memref<1x10240xf32, #tpu.memory_space<vmem>>, vector<1x10240xf32>
    tpu.vector_store %arg1[%swap3A, %swap3A_10], %broadcast_in_dim3A {strides = array<i32>} : memref<1x10240xf32, #tpu.memory_space<vmem>>, vector<1x10240xf32>,
    return
  }
}

module attributes {stable_mosaic.version = 14 : i64} {
  func.func @_scale_body(%arg0: i32, %arg1: memref<2000x128xi32, #tpu.memory_space<vmem>>, %arg2: memref<2000x1xf32, #tpu.memory_space<vmem>>, %arg3: memref<2000x1xf32, #tpu.memory_space<vmem>>, %arg4: memref<2000x1xf32, #tpu.memory_space<vmem>>, %arg5: memref<2x2000x128xf32, #tpu.memory_space<vmem>>) attributes {dimension_semantics = [#tpu.dimension_semantics<arbitrary>], iteration_bounds = array<i64: 160>, scalar_prefetch = 0 : i64, scratch_operands = 0 : i64, tpu.core_type = #tpu.core_type<tc>, window_params = [{transform_indices = @transform_0, window_bounds = array<i64: 2000, 128>}, {transform_indices = @transform_1, window_bounds = array<i64: 2000, 1>}, {transform_indices = @transform_2, window_bounds = array<i64: 2000, 1>}, {transform_indices = @transform_3, window_bounds = array<i64: 2000, 1>}, {transform_indices = @transform_4, window_bounds = array<i64: 2, 2000, 128>}]} {
    %get3A = arith.constant 0 : index
    %get3A_0 = arith.constant 0 : index
    %get3A_1 = vector.load %arg2[%get3A, %get3A_0] : memref<2000x1xf32, #tpu.memory_space<vmem>>, vector<2000x1xf32>
    %get3A_2 = arith.constant 0 : index
    %get3A_3 = arith.constant 0 : index
    %get3A_4 = vector.load %arg4[%get3A_2, %get3A_3] : memref<2000x1xf32, #tpu.memory_space<vmem>>, vector<2000x1xf32>
    %mul3A = arith.mulf %get3A_1, %get3A_4 : vector<2000x1xf32>
    %get3A_5 = arith.constant 0 : index
    %get3A_6 = arith.constant 0 : index
    %get3A_7 = vector.load %arg3[%get3A_5, %get3A_6] : memref<2000x1xf32, #tpu.memory_space<vmem>>, vector<2000x1xf32>
    %mul3A_8 = arith.mulf %mul3A, %get3A_7 : vector<2000x1xf32>
    %get3A_9 = arith.constant 0 : index
    %get3A_10 = arith.constant 0 : index
    %get3A_11 = vector.load %arg1[%get3A_9, %get3A_10] : memref<2000x128xi32, #tpu.memory_space<vmem>>, vector<2000x128xi32>
    %shift_left3A = arith.constant 16 : i32
    %shift_left3A_12 = vector.broadcast %shift_left3A : i32 to vector<2000x128xi32>
    %shift_left3A_13 = arith.shli %get3A_11, %shift_left3A_12 : vector<2000x128xi32>
    %bitcast_convert_type3A = tpu.bitcast %shift_left3A_13 : vector<2000x128xi32> -> vector<2000x128xf32>
    %and3A = arith.constant -65536 : i32
    %and3A_14 = vector.broadcast %and3A : i32 to vector<2000x128xi32>
    %and3A_15 = arith.andi %get3A_11, %and3A_14 : vector<2000x128xi32>
    %bitcast_convert_type3A_16 = tpu.bitcast %and3A_15 : vector<2000x128xi32> -> vector<2000x128xf32>
    %mul3A_17 = vector.broadcast %mul3A_8 : vector<2000x1xf32> to vector<2000x128xf32>
    %mul3A_18 = arith.mulf %bitcast_convert_type3A, %mul3A_17 : vector<2000x128xf32>
    %swap3A = arith.constant 0 : index
    %swap3A_19 = arith.constant 0 : index
    %swap3A_20 = arith.constant 0 : index
    %swap3A_21 = vector.load %arg5[%swap3A, %swap3A_19, %swap3A_20] : memref<2x2000x128xf32, #tpu.memory_space<vmem>>, vector<1x2000x128xf32>
    %swap3A_22 = vector.shape_cast %swap3A_21 : vector<1x2000x128xf32> to vector<2000x128xf32>
    %swap3A_23 = vector.shape_cast %mul3A_18 : vector<2000x128xf32> to vector<1x2000x128xf32>
    tpu.vector_store %arg5[%swap3A, %swap3A_19, %swap3A_20], %swap3A_23 {strides = array<i32>} : memref<2x2000x128xf32, #tpu.memory_space<vmem>>, vector<1x2000x128xf32>,
    %mul3A_24 = vector.broadcast %mul3A_8 : vector<2000x1xf32> to vector<2000x128xf32>
    %mul3A_25 = arith.mulf %bitcast_convert_type3A_16, %mul3A_24 : vector<2000x128xf32>
    %swap3A_26 = arith.constant 1 : index
    %swap3A_27 = arith.constant 0 : index
    %swap3A_28 = arith.constant 0 : index
    %swap3A_29 = vector.load %arg5[%swap3A_26, %swap3A_27, %swap3A_28] : memref<2x2000x128xf32, #tpu.memory_space<vmem>>, vector<1x2000x128xf32>
    %swap3A_30 = vector.shape_cast %swap3A_29 : vector<1x2000x128xf32> to vector<2000x128xf32>
    %swap3A_31 = vector.shape_cast %mul3A_25 : vector<2000x128xf32> to vector<1x2000x128xf32>
    tpu.vector_store %arg5[%swap3A_26, %swap3A_27, %swap3A_28], %swap3A_31 {strides = array<i32>} : memref<2x2000x128xf32, #tpu.memory_space<vmem>>, vector<1x2000x128xf32>,
    return
  }
  func.func @transform_0(%arg0: i32) -> (i32, i32) {
    %c0_i32 = arith.constant 0 : i32
    %c0_i32_0 = arith.constant 0 : i32
    return %arg0, %c0_i32 : i32, i32
  }
  func.func @transform_1(%arg0: i32) -> (i32, i32) {
    %c0_i32 = arith.constant 0 : i32
    %c0_i32_0 = arith.constant 0 : i32
    return %arg0, %c0_i32 : i32, i32
  }
  func.func @transform_2(%arg0: i32) -> (i32, i32) {
    %c0_i32 = arith.constant 0 : i32
    %c0_i32_0 = arith.constant 0 : i32
    return %arg0, %c0_i32 : i32, i32
  }
  func.func @transform_3(%arg0: i32) -> (i32, i32) {
    %c0_i32 = arith.constant 0 : i32
    %c0_i32_0 = arith.constant 0 : i32
    return %arg0, %c0_i32 : i32, i32
  }
  func.func @transform_4(%arg0: i32) -> (i32, i32, i32) {
    %c0_i32 = arith.constant 0 : i32
    %c0_i32_0 = arith.constant 0 : i32
    %c0_i32_1 = arith.constant 0 : i32
    return %c0_i32, %arg0, %c0_i32_0 : i32, i32, i32
  }
}

module attributes {stable_mosaic.version = 14 : i64} {
  func.func @_x1qkvs_body(%arg0: i32, %arg1: memref<2x1000x128xf32, #tpu.memory_space<vmem>>, %arg2: memref<1000x256xf32, #tpu.memory_space<vmem>>, %arg3: memref<1000x1xf32, #tpu.memory_space<vmem>>, %arg4: memref<1x256xf32, #tpu.memory_space<vmem>>, %arg5: memref<256x3328xf32, #tpu.memory_space<vmem>>, %arg6: memref<1x3328xf32, #tpu.memory_space<vmem>>, %arg7: memref<1000x1024xbf16, #tpu.memory_space<vmem>>, %arg8: memref<1000x1024xbf16, #tpu.memory_space<vmem>>, %arg9: memref<1000x1024xbf16, #tpu.memory_space<vmem>>, %arg10: memref<1000x256xf32, #tpu.memory_space<vmem>>) attributes {dimension_semantics = [#tpu.dimension_semantics<arbitrary>], iteration_bounds = array<i64: 10>, scalar_prefetch = 0 : i64, scratch_operands = 0 : i64, tpu.core_type = #tpu.core_type<tc>, window_params = [{transform_indices = @transform_0, window_bounds = array<i64: 2, 1000, 128>}, {transform_indices = @transform_1, window_bounds = array<i64: 1000, 256>}, {transform_indices = @transform_2, window_bounds = array<i64: 1000, 1>}, {pipeline_mode = #tpu.pipeline_mode<synchronous>, transform_indices = @transform_3, window_bounds = array<i64: 1, 256>}, {pipeline_mode = #tpu.pipeline_mode<synchronous>, transform_indices = @transform_4, window_bounds = array<i64: 256, 3328>}, {pipeline_mode = #tpu.pipeline_mode<synchronous>, transform_indices = @transform_5, window_bounds = array<i64: 1, 3328>}, {transform_indices = @transform_6, window_bounds = array<i64: 1000, 1024>}, {transform_indices = @transform_7, window_bounds = array<i64: 1000, 1024>}, {transform_indices = @transform_8, window_bounds = array<i64: 1000, 1024>}, {transform_indices = @transform_9, window_bounds = array<i64: 1000, 256>}]} {
    %get3A = arith.constant 0 : index
    %get3A_0 = arith.constant 0 : index
    %get3A_1 = arith.constant 0 : index
    %get3A_2 = vector.load %arg1[%get3A, %get3A_0, %get3A_1] : memref<2x1000x128xf32, #tpu.memory_space<vmem>>, vector<1x1000x128xf32>
    %get3A_3 = vector.shape_cast %get3A_2 : vector<1x1000x128xf32> to vector<1000x128xf32>
    %get3A_4 = arith.constant 1 : index
    %get3A_5 = arith.constant 0 : index
    %get3A_6 = arith.constant 0 : index
    %get3A_7 = vector.load %arg1[%get3A_4, %get3A_5, %get3A_6] : memref<2x1000x128xf32, #tpu.memory_space<vmem>>, vector<1x1000x128xf32>
    %get3A_8 = vector.shape_cast %get3A_7 : vector<1x1000x128xf32> to vector<1000x128xf32>
    %concatenate3A = tpu.concatenate %get3A_3, %get3A_8 in 1 : vector<1000x128xf32>, vector<1000x128xf32> -> vector<1000x256xf32>
    %get3A_9 = arith.constant 0 : index
    %get3A_10 = arith.constant 0 : index
    %get3A_11 = vector.load %arg3[%get3A_9, %get3A_10] : memref<1000x1xf32, #tpu.memory_space<vmem>>, vector<1000x1xf32>
    %integer_pow3A = arith.mulf %get3A_11, %get3A_11 : vector<1000x1xf32>
    %get3A_12 = arith.constant 0 : index
    %get3A_13 = arith.constant 0 : index
    %get3A_14 = vector.load %arg2[%get3A_12, %get3A_13] : memref<1000x256xf32, #tpu.memory_space<vmem>>, vector<1000x256xf32>
    %mul3A = vector.broadcast %integer_pow3A : vector<1000x1xf32> to vector<1000x256xf32>
    %mul3A_15 = arith.mulf %mul3A, %get3A_14 : vector<1000x256xf32>
    %add3A = arith.addf %concatenate3A, %mul3A_15 : vector<1000x256xf32>
    %get3A_16 = arith.constant 0 : index
    %get3A_17 = arith.constant 0 : index
    %get3A_18 = vector.load %arg4[%get3A_16, %get3A_17] : memref<1x256xf32, #tpu.memory_space<vmem>>, vector<1x256xf32>
    %add3A_19 = vector.broadcast %get3A_18 : vector<1x256xf32> to vector<1000x256xf32>
    %add3A_20 = arith.addf %add3A, %add3A_19 : vector<1000x256xf32>
    %get3A_21 = arith.constant 0 : index
    %get3A_22 = arith.constant 0 : index
    %get3A_23 = vector.load %arg5[%get3A_21, %get3A_22] : memref<256x3328xf32, #tpu.memory_space<vmem>>, vector<256x3328xf32>
    %dot_general3A = arith.constant dense<0.000000e+00> : vector<1000x3328xf32>
    %dot_general3A_24 = tpu.matmul %add3A_20, %get3A_23, %dot_general3A {dimension_numbers = #tpu.dot_dimension_numbers<[1], [0], [0], [1], [0, 0, 1, 1], [], []>, transpose_lhs_hint = false} : vector<1000x256xf32>, vector<256x3328xf32>, vector<1000x3328xf32> -> vector<1000x3328xf32>
    %get3A_25 = arith.constant 0 : index
    %get3A_26 = arith.constant 0 : index
    %get3A_27 = vector.load %arg6[%get3A_25, %get3A_26] : memref<1x3328xf32, #tpu.memory_space<vmem>>, vector<1x3328xf32>
    %add3A_28 = vector.broadcast %get3A_27 : vector<1x3328xf32> to vector<1000x3328xf32>
    %add3A_29 = arith.addf %dot_general3A_24, %add3A_28 : vector<1000x3328xf32>
    %slice3A = vector.extract_strided_slice %add3A_29 {offsets = [0, 0], sizes = [1000, 1024], strides = [1, 1]} : vector<1000x3328xf32> to vector<1000x1024xf32>
    %convert_element_type3A = arith.truncf %slice3A : vector<1000x1024xf32> to vector<1000x1024xbf16>
    %swap3A = arith.constant 0 : index
    %swap3A_30 = arith.constant 0 : index
    %swap3A_31 = vector.load %arg7[%swap3A, %swap3A_30] : memref<1000x1024xbf16, #tpu.memory_space<vmem>>, vector<1000x1024xbf16>
    tpu.vector_store %arg7[%swap3A, %swap3A_30], %convert_element_type3A {strides = array<i32>} : memref<1000x1024xbf16, #tpu.memory_space<vmem>>, vector<1000x1024xbf16>,
    %slice3A_32 = vector.extract_strided_slice %add3A_29 {offsets = [0, 1024], sizes = [1000, 1024], strides = [1, 1]} : vector<1000x3328xf32> to vector<1000x1024xf32>
    %convert_element_type3A_33 = arith.truncf %slice3A_32 : vector<1000x1024xf32> to vector<1000x1024xbf16>
    %swap3A_34 = arith.constant 0 : index
    %swap3A_35 = arith.constant 0 : index
    %swap3A_36 = vector.load %arg8[%swap3A_34, %swap3A_35] : memref<1000x1024xbf16, #tpu.memory_space<vmem>>, vector<1000x1024xbf16>
    tpu.vector_store %arg8[%swap3A_34, %swap3A_35], %convert_element_type3A_33 {strides = array<i32>} : memref<1000x1024xbf16, #tpu.memory_space<vmem>>, vector<1000x1024xbf16>,
    %slice3A_37 = vector.extract_strided_slice %add3A_29 {offsets = [0, 2048], sizes = [1000, 1024], strides = [1, 1]} : vector<1000x3328xf32> to vector<1000x1024xf32>
    %convert_element_type3A_38 = arith.truncf %slice3A_37 : vector<1000x1024xf32> to vector<1000x1024xbf16>
    %swap3A_39 = arith.constant 0 : index
    %swap3A_40 = arith.constant 0 : index
    %swap3A_41 = vector.load %arg9[%swap3A_39, %swap3A_40] : memref<1000x1024xbf16, #tpu.memory_space<vmem>>, vector<1000x1024xbf16>
    tpu.vector_store %arg9[%swap3A_39, %swap3A_40], %convert_element_type3A_38 {strides = array<i32>} : memref<1000x1024xbf16, #tpu.memory_space<vmem>>, vector<1000x1024xbf16>,
    %slice3A_42 = vector.extract_strided_slice %add3A_29 {offsets = [0, 3072], sizes = [1000, 256], strides = [1, 1]} : vector<1000x3328xf32> to vector<1000x256xf32>
    %swap3A_43 = arith.constant 0 : index
    %swap3A_44 = arith.constant 0 : index
    %swap3A_45 = vector.load %arg10[%swap3A_43, %swap3A_44] : memref<1000x256xf32, #tpu.memory_space<vmem>>, vector<1000x256xf32>
    tpu.vector_store %arg10[%swap3A_43, %swap3A_44], %slice3A_42 {strides = array<i32>} : memref<1000x256xf32, #tpu.memory_space<vmem>>, vector<1000x256xf32>,
    return
  }
  func.func @transform_0(%arg0: i32) -> (i32, i32, i32) {
    %c0_i32 = arith.constant 0 : i32
    %c0_i32_0 = arith.constant 0 : i32
    %c0_i32_1 = arith.constant 0 : i32
    return %c0_i32, %arg0, %c0_i32_0 : i32, i32, i32
  }
  func.func @transform_1(%arg0: i32) -> (i32, i32) {
    %c0_i32 = arith.constant 0 : i32
    %c0_i32_0 = arith.constant 0 : i32
    return %arg0, %c0_i32 : i32, i32
  }
  func.func @transform_2(%arg0: i32) -> (i32, i32) {
    %c0_i32 = arith.constant 0 : i32
    %c0_i32_0 = arith.constant 0 : i32
    return %arg0, %c0_i32 : i32, i32
  }
  func.func @transform_3(%arg0: i32) -> (i32, i32) {
    %c0_i32 = arith.constant 0 : i32
    %c0_i32_0 = arith.constant 0 : i32
    %c0_i32_1 = arith.constant 0 : i32
    return %c0_i32, %c0_i32_0 : i32, i32
  }
  func.func @transform_4(%arg0: i32) -> (i32, i32) {
    %c0_i32 = arith.constant 0 : i32
    %c0_i32_0 = arith.constant 0 : i32
    %c0_i32_1 = arith.constant 0 : i32
    return %c0_i32, %c0_i32_0 : i32, i32
  }
  func.func @transform_5(%arg0: i32) -> (i32, i32) {
    %c0_i32 = arith.constant 0 : i32
    %c0_i32_0 = arith.constant 0 : i32
    %c0_i32_1 = arith.constant 0 : i32
    return %c0_i32, %c0_i32_0 : i32, i32
  }
  func.func @transform_6(%arg0: i32) -> (i32, i32) {
    %c0_i32 = arith.constant 0 : i32
    %c0_i32_0 = arith.constant 0 : i32
    return %arg0, %c0_i32 : i32, i32
  }
  func.func @transform_7(%arg0: i32) -> (i32, i32) {
    %c0_i32 = arith.constant 0 : i32
    %c0_i32_0 = arith.constant 0 : i32
    return %arg0, %c0_i32 : i32, i32
  }
  func.func @transform_8(%arg0: i32) -> (i32, i32) {
    %c0_i32 = arith.constant 0 : i32
    %c0_i32_0 = arith.constant 0 : i32
    return %arg0, %c0_i32 : i32, i32
  }
  func.func @transform_9(%arg0: i32) -> (i32, i32) {
    %c0_i32 = arith.constant 0 : i32
    %c0_i32_0 = arith.constant 0 : i32
    return %arg0, %c0_i32 : i32, i32
  }
}

module attributes {stable_mosaic.version = 14 : i64} {
  func.func @_ex_body(%arg0: i32, %arg1: memref<1000x512xi32, #tpu.memory_space<vmem>>, %arg2: memref<1000x512xi32, #tpu.memory_space<vmem>>, %arg3: memref<1000x4xf32, #tpu.memory_space<vmem>>) attributes {dimension_semantics = [#tpu.dimension_semantics<arbitrary>], iteration_bounds = array<i64: 320>, scalar_prefetch = 0 : i64, scratch_operands = 0 : i64, tpu.core_type = #tpu.core_type<tc>, window_params = [{transform_indices = @transform_0, window_bounds = array<i64: 1000, 512>}, {transform_indices = @transform_1, window_bounds = array<i64: 1000, 512>}, {transform_indices = @transform_2, window_bounds = array<i64: 1000, 4>}]} {
    %get3A = arith.constant 0 : index
    %get3A_0 = arith.constant 0 : index
    %get3A_1 = vector.load %arg1[%get3A, %get3A_0] : memref<1000x512xi32, #tpu.memory_space<vmem>>, vector<1000x512xi32>
    %shift_left3A = arith.constant 16 : i32
    %shift_left3A_2 = vector.broadcast %shift_left3A : i32 to vector<1000x512xi32>
    %shift_left3A_3 = arith.shli %get3A_1, %shift_left3A_2 : vector<1000x512xi32>
    %bitcast_convert_type3A = tpu.bitcast %shift_left3A_3 : vector<1000x512xi32> -> vector<1000x512xf32>
    %and3A = arith.constant -65536 : i32
    %and3A_4 = vector.broadcast %and3A : i32 to vector<1000x512xi32>
    %and3A_5 = arith.andi %get3A_1, %and3A_4 : vector<1000x512xi32>
    %bitcast_convert_type3A_6 = tpu.bitcast %and3A_5 : vector<1000x512xi32> -> vector<1000x512xf32>
    %get3A_7 = arith.constant 0 : index
    %get3A_8 = arith.constant 0 : index
    %get3A_9 = vector.load %arg2[%get3A_7, %get3A_8] : memref<1000x512xi32, #tpu.memory_space<vmem>>, vector<1000x512xi32>
    %shift_left3A_10 = arith.constant 16 : i32
    %shift_left3A_11 = vector.broadcast %shift_left3A_10 : i32 to vector<1000x512xi32>
    %shift_left3A_12 = arith.shli %get3A_9, %shift_left3A_11 : vector<1000x512xi32>
    %bitcast_convert_type3A_13 = tpu.bitcast %shift_left3A_12 : vector<1000x512xi32> -> vector<1000x512xf32>
    %and3A_14 = arith.constant -65536 : i32
    %and3A_15 = vector.broadcast %and3A_14 : i32 to vector<1000x512xi32>
    %and3A_16 = arith.andi %get3A_9, %and3A_15 : vector<1000x512xi32>
    %bitcast_convert_type3A_17 = tpu.bitcast %and3A_16 : vector<1000x512xi32> -> vector<1000x512xf32>
    %mul3A = arith.mulf %bitcast_convert_type3A, %bitcast_convert_type3A_13 : vector<1000x512xf32>
    %mul3A_18 = arith.mulf %bitcast_convert_type3A_6, %bitcast_convert_type3A_17 : vector<1000x512xf32>
    %add3A = arith.addf %mul3A, %mul3A_18 : vector<1000x512xf32>
    %slice3A = vector.extract_strided_slice %add3A {offsets = [0, 0], sizes = [1000, 128], strides = [1, 1]} : vector<1000x512xf32> to vector<1000x128xf32>
    %reduce_sum3A = arith.constant dense<0.000000e+00> : vector<1000xf32>
    %reduce_sum3A_19 = vector.multi_reduction <add>, %slice3A, %reduce_sum3A [1] : vector<1000x128xf32> to vector<1000xf32>
    %broadcast_in_dim3A = vector.shape_cast %reduce_sum3A_19 : vector<1000xf32> to vector<1000x1xf32>
    %slice3A_20 = vector.extract_strided_slice %add3A {offsets = [0, 128], sizes = [1000, 128], strides = [1, 1]} : vector<1000x512xf32> to vector<1000x128xf32>
    %reduce_sum3A_21 = arith.constant dense<0.000000e+00> : vector<1000xf32>
    %reduce_sum3A_22 = vector.multi_reduction <add>, %slice3A_20, %reduce_sum3A_21 [1] : vector<1000x128xf32> to vector<1000xf32>
    %broadcast_in_dim3A_23 = vector.shape_cast %reduce_sum3A_22 : vector<1000xf32> to vector<1000x1xf32>
    %slice3A_24 = vector.extract_strided_slice %add3A {offsets = [0, 256], sizes = [1000, 128], strides = [1, 1]} : vector<1000x512xf32> to vector<1000x128xf32>
    %reduce_sum3A_25 = arith.constant dense<0.000000e+00> : vector<1000xf32>
    %reduce_sum3A_26 = vector.multi_reduction <add>, %slice3A_24, %reduce_sum3A_25 [1] : vector<1000x128xf32> to vector<1000xf32>
    %broadcast_in_dim3A_27 = vector.shape_cast %reduce_sum3A_26 : vector<1000xf32> to vector<1000x1xf32>
    %slice3A_28 = vector.extract_strided_slice %add3A {offsets = [0, 384], sizes = [1000, 128], strides = [1, 1]} : vector<1000x512xf32> to vector<1000x128xf32>
    %reduce_sum3A_29 = arith.constant dense<0.000000e+00> : vector<1000xf32>
    %reduce_sum3A_30 = vector.multi_reduction <add>, %slice3A_28, %reduce_sum3A_29 [1] : vector<1000x128xf32> to vector<1000xf32>
    %broadcast_in_dim3A_31 = vector.shape_cast %reduce_sum3A_30 : vector<1000xf32> to vector<1000x1xf32>
    %concatenate3A = tpu.concatenate %broadcast_in_dim3A, %broadcast_in_dim3A_23, %broadcast_in_dim3A_27, %broadcast_in_dim3A_31 in 1 : vector<1000x1xf32>, vector<1000x1xf32>, vector<1000x1xf32>, vector<1000x1xf32> -> vector<1000x4xf32>
    %mul3A_32 = arith.constant 6.250000e-02 : f32
    %mul3A_33 = vector.broadcast %mul3A_32 : f32 to vector<1000x4xf32>
    %mul3A_34 = arith.mulf %concatenate3A, %mul3A_33 : vector<1000x4xf32>
    %exp3A = math.exp %mul3A_34 : vector<1000x4xf32>
    %swap3A = arith.constant 0 : index
    %swap3A_35 = arith.constant 0 : index
    %swap3A_36 = vector.load %arg3[%swap3A, %swap3A_35] : memref<1000x4xf32, #tpu.memory_space<vmem>>, vector<1000x4xf32>
    tpu.vector_store %arg3[%swap3A, %swap3A_35], %exp3A {strides = array<i32>} : memref<1000x4xf32, #tpu.memory_space<vmem>>, vector<1000x4xf32>,
    return
  }
  func.func @transform_0(%arg0: i32) -> (i32, i32) {
    %c0_i32 = arith.constant 0 : i32
    %c0_i32_0 = arith.constant 0 : i32
    return %arg0, %c0_i32 : i32, i32
  }
  func.func @transform_1(%arg0: i32) -> (i32, i32) {
    %c0_i32 = arith.constant 0 : i32
    %c0_i32_0 = arith.constant 0 : i32
    return %arg0, %c0_i32 : i32, i32
  }
  func.func @transform_2(%arg0: i32) -> (i32, i32) {
    %c0_i32 = arith.constant 0 : i32
    %c0_i32_0 = arith.constant 0 : i32
    return %arg0, %c0_i32 : i32, i32
  }
}

module attributes {stable_mosaic.version = 14 : i64} {
  func.func @_recip_body(%arg0: memref<2x4x10240xf32, #tpu.memory_space<vmem>>, %arg1: memref<4x10240xf32, #tpu.memory_space<vmem>>) attributes {dimension_semantics = [], scalar_prefetch = 0 : i64, scratch_operands = 0 : i64, tpu.core_type = #tpu.core_type<tc>} {
    %get3A = arith.constant 0 : index
    %get3A_0 = arith.constant 0 : index
    %get3A_1 = arith.constant 0 : index
    %get3A_2 = vector.load %arg0[%get3A, %get3A_0, %get3A_1] : memref<2x4x10240xf32, #tpu.memory_space<vmem>>, vector<1x4x10240xf32>
    %get3A_3 = vector.shape_cast %get3A_2 : vector<1x4x10240xf32> to vector<4x10240xf32>
    %get3A_4 = arith.constant 1 : index
    %get3A_5 = arith.constant 0 : index
    %get3A_6 = arith.constant 0 : index
    %get3A_7 = vector.load %arg0[%get3A_4, %get3A_5, %get3A_6] : memref<2x4x10240xf32, #tpu.memory_space<vmem>>, vector<1x4x10240xf32>
    %get3A_8 = vector.shape_cast %get3A_7 : vector<1x4x10240xf32> to vector<4x10240xf32>
    %add3A = arith.addf %get3A_3, %get3A_8 : vector<4x10240xf32>
    %add3A_9 = arith.constant 1.000000e-16 : f32
    %add3A_10 = vector.broadcast %add3A_9 : f32 to vector<4x10240xf32>
    %add3A_11 = arith.addf %add3A, %add3A_10 : vector<4x10240xf32>
    %div3A = arith.constant 1.000000e+00 : f32
    %div3A_12 = vector.broadcast %div3A : f32 to vector<4x10240xf32>
    %div3A_13 = arith.divf %div3A_12, %add3A_11 : vector<4x10240xf32>
    %swap3A = arith.constant 0 : index
    %swap3A_14 = arith.constant 0 : index
    %swap3A_15 = vector.load %arg1[%swap3A, %swap3A_14] : memref<4x10240xf32, #tpu.memory_space<vmem>>, vector<4x10240xf32>
    tpu.vector_store %arg1[%swap3A, %swap3A_14], %div3A_13 {strides = array<i32>} : memref<4x10240xf32, #tpu.memory_space<vmem>>, vector<4x10240xf32>,
    return
  }
}

module attributes {stable_mosaic.version = 14 : i64} {
  func.func @_m_body(%arg0: i32, %arg1: memref<1000x512xi32, #tpu.memory_space<vmem>>, %arg2: memref<1000x4xf32, #tpu.memory_space<vmem>>, %arg3: memref<1000x4xf32, #tpu.memory_space<vmem>>, %arg4: memref<2x1000x128xf32, #tpu.memory_space<vmem>>) attributes {dimension_semantics = [#tpu.dimension_semantics<arbitrary>], iteration_bounds = array<i64: 320>, scalar_prefetch = 0 : i64, scratch_operands = 0 : i64, tpu.core_type = #tpu.core_type<tc>, window_params = [{transform_indices = @transform_0, window_bounds = array<i64: 1000, 512>}, {transform_indices = @transform_1, window_bounds = array<i64: 1000, 4>}, {transform_indices = @transform_2, window_bounds = array<i64: 1000, 4>}, {transform_indices = @transform_3, window_bounds = array<i64: 2, 1000, 128>}]} {
    %get3A = arith.constant 0 : index
    %get3A_0 = arith.constant 0 : index
    %get3A_1 = vector.load %arg2[%get3A, %get3A_0] : memref<1000x4xf32, #tpu.memory_space<vmem>>, vector<1000x4xf32>
    %get3A_2 = arith.constant 0 : index
    %get3A_3 = arith.constant 0 : index
    %get3A_4 = vector.load %arg3[%get3A_2, %get3A_3] : memref<1000x4xf32, #tpu.memory_space<vmem>>, vector<1000x4xf32>
    %mul3A = arith.mulf %get3A_1, %get3A_4 : vector<1000x4xf32>
    %get3A_5 = arith.constant 0 : index
    %get3A_6 = arith.constant 0 : index
    %get3A_7 = vector.load %arg1[%get3A_5, %get3A_6] : memref<1000x512xi32, #tpu.memory_space<vmem>>, vector<1000x512xi32>
    %shift_left3A = arith.constant 16 : i32
    %shift_left3A_8 = vector.broadcast %shift_left3A : i32 to vector<1000x512xi32>
    %shift_left3A_9 = arith.shli %get3A_7, %shift_left3A_8 : vector<1000x512xi32>
    %bitcast_convert_type3A = tpu.bitcast %shift_left3A_9 : vector<1000x512xi32> -> vector<1000x512xf32>
    %and3A = arith.constant -65536 : i32
    %and3A_10 = vector.broadcast %and3A : i32 to vector<1000x512xi32>
    %and3A_11 = arith.andi %get3A_7, %and3A_10 : vector<1000x512xi32>
    %bitcast_convert_type3A_12 = tpu.bitcast %and3A_11 : vector<1000x512xi32> -> vector<1000x512xf32>
    %slice3A = vector.extract_strided_slice %bitcast_convert_type3A {offsets = [0, 0], sizes = [1000, 128], strides = [1, 1]} : vector<1000x512xf32> to vector<1000x128xf32>
    %slice3A_13 = vector.extract_strided_slice %mul3A {offsets = [0, 0], sizes = [1000, 1], strides = [1, 1]} : vector<1000x4xf32> to vector<1000x1xf32>
    %mul3A_14 = vector.broadcast %slice3A_13 : vector<1000x1xf32> to vector<1000x128xf32>
    %mul3A_15 = arith.mulf %slice3A, %mul3A_14 : vector<1000x128xf32>
    %slice3A_16 = vector.extract_strided_slice %bitcast_convert_type3A_12 {offsets = [0, 0], sizes = [1000, 128], strides = [1, 1]} : vector<1000x512xf32> to vector<1000x128xf32>
    %slice3A_17 = vector.extract_strided_slice %mul3A {offsets = [0, 0], sizes = [1000, 1], strides = [1, 1]} : vector<1000x4xf32> to vector<1000x1xf32>
    %mul3A_18 = vector.broadcast %slice3A_17 : vector<1000x1xf32> to vector<1000x128xf32>
    %mul3A_19 = arith.mulf %slice3A_16, %mul3A_18 : vector<1000x128xf32>
    %slice3A_20 = vector.extract_strided_slice %bitcast_convert_type3A {offsets = [0, 128], sizes = [1000, 128], strides = [1, 1]} : vector<1000x512xf32> to vector<1000x128xf32>
    %slice3A_21 = vector.extract_strided_slice %mul3A {offsets = [0, 1], sizes = [1000, 1], strides = [1, 1]} : vector<1000x4xf32> to vector<1000x1xf32>
    %mul3A_22 = vector.broadcast %slice3A_21 : vector<1000x1xf32> to vector<1000x128xf32>
    %mul3A_23 = arith.mulf %slice3A_20, %mul3A_22 : vector<1000x128xf32>
    %add3A = arith.addf %mul3A_15, %mul3A_23 : vector<1000x128xf32>
    %slice3A_24 = vector.extract_strided_slice %bitcast_convert_type3A_12 {offsets = [0, 128], sizes = [1000, 128], strides = [1, 1]} : vector<1000x512xf32> to vector<1000x128xf32>
    %slice3A_25 = vector.extract_strided_slice %mul3A {offsets = [0, 1], sizes = [1000, 1], strides = [1, 1]} : vector<1000x4xf32> to vector<1000x1xf32>
    %mul3A_26 = vector.broadcast %slice3A_25 : vector<1000x1xf32> to vector<1000x128xf32>
    %mul3A_27 = arith.mulf %slice3A_24, %mul3A_26 : vector<1000x128xf32>
    %add3A_28 = arith.addf %mul3A_19, %mul3A_27 : vector<1000x128xf32>
    %slice3A_29 = vector.extract_strided_slice %bitcast_convert_type3A {offsets = [0, 256], sizes = [1000, 128], strides = [1, 1]} : vector<1000x512xf32> to vector<1000x128xf32>
    %slice3A_30 = vector.extract_strided_slice %mul3A {offsets = [0, 2], sizes = [1000, 1], strides = [1, 1]} : vector<1000x4xf32> to vector<1000x1xf32>
    %mul3A_31 = vector.broadcast %slice3A_30 : vector<1000x1xf32> to vector<1000x128xf32>
    %mul3A_32 = arith.mulf %slice3A_29, %mul3A_31 : vector<1000x128xf32>
    %add3A_33 = arith.addf %add3A, %mul3A_32 : vector<1000x128xf32>
    %slice3A_34 = vector.extract_strided_slice %bitcast_convert_type3A_12 {offsets = [0, 256], sizes = [1000, 128], strides = [1, 1]} : vector<1000x512xf32> to vector<1000x128xf32>
    %slice3A_35 = vector.extract_strided_slice %mul3A {offsets = [0, 2], sizes = [1000, 1], strides = [1, 1]} : vector<1000x4xf32> to vector<1000x1xf32>
    %mul3A_36 = vector.broadcast %slice3A_35 : vector<1000x1xf32> to vector<1000x128xf32>
    %mul3A_37 = arith.mulf %slice3A_34, %mul3A_36 : vector<1000x128xf32>
    %add3A_38 = arith.addf %add3A_28, %mul3A_37 : vector<1000x128xf32>
    %slice3A_39 = vector.extract_strided_slice %bitcast_convert_type3A {offsets = [0, 384], sizes = [1000, 128], strides = [1, 1]} : vector<1000x512xf32> to vector<1000x128xf32>
    %slice3A_40 = vector.extract_strided_slice %mul3A {offsets = [0, 3], sizes = [1000, 1], strides = [1, 1]} : vector<1000x4xf32> to vector<1000x1xf32>
    %mul3A_41 = vector.broadcast %slice3A_40 : vector<1000x1xf32> to vector<1000x128xf32>
    %mul3A_42 = arith.mulf %slice3A_39, %mul3A_41 : vector<1000x128xf32>
    %add3A_43 = arith.addf %add3A_33, %mul3A_42 : vector<1000x128xf32>
    %slice3A_44 = vector.extract_strided_slice %bitcast_convert_type3A_12 {offsets = [0, 384], sizes = [1000, 128], strides = [1, 1]} : vector<1000x512xf32> to vector<1000x128xf32>
    %slice3A_45 = vector.extract_strided_slice %mul3A {offsets = [0, 3], sizes = [1000, 1], strides = [1, 1]} : vector<1000x4xf32> to vector<1000x1xf32>
    %mul3A_46 = vector.broadcast %slice3A_45 : vector<1000x1xf32> to vector<1000x128xf32>
    %mul3A_47 = arith.mulf %slice3A_44, %mul3A_46 : vector<1000x128xf32>
    %add3A_48 = arith.addf %add3A_38, %mul3A_47 : vector<1000x128xf32>
    %swap3A = arith.constant 0 : index
    %swap3A_49 = arith.constant 0 : index
    %swap3A_50 = arith.constant 0 : index
    %swap3A_51 = vector.load %arg4[%swap3A, %swap3A_49, %swap3A_50] : memref<2x1000x128xf32, #tpu.memory_space<vmem>>, vector<1x1000x128xf32>
    %swap3A_52 = vector.shape_cast %swap3A_51 : vector<1x1000x128xf32> to vector<1000x128xf32>
    %swap3A_53 = vector.shape_cast %add3A_43 : vector<1000x128xf32> to vector<1x1000x128xf32>
    tpu.vector_store %arg4[%swap3A, %swap3A_49, %swap3A_50], %swap3A_53 {strides = array<i32>} : memref<2x1000x128xf32, #tpu.memory_space<vmem>>, vector<1x1000x128xf32>,
    %swap3A_54 = arith.constant 1 : index
    %swap3A_55 = arith.constant 0 : index
    %swap3A_56 = arith.constant 0 : index
    %swap3A_57 = vector.load %arg4[%swap3A_54, %swap3A_55, %swap3A_56] : memref<2x1000x128xf32, #tpu.memory_space<vmem>>, vector<1x1000x128xf32>
    %swap3A_58 = vector.shape_cast %swap3A_57 : vector<1x1000x128xf32> to vector<1000x128xf32>
    %swap3A_59 = vector.shape_cast %add3A_48 : vector<1000x128xf32> to vector<1x1000x128xf32>
    tpu.vector_store %arg4[%swap3A_54, %swap3A_55, %swap3A_56], %swap3A_59 {strides = array<i32>} : memref<2x1000x128xf32, #tpu.memory_space<vmem>>, vector<1x1000x128xf32>,
    return
  }
  func.func @transform_0(%arg0: i32) -> (i32, i32) {
    %c0_i32 = arith.constant 0 : i32
    %c0_i32_0 = arith.constant 0 : i32
    return %arg0, %c0_i32 : i32, i32
  }
  func.func @transform_1(%arg0: i32) -> (i32, i32) {
    %c0_i32 = arith.constant 0 : i32
    %c0_i32_0 = arith.constant 0 : i32
    return %arg0, %c0_i32 : i32, i32
  }
  func.func @transform_2(%arg0: i32) -> (i32, i32) {
    %c0_i32 = arith.constant 0 : i32
    %c0_i32_0 = arith.constant 0 : i32
    return %arg0, %c0_i32 : i32, i32
  }
  func.func @transform_3(%arg0: i32) -> (i32, i32, i32) {
    %c0_i32 = arith.constant 0 : i32
    %c0_i32_0 = arith.constant 0 : i32
    %c0_i32_1 = arith.constant 0 : i32
    return %c0_i32, %arg0, %c0_i32_0 : i32, i32, i32
  }
}

module attributes {stable_mosaic.version = 14 : i64} {
  func.func @_out1_body(%arg0: i32, %arg1: memref<2x1000x128xf32, #tpu.memory_space<vmem>>, %arg2: memref<1000x256xf32, #tpu.memory_space<vmem>>, %arg3: memref<1000x256xf32, #tpu.memory_space<vmem>>, %arg4: memref<10x256xf32, #tpu.memory_space<vmem>>, %arg5: memref<10x256xf32, #tpu.memory_space<vmem>>) attributes {dimension_semantics = [#tpu.dimension_semantics<arbitrary>], iteration_bounds = array<i64: 10>, scalar_prefetch = 0 : i64, scratch_operands = 0 : i64, tpu.core_type = #tpu.core_type<tc>, window_params = [{transform_indices = @transform_0, window_bounds = array<i64: 2, 1000, 128>}, {transform_indices = @transform_1, window_bounds = array<i64: 1000, 256>}, {transform_indices = @transform_2, window_bounds = array<i64: 1000, 256>}, {pipeline_mode = #tpu.pipeline_mode<synchronous>, transform_indices = @transform_3, window_bounds = array<i64: 10, 256>}, {pipeline_mode = #tpu.pipeline_mode<synchronous>, transform_indices = @transform_4, window_bounds = array<i64: 10, 256>}]} {
    %get3A = arith.constant 0 : index
    %get3A_0 = arith.constant 0 : index
    %get3A_1 = arith.constant 0 : index
    %get3A_2 = vector.load %arg1[%get3A, %get3A_0, %get3A_1] : memref<2x1000x128xf32, #tpu.memory_space<vmem>>, vector<1x1000x128xf32>
    %get3A_3 = vector.shape_cast %get3A_2 : vector<1x1000x128xf32> to vector<1000x128xf32>
    %get3A_4 = arith.constant 1 : index
    %get3A_5 = arith.constant 0 : index
    %get3A_6 = arith.constant 0 : index
    %get3A_7 = vector.load %arg1[%get3A_4, %get3A_5, %get3A_6] : memref<2x1000x128xf32, #tpu.memory_space<vmem>>, vector<1x1000x128xf32>
    %get3A_8 = vector.shape_cast %get3A_7 : vector<1x1000x128xf32> to vector<1000x128xf32>
    %concatenate3A = tpu.concatenate %get3A_3, %get3A_8 in 1 : vector<1000x128xf32>, vector<1000x128xf32> -> vector<1000x256xf32>
    %mul3A = arith.constant 2.500000e-01 : f32
    %mul3A_9 = vector.broadcast %mul3A : f32 to vector<1000x256xf32>
    %mul3A_10 = arith.mulf %concatenate3A, %mul3A_9 : vector<1000x256xf32>
    %get3A_11 = arith.constant 0 : index
    %get3A_12 = arith.constant 0 : index
    %get3A_13 = vector.load %arg2[%get3A_11, %get3A_12] : memref<1000x256xf32, #tpu.memory_space<vmem>>, vector<1000x256xf32>
    %add3A = arith.addf %mul3A_10, %get3A_13 : vector<1000x256xf32>
    %swap3A = arith.constant 0 : index
    %swap3A_14 = arith.constant 0 : index
    %swap3A_15 = vector.load %arg3[%swap3A, %swap3A_14] : memref<1000x256xf32, #tpu.memory_space<vmem>>, vector<1000x256xf32>
    tpu.vector_store %arg3[%swap3A, %swap3A_14], %add3A {strides = array<i32>} : memref<1000x256xf32, #tpu.memory_space<vmem>>, vector<1000x256xf32>,
    %reduce_sum3A = arith.constant dense<0.000000e+00> : vector<256xf32>
    %reduce_sum3A_16 = vector.multi_reduction <add>, %add3A, %reduce_sum3A [0] : vector<1000x256xf32> to vector<256xf32>
    %broadcast_in_dim3A = vector.shape_cast %reduce_sum3A_16 : vector<256xf32> to vector<1x256xf32>
    %swap3A_17 = arith.index_cast %arg0 : i32 to index
    %swap3A_18 = arith.constant 0 : index
    %swap3A_19 = vector.load %arg4[%swap3A_17, %swap3A_18] : memref<10x256xf32, #tpu.memory_space<vmem>>, vector<1x256xf32>
    tpu.vector_store %arg4[%swap3A_17, %swap3A_18], %broadcast_in_dim3A {strides = array<i32>} : memref<10x256xf32, #tpu.memory_space<vmem>>, vector<1x256xf32>,
    %mul3A_20 = arith.mulf %add3A, %add3A : vector<1000x256xf32>
    %reduce_sum3A_21 = arith.constant dense<0.000000e+00> : vector<256xf32>
    %reduce_sum3A_22 = vector.multi_reduction <add>, %mul3A_20, %reduce_sum3A_21 [0] : vector<1000x256xf32> to vector<256xf32>
    %broadcast_in_dim3A_23 = vector.shape_cast %reduce_sum3A_22 : vector<256xf32> to vector<1x256xf32>
    %swap3A_24 = arith.index_cast %arg0 : i32 to index
    %swap3A_25 = arith.constant 0 : index
    %swap3A_26 = vector.load %arg5[%swap3A_24, %swap3A_25] : memref<10x256xf32, #tpu.memory_space<vmem>>, vector<1x256xf32>
    tpu.vector_store %arg5[%swap3A_24, %swap3A_25], %broadcast_in_dim3A_23 {strides = array<i32>} : memref<10x256xf32, #tpu.memory_space<vmem>>, vector<1x256xf32>,
    return
  }
  func.func @transform_0(%arg0: i32) -> (i32, i32, i32) {
    %c0_i32 = arith.constant 0 : i32
    %c0_i32_0 = arith.constant 0 : i32
    %c0_i32_1 = arith.constant 0 : i32
    return %c0_i32, %arg0, %c0_i32_0 : i32, i32, i32
  }
  func.func @transform_1(%arg0: i32) -> (i32, i32) {
    %c0_i32 = arith.constant 0 : i32
    %c0_i32_0 = arith.constant 0 : i32
    return %arg0, %c0_i32 : i32, i32
  }
  func.func @transform_2(%arg0: i32) -> (i32, i32) {
    %c0_i32 = arith.constant 0 : i32
    %c0_i32_0 = arith.constant 0 : i32
    return %arg0, %c0_i32 : i32, i32
  }
  func.func @transform_3(%arg0: i32) -> (i32, i32) {
    %c0_i32 = arith.constant 0 : i32
    %c0_i32_0 = arith.constant 0 : i32
    %c0_i32_1 = arith.constant 0 : i32
    return %c0_i32, %c0_i32_0 : i32, i32
  }
  func.func @transform_4(%arg0: i32) -> (i32, i32) {
    %c0_i32 = arith.constant 0 : i32
    %c0_i32_0 = arith.constant 0 : i32
    %c0_i32_1 = arith.constant 0 : i32
    return %c0_i32, %c0_i32_0 : i32, i32
  }
}

module attributes {stable_mosaic.version = 14 : i64} {
  func.func @_norm_body(%arg0: i32, %arg1: memref<1000x256xf32, #tpu.memory_space<vmem>>, %arg2: memref<10x256xf32, #tpu.memory_space<vmem>>, %arg3: memref<10x256xf32, #tpu.memory_space<vmem>>, %arg4: memref<1x256xf32, #tpu.memory_space<vmem>>, %arg5: memref<1x256xf32, #tpu.memory_space<vmem>>, %arg6: memref<1000x256xf32, #tpu.memory_space<vmem>>) attributes {dimension_semantics = [#tpu.dimension_semantics<arbitrary>], iteration_bounds = array<i64: 10>, scalar_prefetch = 0 : i64, scratch_operands = 0 : i64, tpu.core_type = #tpu.core_type<tc>, window_params = [{transform_indices = @transform_0, window_bounds = array<i64: 1000, 256>}, {pipeline_mode = #tpu.pipeline_mode<synchronous>, transform_indices = @transform_1, window_bounds = array<i64: 10, 256>}, {pipeline_mode = #tpu.pipeline_mode<synchronous>, transform_indices = @transform_2, window_bounds = array<i64: 10, 256>}, {pipeline_mode = #tpu.pipeline_mode<synchronous>, transform_indices = @transform_3, window_bounds = array<i64: 1, 256>}, {pipeline_mode = #tpu.pipeline_mode<synchronous>, transform_indices = @transform_4, window_bounds = array<i64: 1, 256>}, {transform_indices = @transform_5, window_bounds = array<i64: 1000, 256>}]} {
    %get3A = arith.constant 0 : index
    %get3A_0 = arith.constant 0 : index
    %get3A_1 = vector.load %arg2[%get3A, %get3A_0] : memref<10x256xf32, #tpu.memory_space<vmem>>, vector<10x256xf32>
    %reduce_sum3A = arith.constant dense<0.000000e+00> : vector<256xf32>
    %reduce_sum3A_2 = vector.multi_reduction <add>, %get3A_1, %reduce_sum3A [0] : vector<10x256xf32> to vector<256xf32>
    %broadcast_in_dim3A = vector.shape_cast %reduce_sum3A_2 : vector<256xf32> to vector<1x256xf32>
    %mul3A = arith.constant 9.99999974E-5 : f32
    %mul3A_3 = vector.broadcast %mul3A : f32 to vector<1x256xf32>
    %mul3A_4 = arith.mulf %broadcast_in_dim3A, %mul3A_3 : vector<1x256xf32>
    %get3A_5 = arith.constant 0 : index
    %get3A_6 = arith.constant 0 : index
    %get3A_7 = vector.load %arg3[%get3A_5, %get3A_6] : memref<10x256xf32, #tpu.memory_space<vmem>>, vector<10x256xf32>
    %reduce_sum3A_8 = arith.constant dense<0.000000e+00> : vector<256xf32>
    %reduce_sum3A_9 = vector.multi_reduction <add>, %get3A_7, %reduce_sum3A_8 [0] : vector<10x256xf32> to vector<256xf32>
    %broadcast_in_dim3A_10 = vector.shape_cast %reduce_sum3A_9 : vector<256xf32> to vector<1x256xf32>
    %mul3A_11 = arith.constant 9.99999974E-5 : f32
    %mul3A_12 = vector.broadcast %mul3A_11 : f32 to vector<1x256xf32>
    %mul3A_13 = arith.mulf %broadcast_in_dim3A_10, %mul3A_12 : vector<1x256xf32>
    %mul3A_14 = arith.mulf %mul3A_4, %mul3A_4 : vector<1x256xf32>
    %sub3A = arith.subf %mul3A_13, %mul3A_14 : vector<1x256xf32>
    %get3A_15 = arith.constant 0 : index
    %get3A_16 = arith.constant 0 : index
    %get3A_17 = vector.load %arg1[%get3A_15, %get3A_16] : memref<1000x256xf32, #tpu.memory_space<vmem>>, vector<1000x256xf32>
    %sub3A_18 = vector.broadcast %mul3A_4 : vector<1x256xf32> to vector<1000x256xf32>
    %sub3A_19 = arith.subf %get3A_17, %sub3A_18 : vector<1000x256xf32>
    %add3A = arith.constant 9.99999974E-6 : f32
    %add3A_20 = vector.broadcast %add3A : f32 to vector<1x256xf32>
    %add3A_21 = arith.addf %sub3A, %add3A_20 : vector<1x256xf32>
    %rsqrt3A = math.rsqrt %add3A_21 : vector<1x256xf32>
    %mul3A_22 = vector.broadcast %rsqrt3A : vector<1x256xf32> to vector<1000x256xf32>
    %mul3A_23 = arith.mulf %sub3A_19, %mul3A_22 : vector<1000x256xf32>
    %get3A_24 = arith.constant 0 : index
    %get3A_25 = arith.constant 0 : index
    %get3A_26 = vector.load %arg4[%get3A_24, %get3A_25] : memref<1x256xf32, #tpu.memory_space<vmem>>, vector<1x256xf32>
    %mul3A_27 = vector.broadcast %get3A_26 : vector<1x256xf32> to vector<1000x256xf32>
    %mul3A_28 = arith.mulf %mul3A_27, %mul3A_23 : vector<1000x256xf32>
    %get3A_29 = arith.constant 0 : index
    %get3A_30 = arith.constant 0 : index
    %get3A_31 = vector.load %arg5[%get3A_29, %get3A_30] : memref<1x256xf32, #tpu.memory_space<vmem>>, vector<1x256xf32>
    %add3A_32 = vector.broadcast %get3A_31 : vector<1x256xf32> to vector<1000x256xf32>
    %add3A_33 = arith.addf %mul3A_28, %add3A_32 : vector<1000x256xf32>
    %gt3A = arith.constant 0.000000e+00 : f32
    %gt3A_34 = vector.broadcast %gt3A : f32 to vector<1000x256xf32>
    %gt3A_35 = arith.cmpf ogt, %add3A_33, %gt3A_34 : vector<1000x256xf32>
    %mul3A_36 = arith.constant 0.00999999977 : f32
    %mul3A_37 = vector.broadcast %mul3A_36 : f32 to vector<1000x256xf32>
    %mul3A_38 = arith.mulf %mul3A_37, %add3A_33 : vector<1000x256xf32>
    %select_n3A = arith.select %gt3A_35, %add3A_33, %mul3A_38 : vector<1000x256xi1>, vector<1000x256xf32>
    %swap3A = arith.constant 0 : index
    %swap3A_39 = arith.constant 0 : index
    %swap3A_40 = vector.load %arg6[%swap3A, %swap3A_39] : memref<1000x256xf32, #tpu.memory_space<vmem>>, vector<1000x256xf32>
    tpu.vector_store %arg6[%swap3A, %swap3A_39], %select_n3A {strides = array<i32>} : memref<1000x256xf32, #tpu.memory_space<vmem>>, vector<1000x256xf32>,
    return
  }
  func.func @transform_0(%arg0: i32) -> (i32, i32) {
    %c0_i32 = arith.constant 0 : i32
    %c0_i32_0 = arith.constant 0 : i32
    return %arg0, %c0_i32 : i32, i32
  }
  func.func @transform_1(%arg0: i32) -> (i32, i32) {
    %c0_i32 = arith.constant 0 : i32
    %c0_i32_0 = arith.constant 0 : i32
    %c0_i32_1 = arith.constant 0 : i32
    return %c0_i32, %c0_i32_0 : i32, i32
  }
  func.func @transform_2(%arg0: i32) -> (i32, i32) {
    %c0_i32 = arith.constant 0 : i32
    %c0_i32_0 = arith.constant 0 : i32
    %c0_i32_1 = arith.constant 0 : i32
    return %c0_i32, %c0_i32_0 : i32, i32
  }
  func.func @transform_3(%arg0: i32) -> (i32, i32) {
    %c0_i32 = arith.constant 0 : i32
    %c0_i32_0 = arith.constant 0 : i32
    %c0_i32_1 = arith.constant 0 : i32
    return %c0_i32, %c0_i32_0 : i32, i32
  }
  func.func @transform_4(%arg0: i32) -> (i32, i32) {
    %c0_i32 = arith.constant 0 : i32
    %c0_i32_0 = arith.constant 0 : i32
    %c0_i32_1 = arith.constant 0 : i32
    return %c0_i32, %c0_i32_0 : i32, i32
  }
  func.func @transform_5(%arg0: i32) -> (i32, i32) {
    %c0_i32 = arith.constant 0 : i32
    %c0_i32_0 = arith.constant 0 : i32
    return %arg0, %c0_i32 : i32, i32
  }
}

</mosaic_0001>

<sc_bundles>
// kernel: kernel.18.cloned.1.call-start
scs
__scs_entry_jumppad:
0x0: {  	(pc) =	sbr.rel $0x88, $3  }
0x1: {  	(tag) =	ssettag $0x0;
	lr =	simm.s32 $0x1  }
0x2: {  	[smem:$0x3F92] =	sst lr;
	_ =	strace $0xD0000000  }
0x3: {  	_ = 	snop  }
0x4: {  	_ = 	snop  }
0x5: {  	_ = 	snop  }
0x6: {  	_ = 	snop  }
0x7: {  	_ = 	snop  }
__scs_overlays_trampoline_lowered:
0x8: {  	[smem:$0x3FA1] =	sst s0  }
0x9: {  	[smem:$0x3FA2] =	sst s1  }
0xa: {  	[smem:$0x3FA3] =	sst s2  }
0xb: {  	[smem:$0x3FA4] =	sst s3  }
0xc: {  	[smem:$0x3FA5] =	sst s4  }
0xd: {  	[smem:$0x3FA6] =	sst s5  }
0xe: {  	[smem:$0x3FA7] =	sst s6  }
0xf: {  	[smem:$0x3FA8] =	sst s7  }
0x10: {  	[smem:$0x3FA9] =	sst s8  }
0x11: {  	[smem:$0x3FAA] =	sst s9;
	s0 =	simm.s32 @!p0 $0x0  }
0x12: {  	s1 =	sld [smem:$0x3F90];
	s0 =	simm.s32 @p0 $0x1  }
0x13: {  	[smem:$0x3FAB] =	sst s0;
	s0 =	simm.s32 @!p1 $0x0  }
0x14: {  	s2 =	sld [smem:$0x3F8F];
	s0 =	simm.s32 @p1 $0x1  }
0x15: {  	[smem:$0x3FAC] =	sst s0;
	s0 =	simm.s32 @!p2 $0x0  }
0x16: {  	s3 =	sld [smem:$0x3FDB];
	s0 =	simm.s32 @p2 $0x1  }
0x17: {  	s4 =	simm.s32 $0x1BF5;
	[smem:$0x3FAE] =	sst s0  }
0x18: {  	s0 =	sld [smem:$0x3F91];
	_ =	swait.ge [sflag:s4], $0x0  }
0x19: {  	s7 =	sld [smem:$0x3F92]  }
0x1a: {  	s8 =	sadd.s32 $0xFFFFE003, lr  }
0x1b: {  	s9 =	sadd.s32 $0xFFFFFEF7, lr;
	s5 =	simm.s32 $0xFFFFFFFF;
	p2 =	slt.u32 s8, $0xFFFFF086  }
0x1c: {  	p1 =	slt.u32 s9, $0xF7A;
	s5 =	simm.s32 @!p2 $0x0  }
0x1d: {  	s5 =	simm.s32 @p1 $0x1;
	p0 =	seq.s32 s7, s2  }
0x1e: {  	s7 =	smul.u32 @!p0 $0xF7A, s2;
	p2 =	seq.s32 @!p0 s5, $0x0  }
0x1f: {  	s9 =	smul.u32 $0xF7A, s1;
	s8 =	simm.s32 @!p0 $0x1BF5;
	p2 =	por !p2, p0  }
0x20: {  	[sflag:s8] =	ssyncset.s32 @!p0 $0xFFFFF086;
	s6 =	sadd.s32 @!p0 s3, s7;
	s7 =	simm.s32 @!p0 $0x108  }
0x21: {  	s3 =	sadd.s32 s3, s9;
	s6 =	sadd.s32 @!p0 $0x88, s6;
	s7 =	simm.s32 @p2 $0x1082  }
0x22: {  	[simem:s7], [sflag:s8] =	dma.local @!p0 [hbm:s6], $0xF7A  }
0x23: {  	s9 =	sor.u32 $0xD0000000, s2;
	s6 =	simm.s32 $0x108;
	_ =	swait.ge @!p0 [sflag:s8], $0x0  }
0x24: {  	s3 =	sadd.s32 $0x88, s3;
	s6 =	simm.s32 @!p1 $0x1082;
	[sflag:s4] =	ssyncset.s32 $0xFFFFF086  }
0x25: {  	[simem:s6], [sflag:s4] =	dma.local [hbm:s3], $0xF7A  }
0x26: {  	[smem:$0x3F92] =	sst s1;
	(tag) =	ssettag s2;
	_ =	strace s9  }
0x27: {  	s1 =	sld [smem:$0x3FA2]  }
0x28: {  	s2 =	sld [smem:$0x3FA3]  }
0x29: {  	s4 =	sld [smem:$0x3FA5]  }
0x2a: {  	p0 =	seq.s32 s5, $0x0;
	s5 =	sld [smem:$0x3FA6]  }
0x2b: {  	s6 =	sld [smem:$0x3FA7]  }
0x2c: {  	s7 =	sld [smem:$0x3FA8]  }
0x2d: {  	s3 =	simm.s32 $0x108;
	s8 =	sld [smem:$0x3FA9]  }
0x2e: {  	s3 =	simm.s32 @!p0 $0x1082;
	s9 =	sld [smem:$0x3FAA]  }
0x2f: {  	lr =	sadd.s32 s0, s3;
	s0 =	sld [smem:$0x3FA1]  }
0x30: {  	s3 =	sld [smem:$0x3FA4]  }
0x31: {  	[smem:$0x3FAD] =	sst s10  }
0x32: {  	s10 =	sld [smem:$0x3FAB];
	_ =	sdelay $0x3  }
0x33: {  	p0 =	seq.s32 s10, $0x1;
	s10 =	sld [smem:$0x3FAD];
	_ =	sdelay $0x3  }
0x34: {  	[smem:$0x3FAD] =	sst s10  }
0x35: {  	s10 =	sld [smem:$0x3FAC];
	_ =	sdelay $0x3  }
0x36: {  	p1 =	seq.s32 s10, $0x1;
	s10 =	sld [smem:$0x3FAD];
	_ =	sdelay $0x3  }
0x37: {  	[smem:$0x3FAD] =	sst s10  }
0x38: {  	s10 =	sld [smem:$0x3FAE]  }
0x39: {  	_ = 	snop;
	(pc) =	sbr.ind lr, $3  }
0x3a: {  	_ = 	snop  }
0x3b: {  	_ = 	snop  }
0x3c: {  	p2 =	seq.s32 s10, $0x1;
	s10 =	sld [smem:$0x3FAD]  }
0x3d: {  	_ =	shalt  }
0x3e: {  	_ =	shalt  }
0x3f: {  	_ =	shalt  }
0x40: {  	_ =	shalt  }
0x41: {  	_ =	shalt  }
0x42: {  	_ =	shalt  }
0x43: {  	_ =	shalt  }
0x44: {  	_ =	shalt  }
0x45: {  	_ =	shalt  }
0x46: {  	_ =	shalt  }
0x47: {  	_ =	shalt  }
0x48: {  	_ =	shalt  }
0x49: {  	_ =	shalt  }
0x4a: {  	_ =	shalt  }
0x4b: {  	_ =	shalt  }
0x4c: {  	_ =	shalt  }
0x4d: {  	_ =	shalt  }
0x4e: {  	_ =	shalt  }
0x4f: {  	_ =	shalt  }
0x50: {  	_ =	shalt  }
0x51: {  	_ =	shalt  }
0x52: {  	_ =	shalt  }
0x53: {  	_ =	shalt  }
0x54: {  	_ =	shalt  }
0x55: {  	_ =	shalt  }
0x56: {  	_ =	shalt  }
0x57: {  	_ =	shalt  }
0x58: {  	_ =	shalt  }
0x59: {  	_ =	shalt  }
0x5a: {  	_ =	shalt  }
0x5b: {  	_ =	shalt  }
0x5c: {  	_ =	shalt  }
0x5d: {  	_ =	shalt  }
0x5e: {  	_ =	shalt  }
0x5f: {  	_ =	shalt  }
0x60: {  	_ =	shalt  }
0x61: {  	_ =	shalt  }
0x62: {  	_ =	shalt  }
0x63: {  	_ =	shalt  }
0x64: {  	_ =	shalt  }
0x65: {  	_ =	shalt  }
0x66: {  	_ =	shalt  }
0x67: {  	_ =	shalt  }
0x68: {  	_ =	shalt  }
0x69: {  	_ =	shalt  }
0x6a: {  	_ =	shalt  }
0x6b: {  	_ =	shalt  }
0x6c: {  	_ =	shalt  }
0x6d: {  	_ =	shalt  }
0x6e: {  	_ =	shalt  }
0x6f: {  	_ =	shalt  }
0x70: {  	_ =	shalt  }
0x71: {  	_ =	shalt  }
0x72: {  	_ =	shalt  }
0x73: {  	_ =	shalt  }
0x74: {  	_ =	shalt  }
0x75: {  	_ =	shalt  }
0x76: {  	_ =	shalt  }
0x77: {  	_ =	shalt  }
0x78: {  	_ =	shalt  }
0x79: {  	_ =	shalt  }
0x7a: {  	_ =	shalt  }
0x7b: {  	_ =	shalt  }
0x7c: {  	_ =	shalt  }
0x7d: {  	_ =	shalt  }
0x7e: {  	_ =	shalt  }
0x7f: {  	_ =	shalt  }
0x80: {  	_ =	shalt  }
0x81: {  	_ =	shalt  }
0x82: {  	_ =	shalt  }
0x83: {  	_ =	shalt  }
0x84: {  	_ =	shalt  }
0x85: {  	_ =	shalt  }
0x86: {  	_ =	shalt  }
0x87: {  	_ =	shalt  }
.Lfunc_end0:
.L_simem_size_0:
called_computation.3_lowered:
.L_overlay_start_0:
0x88: {  	s2 =	sld [smem:$0x3FD9]  }
0x89: {  	s3 =	sld [smem:$0x3FFE];
	_ =	sdelay $0x1  }
0x8a: {  	s1 =	srdreg.scid  }
0x8b: {  	s0 =	sand.u32 $0x1, s1  }
0x8c: {  	s17 =	sshll.u32 s0, $0xA;
	s2 =	sadd.s32 s3, s2  }
0x8d: {  	s2 =	sadd.s32 s2, s17  }
0x8e: {  	[smem:$0x3FB9] =	sst s2  }
0x8f: {  	_ = 	snop  }
0x90: {  	s2 =	sld [smem:$0x3FC7];
	(tm) =	ssettm $0x1  }
0x91: {  	s18 =	sld [smem:$0x3FFB];
	_ =	sdelay $0x3  }
0x92: {  	_ =	strace s18  }
0x93: {  	s3 =	sld [smem:$0x3FFC];
	_ =	sdelay $0x3  }
0x94: {  	_ =	strace s3  }
0x95: {  	s3 =	sld [smem:$0x3FFD];
	_ =	sdelay $0x3  }
0x96: {  	_ =	strace s3  }
0x97: {  	_ =	strace $0x8FFFFFFF  }
0x98: {  	s19 =	sld [smem:$0x3FDB];
	_ =	sdelay $0x1  }
0x99: {  	s4 =	simm.s32 $_scs_section_size  }
0x9a: {  	s5 =	simm.s32 $_size__tile_overlayer_lowered;
	s6 =	simm.s32 $_tile_overlayer_lowered  }
0x9b: {  	s22 =	simm.s32 $0x1BFF;
	s21 =	sshll.u32 s6, $0x1;
	s3 =	sadd.s32 s4, s19  }
0x9c: {  	s7 =	simm.s32 $0x0;
	s20 =	sshll.u32 s5, $0x1;
	s5 =	sadd.s32 s21, s3  }
0x9d: {  	[timem:s7], [sflag:s22] =	dma.local [hbm:s5], s20  }
0x9e: {  	_ =	swait.ge [sflag:s22], s20  }
0x9f: {  	s4 =	ssub.s32 $0x0, s20;
	[sflag:s22] =	ssyncset.done $0x0  }
0xa0: {  	[sflag:s22] =	ssyncadd.s32 s4;
	_ =	sdelay $0x1  }
0xa1: {  	s23 =	simm.s32 $0x1B8B  }
0xa2: {  	_ =	swait.ge [sflag:s23], $0x1  }
0xa3: {  	[sflag:s23] =	ssyncset.done $0x0  }
0xa4: {  	s25 =	simm.s32 $0x1B8E;
	s24 =	sld [smem:$0x3FFE];
	[sflag:s23] =	ssyncadd.s32 $0xFFFFFFFF  }
0xa5: {  	s26 =	simm.s32 $execute0_lowered;
	[smem:$0x3FD2] =	sst s25  }
0xa6: {  	s5 =	sshll.u32 s26, $0x1;
	_ =	strace $0x80000046;
	[dreg:$0x1] =	wrdreg $0xFFFFFFFF  }
0xa7: {  	s28 =	simm.s32 $_size_execute0_lowered;
	s3 =	sadd.s32 s3, s5;
	[dreg:$0x0] =	wrdreg $0x0  }
0xa8: {  	s5 =	sshll.u32 s28, $0x1;
	[dreg:$0x2] =	wrdreg s3  }
0xa9: {  	[dreg:$0x3] =	wrdreg s5  }
0xaa: {  	[dreg:$0x4] =	wrdreg $0xC0  }
0xab: {  	_ =	task [dreg:s7], $0x5FFFF  }
0xac: {  	[dreg:$0x1] =	wrdreg $0xFFFFFFFF  }
0xad: {  	[dreg:$0x0] =	wrdreg $0x60  }
0xae: {  	[dreg:$0x2] =	wrdreg s24  }
0xaf: {  	[dreg:$0x3] =	wrdreg s2  }
0xb0: {  	[dreg:$0x4] =	wrdreg $0x4F000  }
0xb1: {  	[dreg:$0x5] =	wrdreg $0x9  }
0xb2: {  	_ =	task.clear_ibuf [dreg:s7], $0x6FFFF;
	_ =	strace $0x90000046  }
0xb3: {  	s29 =	simm.s32 $0x9;
	_ =	strace $0x80000048  }
0xb4: {  	_ =	swait.ge [sflag:s29], $0x1  }
0xb5: {  	[sflag:s29] =	ssyncadd.s32 $0xFFFFFFFF  }
0xb6: {  	_ =	strace $0x90000048  }
0xb7: {  	_ =	sfence  }
0xb8: {  	s30 =	sld [smem:$0x0];
	_ =	sdelay $0x2  }
0xb9: {  	s31 =	sshll.u32 s1, $0xD;
	s1 =	sshrl.u32 s1, $0x2  }
0xba: {  	s3 =	sand.u32 $0x4000, s31;
	s1 =	sadd.s32 s1, s30  }
0xbb: {  	s0 =	sor.u32 s3, s0;
	s1 =	sshll.u32 s1, $0x11  }
0xbc: {  	s0 =	sor.u32 s1, s0  }
0xbd: {  	s0 =	sadd.s32 $0x8F2B, s0  }
0xbe: {  	[sflag:s0] =	ssyncadd.remote.s32 $0x1  }
0xbf: {  	_ =	sfence.sel $0xFFFF  }
0xc0: {  	[dreg:$0x0] =	wrdreg $0xFFFFFFFF;
	(pc) =	sbr.abs _section_cstart, $3  }
0xc1: {  	[dreg:$0x1] =	wrdreg $0xFFFFFFFF  }
0xc2: {  	_ =	task.clear_ibuf [dreg:s7], $0x2FFFF;
	_ =	strace $0x9FFFFFFF  }
0xc3: {  	(tm) =	ssettm $0x7FFFFFFF  }
tec
execute0_lowered:
.L_overlay_start_1:
0x0: {  	(tag) =	ssettag $0x1  }
0x1: {  	s12 =	rddreg [dreg:$0x0]  }
0x2: {  	s9 =	rddreg [dreg:$0x1]  }
0x3: {  	s2 =	rddreg [dreg:$0x2];
	s1 =	stileid.u32  }
0x4: {  	s0 =	rddreg [dreg:$0x3];
	s3 =	simm.s32 $0x0;
	s4 =	srdreg.scid  }
0x5: {  	s13 =	smul.u32 $0x280, s1;
	[smem:$0x7FF] =	sst s3  }
0x6: {  	s14 =	sand.u32 $0x1, s4;
	s26 =	sshll.u32 s1, $0x1;
	s29 =	sshll.u32 s1, $0x6  }
0x7: {  	_ =	strace $0x80000047;
	s8 =	sor.u32 s14, s26;
	s5 =	sshrl.u32 s13, $0x3  }
0x8: {  	s6 =	sadd.s32 s13, s2;
	s28 =	sadd.s32 s5, s12;
	s5 =	sor.u32 $0x1C01, s29  }
0x9: {  	s7 =	sshrl.u32 s6, $0x3;
	s6 =	simm.s32 $0x1;
	s4 =	sadd.s32 $0x1A000, s28  }
0xa: {  	[spmem:s7], [sflag:s5] =	dma.local [hbm:s4], $0x50  }
0xb: {  	s10 =	smul.u32 $0x4E2, s8;
	_ =	swait.ge [sflag:s6], $0x50  }
0xc: {  	[sflag:s6] =	ssyncset.done $0x0  }
0xd: {  	s8 =	sadd.s32 s10, s12;
	[sflag:s6] =	ssyncadd.s32 $0xFFFFFFB0  }
0xe: {  	s8 =	sadd.s32 $0x10200, s8;
	[bflag:$0x0] =	sbarrier.arrive $0xFFFF  }
0xf: {  	[tilespmem:s3], [sflag:$0x1] =	stream.linear.gather [hbm4b:s8+s3], $0x2710, $0x38;
	[tilespmem:$0x5180] =	vst v63  }
0x10: {  	_ =	swait.ge [sflag:s6], $0x2710  }
0x11: {  	s15 =	smul.u32 $0x2800, s14;
	[sflag:s6] =	ssyncset.done $0x0  }
0x12: {  	s9 =	sadd.s32 s9, s10;
	s10 =	simm.s32 $0x2780;
	[sflag:s6] =	ssyncadd.s32 $0xFFFFD8F0  }
0x13: {  	[tilespmem:s10], [sflag:$0x1] =	stream.linear.gather [hbm4b:s9+s3], $0x2710, $0x38;
	[tilespmem:$0x5180] =	vst v63  }
0x14: {  	s11 =	simm.s32 $0x2710;
	s14 =	ssub.s32 $0x2, s14;
	_ =	swait.ge [sflag:s6], $0x2710  }
0x15: {  	s30 =	sshrl.u32 s14, $0x1;
	s13 =	sadd.s32 s13, s15;
	[sflag:s6] =	ssyncset.done $0x0  }
0x16: {  	s31 =	ssub.s32 s14, s30;
	s13 =	sshrl.u32 s13, $0x3;
	[sflag:s6] =	ssyncadd.s32 $0xFFFFD8F0  }
0x17: {  	[spmem:s2] =	stream.indirect.scatter.add.f32 [tilespmem:s10], [sflag:$0x1], $0x1, s3, s11, $0xb8;
	[tilespmem:$0x5180] =	vst v63  }
0x18: {  	s12 =	sadd.s32 s13, s12;
	s13 =	smax.u32 s31, $0x1;
	_ =	swait.ge [sflag:s6], $0x2710  }
0x19: {  	p0 =	sne.s32 s13, $0x1;
	[sflag:s6] =	ssyncset.done $0x0  }
.Ltmp0:
0x1a: {  	[sflag:s6] =	ssyncadd.s32 $0xFFFFD8F0;
	(pc) =	sbr.rel @!p0 .LBB2_2-.Ltmp0, $4  }
0x1b: {  	s12 =	sadd.s32 $0x1A600, s12;
	[bflag:$0x0] =	sbarrier.arrive $0xFFFF  }
0x1c: {  	[hbm:s12], [sflag:s5] =	dma.local [spmem:s7], $0x50  }
0x1d: {  	_ =	swait.ge [sflag:s6], $0x50  }
0x1e: {  	s13 =	sadd.s32 $0xFFFFFFFF, s13;
	[sflag:s6] =	ssyncset.done $0x0  }
.LBB2_1:
0x1f: {  	p0 =	sne.s32 s13, $0x1;
	s13 =	sadd.s32 $0xFFFFFFFF, s13;
	[sflag:s6] =	ssyncadd.s32 $0xFFFFFFB0  }
0x20: {  	[spmem:s7], [sflag:s5] =	dma.local [hbm:s4], $0x50  }
0x21: {  	_ =	swait.ge [sflag:s6], $0x50  }
0x22: {  	[sflag:s6] =	ssyncset.done $0x0  }
0x23: {  	[sflag:s6] =	ssyncadd.s32 $0xFFFFFFB0  }
0x24: {  	[bflag:$0x0] =	sbarrier.arrive $0xFFFF  }
0x25: {  	[tilespmem:s3], [sflag:$0x1] =	stream.linear.gather [hbm4b:s8+s3], $0x2710, $0x38;
	[tilespmem:$0x5180] =	vst v63  }
0x26: {  	_ =	swait.ge [sflag:s6], $0x2710  }
0x27: {  	[sflag:s6] =	ssyncset.done $0x0  }
0x28: {  	[sflag:s6] =	ssyncadd.s32 $0xFFFFD8F0  }
0x29: {  	[tilespmem:s10], [sflag:$0x1] =	stream.linear.gather [hbm4b:s9+s3], $0x2710, $0x38;
	[tilespmem:$0x5180] =	vst v63  }
0x2a: {  	_ =	swait.ge [sflag:s6], $0x2710  }
0x2b: {  	[sflag:s6] =	ssyncset.done $0x0  }
0x2c: {  	[sflag:s6] =	ssyncadd.s32 $0xFFFFD8F0  }
0x2d: {  	[spmem:s2] =	stream.indirect.scatter.add.f32 [tilespmem:s10], [sflag:$0x1], $0x1, s3, s11, $0xb8;
	[tilespmem:$0x5180] =	vst v63  }
0x2e: {  	_ =	swait.ge [sflag:s6], $0x2710  }
0x2f: {  	[sflag:s6] =	ssyncset.done $0x0  }
.Ltmp1:
0x30: {  	[sflag:s6] =	ssyncadd.s32 $0xFFFFD8F0;
	(pc) =	sbr.rel @p0 .LBB2_1-.Ltmp1, $4  }
0x31: {  	[bflag:$0x0] =	sbarrier.arrive $0xFFFF  }
0x32: {  	[hbm:s12], [sflag:s5] =	dma.local [spmem:s7], $0x50  }
0x33: {  	_ =	swait.ge [sflag:s6], $0x50  }
0x34: {  	[sflag:s6] =	ssyncset.done $0x0  }
.LBB2_2:
0x35: {  	[sflag:s6] =	ssyncadd.s32 $0xFFFFFFB0  }
0x36: {  	_ =	sfence.sel $0x180000  }
0x37: {  	[bflag:$0x0] =	sbarrier.arrive $0xFFFF  }
0x38: {  	p0 =	sne.s32 s1, $0x0;
	_ =	strace $0x90000047  }
0x39: {  	s0 =	sadd.s32 @!p0 $0x100000, s0;
	[bflag:$0x2] =	sbarrier.arrive $0xFFFF  }
0x3a: {  	[sflag:s0] =	ssyncadd.tile.s32 @!p0 $0x1;
	_ =	shalt  }
.Lfunc_end2:
_tile_overlayer_lowered:
.L_overlay_start_2:
0x3b: {  	(tag) =	ssettag $0x2  }
0x3c: {  	s0 =	rddreg [dreg:$0x0];
	s2 =	stileid.u32  }
0x3d: {  	s1 =	rddreg [dreg:$0x1];
	p0 =	sne.s32 s2, $0x0  }
0x3e: {  	s3 =	rddreg [dreg:$0x2];
	[bflag:$0x3] =	sbarrier.arrive $0xFFFF;
	s2 =	simm.s32 @!p0 $0x1C01  }
0x3f: {  	[timem:s3], [sflag:s2] =	dma.local @!p0 [hbm:s0], s1  }
0x40: {  	s0 =	simm.s32 @!p0 $0x1  }
0x41: {  	_ =	swait.ge @!p0 [sflag:s0], s1  }
0x42: {  	s1 =	ssub.s32 @!p0 $0x0, s1;
	[sflag:s0] =	ssyncset.done @!p0 $0x0  }
0x43: {  	[sflag:s0] =	ssyncadd.s32 @!p0 s1  }
0x44: {  	[bflag:$0x3] =	sbarrier.arrive $0xFFFF  }
0x45: {  	_ =	shalt  }

// kernel: kernel.21.cloned.1.call-start
scs
__scs_entry_jumppad:
0x0: {  	(pc) =	sbr.rel $0x88, $3  }
0x1: {  	(tag) =	ssettag $0x0;
	lr =	simm.s32 $0x1  }
0x2: {  	[smem:$0x3F92] =	sst lr;
	_ =	strace $0xD0000000  }
0x3: {  	_ = 	snop  }
0x4: {  	_ = 	snop  }
0x5: {  	_ = 	snop  }
0x6: {  	_ = 	snop  }
0x7: {  	_ = 	snop  }
__scs_overlays_trampoline_lowered:
0x8: {  	[smem:$0x3FA1] =	sst s0  }
0x9: {  	[smem:$0x3FA2] =	sst s1  }
0xa: {  	[smem:$0x3FA3] =	sst s2  }
0xb: {  	[smem:$0x3FA4] =	sst s3  }
0xc: {  	[smem:$0x3FA5] =	sst s4  }
0xd: {  	[smem:$0x3FA6] =	sst s5  }
0xe: {  	[smem:$0x3FA7] =	sst s6  }
0xf: {  	[smem:$0x3FA8] =	sst s7  }
0x10: {  	[smem:$0x3FA9] =	sst s8  }
0x11: {  	[smem:$0x3FAA] =	sst s9;
	s0 =	simm.s32 @!p0 $0x0  }
0x12: {  	s1 =	sld [smem:$0x3F90];
	s0 =	simm.s32 @p0 $0x1  }
0x13: {  	[smem:$0x3FAB] =	sst s0;
	s0 =	simm.s32 @!p1 $0x0  }
0x14: {  	s2 =	sld [smem:$0x3F8F];
	s0 =	simm.s32 @p1 $0x1  }
0x15: {  	[smem:$0x3FAC] =	sst s0;
	s0 =	simm.s32 @!p2 $0x0  }
0x16: {  	s3 =	sld [smem:$0x3FDB];
	s0 =	simm.s32 @p2 $0x1  }
0x17: {  	s4 =	simm.s32 $0x1BF5;
	[smem:$0x3FAE] =	sst s0  }
0x18: {  	s0 =	sld [smem:$0x3F91];
	_ =	swait.ge [sflag:s4], $0x0  }
0x19: {  	s7 =	sld [smem:$0x3F92]  }
0x1a: {  	s8 =	sadd.s32 $0xFFFFE003, lr  }
0x1b: {  	s9 =	sadd.s32 $0xFFFFFEF7, lr;
	s5 =	simm.s32 $0xFFFFFFFF;
	p2 =	slt.u32 s8, $0xFFFFF086  }
0x1c: {  	p1 =	slt.u32 s9, $0xF7A;
	s5 =	simm.s32 @!p2 $0x0  }
0x1d: {  	s5 =	simm.s32 @p1 $0x1;
	p0 =	seq.s32 s7, s2  }
0x1e: {  	s7 =	smul.u32 @!p0 $0xF7A, s2;
	p2 =	seq.s32 @!p0 s5, $0x0  }
0x1f: {  	s9 =	smul.u32 $0xF7A, s1;
	s8 =	simm.s32 @!p0 $0x1BF5;
	p2 =	por !p2, p0  }
0x20: {  	[sflag:s8] =	ssyncset.s32 @!p0 $0xFFFFF086;
	s6 =	sadd.s32 @!p0 s3, s7;
	s7 =	simm.s32 @!p0 $0x108  }
0x21: {  	s3 =	sadd.s32 s3, s9;
	s6 =	sadd.s32 @!p0 $0x88, s6;
	s7 =	simm.s32 @p2 $0x1082  }
0x22: {  	[simem:s7], [sflag:s8] =	dma.local @!p0 [hbm:s6], $0xF7A  }
0x23: {  	s9 =	sor.u32 $0xD0000000, s2;
	s6 =	simm.s32 $0x108;
	_ =	swait.ge @!p0 [sflag:s8], $0x0  }
0x24: {  	s3 =	sadd.s32 $0x88, s3;
	s6 =	simm.s32 @!p1 $0x1082;
	[sflag:s4] =	ssyncset.s32 $0xFFFFF086  }
0x25: {  	[simem:s6], [sflag:s4] =	dma.local [hbm:s3], $0xF7A  }
0x26: {  	[smem:$0x3F92] =	sst s1;
	(tag) =	ssettag s2;
	_ =	strace s9  }
0x27: {  	s1 =	sld [smem:$0x3FA2]  }
0x28: {  	s2 =	sld [smem:$0x3FA3]  }
0x29: {  	s4 =	sld [smem:$0x3FA5]  }
0x2a: {  	p0 =	seq.s32 s5, $0x0;
	s5 =	sld [smem:$0x3FA6]  }
0x2b: {  	s6 =	sld [smem:$0x3FA7]  }
0x2c: {  	s7 =	sld [smem:$0x3FA8]  }
0x2d: {  	s3 =	simm.s32 $0x108;
	s8 =	sld [smem:$0x3FA9]  }
0x2e: {  	s3 =	simm.s32 @!p0 $0x1082;
	s9 =	sld [smem:$0x3FAA]  }
0x2f: {  	lr =	sadd.s32 s0, s3;
	s0 =	sld [smem:$0x3FA1]  }
0x30: {  	s3 =	sld [smem:$0x3FA4]  }
0x31: {  	[smem:$0x3FAD] =	sst s10  }
0x32: {  	s10 =	sld [smem:$0x3FAB];
	_ =	sdelay $0x3  }
0x33: {  	p0 =	seq.s32 s10, $0x1;
	s10 =	sld [smem:$0x3FAD];
	_ =	sdelay $0x3  }
0x34: {  	[smem:$0x3FAD] =	sst s10  }
0x35: {  	s10 =	sld [smem:$0x3FAC];
	_ =	sdelay $0x3  }
0x36: {  	p1 =	seq.s32 s10, $0x1;
	s10 =	sld [smem:$0x3FAD];
	_ =	sdelay $0x3  }
0x37: {  	[smem:$0x3FAD] =	sst s10  }
0x38: {  	s10 =	sld [smem:$0x3FAE]  }
0x39: {  	_ = 	snop;
	(pc) =	sbr.ind lr, $3  }
0x3a: {  	_ = 	snop  }
0x3b: {  	_ = 	snop  }
0x3c: {  	p2 =	seq.s32 s10, $0x1;
	s10 =	sld [smem:$0x3FAD]  }
0x3d: {  	_ =	shalt  }
0x3e: {  	_ =	shalt  }
0x3f: {  	_ =	shalt  }
0x40: {  	_ =	shalt  }
0x41: {  	_ =	shalt  }
0x42: {  	_ =	shalt  }
0x43: {  	_ =	shalt  }
0x44: {  	_ =	shalt  }
0x45: {  	_ =	shalt  }
0x46: {  	_ =	shalt  }
0x47: {  	_ =	shalt  }
0x48: {  	_ =	shalt  }
0x49: {  	_ =	shalt  }
0x4a: {  	_ =	shalt  }
0x4b: {  	_ =	shalt  }
0x4c: {  	_ =	shalt  }
0x4d: {  	_ =	shalt  }
0x4e: {  	_ =	shalt  }
0x4f: {  	_ =	shalt  }
0x50: {  	_ =	shalt  }
0x51: {  	_ =	shalt  }
0x52: {  	_ =	shalt  }
0x53: {  	_ =	shalt  }
0x54: {  	_ =	shalt  }
0x55: {  	_ =	shalt  }
0x56: {  	_ =	shalt  }
0x57: {  	_ =	shalt  }
0x58: {  	_ =	shalt  }
0x59: {  	_ =	shalt  }
0x5a: {  	_ =	shalt  }
0x5b: {  	_ =	shalt  }
0x5c: {  	_ =	shalt  }
0x5d: {  	_ =	shalt  }
0x5e: {  	_ =	shalt  }
0x5f: {  	_ =	shalt  }
0x60: {  	_ =	shalt  }
0x61: {  	_ =	shalt  }
0x62: {  	_ =	shalt  }
0x63: {  	_ =	shalt  }
0x64: {  	_ =	shalt  }
0x65: {  	_ =	shalt  }
0x66: {  	_ =	shalt  }
0x67: {  	_ =	shalt  }
0x68: {  	_ =	shalt  }
0x69: {  	_ =	shalt  }
0x6a: {  	_ =	shalt  }
0x6b: {  	_ =	shalt  }
0x6c: {  	_ =	shalt  }
0x6d: {  	_ =	shalt  }
0x6e: {  	_ =	shalt  }
0x6f: {  	_ =	shalt  }
0x70: {  	_ =	shalt  }
0x71: {  	_ =	shalt  }
0x72: {  	_ =	shalt  }
0x73: {  	_ =	shalt  }
0x74: {  	_ =	shalt  }
0x75: {  	_ =	shalt  }
0x76: {  	_ =	shalt  }
0x77: {  	_ =	shalt  }
0x78: {  	_ =	shalt  }
0x79: {  	_ =	shalt  }
0x7a: {  	_ =	shalt  }
0x7b: {  	_ =	shalt  }
0x7c: {  	_ =	shalt  }
0x7d: {  	_ =	shalt  }
0x7e: {  	_ =	shalt  }
0x7f: {  	_ =	shalt  }
0x80: {  	_ =	shalt  }
0x81: {  	_ =	shalt  }
0x82: {  	_ =	shalt  }
0x83: {  	_ =	shalt  }
0x84: {  	_ =	shalt  }
0x85: {  	_ =	shalt  }
0x86: {  	_ =	shalt  }
0x87: {  	_ =	shalt  }
.Lfunc_end0:
.L_simem_size_0:
called_computation.4_lowered:
.L_overlay_start_0:
0x88: {  	s2 =	sld [smem:$0x3FD9]  }
0x89: {  	s3 =	sld [smem:$0x3FFE];
	_ =	sdelay $0x1  }
0x8a: {  	s1 =	srdreg.scid  }
0x8b: {  	s0 =	sand.u32 $0x1, s1  }
0x8c: {  	s17 =	sshll.u32 s0, $0xA;
	s2 =	sadd.s32 s3, s2  }
0x8d: {  	s2 =	sadd.s32 s2, s17  }
0x8e: {  	[smem:$0x3FB9] =	sst s2  }
0x8f: {  	_ = 	snop  }
0x90: {  	s2 =	sld [smem:$0x3FD0];
	(tm) =	ssettm $0x1  }
0x91: {  	s18 =	sld [smem:$0x3FFB];
	_ =	sdelay $0x3  }
0x92: {  	_ =	strace s18  }
0x93: {  	s3 =	sld [smem:$0x3FFC];
	_ =	sdelay $0x3  }
0x94: {  	_ =	strace s3  }
0x95: {  	s3 =	sld [smem:$0x3FFD];
	_ =	sdelay $0x3  }
0x96: {  	_ =	strace s3  }
0x97: {  	_ =	strace $0x8FFFFFFF  }
0x98: {  	s19 =	sld [smem:$0x3FDB];
	_ =	sdelay $0x1  }
0x99: {  	s4 =	simm.s32 $_scs_section_size  }
0x9a: {  	s5 =	simm.s32 $_size__tile_overlayer_lowered;
	s6 =	simm.s32 $_tile_overlayer_lowered  }
0x9b: {  	s22 =	simm.s32 $0x1BFF;
	s21 =	sshll.u32 s6, $0x1;
	s3 =	sadd.s32 s4, s19  }
0x9c: {  	s7 =	simm.s32 $0x0;
	s20 =	sshll.u32 s5, $0x1;
	s5 =	sadd.s32 s21, s3  }
0x9d: {  	[timem:s7], [sflag:s22] =	dma.local [hbm:s5], s20  }
0x9e: {  	_ =	swait.ge [sflag:s22], s20  }
0x9f: {  	s4 =	ssub.s32 $0x0, s20;
	[sflag:s22] =	ssyncset.done $0x0  }
0xa0: {  	[sflag:s22] =	ssyncadd.s32 s4;
	_ =	sdelay $0x1  }
0xa1: {  	s23 =	simm.s32 $0x1B8B  }
0xa2: {  	_ =	swait.ge [sflag:s23], $0x1  }
0xa3: {  	[sflag:s23] =	ssyncset.done $0x0  }
0xa4: {  	s25 =	simm.s32 $0x1B8E;
	s24 =	sld [smem:$0x3FFE];
	[sflag:s23] =	ssyncadd.s32 $0xFFFFFFFF  }
0xa5: {  	s26 =	simm.s32 $execute0_lowered;
	[smem:$0x3FD2] =	sst s25  }
0xa6: {  	s5 =	sshll.u32 s26, $0x1;
	_ =	strace $0x80000049;
	[dreg:$0x1] =	wrdreg $0xFFFFFFFF  }
0xa7: {  	s28 =	simm.s32 $_size_execute0_lowered;
	s3 =	sadd.s32 s3, s5;
	[dreg:$0x0] =	wrdreg $0x0  }
0xa8: {  	s5 =	sshll.u32 s28, $0x1;
	[dreg:$0x2] =	wrdreg s3  }
0xa9: {  	[dreg:$0x3] =	wrdreg s5  }
0xaa: {  	[dreg:$0x4] =	wrdreg $0xC0  }
0xab: {  	_ =	task [dreg:s7], $0x5FFFF  }
0xac: {  	[dreg:$0x1] =	wrdreg $0xFFFFFFFF  }
0xad: {  	[dreg:$0x0] =	wrdreg $0x60  }
0xae: {  	[dreg:$0x2] =	wrdreg s2  }
0xaf: {  	[dreg:$0x3] =	wrdreg s24  }
0xb0: {  	[dreg:$0x4] =	wrdreg $0x9  }
0xb1: {  	_ =	task.clear_ibuf [dreg:s7], $0x5FFFF;
	_ =	strace $0x90000049  }
0xb2: {  	s29 =	simm.s32 $0x9;
	_ =	strace $0x8000004B  }
0xb3: {  	_ =	swait.ge [sflag:s29], $0x1  }
0xb4: {  	[sflag:s29] =	ssyncadd.s32 $0xFFFFFFFF  }
0xb5: {  	_ =	strace $0x9000004B  }
0xb6: {  	_ =	sfence  }
0xb7: {  	s30 =	sld [smem:$0x0];
	_ =	sdelay $0x2  }
0xb8: {  	s31 =	sshll.u32 s1, $0xD;
	s1 =	sshrl.u32 s1, $0x2  }
0xb9: {  	s3 =	sand.u32 $0x4000, s31;
	s1 =	sadd.s32 s1, s30  }
0xba: {  	s0 =	sor.u32 s3, s0;
	s1 =	sshll.u32 s1, $0x11  }
0xbb: {  	s0 =	sor.u32 s1, s0  }
0xbc: {  	s0 =	sadd.s32 $0x8F2B, s0  }
0xbd: {  	[sflag:s0] =	ssyncadd.remote.s32 $0x1  }
0xbe: {  	_ =	sfence.sel $0xFFFF  }
0xbf: {  	[dreg:$0x0] =	wrdreg $0xFFFFFFFF;
	(pc) =	sbr.abs _section_cstart, $3  }
0xc0: {  	[dreg:$0x1] =	wrdreg $0xFFFFFFFF  }
0xc1: {  	_ =	task.clear_ibuf [dreg:s7], $0x2FFFF;
	_ =	strace $0x9FFFFFFF  }
0xc2: {  	(tm) =	ssettm $0x7FFFFFFF  }
0xc3: {  	_ =	shalt  }
tec
execute0_lowered:
.L_overlay_start_1:
0x0: {  	(tag) =	ssettag $0x1  }
0x1: {  	s2 =	rddreg [dreg:$0x0]  }
0x2: {  	s1 =	srdreg.scid;
	s0 =	stileid.u32  }
0x3: {  	s5 =	rddreg [dreg:$0x1];
	s3 =	simm.s32 $0x0;
	s15 =	simm.s32 $0x400  }
0x4: {  	s16 =	simm.s32 $0xCC00;
	s17 =	simm.s32 $0xCE00;
	s18 =	simm.s32 $0x6800  }
0x5: {  	s19 =	simm.s32 $0xCD00;
	s20 =	simm.s32 $0x2C8;
	s21 =	simm.s32 $0xCF00  }
0x6: {  	s22 =	simm.s32 $0x1;
	s23 =	simm.s32 $0x2;
	s24 =	simm.s32 $0x0  }
0x7: {  	s6 =	sand.u32 $0x1, s1;
	s4 =	smul.u32 $0x4E20, s0;
	s1 =	rddreg [dreg:$0x2]  }
0x8: {  	[smem:$0x7FF] =	sst s3;
	s9 =	smul.u32 $0x4E200, s0;
	s12 =	sadd.s32 $0x69400, s5  }
0x9: {  	s14 =	sadd.s32 $0x73200, s5;
	s7 =	smul.u32 $0x2710, s6;
	_ =	strace $0x8000004A  }
0xa: {  	s11 =	ssub.s32 $0x2, s6;
	s6 =	smul.u32 $0x27100, s6;
	s9 =	sadd.s32 s9, s5  }
0xb: {  	s13 =	sshrl.u32 s11, $0x1;
	s8 =	sadd.s32 s7, s4;
	s4 =	sadd.s32 $0x1A600, s5  }
0xc: {  	s29 =	ssub.s32 s11, s13;
	s6 =	sadd.s32 s6, s9;
	s13 =	simm.s32 $0x200  }
0xd: {  	s7 =	sshrl.u32 s8, $0x3;
	s6 =	sadd.s32 $0x7D000, s6;
	s31 =	sadd.s32 $0xC8, s8  }
0xe: {  	s10 =	sadd.s32 s7, s5;
	s5 =	smax.u32 s29, $0x1;
	s30 =	sadd.s32 s7, s14  }
0xf: {  	s7 =	sadd.s32 s7, s12;
	s11 =	sshrl.u32 s31, $0x3;
	[dreg:$0x3] =	wrdreg s30  }
0x10: {  	s8 =	sadd.s32 $0x10200, s10;
	s9 =	sadd.s32 $0x6400, s10;
	s10 =	sadd.s32 s11, s14  }
0x11: {  	s11 =	sadd.s32 s11, s12;
	s12 =	simm.s32 $0x3;
	s14 =	simm.s32 $0xC8  }
.LBB2_1:
0x12: {  	s25 =	sadd.s32 $0x0, s9  }
0x13: {  	[tilespmem:s3], [sflag:$0x3] =	stream.linear.gather [hbm4b:s25+s3], $0x190, $0x38;
	[tilespmem:$0xD000] =	vst v63  }
0x14: {  	_ =	swait.ge [sflag:s12], $0x190  }
0x15: {  	[sflag:s12] =	ssyncset.done $0x0  }
0x16: {  	s29 =	sadd.s32 $0x0, s8;
	[sflag:s12] =	ssyncadd.s32 $0xFFFFFE70  }
0x17: {  	[tilespmem:s13], [sflag:$0x3] =	stream.linear.gather [hbm4b:s29+s3], $0x190, $0x38;
	[tilespmem:$0xD000] =	vst v63  }
0x18: {  	_ =	swait.ge [sflag:s12], $0x190  }
0x19: {  	[sflag:s12] =	ssyncset.done $0x0  }
0x1a: {  	[sflag:s12] =	ssyncadd.s32 $0xFFFFFE70  }
0x1b: {  	[tilespmem:s15], [sflag:$0x1] =	stream.indirect.gather [hbm4b:s2+s14], $0x80, s3, s14, $0xb8;
	[tilespmem:$0xD000] =	vst v63  }
0x1c: {  	_ = 	snop  }
0x1d: {  	[tilespmem:s16], [sflag:$0x2] =	stream.indirect.gather [hbm4b:s4+s14], $0x1, s3, s14, $0xb8;
	[tilespmem:$0xD000] =	vst v63  }
0x1e: {  	_ = 	snop  }
0x1f: {  	[tilespmem:s17], [sflag:$0x2] =	stream.indirect.gather [hbm4b:s4+s14], $0x1, s13, s14, $0xb8;
	[tilespmem:$0xD000] =	vst v63  }
0x20: {  	_ = 	snop  }
0x21: {  	[tilespmem:s18], [sflag:$0x1] =	stream.indirect.gather [hbm4b:s2+s14], $0x80, s14, s14, $0xb8;
	[tilespmem:$0xD000] =	vst v63  }
0x22: {  	_ = 	snop  }
0x23: {  	[tilespmem:s19], [sflag:$0x2] =	stream.indirect.gather [hbm4b:s4+s14], $0x1, s14, s14, $0xb8;
	[tilespmem:$0xD000] =	vst v63  }
0x24: {  	_ = 	snop  }
0x25: {  	[tilespmem:s21], [sflag:$0x2] =	stream.indirect.gather [hbm4b:s4+s14], $0x1, s20, s14, $0xb8;
	[tilespmem:$0xD000] =	vst v63  }
0x26: {  	_ =	swait.ge [sflag:s22], $0x6400  }
0x27: {  	[sflag:s22] =	ssyncset.done $0x0  }
0x28: {  	[sflag:s22] =	ssyncadd.s32 $0xFFFF9C00  }
0x29: {  	[hbm4b:s6+s3] =	stream.linear.scatter [tilespmem:s15], [sflag:$0x3], $0x6400, $0x38;
	[tilespmem:$0xD000] =	vst v63  }
0x2a: {  	_ =	swait.ge [sflag:s12], $0x6400  }
0x2b: {  	[sflag:s12] =	ssyncset.done $0x0  }
0x2c: {  	[sflag:s12] =	ssyncadd.s32 $0xFFFF9C00  }
0x2d: {  	_ =	swait.ge [sflag:s23], $0xC8  }
0x2e: {  	[sflag:s23] =	ssyncset.done $0x0  }
0x2f: {  	s31 =	sadd.s32 $0x0, s7;
	[sflag:s23] =	ssyncadd.s32 $0xFFFFFF38  }
0x30: {  	[hbm4b:s31+s3] =	stream.linear.scatter [tilespmem:s16], [sflag:$0x3], $0xC8, $0x38;
	[tilespmem:$0xD000] =	vst v63  }
0x31: {  	_ =	swait.ge [sflag:s12], $0xC8  }
0x32: {  	[sflag:s12] =	ssyncset.done $0x0  }
0x33: {  	[sflag:s12] =	ssyncadd.s32 $0xFFFFFF38  }
0x34: {  	_ =	swait.ge [sflag:s23], $0xC8  }
0x35: {  	s26 =	rddreg [dreg:$0x3];
	[sflag:s23] =	ssyncset.done $0x0  }
0x36: {  	[sflag:s23] =	ssyncadd.s32 $0xFFFFFF38;
	s25 =	sadd.s32 $0x0, s26  }
0x37: {  	[hbm4b:s25+s3] =	stream.linear.scatter [tilespmem:s17], [sflag:$0x3], $0xC8, $0x38;
	[tilespmem:$0xD000] =	vst v63  }
0x38: {  	_ =	swait.ge [sflag:s12], $0xC8  }
0x39: {  	[sflag:s12] =	ssyncset.done $0x0  }
0x3a: {  	[sflag:s12] =	ssyncadd.s32 $0xFFFFFF38  }
0x3b: {  	_ =	swait.ge [sflag:s22], $0x6400  }
0x3c: {  	[sflag:s22] =	ssyncset.done $0x0  }
0x3d: {  	s28 =	sadd.s32 $0xC80, s6;
	[sflag:s22] =	ssyncadd.s32 $0xFFFF9C00  }
0x3e: {  	[hbm4b:s28+s3] =	stream.linear.scatter [tilespmem:s18], [sflag:$0x3], $0x6400, $0x38;
	[tilespmem:$0xD000] =	vst v63  }
0x3f: {  	_ =	swait.ge [sflag:s12], $0x6400  }
0x40: {  	[sflag:s12] =	ssyncset.done $0x0  }
0x41: {  	[sflag:s12] =	ssyncadd.s32 $0xFFFF9C00  }
0x42: {  	_ =	swait.ge [sflag:s23], $0xC8  }
0x43: {  	[sflag:s23] =	ssyncset.done $0x0  }
0x44: {  	s29 =	sadd.s32 $0x0, s11;
	[sflag:s23] =	ssyncadd.s32 $0xFFFFFF38  }
0x45: {  	[hbm4b:s29+s3] =	stream.linear.scatter [tilespmem:s19], [sflag:$0x3], $0xC8, $0x38;
	[tilespmem:$0xD000] =	vst v63  }
0x46: {  	_ =	swait.ge [sflag:s12], $0xC8  }
0x47: {  	[sflag:s12] =	ssyncset.done $0x0  }
0x48: {  	[sflag:s12] =	ssyncadd.s32 $0xFFFFFF38  }
0x49: {  	_ =	swait.ge [sflag:s23], $0xC8  }
0x4a: {  	[sflag:s23] =	ssyncset.done $0x0  }
0x4b: {  	s31 =	sadd.s32 $0x0, s10;
	[sflag:s23] =	ssyncadd.s32 $0xFFFFFF38  }
0x4c: {  	[hbm4b:s31+s3] =	stream.linear.scatter [tilespmem:s21], [sflag:$0x3], $0xC8, $0x38;
	[tilespmem:$0xD000] =	vst v63  }
0x4d: {  	s30 =	simm.s32 $0x64;
	_ =	swait.ge [sflag:s12], $0xC8  }
0x4e: {  	s26 =	sadd.s32 $0x1900, s6;
	s25 =	simm.s32 $0x32;
	[sflag:s12] =	ssyncset.done $0x0  }
.LBB2_2:
0x4f: {  	s31 =	sadd.s32 s25, s9;
	[sflag:s12] =	ssyncadd.s32 $0xFFFFFF38  }
0x50: {  	[tilespmem:s3], [sflag:$0x3] =	stream.linear.gather [hbm4b:s31+s3], $0x190, $0x38;
	[tilespmem:$0xD000] =	vst v63  }
0x51: {  	_ =	swait.ge [sflag:s12], $0x190  }
0x52: {  	s29 =	smov.u32 s30;
	s28 =	sadd.s32 $0x32, s30;
	[sflag:s12] =	ssyncset.done $0x0  }
0x53: {  	p0 =	sne.s32 s30, $0x4B0;
	s30 =	sadd.s32 s25, s8;
	[sflag:s12] =	ssyncadd.s32 $0xFFFFFE70  }
0x54: {  	[tilespmem:s13], [sflag:$0x3] =	stream.linear.gather [hbm4b:s30+s3], $0x190, $0x38;
	[tilespmem:$0xD000] =	vst v63  }
0x55: {  	_ =	swait.ge [sflag:s12], $0x190  }
0x56: {  	[sflag:s12] =	ssyncset.done $0x0  }
0x57: {  	[sflag:s12] =	ssyncadd.s32 $0xFFFFFE70  }
0x58: {  	[tilespmem:s15], [sflag:$0x1] =	stream.indirect.gather [hbm4b:s2+s14], $0x80, s3, s14, $0xb8;
	[tilespmem:$0xD000] =	vst v63  }
0x59: {  	_ = 	snop  }
0x5a: {  	[tilespmem:s16], [sflag:$0x2] =	stream.indirect.gather [hbm4b:s4+s14], $0x1, s3, s14, $0xb8;
	[tilespmem:$0xD000] =	vst v63  }
0x5b: {  	_ = 	snop  }
0x5c: {  	[tilespmem:s17], [sflag:$0x2] =	stream.indirect.gather [hbm4b:s4+s14], $0x1, s13, s14, $0xb8;
	[tilespmem:$0xD000] =	vst v63  }
0x5d: {  	_ = 	snop  }
0x5e: {  	[tilespmem:s18], [sflag:$0x1] =	stream.indirect.gather [hbm4b:s2+s14], $0x80, s14, s14, $0xb8;
	[tilespmem:$0xD000] =	vst v63  }
0x5f: {  	_ = 	snop  }
0x60: {  	[tilespmem:s19], [sflag:$0x2] =	stream.indirect.gather [hbm4b:s4+s14], $0x1, s14, s14, $0xb8;
	[tilespmem:$0xD000] =	vst v63  }
0x61: {  	_ = 	snop  }
0x62: {  	[tilespmem:s21], [sflag:$0x2] =	stream.indirect.gather [hbm4b:s4+s14], $0x1, s20, s14, $0xb8;
	[tilespmem:$0xD000] =	vst v63  }
0x63: {  	_ =	swait.ge [sflag:s22], $0x6400  }
0x64: {  	[sflag:s22] =	ssyncset.done $0x0  }
0x65: {  	[sflag:s22] =	ssyncadd.s32 $0xFFFF9C00  }
0x66: {  	[hbm4b:s26+s3] =	stream.linear.scatter [tilespmem:s15], [sflag:$0x3], $0x6400, $0x38;
	[tilespmem:$0xD000] =	vst v63  }
0x67: {  	_ =	swait.ge [sflag:s12], $0x6400  }
0x68: {  	[sflag:s12] =	ssyncset.done $0x0  }
0x69: {  	[sflag:s12] =	ssyncadd.s32 $0xFFFF9C00  }
0x6a: {  	_ =	swait.ge [sflag:s23], $0xC8  }
0x6b: {  	[sflag:s23] =	ssyncset.done $0x0  }
0x6c: {  	s30 =	sadd.s32 s25, s7;
	[sflag:s23] =	ssyncadd.s32 $0xFFFFFF38  }
0x6d: {  	[hbm4b:s30+s3] =	stream.linear.scatter [tilespmem:s16], [sflag:$0x3], $0xC8, $0x38;
	[tilespmem:$0xD000] =	vst v63  }
0x6e: {  	_ =	swait.ge [sflag:s12], $0xC8  }
0x6f: {  	[sflag:s12] =	ssyncset.done $0x0  }
0x70: {  	[sflag:s12] =	ssyncadd.s32 $0xFFFFFF38  }
0x71: {  	_ =	swait.ge [sflag:s23], $0xC8  }
0x72: {  	s30 =	rddreg [dreg:$0x3];
	[sflag:s23] =	ssyncset.done $0x0  }
0x73: {  	[sflag:s23] =	ssyncadd.s32 $0xFFFFFF38;
	s30 =	sadd.s32 s25, s30  }
0x74: {  	[hbm4b:s30+s3] =	stream.linear.scatter [tilespmem:s17], [sflag:$0x3], $0xC8, $0x38;
	[tilespmem:$0xD000] =	vst v63  }
0x75: {  	_ =	swait.ge [sflag:s12], $0xC8  }
0x76: {  	[sflag:s12] =	ssyncset.done $0x0  }
0x77: {  	[sflag:s12] =	ssyncadd.s32 $0xFFFFFF38  }
0x78: {  	_ =	swait.ge [sflag:s22], $0x6400  }
0x79: {  	[sflag:s22] =	ssyncset.done $0x0  }
0x7a: {  	s30 =	sadd.s32 $0xC80, s26;
	[sflag:s22] =	ssyncadd.s32 $0xFFFF9C00  }
0x7b: {  	[hbm4b:s30+s3] =	stream.linear.scatter [tilespmem:s18], [sflag:$0x3], $0x6400, $0x38;
	[tilespmem:$0xD000] =	vst v63  }
0x7c: {  	_ =	swait.ge [sflag:s12], $0x6400  }
0x7d: {  	[sflag:s12] =	ssyncset.done $0x0  }
0x7e: {  	[sflag:s12] =	ssyncadd.s32 $0xFFFF9C00  }
0x7f: {  	_ =	swait.ge [sflag:s23], $0xC8  }
0x80: {  	[sflag:s23] =	ssyncset.done $0x0  }
0x81: {  	s30 =	sadd.s32 s25, s11;
	[sflag:s23] =	ssyncadd.s32 $0xFFFFFF38  }
0x82: {  	[hbm4b:s30+s3] =	stream.linear.scatter [tilespmem:s19], [sflag:$0x3], $0xC8, $0x38;
	[tilespmem:$0xD000] =	vst v63  }
0x83: {  	_ =	swait.ge [sflag:s12], $0xC8  }
0x84: {  	[sflag:s12] =	ssyncset.done $0x0  }
0x85: {  	[sflag:s12] =	ssyncadd.s32 $0xFFFFFF38  }
0x86: {  	_ =	swait.ge [sflag:s23], $0xC8  }
.Ltmp0:
0x87: {  	[sflag:s23] =	ssyncset.done $0x0;
	(pc) =	sbr.rel @p0 .LBB2_2-.Ltmp0, $4  }
0x88: {  	s30 =	sadd.s32 s25, s10;
	[sflag:s23] =	ssyncadd.s32 $0xFFFFFF38  }
0x89: {  	[hbm4b:s30+s3] =	stream.linear.scatter [tilespmem:s21], [sflag:$0x3], $0xC8, $0x38;
	[tilespmem:$0xD000] =	vst v63  }
0x8a: {  	s26 =	sadd.s32 $0x1900, s26;
	_ =	swait.ge [sflag:s12], $0xC8  }
0x8b: {  	s25 =	smov.u32 s29;
	s30 =	smov.u32 s28;
	[sflag:s12] =	ssyncset.done $0x0  }
0x8c: {  	s28 =	sadd.s32 s25, s9;
	[sflag:s12] =	ssyncadd.s32 $0xFFFFFF38  }
0x8d: {  	[tilespmem:s3], [sflag:$0x3] =	stream.linear.gather [hbm4b:s28+s3], $0x190, $0x38;
	[tilespmem:$0xD000] =	vst v63  }
0x8e: {  	_ =	swait.ge [sflag:s12], $0x190  }
0x8f: {  	[sflag:s12] =	ssyncset.done $0x0  }
0x90: {  	s29 =	sadd.s32 s25, s8;
	[sflag:s12] =	ssyncadd.s32 $0xFFFFFE70  }
0x91: {  	[tilespmem:s13], [sflag:$0x3] =	stream.linear.gather [hbm4b:s29+s3], $0x190, $0x38;
	[tilespmem:$0xD000] =	vst v63  }
0x92: {  	_ =	swait.ge [sflag:s12], $0x190  }
0x93: {  	[sflag:s12] =	ssyncset.done $0x0  }
0x94: {  	[sflag:s12] =	ssyncadd.s32 $0xFFFFFE70  }
0x95: {  	[tilespmem:s15], [sflag:$0x1] =	stream.indirect.gather [hbm4b:s2+s14], $0x80, s3, s14, $0xb8;
	[tilespmem:$0xD000] =	vst v63  }
0x96: {  	_ = 	snop  }
0x97: {  	[tilespmem:s16], [sflag:$0x2] =	stream.indirect.gather [hbm4b:s4+s14], $0x1, s3, s14, $0xb8;
	[tilespmem:$0xD000] =	vst v63  }
0x98: {  	_ = 	snop  }
0x99: {  	[tilespmem:s17], [sflag:$0x2] =	stream.indirect.gather [hbm4b:s4+s14], $0x1, s13, s14, $0xb8;
	[tilespmem:$0xD000] =	vst v63  }
0x9a: {  	_ = 	snop  }
0x9b: {  	[tilespmem:s18], [sflag:$0x1] =	stream.indirect.gather [hbm4b:s2+s14], $0x80, s14, s14, $0xb8;
	[tilespmem:$0xD000] =	vst v63  }
0x9c: {  	_ = 	snop  }
0x9d: {  	[tilespmem:s19], [sflag:$0x2] =	stream.indirect.gather [hbm4b:s4+s14], $0x1, s14, s14, $0xb8;
	[tilespmem:$0xD000] =	vst v63  }
0x9e: {  	_ = 	snop  }
0x9f: {  	[tilespmem:s21], [sflag:$0x2] =	stream.indirect.gather [hbm4b:s4+s14], $0x1, s20, s14, $0xb8;
	[tilespmem:$0xD000] =	vst v63  }
0xa0: {  	_ =	swait.ge [sflag:s22], $0x6400  }
0xa1: {  	[sflag:s22] =	ssyncset.done $0x0  }
0xa2: {  	[sflag:s22] =	ssyncadd.s32 $0xFFFF9C00  }
0xa3: {  	[hbm4b:s26+s3] =	stream.linear.scatter [tilespmem:s15], [sflag:$0x3], $0x6400, $0x38;
	[tilespmem:$0xD000] =	vst v63  }
0xa4: {  	_ =	swait.ge [sflag:s12], $0x6400  }
0xa5: {  	[sflag:s12] =	ssyncset.done $0x0  }
0xa6: {  	[sflag:s12] =	ssyncadd.s32 $0xFFFF9C00  }
0xa7: {  	_ =	swait.ge [sflag:s23], $0xC8  }
0xa8: {  	[sflag:s23] =	ssyncset.done $0x0  }
0xa9: {  	s30 =	sadd.s32 s25, s7;
	[sflag:s23] =	ssyncadd.s32 $0xFFFFFF38  }
0xaa: {  	[hbm4b:s30+s3] =	stream.linear.scatter [tilespmem:s16], [sflag:$0x3], $0xC8, $0x38;
	[tilespmem:$0xD000] =	vst v63  }
0xab: {  	_ =	swait.ge [sflag:s12], $0xC8  }
0xac: {  	[sflag:s12] =	ssyncset.done $0x0  }
0xad: {  	[sflag:s12] =	ssyncadd.s32 $0xFFFFFF38  }
0xae: {  	_ =	swait.ge [sflag:s23], $0xC8  }
0xaf: {  	s31 =	rddreg [dreg:$0x3];
	[sflag:s23] =	ssyncset.done $0x0  }
0xb0: {  	[sflag:s23] =	ssyncadd.s32 $0xFFFFFF38;
	s28 =	sadd.s32 s25, s31  }
0xb1: {  	[hbm4b:s28+s3] =	stream.linear.scatter [tilespmem:s17], [sflag:$0x3], $0xC8, $0x38;
	[tilespmem:$0xD000] =	vst v63  }
0xb2: {  	_ =	swait.ge [sflag:s12], $0xC8  }
0xb3: {  	[sflag:s12] =	ssyncset.done $0x0  }
0xb4: {  	[sflag:s12] =	ssyncadd.s32 $0xFFFFFF38  }
0xb5: {  	_ =	swait.ge [sflag:s22], $0x6400  }
0xb6: {  	[sflag:s22] =	ssyncset.done $0x0  }
0xb7: {  	s29 =	sadd.s32 $0xC80, s26;
	[sflag:s22] =	ssyncadd.s32 $0xFFFF9C00  }
0xb8: {  	[hbm4b:s29+s3] =	stream.linear.scatter [tilespmem:s18], [sflag:$0x3], $0x6400, $0x38;
	[tilespmem:$0xD000] =	vst v63  }
0xb9: {  	_ =	swait.ge [sflag:s12], $0x6400  }
0xba: {  	[sflag:s12] =	ssyncset.done $0x0  }
0xbb: {  	[sflag:s12] =	ssyncadd.s32 $0xFFFF9C00  }
0xbc: {  	_ =	swait.ge [sflag:s23], $0xC8  }
0xbd: {  	[sflag:s23] =	ssyncset.done $0x0  }
0xbe: {  	s30 =	sadd.s32 s25, s11;
	[sflag:s23] =	ssyncadd.s32 $0xFFFFFF38  }
0xbf: {  	[hbm4b:s30+s3] =	stream.linear.scatter [tilespmem:s19], [sflag:$0x3], $0xC8, $0x38;
	[tilespmem:$0xD000] =	vst v63  }
0xc0: {  	_ =	swait.ge [sflag:s12], $0xC8  }
0xc1: {  	[sflag:s12] =	ssyncset.done $0x0  }
0xc2: {  	[sflag:s12] =	ssyncadd.s32 $0xFFFFFF38  }
0xc3: {  	s24 =	sadd.s32 $0x1, s24;
	_ =	swait.ge [sflag:s23], $0xC8  }
0xc4: {  	p0 =	sne.s32 s24, s5;
	[sflag:s23] =	ssyncset.done $0x0  }
.Ltmp1:
0xc5: {  	s31 =	sadd.s32 s25, s10;
	[sflag:s23] =	ssyncadd.s32 $0xFFFFFF38;
	(pc) =	sbr.rel @p0 .LBB2_1-.Ltmp1, $4  }
0xc6: {  	[hbm4b:s31+s3] =	stream.linear.scatter [tilespmem:s21], [sflag:$0x3], $0xC8, $0x38;
	[tilespmem:$0xD000] =	vst v63  }
0xc7: {  	_ =	swait.ge [sflag:s12], $0xC8  }
0xc8: {  	[sflag:s12] =	ssyncset.done $0x0  }
0xc9: {  	[sflag:s12] =	ssyncadd.s32 $0xFFFFFF38  }
0xca: {  	_ =	sfence.sel $0x180000  }
0xcb: {  	[bflag:$0x0] =	sbarrier.arrive $0xFFFF  }
0xcc: {  	p0 =	sne.s32 s0, $0x0;
	_ =	strace $0x9000004A  }
0xcd: {  	s0 =	sadd.s32 @!p0 $0x100000, s1;
	[bflag:$0x2] =	sbarrier.arrive $0xFFFF  }
0xce: {  	[sflag:s0] =	ssyncadd.tile.s32 @!p0 $0x1;
	_ =	shalt  }
.Lfunc_end2:
_tile_overlayer_lowered:
.L_overlay_start_2:
0xcf: {  	(tag) =	ssettag $0x2  }
0xd0: {  	s0 =	rddreg [dreg:$0x0];
	s2 =	stileid.u32  }
0xd1: {  	s1 =	rddreg [dreg:$0x1];
	p0 =	sne.s32 s2, $0x0  }
0xd2: {  	s3 =	rddreg [dreg:$0x2];
	[bflag:$0x3] =	sbarrier.arrive $0xFFFF;
	s2 =	simm.s32 @!p0 $0x1C03  }
0xd3: {  	[timem:s3], [sflag:s2] =	dma.local @!p0 [hbm:s0], s1  }
0xd4: {  	s0 =	simm.s32 @!p0 $0x3  }
0xd5: {  	_ =	swait.ge @!p0 [sflag:s0], s1  }
0xd6: {  	s1 =	ssub.s32 @!p0 $0x0, s1;
	[sflag:s0] =	ssyncset.done @!p0 $0x0  }
0xd7: {  	[sflag:s0] =	ssyncadd.s32 @!p0 s1  }
0xd8: {  	[bflag:$0x3] =	sbarrier.arrive $0xFFFF  }
0xd9: {  	_ =	shalt  }

// kernel: kernel.24.cloned.1.call-start
scs
__scs_entry_jumppad:
0x0: {  	(pc) =	sbr.rel $0x88, $3  }
0x1: {  	(tag) =	ssettag $0x0;
	lr =	simm.s32 $0x1  }
0x2: {  	[smem:$0x3F92] =	sst lr;
	_ =	strace $0xD0000000  }
0x3: {  	_ = 	snop  }
0x4: {  	_ = 	snop  }
0x5: {  	_ = 	snop  }
0x6: {  	_ = 	snop  }
0x7: {  	_ = 	snop  }
__scs_overlays_trampoline_lowered:
0x8: {  	[smem:$0x3FA1] =	sst s0  }
0x9: {  	[smem:$0x3FA2] =	sst s1  }
0xa: {  	[smem:$0x3FA3] =	sst s2  }
0xb: {  	[smem:$0x3FA4] =	sst s3  }
0xc: {  	[smem:$0x3FA5] =	sst s4  }
0xd: {  	[smem:$0x3FA6] =	sst s5  }
0xe: {  	[smem:$0x3FA7] =	sst s6  }
0xf: {  	[smem:$0x3FA8] =	sst s7  }
0x10: {  	[smem:$0x3FA9] =	sst s8  }
0x11: {  	[smem:$0x3FAA] =	sst s9;
	s0 =	simm.s32 @!p0 $0x0  }
0x12: {  	s1 =	sld [smem:$0x3F90];
	s0 =	simm.s32 @p0 $0x1  }
0x13: {  	[smem:$0x3FAB] =	sst s0;
	s0 =	simm.s32 @!p1 $0x0  }
0x14: {  	s2 =	sld [smem:$0x3F8F];
	s0 =	simm.s32 @p1 $0x1  }
0x15: {  	[smem:$0x3FAC] =	sst s0;
	s0 =	simm.s32 @!p2 $0x0  }
0x16: {  	s3 =	sld [smem:$0x3FDB];
	s0 =	simm.s32 @p2 $0x1  }
0x17: {  	s4 =	simm.s32 $0x1BF5;
	[smem:$0x3FAE] =	sst s0  }
0x18: {  	s0 =	sld [smem:$0x3F91];
	_ =	swait.ge [sflag:s4], $0x0  }
0x19: {  	s7 =	sld [smem:$0x3F92]  }
0x1a: {  	s8 =	sadd.s32 $0xFFFFE003, lr  }
0x1b: {  	s9 =	sadd.s32 $0xFFFFFEF7, lr;
	s5 =	simm.s32 $0xFFFFFFFF;
	p2 =	slt.u32 s8, $0xFFFFF086  }
0x1c: {  	p1 =	slt.u32 s9, $0xF7A;
	s5 =	simm.s32 @!p2 $0x0  }
0x1d: {  	s5 =	simm.s32 @p1 $0x1;
	p0 =	seq.s32 s7, s2  }
0x1e: {  	s7 =	smul.u32 @!p0 $0xF7A, s2;
	p2 =	seq.s32 @!p0 s5, $0x0  }
0x1f: {  	s9 =	smul.u32 $0xF7A, s1;
	s8 =	simm.s32 @!p0 $0x1BF5;
	p2 =	por !p2, p0  }
0x20: {  	[sflag:s8] =	ssyncset.s32 @!p0 $0xFFFFF086;
	s6 =	sadd.s32 @!p0 s3, s7;
	s7 =	simm.s32 @!p0 $0x108  }
0x21: {  	s3 =	sadd.s32 s3, s9;
	s6 =	sadd.s32 @!p0 $0x88, s6;
	s7 =	simm.s32 @p2 $0x1082  }
0x22: {  	[simem:s7], [sflag:s8] =	dma.local @!p0 [hbm:s6], $0xF7A  }
0x23: {  	s9 =	sor.u32 $0xD0000000, s2;
	s6 =	simm.s32 $0x108;
	_ =	swait.ge @!p0 [sflag:s8], $0x0  }
0x24: {  	s3 =	sadd.s32 $0x88, s3;
	s6 =	simm.s32 @!p1 $0x1082;
	[sflag:s4] =	ssyncset.s32 $0xFFFFF086  }
0x25: {  	[simem:s6], [sflag:s4] =	dma.local [hbm:s3], $0xF7A  }
0x26: {  	[smem:$0x3F92] =	sst s1;
	(tag) =	ssettag s2;
	_ =	strace s9  }
0x27: {  	s1 =	sld [smem:$0x3FA2]  }
0x28: {  	s2 =	sld [smem:$0x3FA3]  }
0x29: {  	s4 =	sld [smem:$0x3FA5]  }
0x2a: {  	p0 =	seq.s32 s5, $0x0;
	s5 =	sld [smem:$0x3FA6]  }
0x2b: {  	s6 =	sld [smem:$0x3FA7]  }
0x2c: {  	s7 =	sld [smem:$0x3FA8]  }
0x2d: {  	s3 =	simm.s32 $0x108;
	s8 =	sld [smem:$0x3FA9]  }
0x2e: {  	s3 =	simm.s32 @!p0 $0x1082;
	s9 =	sld [smem:$0x3FAA]  }
0x2f: {  	lr =	sadd.s32 s0, s3;
	s0 =	sld [smem:$0x3FA1]  }
0x30: {  	s3 =	sld [smem:$0x3FA4]  }
0x31: {  	[smem:$0x3FAD] =	sst s10  }
0x32: {  	s10 =	sld [smem:$0x3FAB];
	_ =	sdelay $0x3  }
0x33: {  	p0 =	seq.s32 s10, $0x1;
	s10 =	sld [smem:$0x3FAD];
	_ =	sdelay $0x3  }
0x34: {  	[smem:$0x3FAD] =	sst s10  }
0x35: {  	s10 =	sld [smem:$0x3FAC];
	_ =	sdelay $0x3  }
0x36: {  	p1 =	seq.s32 s10, $0x1;
	s10 =	sld [smem:$0x3FAD];
	_ =	sdelay $0x3  }
0x37: {  	[smem:$0x3FAD] =	sst s10  }
0x38: {  	s10 =	sld [smem:$0x3FAE]  }
0x39: {  	_ = 	snop;
	(pc) =	sbr.ind lr, $3  }
0x3a: {  	_ = 	snop  }
0x3b: {  	_ = 	snop  }
0x3c: {  	p2 =	seq.s32 s10, $0x1;
	s10 =	sld [smem:$0x3FAD]  }
0x3d: {  	_ =	shalt  }
0x3e: {  	_ =	shalt  }
0x3f: {  	_ =	shalt  }
0x40: {  	_ =	shalt  }
0x41: {  	_ =	shalt  }
0x42: {  	_ =	shalt  }
0x43: {  	_ =	shalt  }
0x44: {  	_ =	shalt  }
0x45: {  	_ =	shalt  }
0x46: {  	_ =	shalt  }
0x47: {  	_ =	shalt  }
0x48: {  	_ =	shalt  }
0x49: {  	_ =	shalt  }
0x4a: {  	_ =	shalt  }
0x4b: {  	_ =	shalt  }
0x4c: {  	_ =	shalt  }
0x4d: {  	_ =	shalt  }
0x4e: {  	_ =	shalt  }
0x4f: {  	_ =	shalt  }
0x50: {  	_ =	shalt  }
0x51: {  	_ =	shalt  }
0x52: {  	_ =	shalt  }
0x53: {  	_ =	shalt  }
0x54: {  	_ =	shalt  }
0x55: {  	_ =	shalt  }
0x56: {  	_ =	shalt  }
0x57: {  	_ =	shalt  }
0x58: {  	_ =	shalt  }
0x59: {  	_ =	shalt  }
0x5a: {  	_ =	shalt  }
0x5b: {  	_ =	shalt  }
0x5c: {  	_ =	shalt  }
0x5d: {  	_ =	shalt  }
0x5e: {  	_ =	shalt  }
0x5f: {  	_ =	shalt  }
0x60: {  	_ =	shalt  }
0x61: {  	_ =	shalt  }
0x62: {  	_ =	shalt  }
0x63: {  	_ =	shalt  }
0x64: {  	_ =	shalt  }
0x65: {  	_ =	shalt  }
0x66: {  	_ =	shalt  }
0x67: {  	_ =	shalt  }
0x68: {  	_ =	shalt  }
0x69: {  	_ =	shalt  }
0x6a: {  	_ =	shalt  }
0x6b: {  	_ =	shalt  }
0x6c: {  	_ =	shalt  }
0x6d: {  	_ =	shalt  }
0x6e: {  	_ =	shalt  }
0x6f: {  	_ =	shalt  }
0x70: {  	_ =	shalt  }
0x71: {  	_ =	shalt  }
0x72: {  	_ =	shalt  }
0x73: {  	_ =	shalt  }
0x74: {  	_ =	shalt  }
0x75: {  	_ =	shalt  }
0x76: {  	_ =	shalt  }
0x77: {  	_ =	shalt  }
0x78: {  	_ =	shalt  }
0x79: {  	_ =	shalt  }
0x7a: {  	_ =	shalt  }
0x7b: {  	_ =	shalt  }
0x7c: {  	_ =	shalt  }
0x7d: {  	_ =	shalt  }
0x7e: {  	_ =	shalt  }
0x7f: {  	_ =	shalt  }
0x80: {  	_ =	shalt  }
0x81: {  	_ =	shalt  }
0x82: {  	_ =	shalt  }
0x83: {  	_ =	shalt  }
0x84: {  	_ =	shalt  }
0x85: {  	_ =	shalt  }
0x86: {  	_ =	shalt  }
0x87: {  	_ =	shalt  }
.Lfunc_end0:
.L_simem_size_0:
called_computation.5_lowered:
.L_overlay_start_0:
0x88: {  	s2 =	sld [smem:$0x3FD9]  }
0x89: {  	s3 =	sld [smem:$0x3FFE];
	_ =	sdelay $0x1  }
0x8a: {  	s1 =	srdreg.scid  }
0x8b: {  	s0 =	sand.u32 $0x1, s1  }
0x8c: {  	s16 =	sshll.u32 s0, $0xA;
	s2 =	sadd.s32 s3, s2  }
0x8d: {  	s2 =	sadd.s32 s2, s16  }
0x8e: {  	[smem:$0x3FB9] =	sst s2  }
0x8f: {  	_ = 	snop  }
0x90: {  	(tm) =	ssettm $0x1  }
0x91: {  	s17 =	sld [smem:$0x3FFB];
	_ =	sdelay $0x3  }
0x92: {  	_ =	strace s17  }
0x93: {  	s2 =	sld [smem:$0x3FFC];
	_ =	sdelay $0x3  }
0x94: {  	_ =	strace s2  }
0x95: {  	s2 =	sld [smem:$0x3FFD];
	_ =	sdelay $0x3  }
0x96: {  	_ =	strace s2  }
0x97: {  	_ =	strace $0x8FFFFFFF  }
0x98: {  	s18 =	sld [smem:$0x3FDB];
	_ =	sdelay $0x1  }
0x99: {  	s19 =	simm.s32 $_scs_section_size  }
0x9a: {  	s4 =	simm.s32 $_size__tile_overlayer_lowered;
	s5 =	simm.s32 $_tile_overlayer_lowered  }
0x9b: {  	s22 =	simm.s32 $0x1BFF;
	s21 =	sshll.u32 s5, $0x1;
	s2 =	sadd.s32 s19, s18  }
0x9c: {  	s6 =	simm.s32 $0x0;
	s20 =	sshll.u32 s4, $0x1;
	s4 =	sadd.s32 s21, s2  }
0x9d: {  	[timem:s6], [sflag:s22] =	dma.local [hbm:s4], s20  }
0x9e: {  	_ =	swait.ge [sflag:s22], s20  }
0x9f: {  	s3 =	ssub.s32 $0x0, s20;
	[sflag:s22] =	ssyncset.done $0x0  }
0xa0: {  	[sflag:s22] =	ssyncadd.s32 s3;
	_ =	sdelay $0x1  }
0xa1: {  	s23 =	simm.s32 $0x1B8B  }
0xa2: {  	_ =	swait.ge [sflag:s23], $0x1  }
0xa3: {  	[sflag:s23] =	ssyncset.done $0x0  }
0xa4: {  	s25 =	simm.s32 $0x1B8E;
	s24 =	sld [smem:$0x3FFE];
	[sflag:s23] =	ssyncadd.s32 $0xFFFFFFFF  }
0xa5: {  	s26 =	simm.s32 $execute0_lowered;
	[smem:$0x3FD2] =	sst s25  }
0xa6: {  	s4 =	sshll.u32 s26, $0x1;
	_ =	strace $0x8000004C;
	[dreg:$0x1] =	wrdreg $0xFFFFFFFF  }
0xa7: {  	s28 =	simm.s32 $_size_execute0_lowered;
	s2 =	sadd.s32 s2, s4;
	[dreg:$0x0] =	wrdreg $0x0  }
0xa8: {  	s4 =	sshll.u32 s28, $0x1;
	[dreg:$0x2] =	wrdreg s2  }
0xa9: {  	[dreg:$0x3] =	wrdreg s4  }
0xaa: {  	[dreg:$0x4] =	wrdreg $0xC0  }
0xab: {  	_ =	task [dreg:s6], $0x5FFFF  }
0xac: {  	[dreg:$0x1] =	wrdreg $0xFFFFFFFF  }
0xad: {  	[dreg:$0x0] =	wrdreg $0x60  }
0xae: {  	[dreg:$0x2] =	wrdreg s24  }
0xaf: {  	[dreg:$0x3] =	wrdreg $0x51000  }
0xb0: {  	[dreg:$0x4] =	wrdreg $0x9  }
0xb1: {  	_ =	task.clear_ibuf [dreg:s6], $0x5FFFF;
	_ =	strace $0x9000004C  }
0xb2: {  	s29 =	simm.s32 $0x9;
	_ =	strace $0x8000004E  }
0xb3: {  	_ =	swait.ge [sflag:s29], $0x1  }
0xb4: {  	[sflag:s29] =	ssyncadd.s32 $0xFFFFFFFF  }
0xb5: {  	_ =	strace $0x9000004E  }
0xb6: {  	_ =	sfence  }
0xb7: {  	s30 =	sld [smem:$0x0];
	_ =	sdelay $0x2  }
0xb8: {  	s31 =	sshll.u32 s1, $0xD;
	s1 =	sshrl.u32 s1, $0x2  }
0xb9: {  	s3 =	sand.u32 $0x4000, s31;
	s1 =	sadd.s32 s1, s30  }
0xba: {  	s0 =	sor.u32 s3, s0;
	s1 =	sshll.u32 s1, $0x11  }
0xbb: {  	s0 =	sor.u32 s1, s0  }
0xbc: {  	s0 =	sadd.s32 $0x8F2B, s0  }
0xbd: {  	[sflag:s0] =	ssyncadd.remote.s32 $0x1  }
0xbe: {  	_ =	sfence.sel $0xFFFF  }
0xbf: {  	[dreg:$0x0] =	wrdreg $0xFFFFFFFF;
	(pc) =	sbr.abs _section_cstart, $3  }
0xc0: {  	[dreg:$0x1] =	wrdreg $0xFFFFFFFF  }
0xc1: {  	_ =	task.clear_ibuf [dreg:s6], $0x2FFFF;
	_ =	strace $0x9FFFFFFF  }
0xc2: {  	(tm) =	ssettm $0x7FFFFFFF  }
0xc3: {  	_ =	shalt  }
tec
execute0_lowered:
.L_overlay_start_1:
0x0: {  	(tag) =	ssettag $0x1  }
0x1: {  	s1 =	stileid.u32  }
0x2: {  	s4 =	rddreg [dreg:$0x0];
	s7 =	smul.u32 $0x9C4, s1  }
0x3: {  	s0 =	srdreg.scid;
	s8 =	smul.u32 $0x2800, s1  }
0x4: {  	s2 =	rddreg [dreg:$0x1];
	s3 =	simm.s32 $0x0;
	s28 =	smul.u32 $0x50000, s1  }
0x5: {  	s5 =	sand.u32 $0x1, s0;
	s0 =	rddreg [dreg:$0x2];
	s13 =	smul.u32 $0x4E200, s1  }
0x6: {  	s14 =	simm.s32 $0x0;
	[smem:$0x7FF] =	sst s3;
	s6 =	smul.u32 $0x4E2000, s5  }
0x7: {  	s31 =	sshll.u32 s1, $0x6;
	_ =	strace $0x8000004D;
	s26 =	smul.u32 $0x28000, s5  }
0x8: {  	s5 =	ssub.s32 $0x2, s5;
	s10 =	sadd.s32 s7, s4;
	s11 =	sadd.s32 s8, s4  }
0x9: {  	s29 =	sshrl.u32 s5, $0x1;
	s30 =	sshrl.u32 s28, $0x2;
	s9 =	sadd.s32 s6, s4  }
0xa: {  	s6 =	sadd.s32 s8, s26;
	s8 =	ssub.s32 s5, s29;
	s12 =	sadd.s32 s30, s2  }
0xb: {  	s5 =	sor.u32 $0x1C01, s31;
	s6 =	sadd.s32 s6, s4;
	s4 =	sadd.s32 $0x69400, s11  }
0xc: {  	s7 =	smax.u32 s8, $0x1;
	s8 =	sadd.s32 $0x10200, s10;
	s9 =	sadd.s32 s13, s9  }
0xd: {  	s10 =	sshrl.u32 s12, $0x3;
	s11 =	simm.s32 $0x1;
	s12 =	simm.s32 $0x5000  }
0xe: {  	s13 =	simm.s32 $0xA0;
	s6 =	sadd.s32 $0x91400, s6;
	s9 =	sadd.s32 $0x1405000, s9  }
.LBB2_1:
0xf: {  	[spmem:s10], [sflag:s5] =	dma.local [hbm:s4], $0x2800  }
0x10: {  	_ =	swait.ge [sflag:s11], $0x2800  }
0x11: {  	[sflag:s11] =	ssyncset.done $0x0  }
0x12: {  	[sflag:s11] =	ssyncadd.s32 $0xFFFFD800  }
0x13: {  	s15 =	sadd.s32 $0x0, s8;
	[bflag:$0x0] =	sbarrier.arrive $0xFFFF  }
0x14: {  	[tilespmem:s12], [sflag:$0x1] =	stream.linear.gather [hbm4b:s15+s3], $0xA0, $0x38;
	[tilespmem:$0x19100] =	vst v63  }
0x15: {  	_ =	swait.ge [sflag:s11], $0xA0  }
0x16: {  	[sflag:s11] =	ssyncset.done $0x0  }
0x17: {  	[sflag:s11] =	ssyncadd.s32 $0xFFFFFF60  }
0x18: {  	[tilespmem:s3], [sflag:$0x1] =	stream.linear.gather [hbm4b:s9+s3], $0x5000, $0x38;
	[tilespmem:$0x19100] =	vst v63  }
0x19: {  	_ =	swait.ge [sflag:s11], $0x5000  }
0x1a: {  	[sflag:s11] =	ssyncset.done $0x0  }
0x1b: {  	[sflag:s11] =	ssyncadd.s32 $0xFFFFB000  }
0x1c: {  	[spmem:s2] =	stream.indirect.scatter.add.f32 [tilespmem:s3], [sflag:$0x1], $0x80, s12, s13, $0xb8;
	[tilespmem:$0x19100] =	vst v63  }
0x1d: {  	s16 =	simm.s32 $0x14;
	_ =	swait.ge [sflag:s11], $0x5000  }
0x1e: {  	s17 =	simm.s32 $0x28;
	s15 =	sadd.s32 $0xA00, s9;
	[sflag:s11] =	ssyncset.done $0x0  }
.LBB2_2:
0x1f: {  	s18 =	sadd.s32 s16, s8  }
0x20: {  	[sflag:s11] =	ssyncadd.s32 $0xFFFFB000;
	s16 =	smov.u32 s17;
	s19 =	sadd.s32 $0x14, s17  }
0x21: {  	[tilespmem:s12], [sflag:$0x1] =	stream.linear.gather [hbm4b:s18+s3], $0xA0, $0x38;
	[tilespmem:$0x19100] =	vst v63  }
0x22: {  	p0 =	sne.s32 s17, $0x9B0;
	_ =	swait.ge [sflag:s11], $0xA0  }
0x23: {  	[sflag:s11] =	ssyncset.done $0x0  }
0x24: {  	[sflag:s11] =	ssyncadd.s32 $0xFFFFFF60  }
0x25: {  	[tilespmem:s3], [sflag:$0x1] =	stream.linear.gather [hbm4b:s15+s3], $0x5000, $0x38;
	[tilespmem:$0x19100] =	vst v63  }
0x26: {  	_ =	swait.ge [sflag:s11], $0x5000  }
.Ltmp0:
0x27: {  	[sflag:s11] =	ssyncset.done $0x0;
	(pc) =	sbr.rel @p0 .LBB2_2-.Ltmp0, $4  }
0x28: {  	[sflag:s11] =	ssyncadd.s32 $0xFFFFB000  }
0x29: {  	[spmem:s2] =	stream.indirect.scatter.add.f32 [tilespmem:s3], [sflag:$0x1], $0x80, s12, s13, $0xb8;
	[tilespmem:$0x19100] =	vst v63  }
0x2a: {  	_ =	swait.ge [sflag:s11], $0x5000  }
0x2b: {  	s17 =	smov.u32 s19;
	s15 =	sadd.s32 $0xA00, s15;
	[sflag:s11] =	ssyncset.done $0x0  }
0x2c: {  	s16 =	sadd.s32 s16, s8;
	[sflag:s11] =	ssyncadd.s32 $0xFFFFB000  }
0x2d: {  	[tilespmem:s12], [sflag:$0x1] =	stream.linear.gather [hbm4b:s16+s3], $0xA0, $0x38;
	[tilespmem:$0x19100] =	vst v63  }
0x2e: {  	_ =	swait.ge [sflag:s11], $0xA0  }
0x2f: {  	[sflag:s11] =	ssyncset.done $0x0  }
0x30: {  	[sflag:s11] =	ssyncadd.s32 $0xFFFFFF60  }
0x31: {  	[tilespmem:s3], [sflag:$0x1] =	stream.linear.gather [hbm4b:s15+s3], $0x5000, $0x38;
	[tilespmem:$0x19100] =	vst v63  }
0x32: {  	_ =	swait.ge [sflag:s11], $0x5000  }
0x33: {  	[sflag:s11] =	ssyncset.done $0x0  }
0x34: {  	[sflag:s11] =	ssyncadd.s32 $0xFFFFB000  }
0x35: {  	[spmem:s2] =	stream.indirect.scatter.add.f32 [tilespmem:s3], [sflag:$0x1], $0x80, s12, s13, $0xb8;
	[tilespmem:$0x19100] =	vst v63  }
0x36: {  	_ =	swait.ge [sflag:s11], $0x5000  }
0x37: {  	s14 =	sadd.s32 $0x1, s14;
	[sflag:s11] =	ssyncset.done $0x0  }
0x38: {  	p0 =	sne.s32 s14, s7;
	[sflag:s11] =	ssyncadd.s32 $0xFFFFB000  }
.Ltmp1:
0x39: {  	[bflag:$0x0] =	sbarrier.arrive $0xFFFF;
	(pc) =	sbr.rel @p0 .LBB2_1-.Ltmp1, $4  }
0x3a: {  	[hbm:s6], [sflag:s5] =	dma.local [spmem:s10], $0x2800  }
0x3b: {  	_ =	swait.ge [sflag:s11], $0x2800  }
0x3c: {  	[sflag:s11] =	ssyncset.done $0x0  }
0x3d: {  	[sflag:s11] =	ssyncadd.s32 $0xFFFFD800  }
0x3e: {  	_ =	sfence.sel $0x180000  }
0x3f: {  	[bflag:$0x0] =	sbarrier.arrive $0xFFFF  }
0x40: {  	p0 =	sne.s32 s1, $0x0;
	_ =	strace $0x9000004D  }
0x41: {  	s0 =	sadd.s32 @!p0 $0x100000, s0;
	[bflag:$0x2] =	sbarrier.arrive $0xFFFF  }
0x42: {  	[sflag:s0] =	ssyncadd.tile.s32 @!p0 $0x1;
	_ =	shalt  }
.Lfunc_end2:
_tile_overlayer_lowered:
.L_overlay_start_2:
0x43: {  	(tag) =	ssettag $0x2  }
0x44: {  	s0 =	rddreg [dreg:$0x0];
	s2 =	stileid.u32  }
0x45: {  	s1 =	rddreg [dreg:$0x1];
	p0 =	sne.s32 s2, $0x0  }
0x46: {  	s3 =	rddreg [dreg:$0x2];
	[bflag:$0x3] =	sbarrier.arrive $0xFFFF;
	s2 =	simm.s32 @!p0 $0x1C01  }
0x47: {  	[timem:s3], [sflag:s2] =	dma.local @!p0 [hbm:s0], s1  }
0x48: {  	s0 =	simm.s32 @!p0 $0x1  }
0x49: {  	_ =	swait.ge @!p0 [sflag:s0], s1  }
0x4a: {  	s1 =	ssub.s32 @!p0 $0x0, s1;
	[sflag:s0] =	ssyncset.done @!p0 $0x0  }
0x4b: {  	[sflag:s0] =	ssyncadd.s32 @!p0 s1  }
0x4c: {  	[bflag:$0x3] =	sbarrier.arrive $0xFFFF  }
0x4d: {  	_ =	shalt  }

// kernel: kernel.27.cloned.1.call-start
scs
__scs_entry_jumppad:
0x0: {  	(pc) =	sbr.rel $0x88, $3  }
0x1: {  	(tag) =	ssettag $0x0;
	lr =	simm.s32 $0x1  }
0x2: {  	[smem:$0x3F92] =	sst lr;
	_ =	strace $0xD0000000  }
0x3: {  	_ = 	snop  }
0x4: {  	_ = 	snop  }
0x5: {  	_ = 	snop  }
0x6: {  	_ = 	snop  }
0x7: {  	_ = 	snop  }
__scs_overlays_trampoline_lowered:
0x8: {  	[smem:$0x3FA1] =	sst s0  }
0x9: {  	[smem:$0x3FA2] =	sst s1  }
0xa: {  	[smem:$0x3FA3] =	sst s2  }
0xb: {  	[smem:$0x3FA4] =	sst s3  }
0xc: {  	[smem:$0x3FA5] =	sst s4  }
0xd: {  	[smem:$0x3FA6] =	sst s5  }
0xe: {  	[smem:$0x3FA7] =	sst s6  }
0xf: {  	[smem:$0x3FA8] =	sst s7  }
0x10: {  	[smem:$0x3FA9] =	sst s8  }
0x11: {  	[smem:$0x3FAA] =	sst s9;
	s0 =	simm.s32 @!p0 $0x0  }
0x12: {  	s1 =	sld [smem:$0x3F90];
	s0 =	simm.s32 @p0 $0x1  }
0x13: {  	[smem:$0x3FAB] =	sst s0;
	s0 =	simm.s32 @!p1 $0x0  }
0x14: {  	s2 =	sld [smem:$0x3F8F];
	s0 =	simm.s32 @p1 $0x1  }
0x15: {  	[smem:$0x3FAC] =	sst s0;
	s0 =	simm.s32 @!p2 $0x0  }
0x16: {  	s3 =	sld [smem:$0x3FDB];
	s0 =	simm.s32 @p2 $0x1  }
0x17: {  	s4 =	simm.s32 $0x1BF5;
	[smem:$0x3FAE] =	sst s0  }
0x18: {  	s0 =	sld [smem:$0x3F91];
	_ =	swait.ge [sflag:s4], $0x0  }
0x19: {  	s7 =	sld [smem:$0x3F92]  }
0x1a: {  	s8 =	sadd.s32 $0xFFFFE003, lr  }
0x1b: {  	s9 =	sadd.s32 $0xFFFFFEF7, lr;
	s5 =	simm.s32 $0xFFFFFFFF;
	p2 =	slt.u32 s8, $0xFFFFF086  }
0x1c: {  	p1 =	slt.u32 s9, $0xF7A;
	s5 =	simm.s32 @!p2 $0x0  }
0x1d: {  	s5 =	simm.s32 @p1 $0x1;
	p0 =	seq.s32 s7, s2  }
0x1e: {  	s7 =	smul.u32 @!p0 $0xF7A, s2;
	p2 =	seq.s32 @!p0 s5, $0x0  }
0x1f: {  	s9 =	smul.u32 $0xF7A, s1;
	s8 =	simm.s32 @!p0 $0x1BF5;
	p2 =	por !p2, p0  }
0x20: {  	[sflag:s8] =	ssyncset.s32 @!p0 $0xFFFFF086;
	s6 =	sadd.s32 @!p0 s3, s7;
	s7 =	simm.s32 @!p0 $0x108  }
0x21: {  	s3 =	sadd.s32 s3, s9;
	s6 =	sadd.s32 @!p0 $0x88, s6;
	s7 =	simm.s32 @p2 $0x1082  }
0x22: {  	[simem:s7], [sflag:s8] =	dma.local @!p0 [hbm:s6], $0xF7A  }
0x23: {  	s9 =	sor.u32 $0xD0000000, s2;
	s6 =	simm.s32 $0x108;
	_ =	swait.ge @!p0 [sflag:s8], $0x0  }
0x24: {  	s3 =	sadd.s32 $0x88, s3;
	s6 =	simm.s32 @!p1 $0x1082;
	[sflag:s4] =	ssyncset.s32 $0xFFFFF086  }
0x25: {  	[simem:s6], [sflag:s4] =	dma.local [hbm:s3], $0xF7A  }
0x26: {  	[smem:$0x3F92] =	sst s1;
	(tag) =	ssettag s2;
	_ =	strace s9  }
0x27: {  	s1 =	sld [smem:$0x3FA2]  }
0x28: {  	s2 =	sld [smem:$0x3FA3]  }
0x29: {  	s4 =	sld [smem:$0x3FA5]  }
0x2a: {  	p0 =	seq.s32 s5, $0x0;
	s5 =	sld [smem:$0x3FA6]  }
0x2b: {  	s6 =	sld [smem:$0x3FA7]  }
0x2c: {  	s7 =	sld [smem:$0x3FA8]  }
0x2d: {  	s3 =	simm.s32 $0x108;
	s8 =	sld [smem:$0x3FA9]  }
0x2e: {  	s3 =	simm.s32 @!p0 $0x1082;
	s9 =	sld [smem:$0x3FAA]  }
0x2f: {  	lr =	sadd.s32 s0, s3;
	s0 =	sld [smem:$0x3FA1]  }
0x30: {  	s3 =	sld [smem:$0x3FA4]  }
0x31: {  	[smem:$0x3FAD] =	sst s10  }
0x32: {  	s10 =	sld [smem:$0x3FAB];
	_ =	sdelay $0x3  }
0x33: {  	p0 =	seq.s32 s10, $0x1;
	s10 =	sld [smem:$0x3FAD];
	_ =	sdelay $0x3  }
0x34: {  	[smem:$0x3FAD] =	sst s10  }
0x35: {  	s10 =	sld [smem:$0x3FAC];
	_ =	sdelay $0x3  }
0x36: {  	p1 =	seq.s32 s10, $0x1;
	s10 =	sld [smem:$0x3FAD];
	_ =	sdelay $0x3  }
0x37: {  	[smem:$0x3FAD] =	sst s10  }
0x38: {  	s10 =	sld [smem:$0x3FAE]  }
0x39: {  	_ = 	snop;
	(pc) =	sbr.ind lr, $3  }
0x3a: {  	_ = 	snop  }
0x3b: {  	_ = 	snop  }
0x3c: {  	p2 =	seq.s32 s10, $0x1;
	s10 =	sld [smem:$0x3FAD]  }
0x3d: {  	_ =	shalt  }
0x3e: {  	_ =	shalt  }
0x3f: {  	_ =	shalt  }
0x40: {  	_ =	shalt  }
0x41: {  	_ =	shalt  }
0x42: {  	_ =	shalt  }
0x43: {  	_ =	shalt  }
0x44: {  	_ =	shalt  }
0x45: {  	_ =	shalt  }
0x46: {  	_ =	shalt  }
0x47: {  	_ =	shalt  }
0x48: {  	_ =	shalt  }
0x49: {  	_ =	shalt  }
0x4a: {  	_ =	shalt  }
0x4b: {  	_ =	shalt  }
0x4c: {  	_ =	shalt  }
0x4d: {  	_ =	shalt  }
0x4e: {  	_ =	shalt  }
0x4f: {  	_ =	shalt  }
0x50: {  	_ =	shalt  }
0x51: {  	_ =	shalt  }
0x52: {  	_ =	shalt  }
0x53: {  	_ =	shalt  }
0x54: {  	_ =	shalt  }
0x55: {  	_ =	shalt  }
0x56: {  	_ =	shalt  }
0x57: {  	_ =	shalt  }
0x58: {  	_ =	shalt  }
0x59: {  	_ =	shalt  }
0x5a: {  	_ =	shalt  }
0x5b: {  	_ =	shalt  }
0x5c: {  	_ =	shalt  }
0x5d: {  	_ =	shalt  }
0x5e: {  	_ =	shalt  }
0x5f: {  	_ =	shalt  }
0x60: {  	_ =	shalt  }
0x61: {  	_ =	shalt  }
0x62: {  	_ =	shalt  }
0x63: {  	_ =	shalt  }
0x64: {  	_ =	shalt  }
0x65: {  	_ =	shalt  }
0x66: {  	_ =	shalt  }
0x67: {  	_ =	shalt  }
0x68: {  	_ =	shalt  }
0x69: {  	_ =	shalt  }
0x6a: {  	_ =	shalt  }
0x6b: {  	_ =	shalt  }
0x6c: {  	_ =	shalt  }
0x6d: {  	_ =	shalt  }
0x6e: {  	_ =	shalt  }
0x6f: {  	_ =	shalt  }
0x70: {  	_ =	shalt  }
0x71: {  	_ =	shalt  }
0x72: {  	_ =	shalt  }
0x73: {  	_ =	shalt  }
0x74: {  	_ =	shalt  }
0x75: {  	_ =	shalt  }
0x76: {  	_ =	shalt  }
0x77: {  	_ =	shalt  }
0x78: {  	_ =	shalt  }
0x79: {  	_ =	shalt  }
0x7a: {  	_ =	shalt  }
0x7b: {  	_ =	shalt  }
0x7c: {  	_ =	shalt  }
0x7d: {  	_ =	shalt  }
0x7e: {  	_ =	shalt  }
0x7f: {  	_ =	shalt  }
0x80: {  	_ =	shalt  }
0x81: {  	_ =	shalt  }
0x82: {  	_ =	shalt  }
0x83: {  	_ =	shalt  }
0x84: {  	_ =	shalt  }
0x85: {  	_ =	shalt  }
0x86: {  	_ =	shalt  }
0x87: {  	_ =	shalt  }
.Lfunc_end0:
.L_simem_size_0:
called_computation.6_lowered:
.L_overlay_start_0:
0x88: {  	s2 =	sld [smem:$0x3FD9]  }
0x89: {  	s3 =	sld [smem:$0x3FFE];
	_ =	sdelay $0x1  }
0x8a: {  	s1 =	srdreg.scid  }
0x8b: {  	s0 =	sand.u32 $0x1, s1  }
0x8c: {  	s16 =	sshll.u32 s0, $0xA;
	s2 =	sadd.s32 s3, s2  }
0x8d: {  	s2 =	sadd.s32 s2, s16  }
0x8e: {  	[smem:$0x3FB9] =	sst s2  }
0x8f: {  	_ = 	snop  }
0x90: {  	(tm) =	ssettm $0x1  }
0x91: {  	s17 =	sld [smem:$0x3FFB];
	_ =	sdelay $0x3  }
0x92: {  	_ =	strace s17  }
0x93: {  	s2 =	sld [smem:$0x3FFC];
	_ =	sdelay $0x3  }
0x94: {  	_ =	strace s2  }
0x95: {  	s2 =	sld [smem:$0x3FFD];
	_ =	sdelay $0x3  }
0x96: {  	_ =	strace s2  }
0x97: {  	_ =	strace $0x8FFFFFFF  }
0x98: {  	s18 =	sld [smem:$0x3FDB];
	_ =	sdelay $0x1  }
0x99: {  	s19 =	simm.s32 $_scs_section_size  }
0x9a: {  	s4 =	simm.s32 $_size__tile_overlayer_lowered;
	s5 =	simm.s32 $_tile_overlayer_lowered  }
0x9b: {  	s22 =	simm.s32 $0x1BFF;
	s21 =	sshll.u32 s5, $0x1;
	s2 =	sadd.s32 s19, s18  }
0x9c: {  	s6 =	simm.s32 $0x0;
	s20 =	sshll.u32 s4, $0x1;
	s4 =	sadd.s32 s21, s2  }
0x9d: {  	[timem:s6], [sflag:s22] =	dma.local [hbm:s4], s20  }
0x9e: {  	_ =	swait.ge [sflag:s22], s20  }
0x9f: {  	s3 =	ssub.s32 $0x0, s20;
	[sflag:s22] =	ssyncset.done $0x0  }
0xa0: {  	[sflag:s22] =	ssyncadd.s32 s3;
	_ =	sdelay $0x1  }
0xa1: {  	s23 =	simm.s32 $0x1B8B  }
0xa2: {  	_ =	swait.ge [sflag:s23], $0x1  }
0xa3: {  	[sflag:s23] =	ssyncset.done $0x0  }
0xa4: {  	s25 =	simm.s32 $0x1B8E;
	s24 =	sld [smem:$0x3FFE];
	[sflag:s23] =	ssyncadd.s32 $0xFFFFFFFF  }
0xa5: {  	s26 =	simm.s32 $execute0_lowered;
	[smem:$0x3FD2] =	sst s25  }
0xa6: {  	s4 =	sshll.u32 s26, $0x1;
	_ =	strace $0x80000055;
	[dreg:$0x1] =	wrdreg $0xFFFFFFFF  }
0xa7: {  	s28 =	simm.s32 $_size_execute0_lowered;
	s2 =	sadd.s32 s2, s4;
	[dreg:$0x0] =	wrdreg $0x0  }
0xa8: {  	s4 =	sshll.u32 s28, $0x1;
	[dreg:$0x2] =	wrdreg s2  }
0xa9: {  	[dreg:$0x3] =	wrdreg s4  }
0xaa: {  	[dreg:$0x4] =	wrdreg $0xC0  }
0xab: {  	_ =	task [dreg:s6], $0x5FFFF  }
0xac: {  	[dreg:$0x1] =	wrdreg $0xFFFFFFFF  }
0xad: {  	[dreg:$0x0] =	wrdreg $0x60  }
0xae: {  	[dreg:$0x2] =	wrdreg s24  }
0xaf: {  	[dreg:$0x3] =	wrdreg $0xA  }
0xb0: {  	_ =	task.clear_ibuf [dreg:s6], $0x4FFFF;
	_ =	strace $0x90000055  }
0xb1: {  	s29 =	simm.s32 $0xA;
	_ =	strace $0x80000057  }
0xb2: {  	_ =	swait.ge [sflag:s29], $0x1  }
0xb3: {  	[sflag:s29] =	ssyncadd.s32 $0xFFFFFFFF  }
0xb4: {  	_ =	strace $0x90000057  }
0xb5: {  	_ =	sfence  }
0xb6: {  	s30 =	sld [smem:$0x0];
	_ =	sdelay $0x2  }
0xb7: {  	s31 =	sshll.u32 s1, $0xD;
	s1 =	sshrl.u32 s1, $0x2  }
0xb8: {  	s3 =	sand.u32 $0x4000, s31;
	s1 =	sadd.s32 s1, s30  }
0xb9: {  	s0 =	sor.u32 s3, s0;
	s1 =	sshll.u32 s1, $0x11  }
0xba: {  	s0 =	sor.u32 s1, s0  }
0xbb: {  	s0 =	sadd.s32 $0x8F2B, s0  }
0xbc: {  	[sflag:s0] =	ssyncadd.remote.s32 $0x1  }
0xbd: {  	_ =	sfence.sel $0xFFFF  }
0xbe: {  	[dreg:$0x0] =	wrdreg $0xFFFFFFFF;
	(pc) =	sbr.abs _section_cstart, $3  }
0xbf: {  	[dreg:$0x1] =	wrdreg $0xFFFFFFFF  }
0xc0: {  	_ =	task.clear_ibuf [dreg:s6], $0x2FFFF;
	_ =	strace $0x9FFFFFFF  }
0xc1: {  	(tm) =	ssettm $0x7FFFFFFF  }
tec
execute0_lowered:
.L_overlay_start_1:
0x0: {  	(tag) =	ssettag $0x1  }
0x1: {  	s6 =	rddreg [dreg:$0x0];
	s2 =	simm.s32 $0x0  }
0x2: {  	s8 =	simm.s32 $0x80;
	[smem:$0x7FF] =	sst s2  }
0x3: {  	s9 =	simm.s32 $0x900;
	_ =	strace $0x80000056;
	[dreg:$0x4] =	wrdreg s8  }
0x4: {  	s10 =	simm.s32 $0x1100;
	[dreg:$0x5] =	wrdreg s9  }
0x5: {  	s11 =	simm.s32 $0x1900;
	[dreg:$0x6] =	wrdreg s10  }
0x6: {  	s12 =	simm.s32 $0x2100;
	[dreg:$0x7] =	wrdreg s11  }
0x7: {  	s13 =	simm.s32 $0x2900;
	[dreg:$0x8] =	wrdreg s12  }
0x8: {  	s14 =	simm.s32 $0x3100;
	[dreg:$0x9] =	wrdreg s13  }
0x9: {  	s15 =	simm.s32 $0x3900;
	[dreg:$0xa] =	wrdreg s14  }
0xa: {  	s1 =	srdreg.scid;
	s16 =	simm.s32 $0x4100;
	[dreg:$0xb] =	wrdreg s15  }
0xb: {  	s0 =	stileid.u32;
	s17 =	simm.s32 $0x5900;
	[dreg:$0xc] =	wrdreg s16  }
0xc: {  	s18 =	simm.s32 $0x6100;
	s19 =	simm.s32 $0x6900;
	[dreg:$0xe] =	wrdreg s17  }
0xd: {  	s21 =	simm.s32 $0x7100;
	s22 =	simm.s32 $0x7900;
	[dreg:$0xf] =	wrdreg s18  }
0xe: {  	s24 =	simm.s32 $0x8100;
	s25 =	simm.s32 $0x8900;
	[dreg:$0x10] =	wrdreg s19  }
0xf: {  	s26 =	simm.s32 $0x9100;
	s29 =	simm.s32 $0xA900;
	[dreg:$0x11] =	wrdreg s21  }
0x10: {  	s30 =	simm.s32 $0xB100;
	s3 =	smul.u32 $0x138800, s0;
	[dreg:$0x12] =	wrdreg s22  }
0x11: {  	s5 =	sand.u32 $0x1, s1;
	s7 =	smul.u32 $0x4E20, s0;
	[dreg:$0x13] =	wrdreg s24  }
0x12: {  	s31 =	simm.s32 $0xD900;
	s4 =	smul.u32 $0x9C400, s5;
	[dreg:$0x14] =	wrdreg s25  }
0x13: {  	s28 =	simm.s32 $0x0;
	s8 =	smul.u32 $0x2710, s5;
	[dreg:$0x15] =	wrdreg s26  }
0x14: {  	s9 =	simm.s32 $0x4900;
	s5 =	ssub.s32 $0x2, s5;
	[dreg:$0x17] =	wrdreg s29  }
0x15: {  	s10 =	simm.s32 $0x9900;
	[dreg:$0x18] =	wrdreg s30;
	s11 =	simm.s32 $0xB900  }
0x16: {  	s12 =	simm.s32 $0xC100;
	s13 =	simm.s32 $0xC900;
	s14 =	simm.s32 $0xD100  }
0x17: {  	[dreg:$0x1d] =	wrdreg s31;
	s15 =	simm.s32 $0xE900;
	s16 =	simm.s32 $0xF100  }
0x18: {  	s17 =	simm.s32 $0xF900;
	s18 =	simm.s32 $0x10100;
	s19 =	simm.s32 $0x10900  }
0x19: {  	s21 =	simm.s32 $0x11900;
	s22 =	simm.s32 $0x12100;
	[dreg:$0xd] =	wrdreg s9  }
0x1a: {  	s24 =	simm.s32 $0x13100;
	s25 =	simm.s32 $0x13900;
	[dreg:$0x16] =	wrdreg s10  }
0x1b: {  	s26 =	simm.s32 $0x1;
	s3 =	sadd.s32 s3, s6;
	[dreg:$0x19] =	wrdreg s11  }
0x1c: {  	s23 =	sshrl.u32 s5, $0x1;
	s10 =	simm.s32 $0x2;
	[dreg:$0x1a] =	wrdreg s12  }
0x1d: {  	s11 =	simm.s32 $0x100;
	s12 =	simm.s32 $0x5100;
	[dreg:$0x1b] =	wrdreg s13  }
0x1e: {  	s13 =	simm.s32 $0xA100;
	[dreg:$0x1c] =	wrdreg s14;
	s14 =	simm.s32 $0xE100  }
0x1f: {  	s3 =	sadd.s32 s4, s3;
	s7 =	sadd.s32 s8, s7;
	s8 =	ssub.s32 s5, s23  }
0x20: {  	s5 =	sadd.s32 $0x91500, s6;
	s23 =	simm.s32 $0x12900;
	s4 =	sadd.s32 $0x39E800, s3  }
0x21: {  	s3 =	sadd.s32 $0x1726800, s3;
	s7 =	sshrl.u32 s7, $0x3;
	[dreg:$0x2] =	wrdreg s4  }
0x22: {  	v2 =	vlaneseq.u32;
	[dreg:$0x3] =	wrdreg s3;
	s3 =	sadd.s32 $0x91400, s6;
	s4 =	sadd.s32 $0x302400, s6  }
0x23: {  	vm0 =	vmmov $0xffff;
	v1 =	vshrl.u32 v2, $0x3;
	s20 =	sadd.s32 s7, s6;
	s6 =	sadd.s32 $0x302500, s6;
	s7 =	smax.u32 s8, $0x1  }
0x24: {  	v0 =	vand.u32 $0x7, v2;
	v2 =	vor.u32 $0x8, v2;
	v1 =	vmul.u32 $0x8, v1;
	s8 =	sadd.s32 $0x6400, s20;
	s9 =	sadd.s32 $0x10200, s20;
	s20 =	simm.s32 $0x11100  }
.LBB2_1:
0x25: {  	s29 =	smov.u32 s9;
	s30 =	smov.u32 s8;
	s31 =	simm.s32 $0x0  }
.LBB2_2:
0x26: {  	[tilespmem:s2], [sflag:$0x2] =	stream.linear.gather [hbm4b:s29+s2], $0x50, $0x38;
	[tilespmem:$0x14100] =	vst v63  }
0x27: {  	_ =	swait.ge [sflag:s10], $0x50  }
0x28: {  	[sflag:s10] =	ssyncset.done $0x0  }
0x29: {  	s1 =	rddreg [dreg:$0x4];
	[sflag:s10] =	ssyncadd.s32 $0xFFFFFFB0  }
0x2a: {  	[tilespmem:s1], [sflag:$0x2] =	stream.linear.gather [hbm4b:s30+s2], $0x50, $0x38;
	[tilespmem:$0x14100] =	vst v63  }
0x2b: {  	_ =	swait.ge [sflag:s10], $0x50  }
0x2c: {  	[sflag:s10] =	ssyncset.done $0x0  }
0x2d: {  	[sflag:s10] =	ssyncadd.s32 $0xFFFFFFB0  }
0x2e: {  	v3 =	vld [tilespmem:$0x0];
	_ =	sdelay $0x4  }
0x2f: {  	v4 =	vshll.u32 v3, $0x2  }
0x30: {  	v3 =	vand.u32 $0x7, v3;
	v4 =	vand.u32 $0xFFFFFFE0, v4  }
0x31: {  	v3 =	vor.u32 v3, v4  }
0x32: {  	v4 =	vperm.xlane v3, v0;
	_ =	sdelay $0x1  }
0x33: {  	v4 =	vadd.s32 v1, v4;
	_ =	sdelay $0x1  }
0x34: {  	v3 =	vperm.xlane v3, v2;
	_ =	sdelay $0x1  }
0x35: {  	v3 =	vadd.s32 v1, v3  }
0x36: {  	[tilespmem:s11], [sflag:$0x1] =	stream.indirect_vreg.gather [hbm4b:s3+s2], $0x80, v4, vm0, $0xb8;
	[tilespmem:$0x14100] =	vst v63  }
0x37: {  	s1 =	rddreg [dreg:$0x5]  }
0x38: {  	[tilespmem:s1], [sflag:$0x1] =	stream.indirect_vreg.gather [hbm4b:s5+s2], $0x80, v4, vm0, $0xb8;
	[tilespmem:$0x14100] =	vst v63  }
0x39: {  	s0 =	rddreg [dreg:$0x6]  }
0x3a: {  	[tilespmem:s0], [sflag:$0x1] =	stream.indirect_vreg.gather [hbm4b:s3+s2], $0x80, v3, vm0, $0xb8;
	[tilespmem:$0x14100] =	vst v63  }
0x3b: {  	s1 =	rddreg [dreg:$0x7]  }
0x3c: {  	[tilespmem:s1], [sflag:$0x1] =	stream.indirect_vreg.gather [hbm4b:s5+s2], $0x80, v3, vm0, $0xb8;
	[tilespmem:$0x14100] =	vst v63  }
0x3d: {  	v3 =	vld [tilespmem:$0x10];
	_ =	sdelay $0x4  }
0x3e: {  	v53 =	vshll.u32 v3, $0x2  }
0x3f: {  	v3 =	vand.u32 $0x7, v3;
	v4 =	vand.u32 $0xFFFFFFE0, v53  }
0x40: {  	v3 =	vor.u32 v3, v4  }
0x41: {  	v4 =	vperm.xlane v3, v0;
	_ =	sdelay $0x1  }
0x42: {  	v4 =	vadd.s32 v1, v4;
	_ =	sdelay $0x1  }
0x43: {  	v3 =	vperm.xlane v3, v2;
	_ =	sdelay $0x1  }
0x44: {  	s0 =	rddreg [dreg:$0x8];
	v3 =	vadd.s32 v1, v3  }
0x45: {  	[tilespmem:s0], [sflag:$0x1] =	stream.indirect_vreg.gather [hbm4b:s3+s2], $0x80, v4, vm0, $0xb8;
	[tilespmem:$0x14100] =	vst v63  }
0x46: {  	s1 =	rddreg [dreg:$0x9]  }
0x47: {  	[tilespmem:s1], [sflag:$0x1] =	stream.indirect_vreg.gather [hbm4b:s5+s2], $0x80, v4, vm0, $0xb8;
	[tilespmem:$0x14100] =	vst v63  }
0x48: {  	s0 =	rddreg [dreg:$0xa]  }
0x49: {  	[tilespmem:s0], [sflag:$0x1] =	stream.indirect_vreg.gather [hbm4b:s3+s2], $0x80, v3, vm0, $0xb8;
	[tilespmem:$0x14100] =	vst v63  }
0x4a: {  	s1 =	rddreg [dreg:$0xb]  }
0x4b: {  	[tilespmem:s1], [sflag:$0x1] =	stream.indirect_vreg.gather [hbm4b:s5+s2], $0x80, v3, vm0, $0xb8;
	[tilespmem:$0x14100] =	vst v63  }
0x4c: {  	v3 =	vld.msk [tilespmem:$0x20], $0xff;
	_ =	sdelay $0x4  }
0x4d: {  	v54 =	vshll.u32 v3, $0x2  }
0x4e: {  	v3 =	vand.u32 $0x7, v3;
	v4 =	vand.u32 $0xFFFFFFE0, v54  }
0x4f: {  	v3 =	vor.u32 v3, v4  }
0x50: {  	v3 =	vperm.xlane v3, v0;
	_ =	sdelay $0x1  }
0x51: {  	v3 =	vadd.s32 v1, v3;
	_ =	sdelay $0x3  }
0x52: {  	s0 =	rddreg [dreg:$0xc]  }
0x53: {  	[tilespmem:s0], [sflag:$0x1] =	stream.indirect_vreg.gather [hbm4b:s3+s2], $0x80, v3, vm0, $0xb8;
	[tilespmem:$0x14100] =	vst v63  }
0x54: {  	s1 =	rddreg [dreg:$0xd]  }
0x55: {  	[tilespmem:s1], [sflag:$0x1] =	stream.indirect_vreg.gather [hbm4b:s5+s2], $0x80, v3, vm0, $0xb8;
	[tilespmem:$0x14100] =	vst v63  }
0x56: {  	v3 =	vld [tilespmem:$0x80];
	_ =	sdelay $0x4  }
0x57: {  	v55 =	vshll.u32 v3, $0x2  }
0x58: {  	v3 =	vand.u32 $0x7, v3;
	v4 =	vand.u32 $0xFFFFFFE0, v55  }
0x59: {  	v3 =	vor.u32 v3, v4  }
0x5a: {  	v4 =	vperm.xlane v3, v0;
	_ =	sdelay $0x1  }
0x5b: {  	v4 =	vadd.s32 v1, v4;
	_ =	sdelay $0x1  }
0x5c: {  	v3 =	vperm.xlane v3, v2;
	_ =	sdelay $0x1  }
0x5d: {  	v3 =	vadd.s32 v1, v3  }
0x5e: {  	[tilespmem:s12], [sflag:$0x1] =	stream.indirect_vreg.gather [hbm4b:s4+s2], $0x80, v4, vm0, $0xb8;
	[tilespmem:$0x14100] =	vst v63  }
0x5f: {  	s0 =	rddreg [dreg:$0xe]  }
0x60: {  	[tilespmem:s0], [sflag:$0x1] =	stream.indirect_vreg.gather [hbm4b:s6+s2], $0x80, v4, vm0, $0xb8;
	[tilespmem:$0x14100] =	vst v63  }
0x61: {  	s1 =	rddreg [dreg:$0xf]  }
0x62: {  	[tilespmem:s1], [sflag:$0x1] =	stream.indirect_vreg.gather [hbm4b:s4+s2], $0x80, v3, vm0, $0xb8;
	[tilespmem:$0x14100] =	vst v63  }
0x63: {  	s0 =	rddreg [dreg:$0x10]  }
0x64: {  	[tilespmem:s0], [sflag:$0x1] =	stream.indirect_vreg.gather [hbm4b:s6+s2], $0x80, v3, vm0, $0xb8;
	[tilespmem:$0x14100] =	vst v63  }
0x65: {  	v3 =	vld [tilespmem:$0x90];
	_ =	sdelay $0x4  }
0x66: {  	v56 =	vshll.u32 v3, $0x2  }
0x67: {  	v3 =	vand.u32 $0x7, v3;
	v4 =	vand.u32 $0xFFFFFFE0, v56  }
0x68: {  	v3 =	vor.u32 v3, v4  }
0x69: {  	v4 =	vperm.xlane v3, v0;
	_ =	sdelay $0x1  }
0x6a: {  	v4 =	vadd.s32 v1, v4;
	_ =	sdelay $0x1  }
0x6b: {  	v3 =	vperm.xlane v3, v2;
	_ =	sdelay $0x1  }
0x6c: {  	s0 =	rddreg [dreg:$0x11];
	v3 =	vadd.s32 v1, v3  }
0x6d: {  	[tilespmem:s0], [sflag:$0x1] =	stream.indirect_vreg.gather [hbm4b:s4+s2], $0x80, v4, vm0, $0xb8;
	[tilespmem:$0x14100] =	vst v63  }
0x6e: {  	s1 =	rddreg [dreg:$0x12]  }
0x6f: {  	[tilespmem:s1], [sflag:$0x1] =	stream.indirect_vreg.gather [hbm4b:s6+s2], $0x80, v4, vm0, $0xb8;
	[tilespmem:$0x14100] =	vst v63  }
0x70: {  	s0 =	rddreg [dreg:$0x13]  }
0x71: {  	[tilespmem:s0], [sflag:$0x1] =	stream.indirect_vreg.gather [hbm4b:s4+s2], $0x80, v3, vm0, $0xb8;
	[tilespmem:$0x14100] =	vst v63  }
0x72: {  	s1 =	rddreg [dreg:$0x14]  }
0x73: {  	[tilespmem:s1], [sflag:$0x1] =	stream.indirect_vreg.gather [hbm4b:s6+s2], $0x80, v3, vm0, $0xb8;
	[tilespmem:$0x14100] =	vst v63  }
0x74: {  	v3 =	vld.msk [tilespmem:$0xA0], $0xff;
	_ =	sdelay $0x4  }
0x75: {  	v57 =	vshll.u32 v3, $0x2  }
0x76: {  	v3 =	vand.u32 $0x7, v3;
	v4 =	vand.u32 $0xFFFFFFE0, v57  }
0x77: {  	v3 =	vor.u32 v3, v4  }
0x78: {  	v3 =	vperm.xlane v3, v0;
	_ =	sdelay $0x1  }
0x79: {  	v3 =	vadd.s32 v1, v3;
	_ =	sdelay $0x3  }
0x7a: {  	s0 =	rddreg [dreg:$0x15]  }
0x7b: {  	[tilespmem:s0], [sflag:$0x1] =	stream.indirect_vreg.gather [hbm4b:s4+s2], $0x80, v3, vm0, $0xb8;
	[tilespmem:$0x14100] =	vst v63  }
0x7c: {  	s1 =	rddreg [dreg:$0x16]  }
0x7d: {  	[tilespmem:s1], [sflag:$0x1] =	stream.indirect_vreg.gather [hbm4b:s6+s2], $0x80, v3, vm0, $0xb8;
	[tilespmem:$0x14100] =	vst v63  }
0x7e: {  	v3 =	vld [tilespmem:$0x28];
	_ =	sdelay $0x4  }
0x7f: {  	v58 =	vshll.u32 v3, $0x2  }
0x80: {  	v3 =	vand.u32 $0x7, v3;
	v4 =	vand.u32 $0xFFFFFFE0, v58  }
0x81: {  	v3 =	vor.u32 v3, v4  }
0x82: {  	v4 =	vperm.xlane v3, v0;
	_ =	sdelay $0x1  }
0x83: {  	v4 =	vadd.s32 v1, v4;
	_ =	sdelay $0x1  }
0x84: {  	v3 =	vperm.xlane v3, v2;
	_ =	sdelay $0x1  }
0x85: {  	v3 =	vadd.s32 v1, v3  }
0x86: {  	[tilespmem:s13], [sflag:$0x1] =	stream.indirect_vreg.gather [hbm4b:s3+s2], $0x80, v4, vm0, $0xb8;
	[tilespmem:$0x14100] =	vst v63  }
0x87: {  	s0 =	rddreg [dreg:$0x17]  }
0x88: {  	[tilespmem:s0], [sflag:$0x1] =	stream.indirect_vreg.gather [hbm4b:s5+s2], $0x80, v4, vm0, $0xb8;
	[tilespmem:$0x14100] =	vst v63  }
0x89: {  	s1 =	rddreg [dreg:$0x18]  }
0x8a: {  	[tilespmem:s1], [sflag:$0x1] =	stream.indirect_vreg.gather [hbm4b:s3+s2], $0x80, v3, vm0, $0xb8;
	[tilespmem:$0x14100] =	vst v63  }
0x8b: {  	s0 =	rddreg [dreg:$0x19]  }
0x8c: {  	[tilespmem:s0], [sflag:$0x1] =	stream.indirect_vreg.gather [hbm4b:s5+s2], $0x80, v3, vm0, $0xb8;
	[tilespmem:$0x14100] =	vst v63  }
0x8d: {  	v3 =	vld [tilespmem:$0x38];
	_ =	sdelay $0x4  }
0x8e: {  	v59 =	vshll.u32 v3, $0x2  }
0x8f: {  	v3 =	vand.u32 $0x7, v3;
	v4 =	vand.u32 $0xFFFFFFE0, v59  }
0x90: {  	v3 =	vor.u32 v3, v4  }
0x91: {  	v4 =	vperm.xlane v3, v0;
	_ =	sdelay $0x1  }
0x92: {  	v4 =	vadd.s32 v1, v4;
	_ =	sdelay $0x1  }
0x93: {  	v3 =	vperm.xlane v3, v2;
	_ =	sdelay $0x1  }
0x94: {  	s0 =	rddreg [dreg:$0x1a];
	v3 =	vadd.s32 v1, v3  }
0x95: {  	[tilespmem:s0], [sflag:$0x1] =	stream.indirect_vreg.gather [hbm4b:s3+s2], $0x80, v4, vm0, $0xb8;
	[tilespmem:$0x14100] =	vst v63  }
0x96: {  	s1 =	rddreg [dreg:$0x1b]  }
0x97: {  	[tilespmem:s1], [sflag:$0x1] =	stream.indirect_vreg.gather [hbm4b:s5+s2], $0x80, v4, vm0, $0xb8;
	[tilespmem:$0x14100] =	vst v63  }
0x98: {  	s0 =	rddreg [dreg:$0x1c]  }
0x99: {  	[tilespmem:s0], [sflag:$0x1] =	stream.indirect_vreg.gather [hbm4b:s3+s2], $0x80, v3, vm0, $0xb8;
	[tilespmem:$0x14100] =	vst v63  }
0x9a: {  	s1 =	rddreg [dreg:$0x1d]  }
0x9b: {  	[tilespmem:s1], [sflag:$0x1] =	stream.indirect_vreg.gather [hbm4b:s5+s2], $0x80, v3, vm0, $0xb8;
	[tilespmem:$0x14100] =	vst v63  }
0x9c: {  	v3 =	vld.msk [tilespmem:$0x48], $0xff;
	_ =	sdelay $0x4  }
0x9d: {  	v60 =	vshll.u32 v3, $0x2  }
0x9e: {  	v3 =	vand.u32 $0x7, v3;
	v4 =	vand.u32 $0xFFFFFFE0, v60  }
0x9f: {  	v3 =	vor.u32 v3, v4  }
0xa0: {  	v3 =	vperm.xlane v3, v0;
	_ =	sdelay $0x1  }
0xa1: {  	v3 =	vadd.s32 v1, v3;
	_ =	sdelay $0x4  }
0xa2: {  	[tilespmem:s14], [sflag:$0x1] =	stream.indirect_vreg.gather [hbm4b:s3+s2], $0x80, v3, vm0, $0xb8;
	[tilespmem:$0x14100] =	vst v63  }
0xa3: {  	_ = 	snop  }
0xa4: {  	[tilespmem:s15], [sflag:$0x1] =	stream.indirect_vreg.gather [hbm4b:s5+s2], $0x80, v3, vm0, $0xb8;
	[tilespmem:$0x14100] =	vst v63  }
0xa5: {  	v3 =	vld [tilespmem:$0xA8];
	_ =	sdelay $0x4  }
0xa6: {  	v61 =	vshll.u32 v3, $0x2  }
0xa7: {  	v3 =	vand.u32 $0x7, v3;
	v4 =	vand.u32 $0xFFFFFFE0, v61  }
0xa8: {  	v3 =	vor.u32 v3, v4  }
0xa9: {  	v4 =	vperm.xlane v3, v0;
	_ =	sdelay $0x1  }
0xaa: {  	v4 =	vadd.s32 v1, v4;
	_ =	sdelay $0x1  }
0xab: {  	v3 =	vperm.xlane v3, v2;
	_ =	sdelay $0x1  }
0xac: {  	v3 =	vadd.s32 v1, v3  }
0xad: {  	[tilespmem:s16], [sflag:$0x1] =	stream.indirect_vreg.gather [hbm4b:s4+s2], $0x80, v4, vm0, $0xb8;
	[tilespmem:$0x14100] =	vst v63  }
0xae: {  	_ = 	snop  }
0xaf: {  	[tilespmem:s17], [sflag:$0x1] =	stream.indirect_vreg.gather [hbm4b:s6+s2], $0x80, v4, vm0, $0xb8;
	[tilespmem:$0x14100] =	vst v63  }
0xb0: {  	_ = 	snop  }
0xb1: {  	[tilespmem:s18], [sflag:$0x1] =	stream.indirect_vreg.gather [hbm4b:s4+s2], $0x80, v3, vm0, $0xb8;
	[tilespmem:$0x14100] =	vst v63  }
0xb2: {  	_ = 	snop  }
0xb3: {  	[tilespmem:s19], [sflag:$0x1] =	stream.indirect_vreg.gather [hbm4b:s6+s2], $0x80, v3, vm0, $0xb8;
	[tilespmem:$0x14100] =	vst v63  }
0xb4: {  	v3 =	vld [tilespmem:$0xB8];
	_ =	sdelay $0x4  }
0xb5: {  	v62 =	vshll.u32 v3, $0x2  }
0xb6: {  	v3 =	vand.u32 $0x7, v3;
	v4 =	vand.u32 $0xFFFFFFE0, v62  }
0xb7: {  	v3 =	vor.u32 v3, v4  }
0xb8: {  	v4 =	vperm.xlane v3, v0;
	_ =	sdelay $0x1  }
0xb9: {  	v4 =	vadd.s32 v1, v4;
	_ =	sdelay $0x1  }
0xba: {  	v3 =	vperm.xlane v3, v2;
	_ =	sdelay $0x1  }
0xbb: {  	v3 =	vadd.s32 v1, v3  }
0xbc: {  	[tilespmem:s20], [sflag:$0x1] =	stream.indirect_vreg.gather [hbm4b:s4+s2], $0x80, v4, vm0, $0xb8;
	[tilespmem:$0x14100] =	vst v63  }
0xbd: {  	_ = 	snop  }
0xbe: {  	[tilespmem:s21], [sflag:$0x1] =	stream.indirect_vreg.gather [hbm4b:s6+s2], $0x80, v4, vm0, $0xb8;
	[tilespmem:$0x14100] =	vst v63  }
0xbf: {  	_ = 	snop  }
0xc0: {  	[tilespmem:s22], [sflag:$0x1] =	stream.indirect_vreg.gather [hbm4b:s4+s2], $0x80, v3, vm0, $0xb8;
	[tilespmem:$0x14100] =	vst v63  }
0xc1: {  	_ = 	snop  }
0xc2: {  	[tilespmem:s23], [sflag:$0x1] =	stream.indirect_vreg.gather [hbm4b:s6+s2], $0x80, v3, vm0, $0xb8;
	[tilespmem:$0x14100] =	vst v63  }
0xc3: {  	v3 =	vld.msk [tilespmem:$0xC8], $0xff;
	_ =	sdelay $0x4  }
0xc4: {  	v63 =	vshll.u32 v3, $0x2  }
0xc5: {  	v3 =	vand.u32 $0x7, v3;
	v4 =	vand.u32 $0xFFFFFFE0, v63  }
0xc6: {  	v3 =	vor.u32 v3, v4  }
0xc7: {  	v3 =	vperm.xlane v3, v0;
	_ =	sdelay $0x1  }
0xc8: {  	v3 =	vadd.s32 v1, v3;
	_ =	sdelay $0x4  }
0xc9: {  	[tilespmem:s24], [sflag:$0x1] =	stream.indirect_vreg.gather [hbm4b:s4+s2], $0x80, v3, vm0, $0xb8;
	[tilespmem:$0x14100] =	vst v63  }
0xca: {  	_ = 	snop  }
0xcb: {  	[tilespmem:s25], [sflag:$0x1] =	stream.indirect_vreg.gather [hbm4b:s6+s2], $0x80, v3, vm0, $0xb8;
	[tilespmem:$0x14100] =	vst v63  }
0xcc: {  	_ =	swait.ge [sflag:s26], $0x5000  }
0xcd: {  	s1 =	rddreg [dreg:$0x2];
	[sflag:s26] =	ssyncset.done $0x0  }
0xce: {  	[sflag:s26] =	ssyncadd.s32 $0xFFFFB000;
	s0 =	sadd.s32 s31, s1  }
0xcf: {  	[hbm4b:s0+s2] =	stream.linear.scatter [tilespmem:s11], [sflag:$0x2], $0x5000, $0x38;
	[tilespmem:$0x14100] =	vst v63  }
0xd0: {  	_ =	swait.ge [sflag:s10], $0x5000  }
0xd1: {  	[sflag:s10] =	ssyncset.done $0x0  }
0xd2: {  	[sflag:s10] =	ssyncadd.s32 $0xFFFFB000  }
0xd3: {  	_ =	swait.ge [sflag:s26], $0x5000  }
0xd4: {  	s1 =	rddreg [dreg:$0x3];
	[sflag:s26] =	ssyncset.done $0x0  }
0xd5: {  	[sflag:s26] =	ssyncadd.s32 $0xFFFFB000;
	s1 =	sadd.s32 s31, s1  }
0xd6: {  	[hbm4b:s1+s2] =	stream.linear.scatter [tilespmem:s12], [sflag:$0x2], $0x5000, $0x38;
	[tilespmem:$0x14100] =	vst v63  }
0xd7: {  	_ =	swait.ge [sflag:s10], $0x5000  }
0xd8: {  	[sflag:s10] =	ssyncset.done $0x0  }
0xd9: {  	[sflag:s10] =	ssyncadd.s32 $0xFFFFB000  }
0xda: {  	_ =	swait.ge [sflag:s26], $0x5000  }
0xdb: {  	[sflag:s26] =	ssyncset.done $0x0  }
0xdc: {  	s0 =	sadd.s32 $0xA00, s0;
	[sflag:s26] =	ssyncadd.s32 $0xFFFFB000  }
0xdd: {  	[hbm4b:s0+s2] =	stream.linear.scatter [tilespmem:s13], [sflag:$0x2], $0x5000, $0x38;
	[tilespmem:$0x14100] =	vst v63  }
0xde: {  	_ =	swait.ge [sflag:s10], $0x5000  }
0xdf: {  	[sflag:s10] =	ssyncset.done $0x0  }
0xe0: {  	[sflag:s10] =	ssyncadd.s32 $0xFFFFB000  }
0xe1: {  	_ =	swait.ge [sflag:s26], $0x5000  }
0xe2: {  	p0 =	sne.s32 s31, $0x9B000;
	[sflag:s26] =	ssyncset.done $0x0  }
.Ltmp0:
0xe3: {  	s1 =	sadd.s32 $0xA00, s1;
	[sflag:s26] =	ssyncadd.s32 $0xFFFFB000;
	(pc) =	sbr.rel @p0 .LBB2_2-.Ltmp0, $4  }
0xe4: {  	[hbm4b:s1+s2] =	stream.linear.scatter [tilespmem:s16], [sflag:$0x2], $0x5000, $0x38;
	[tilespmem:$0x14100] =	vst v63  }
0xe5: {  	_ =	swait.ge [sflag:s10], $0x5000  }
0xe6: {  	s29 =	sadd.s32 $0xA, s29;
	[sflag:s10] =	ssyncset.done $0x0  }
0xe7: {  	s30 =	sadd.s32 $0xA, s30;
	s31 =	sadd.s32 $0x1400, s31;
	[sflag:s10] =	ssyncadd.s32 $0xFFFFB000  }
0xe8: {  	s28 =	sadd.s32 $0x1, s28  }
0xe9: {  	p0 =	sne.s32 s28, s7  }
.Ltmp1:
0xea: {  	_ = 	snop;
	(pc) =	sbr.rel @p0 .LBB2_1-.Ltmp1, $1  }
0xeb: {  	_ =	sdelay $0x3  }
0xec: {  	_ =	sfence.sel $0x180000  }
0xed: {  	[bflag:$0x0] =	sbarrier.arrive $0xFFFF  }
0xee: {  	_ =	strace $0x90000056  }
0xef: {  	s0 =	stileid.u32;
	[bflag:$0x2] =	sbarrier.arrive $0xFFFF  }
0xf0: {  	p0 =	sne.s32 s0, $0x0;
	s0 =	rddreg [dreg:$0x1]  }
0xf1: {  	s0 =	sadd.s32 @!p0 $0x100000, s0  }
0xf2: {  	[sflag:s0] =	ssyncadd.tile.s32 @!p0 $0x1;
	_ =	shalt  }
.Lfunc_end2:
_tile_overlayer_lowered:
.L_overlay_start_2:
0xf3: {  	(tag) =	ssettag $0x2  }
0xf4: {  	s0 =	rddreg [dreg:$0x0];
	s2 =	stileid.u32  }
0xf5: {  	s1 =	rddreg [dreg:$0x1];
	p0 =	sne.s32 s2, $0x0  }
0xf6: {  	s3 =	rddreg [dreg:$0x2];
	[bflag:$0x3] =	sbarrier.arrive $0xFFFF;
	s2 =	simm.s32 @!p0 $0x1C02  }
0xf7: {  	[timem:s3], [sflag:s2] =	dma.local @!p0 [hbm:s0], s1  }
0xf8: {  	s0 =	simm.s32 @!p0 $0x2  }
0xf9: {  	_ =	swait.ge @!p0 [sflag:s0], s1  }
0xfa: {  	s1 =	ssub.s32 @!p0 $0x0, s1;
	[sflag:s0] =	ssyncset.done @!p0 $0x0  }
0xfb: {  	[sflag:s0] =	ssyncadd.s32 @!p0 s1  }
0xfc: {  	[bflag:$0x3] =	sbarrier.arrive $0xFFFF  }
0xfd: {  	_ =	shalt  }

// kernel: kernel.30.cloned.1.call-start
scs
__scs_entry_jumppad:
0x0: {  	(pc) =	sbr.rel $0x88, $3  }
0x1: {  	(tag) =	ssettag $0x0;
	lr =	simm.s32 $0x1  }
0x2: {  	[smem:$0x3F92] =	sst lr;
	_ =	strace $0xD0000000  }
0x3: {  	_ = 	snop  }
0x4: {  	_ = 	snop  }
0x5: {  	_ = 	snop  }
0x6: {  	_ = 	snop  }
0x7: {  	_ = 	snop  }
__scs_overlays_trampoline_lowered:
0x8: {  	[smem:$0x3FA1] =	sst s0  }
0x9: {  	[smem:$0x3FA2] =	sst s1  }
0xa: {  	[smem:$0x3FA3] =	sst s2  }
0xb: {  	[smem:$0x3FA4] =	sst s3  }
0xc: {  	[smem:$0x3FA5] =	sst s4  }
0xd: {  	[smem:$0x3FA6] =	sst s5  }
0xe: {  	[smem:$0x3FA7] =	sst s6  }
0xf: {  	[smem:$0x3FA8] =	sst s7  }
0x10: {  	[smem:$0x3FA9] =	sst s8  }
0x11: {  	[smem:$0x3FAA] =	sst s9;
	s0 =	simm.s32 @!p0 $0x0  }
0x12: {  	s1 =	sld [smem:$0x3F90];
	s0 =	simm.s32 @p0 $0x1  }
0x13: {  	[smem:$0x3FAB] =	sst s0;
	s0 =	simm.s32 @!p1 $0x0  }
0x14: {  	s2 =	sld [smem:$0x3F8F];
	s0 =	simm.s32 @p1 $0x1  }
0x15: {  	[smem:$0x3FAC] =	sst s0;
	s0 =	simm.s32 @!p2 $0x0  }
0x16: {  	s3 =	sld [smem:$0x3FDB];
	s0 =	simm.s32 @p2 $0x1  }
0x17: {  	s4 =	simm.s32 $0x1BF5;
	[smem:$0x3FAE] =	sst s0  }
0x18: {  	s0 =	sld [smem:$0x3F91];
	_ =	swait.ge [sflag:s4], $0x0  }
0x19: {  	s7 =	sld [smem:$0x3F92]  }
0x1a: {  	s8 =	sadd.s32 $0xFFFFE003, lr  }
0x1b: {  	s9 =	sadd.s32 $0xFFFFFEF7, lr;
	s5 =	simm.s32 $0xFFFFFFFF;
	p2 =	slt.u32 s8, $0xFFFFF086  }
0x1c: {  	p1 =	slt.u32 s9, $0xF7A;
	s5 =	simm.s32 @!p2 $0x0  }
0x1d: {  	s5 =	simm.s32 @p1 $0x1;
	p0 =	seq.s32 s7, s2  }
0x1e: {  	s7 =	smul.u32 @!p0 $0xF7A, s2;
	p2 =	seq.s32 @!p0 s5, $0x0  }
0x1f: {  	s9 =	smul.u32 $0xF7A, s1;
	s8 =	simm.s32 @!p0 $0x1BF5;
	p2 =	por !p2, p0  }
0x20: {  	[sflag:s8] =	ssyncset.s32 @!p0 $0xFFFFF086;
	s6 =	sadd.s32 @!p0 s3, s7;
	s7 =	simm.s32 @!p0 $0x108  }
0x21: {  	s3 =	sadd.s32 s3, s9;
	s6 =	sadd.s32 @!p0 $0x88, s6;
	s7 =	simm.s32 @p2 $0x1082  }
0x22: {  	[simem:s7], [sflag:s8] =	dma.local @!p0 [hbm:s6], $0xF7A  }
0x23: {  	s9 =	sor.u32 $0xD0000000, s2;
	s6 =	simm.s32 $0x108;
	_ =	swait.ge @!p0 [sflag:s8], $0x0  }
0x24: {  	s3 =	sadd.s32 $0x88, s3;
	s6 =	simm.s32 @!p1 $0x1082;
	[sflag:s4] =	ssyncset.s32 $0xFFFFF086  }
0x25: {  	[simem:s6], [sflag:s4] =	dma.local [hbm:s3], $0xF7A  }
0x26: {  	[smem:$0x3F92] =	sst s1;
	(tag) =	ssettag s2;
	_ =	strace s9  }
0x27: {  	s1 =	sld [smem:$0x3FA2]  }
0x28: {  	s2 =	sld [smem:$0x3FA3]  }
0x29: {  	s4 =	sld [smem:$0x3FA5]  }
0x2a: {  	p0 =	seq.s32 s5, $0x0;
	s5 =	sld [smem:$0x3FA6]  }
0x2b: {  	s6 =	sld [smem:$0x3FA7]  }
0x2c: {  	s7 =	sld [smem:$0x3FA8]  }
0x2d: {  	s3 =	simm.s32 $0x108;
	s8 =	sld [smem:$0x3FA9]  }
0x2e: {  	s3 =	simm.s32 @!p0 $0x1082;
	s9 =	sld [smem:$0x3FAA]  }
0x2f: {  	lr =	sadd.s32 s0, s3;
	s0 =	sld [smem:$0x3FA1]  }
0x30: {  	s3 =	sld [smem:$0x3FA4]  }
0x31: {  	[smem:$0x3FAD] =	sst s10  }
0x32: {  	s10 =	sld [smem:$0x3FAB];
	_ =	sdelay $0x3  }
0x33: {  	p0 =	seq.s32 s10, $0x1;
	s10 =	sld [smem:$0x3FAD];
	_ =	sdelay $0x3  }
0x34: {  	[smem:$0x3FAD] =	sst s10  }
0x35: {  	s10 =	sld [smem:$0x3FAC];
	_ =	sdelay $0x3  }
0x36: {  	p1 =	seq.s32 s10, $0x1;
	s10 =	sld [smem:$0x3FAD];
	_ =	sdelay $0x3  }
0x37: {  	[smem:$0x3FAD] =	sst s10  }
0x38: {  	s10 =	sld [smem:$0x3FAE]  }
0x39: {  	_ = 	snop;
	(pc) =	sbr.ind lr, $3  }
0x3a: {  	_ = 	snop  }
0x3b: {  	_ = 	snop  }
0x3c: {  	p2 =	seq.s32 s10, $0x1;
	s10 =	sld [smem:$0x3FAD]  }
0x3d: {  	_ =	shalt  }
0x3e: {  	_ =	shalt  }
0x3f: {  	_ =	shalt  }
0x40: {  	_ =	shalt  }
0x41: {  	_ =	shalt  }
0x42: {  	_ =	shalt  }
0x43: {  	_ =	shalt  }
0x44: {  	_ =	shalt  }
0x45: {  	_ =	shalt  }
0x46: {  	_ =	shalt  }
0x47: {  	_ =	shalt  }
0x48: {  	_ =	shalt  }
0x49: {  	_ =	shalt  }
0x4a: {  	_ =	shalt  }
0x4b: {  	_ =	shalt  }
0x4c: {  	_ =	shalt  }
0x4d: {  	_ =	shalt  }
0x4e: {  	_ =	shalt  }
0x4f: {  	_ =	shalt  }
0x50: {  	_ =	shalt  }
0x51: {  	_ =	shalt  }
0x52: {  	_ =	shalt  }
0x53: {  	_ =	shalt  }
0x54: {  	_ =	shalt  }
0x55: {  	_ =	shalt  }
0x56: {  	_ =	shalt  }
0x57: {  	_ =	shalt  }
0x58: {  	_ =	shalt  }
0x59: {  	_ =	shalt  }
0x5a: {  	_ =	shalt  }
0x5b: {  	_ =	shalt  }
0x5c: {  	_ =	shalt  }
0x5d: {  	_ =	shalt  }
0x5e: {  	_ =	shalt  }
0x5f: {  	_ =	shalt  }
0x60: {  	_ =	shalt  }
0x61: {  	_ =	shalt  }
0x62: {  	_ =	shalt  }
0x63: {  	_ =	shalt  }
0x64: {  	_ =	shalt  }
0x65: {  	_ =	shalt  }
0x66: {  	_ =	shalt  }
0x67: {  	_ =	shalt  }
0x68: {  	_ =	shalt  }
0x69: {  	_ =	shalt  }
0x6a: {  	_ =	shalt  }
0x6b: {  	_ =	shalt  }
0x6c: {  	_ =	shalt  }
0x6d: {  	_ =	shalt  }
0x6e: {  	_ =	shalt  }
0x6f: {  	_ =	shalt  }
0x70: {  	_ =	shalt  }
0x71: {  	_ =	shalt  }
0x72: {  	_ =	shalt  }
0x73: {  	_ =	shalt  }
0x74: {  	_ =	shalt  }
0x75: {  	_ =	shalt  }
0x76: {  	_ =	shalt  }
0x77: {  	_ =	shalt  }
0x78: {  	_ =	shalt  }
0x79: {  	_ =	shalt  }
0x7a: {  	_ =	shalt  }
0x7b: {  	_ =	shalt  }
0x7c: {  	_ =	shalt  }
0x7d: {  	_ =	shalt  }
0x7e: {  	_ =	shalt  }
0x7f: {  	_ =	shalt  }
0x80: {  	_ =	shalt  }
0x81: {  	_ =	shalt  }
0x82: {  	_ =	shalt  }
0x83: {  	_ =	shalt  }
0x84: {  	_ =	shalt  }
0x85: {  	_ =	shalt  }
0x86: {  	_ =	shalt  }
0x87: {  	_ =	shalt  }
.Lfunc_end0:
.L_simem_size_0:
called_computation.7_lowered:
.L_overlay_start_0:
0x88: {  	s2 =	sld [smem:$0x3FD9]  }
0x89: {  	s3 =	sld [smem:$0x3FFE];
	_ =	sdelay $0x1  }
0x8a: {  	s1 =	srdreg.scid  }
0x8b: {  	s0 =	sand.u32 $0x1, s1  }
0x8c: {  	s17 =	sshll.u32 s0, $0xA;
	s2 =	sadd.s32 s3, s2  }
0x8d: {  	s2 =	sadd.s32 s2, s17  }
0x8e: {  	[smem:$0x3FB9] =	sst s2  }
0x8f: {  	_ = 	snop  }
0x90: {  	(tm) =	ssettm $0x1  }
0x91: {  	s18 =	sld [smem:$0x3FFB];
	_ =	sdelay $0x3  }
0x92: {  	_ =	strace s18  }
0x93: {  	s2 =	sld [smem:$0x3FFC];
	_ =	sdelay $0x3  }
0x94: {  	_ =	strace s2  }
0x95: {  	s2 =	sld [smem:$0x3FFD];
	_ =	sdelay $0x3  }
0x96: {  	_ =	strace s2  }
0x97: {  	_ =	strace $0x8FFFFFFF  }
0x98: {  	s19 =	sld [smem:$0x3FDB];
	_ =	sdelay $0x1  }
0x99: {  	s20 =	simm.s32 $_scs_section_size  }
0x9a: {  	s4 =	simm.s32 $_size__tile_overlayer_lowered;
	s5 =	simm.s32 $_tile_overlayer_lowered  }
0x9b: {  	s6 =	simm.s32 $0x1BFF;
	s21 =	sshll.u32 s5, $0x1;
	s3 =	sadd.s32 s20, s19  }
0x9c: {  	s22 =	simm.s32 $0x0;
	s4 =	sshll.u32 s4, $0x1;
	s5 =	sadd.s32 s21, s3  }
0x9d: {  	[timem:s22], [sflag:s6] =	dma.local [hbm:s5], s4  }
0x9e: {  	_ =	swait.ge [sflag:s6], s4  }
0x9f: {  	s4 =	ssub.s32 $0x0, s4;
	[sflag:s6] =	ssyncset.done $0x0  }
0xa0: {  	[sflag:s6] =	ssyncadd.s32 s4;
	_ =	sdelay $0x1  }
0xa1: {  	s23 =	simm.s32 $0x1B8B  }
0xa2: {  	_ =	swait.ge [sflag:s23], $0x1  }
0xa3: {  	[sflag:s23] =	ssyncset.done $0x0  }
0xa4: {  	[sflag:s23] =	ssyncadd.s32 $0xFFFFFFFF  }
0xa5: {  	s4 =	sld [smem:$0x0]  }
0xa6: {  	s5 =	sand.u32 $0xFFFFFFFE, s1  }
0xa7: {  	p0 =	sne.s32 s1, s5  }
0xa8: {  	s5 =	sshll.u32 @p0 s5, $0xE  }
0xa9: {  	s5 =	sadd.s32 @p0 $0x11B8D, s5;
	s6 =	sshll.u32 @p0 s4, $0x11  }
0xaa: {  	s5 =	sor.u32 @p0 s6, s5  }
0xab: {  	[sflag:s5] =	ssyncadd.remote.s32 @p0 $0x1;
	_ =	sdelay $0x1  }
0xac: {  	s5 =	simm.s32 @p0 $0x1B8D  }
0xad: {  	_ =	swait.eq @p0 [sflag:s5], $0x1  }
0xae: {  	[sflag:s5] =	ssyncadd.s32 @p0 $0xFFFFFFFF  }
0xaf: {  	s6 =	sshll.u32 @!p0 s1, $0xE  }
0xb0: {  	s6 =	sor.u32 @!p0 $0x4000, s6;
	s5 =	simm.s32 @!p0 $0x1B8D  }
0xb1: {  	s4 =	sshll.u32 @!p0 s4, $0x11;
	s6 =	sadd.s32 @!p0 $0x11B8D, s6;
	_ =	swait.eq @!p0 [sflag:s5], $0x1  }
0xb2: {  	s4 =	sor.u32 @!p0 s4, s6;
	[sflag:s5] =	ssyncadd.s32 @!p0 $0xFFFFFFFF  }
0xb3: {  	s25 =	simm.s32 $0x1B8E;
	s24 =	sld [smem:$0x3FFE];
	[sflag:s4] =	ssyncadd.remote.s32 @!p0 $0x1  }
0xb4: {  	s26 =	simm.s32 $execute0_lowered;
	[smem:$0x3FD2] =	sst s25  }
0xb5: {  	s5 =	sshll.u32 s26, $0x1;
	_ =	strace $0x8000005B;
	[dreg:$0x1] =	wrdreg $0xFFFFFFFF  }
0xb6: {  	s28 =	simm.s32 $_size_execute0_lowered;
	s3 =	sadd.s32 s3, s5;
	[dreg:$0x0] =	wrdreg $0x0  }
0xb7: {  	s5 =	sshll.u32 s28, $0x1;
	[dreg:$0x2] =	wrdreg s3  }
0xb8: {  	[dreg:$0x3] =	wrdreg s5  }
0xb9: {  	[dreg:$0x4] =	wrdreg $0xC0  }
0xba: {  	_ =	task [dreg:s22], $0x5FFFF  }
0xbb: {  	[dreg:$0x1] =	wrdreg $0xFFFFFFFF  }
0xbc: {  	[dreg:$0x0] =	wrdreg $0x60  }
0xbd: {  	[dreg:$0x2] =	wrdreg s24  }
0xbe: {  	[dreg:$0x3] =	wrdreg $0x10000  }
0xbf: {  	[dreg:$0x4] =	wrdreg $0x12800  }
0xc0: {  	[dreg:$0x5] =	wrdreg $0x15000  }
0xc1: {  	[dreg:$0x6] =	wrdreg $0x17800  }
0xc2: {  	[dreg:$0x7] =	wrdreg $0xA  }
0xc3: {  	_ =	task.clear_ibuf [dreg:s22], $0x8FFFF;
	_ =	strace $0x9000005B  }
0xc4: {  	s29 =	simm.s32 $0xA;
	_ =	strace $0x8000005D  }
0xc5: {  	_ =	swait.ge [sflag:s29], $0x1  }
0xc6: {  	[sflag:s29] =	ssyncadd.s32 $0xFFFFFFFF  }
0xc7: {  	_ =	strace $0x9000005D  }
0xc8: {  	_ =	sfence  }
0xc9: {  	s30 =	sld [smem:$0x0];
	_ =	sdelay $0x2  }
0xca: {  	s31 =	sshll.u32 s1, $0xD;
	s1 =	sshrl.u32 s1, $0x2  }
0xcb: {  	s4 =	sand.u32 $0x4000, s31;
	s1 =	sadd.s32 s1, s30  }
0xcc: {  	s0 =	sor.u32 s4, s0;
	s1 =	sshll.u32 s1, $0x11  }
0xcd: {  	s0 =	sor.u32 s1, s0  }
0xce: {  	s0 =	sadd.s32 $0x8F2B, s0  }
0xcf: {  	[sflag:s0] =	ssyncadd.remote.s32 $0x1  }
0xd0: {  	_ =	sfence.sel $0xFFFF  }
0xd1: {  	[dreg:$0x0] =	wrdreg $0xFFFFFFFF;
	(pc) =	sbr.abs _section_cstart, $3  }
0xd2: {  	[dreg:$0x1] =	wrdreg $0xFFFFFFFF  }
0xd3: {  	_ =	task.clear_ibuf [dreg:s22], $0x2FFFF;
	_ =	strace $0x9FFFFFFF  }
0xd4: {  	(tm) =	ssettm $0x7FFFFFFF  }
0xd5: {  	_ =	shalt  }
tec
execute0_lowered:
.L_overlay_start_1:
0x0: {  	(tag) =	ssettag $0x1  }
0x1: {  	s0 =	rddreg [dreg:$0x0]  }
0x2: {  	s1 =	rddreg [dreg:$0x1]  }
0x3: {  	s2 =	rddreg [dreg:$0x2]  }
0x4: {  	s3 =	srdreg.scid;
	s4 =	rddreg [dreg:$0x3]  }
0x5: {  	s11 =	stileid.u32;
	s5 =	rddreg [dreg:$0x4];
	s6 =	simm.s32 $0x0  }
0x6: {  	s23 =	simm.s32 $0x1;
	s24 =	simm.s32 $0x800;
	s7 =	smul.u32 $0x4E20, s11  }
0x7: {  	s25 =	simm.s32 $0x7D0;
	s3 =	sand.u32 $0x1, s3;
	s9 =	smul.u32 $0x280, s11  }
0x8: {  	[smem:$0x7FF] =	sst s6;
	s29 =	sshll.u32 s11, $0x6;
	s8 =	smul.u32 $0x2710, s3  }
0x9: {  	s26 =	smul.u32 $0xA000, s3;
	_ =	strace $0x8000005C;
	s3 =	ssub.s32 $0x2, s3  }
0xa: {  	s28 =	sshrl.u32 s9, $0x3;
	s10 =	sshrl.u32 s3, $0x1;
	s22 =	sadd.s32 s9, s1  }
0xb: {  	s30 =	sadd.s32 s9, s2;
	s31 =	sadd.s32 s9, s4;
	s11 =	sadd.s32 s9, s5  }
0xc: {  	s7 =	sadd.s32 s8, s7;
	s8 =	sadd.s32 s9, s26;
	[dreg:$0x6] =	wrdreg s30  }
0xd: {  	s3 =	ssub.s32 s3, s10;
	[dreg:$0x7] =	wrdreg s31;
	s22 =	sshrl.u32 s22, $0x3  }
0xe: {  	s26 =	simm.s32 $0x0;
	s7 =	sshrl.u32 s7, $0x3;
	s8 =	sshrl.u32 s8, $0x3  }
0xf: {  	s16 =	smax.u32 s3, $0x1;
	s21 =	sadd.s32 s7, s0;
	s7 =	sadd.s32 s28, s0  }
0x10: {  	s0 =	sadd.s32 s8, s0;
	s8 =	sor.u32 $0x1C01, s29;
	s7 =	sadd.s32 $0x1A000, s7  }
0x11: {  	s12 =	sadd.s32 $0x41E00, s0;
	s13 =	sadd.s32 $0x42300, s0;
	s14 =	sadd.s32 $0x42800, s0  }
0x12: {  	s15 =	sadd.s32 $0x42D00, s0;
	s17 =	sadd.s32 $0x1A600, s21;
	s18 =	sadd.s32 $0x24400, s21  }
0x13: {  	s19 =	sadd.s32 $0x2E200, s21;
	s20 =	sadd.s32 $0x38000, s21;
	s21 =	sadd.s32 $0x10200, s21  }
.LBB2_1:
0x14: {  	[spmem:s22], [sflag:s8] =	dma.local [hbm:s7], $0x50  }
0x15: {  	_ =	swait.ge [sflag:s23], $0x50  }
0x16: {  	[sflag:s23] =	ssyncset.done $0x0;
	s0 =	rddreg [dreg:$0x6]  }
0x17: {  	[sflag:s23] =	ssyncadd.s32 $0xFFFFFFB0;
	s28 =	sshrl.u32 s0, $0x3  }
0x18: {  	[spmem:s28], [sflag:s8] =	dma.local [hbm:s7], $0x50  }
0x19: {  	_ =	swait.ge [sflag:s23], $0x50  }
0x1a: {  	[sflag:s23] =	ssyncset.done $0x0;
	s3 =	rddreg [dreg:$0x7]  }
0x1b: {  	[sflag:s23] =	ssyncadd.s32 $0xFFFFFFB0;
	s29 =	sshrl.u32 s3, $0x3  }
0x1c: {  	[spmem:s29], [sflag:s8] =	dma.local [hbm:s7], $0x50  }
0x1d: {  	_ =	swait.ge [sflag:s23], $0x50  }
0x1e: {  	[sflag:s23] =	ssyncset.done $0x0  }
0x1f: {  	s30 =	sshrl.u32 s11, $0x3;
	[sflag:s23] =	ssyncadd.s32 $0xFFFFFFB0  }
0x20: {  	[spmem:s30], [sflag:s8] =	dma.local [hbm:s7], $0x50  }
0x21: {  	_ =	swait.ge [sflag:s23], $0x50  }
0x22: {  	[sflag:s23] =	ssyncset.done $0x0  }
0x23: {  	[sflag:s23] =	ssyncadd.s32 $0xFFFFFFB0  }
0x24: {  	s9 =	sadd.s32 $0x0, s21;
	[bflag:$0x0] =	sbarrier.arrive $0xFFFF  }
0x25: {  	[tilespmem:s24], [sflag:$0x1] =	stream.linear.gather [hbm4b:s9+s6], $0x7D0, $0x38;
	[tilespmem:$0x1A00] =	vst v63  }
0x26: {  	_ =	swait.ge [sflag:s23], $0x7D0  }
0x27: {  	[sflag:s23] =	ssyncset.done $0x0  }
0x28: {  	s10 =	sadd.s32 $0x0, s20;
	[sflag:s23] =	ssyncadd.s32 $0xFFFFF830  }
0x29: {  	[tilespmem:s6], [sflag:$0x1] =	stream.linear.gather [hbm4b:s10+s6], $0x7D0, $0x38;
	[tilespmem:$0x1A00] =	vst v63  }
0x2a: {  	_ =	swait.ge [sflag:s23], $0x7D0  }
0x2b: {  	[sflag:s23] =	ssyncset.done $0x0  }
0x2c: {  	[sflag:s23] =	ssyncadd.s32 $0xFFFFF830  }
0x2d: {  	[spmem:s1] =	stream.indirect.scatter.add.f32 [tilespmem:s6], [sflag:$0x1], $0x1, s24, s25, $0xb8;
	[tilespmem:$0x1A00] =	vst v63  }
0x2e: {  	_ =	swait.ge [sflag:s23], $0x7D0  }
0x2f: {  	[sflag:s23] =	ssyncset.done $0x0  }
0x30: {  	s3 =	sadd.s32 $0x0, s19;
	[sflag:s23] =	ssyncadd.s32 $0xFFFFF830  }
0x31: {  	[tilespmem:s6], [sflag:$0x1] =	stream.linear.gather [hbm4b:s3+s6], $0x7D0, $0x38;
	[tilespmem:$0x1A00] =	vst v63  }
0x32: {  	_ =	swait.ge [sflag:s23], $0x7D0  }
0x33: {  	[sflag:s23] =	ssyncset.done $0x0  }
0x34: {  	[sflag:s23] =	ssyncadd.s32 $0xFFFFF830  }
0x35: {  	[spmem:s2] =	stream.indirect.scatter.add.f32 [tilespmem:s6], [sflag:$0x1], $0x1, s24, s25, $0xb8;
	[tilespmem:$0x1A00] =	vst v63  }
0x36: {  	_ =	swait.ge [sflag:s23], $0x7D0  }
0x37: {  	[sflag:s23] =	ssyncset.done $0x0  }
0x38: {  	s9 =	sadd.s32 $0x0, s18;
	[sflag:s23] =	ssyncadd.s32 $0xFFFFF830  }
0x39: {  	[tilespmem:s6], [sflag:$0x1] =	stream.linear.gather [hbm4b:s9+s6], $0x7D0, $0x38;
	[tilespmem:$0x1A00] =	vst v63  }
0x3a: {  	_ =	swait.ge [sflag:s23], $0x7D0  }
0x3b: {  	[sflag:s23] =	ssyncset.done $0x0  }
0x3c: {  	[sflag:s23] =	ssyncadd.s32 $0xFFFFF830  }
0x3d: {  	[spmem:s4] =	stream.indirect.scatter.add.f32 [tilespmem:s6], [sflag:$0x1], $0x1, s24, s25, $0xb8;
	[tilespmem:$0x1A00] =	vst v63  }
0x3e: {  	_ =	swait.ge [sflag:s23], $0x7D0  }
0x3f: {  	[sflag:s23] =	ssyncset.done $0x0  }
0x40: {  	s10 =	sadd.s32 $0x0, s17;
	[sflag:s23] =	ssyncadd.s32 $0xFFFFF830  }
0x41: {  	[tilespmem:s6], [sflag:$0x1] =	stream.linear.gather [hbm4b:s10+s6], $0x7D0, $0x38;
	[tilespmem:$0x1A00] =	vst v63  }
0x42: {  	_ =	swait.ge [sflag:s23], $0x7D0  }
0x43: {  	[sflag:s23] =	ssyncset.done $0x0  }
0x44: {  	[sflag:s23] =	ssyncadd.s32 $0xFFFFF830  }
0x45: {  	[spmem:s5] =	stream.indirect.scatter.add.f32 [tilespmem:s6], [sflag:$0x1], $0x1, s24, s25, $0xb8;
	[tilespmem:$0x1A00] =	vst v63  }
0x46: {  	_ =	swait.ge [sflag:s23], $0x7D0  }
0x47: {  	s31 =	simm.s32 $0xFA;
	s3 =	simm.s32 $0x1F4;
	[sflag:s23] =	ssyncset.done $0x0  }
.LBB2_2:
0x48: {  	s10 =	sadd.s32 s31, s21  }
0x49: {  	[sflag:s23] =	ssyncadd.s32 $0xFFFFF830;
	s0 =	smov.u32 s3;
	s9 =	sadd.s32 $0xFA, s3  }
0x4a: {  	[tilespmem:s24], [sflag:$0x1] =	stream.linear.gather [hbm4b:s10+s6], $0x7D0, $0x38;
	[tilespmem:$0x1A00] =	vst v63  }
0x4b: {  	p0 =	sne.s32 s3, $0x3E8;
	_ =	swait.ge [sflag:s23], $0x7D0  }
0x4c: {  	[sflag:s23] =	ssyncset.done $0x0  }
0x4d: {  	s3 =	sadd.s32 s31, s20;
	[sflag:s23] =	ssyncadd.s32 $0xFFFFF830  }
0x4e: {  	[tilespmem:s6], [sflag:$0x1] =	stream.linear.gather [hbm4b:s3+s6], $0x7D0, $0x38;
	[tilespmem:$0x1A00] =	vst v63  }
0x4f: {  	_ =	swait.ge [sflag:s23], $0x7D0  }
0x50: {  	[sflag:s23] =	ssyncset.done $0x0  }
0x51: {  	[sflag:s23] =	ssyncadd.s32 $0xFFFFF830  }
0x52: {  	[spmem:s1] =	stream.indirect.scatter.add.f32 [tilespmem:s6], [sflag:$0x1], $0x1, s24, s25, $0xb8;
	[tilespmem:$0x1A00] =	vst v63  }
0x53: {  	_ =	swait.ge [sflag:s23], $0x7D0  }
0x54: {  	[sflag:s23] =	ssyncset.done $0x0  }
0x55: {  	s3 =	sadd.s32 s31, s19;
	[sflag:s23] =	ssyncadd.s32 $0xFFFFF830  }
0x56: {  	[tilespmem:s6], [sflag:$0x1] =	stream.linear.gather [hbm4b:s3+s6], $0x7D0, $0x38;
	[tilespmem:$0x1A00] =	vst v63  }
0x57: {  	_ =	swait.ge [sflag:s23], $0x7D0  }
0x58: {  	[sflag:s23] =	ssyncset.done $0x0  }
0x59: {  	[sflag:s23] =	ssyncadd.s32 $0xFFFFF830  }
0x5a: {  	[spmem:s2] =	stream.indirect.scatter.add.f32 [tilespmem:s6], [sflag:$0x1], $0x1, s24, s25, $0xb8;
	[tilespmem:$0x1A00] =	vst v63  }
0x5b: {  	_ =	swait.ge [sflag:s23], $0x7D0  }
0x5c: {  	[sflag:s23] =	ssyncset.done $0x0  }
0x5d: {  	s3 =	sadd.s32 s31, s18;
	[sflag:s23] =	ssyncadd.s32 $0xFFFFF830  }
0x5e: {  	[tilespmem:s6], [sflag:$0x1] =	stream.linear.gather [hbm4b:s3+s6], $0x7D0, $0x38;
	[tilespmem:$0x1A00] =	vst v63  }
0x5f: {  	_ =	swait.ge [sflag:s23], $0x7D0  }
0x60: {  	[sflag:s23] =	ssyncset.done $0x0  }
0x61: {  	[sflag:s23] =	ssyncadd.s32 $0xFFFFF830  }
0x62: {  	[spmem:s4] =	stream.indirect.scatter.add.f32 [tilespmem:s6], [sflag:$0x1], $0x1, s24, s25, $0xb8;
	[tilespmem:$0x1A00] =	vst v63  }
0x63: {  	_ =	swait.ge [sflag:s23], $0x7D0  }
0x64: {  	[sflag:s23] =	ssyncset.done $0x0  }
0x65: {  	s3 =	sadd.s32 s31, s17;
	s31 =	smov.u32 s0;
	[sflag:s23] =	ssyncadd.s32 $0xFFFFF830  }
0x66: {  	[tilespmem:s6], [sflag:$0x1] =	stream.linear.gather [hbm4b:s3+s6], $0x7D0, $0x38;
	[tilespmem:$0x1A00] =	vst v63  }
0x67: {  	_ =	swait.ge [sflag:s23], $0x7D0  }
.Ltmp0:
0x68: {  	[sflag:s23] =	ssyncset.done $0x0;
	(pc) =	sbr.rel @p0 .LBB2_2-.Ltmp0, $4  }
0x69: {  	[sflag:s23] =	ssyncadd.s32 $0xFFFFF830  }
0x6a: {  	[spmem:s5] =	stream.indirect.scatter.add.f32 [tilespmem:s6], [sflag:$0x1], $0x1, s24, s25, $0xb8;
	[tilespmem:$0x1A00] =	vst v63  }
0x6b: {  	_ =	swait.ge [sflag:s23], $0x7D0  }
0x6c: {  	s3 =	smov.u32 s9;
	[sflag:s23] =	ssyncset.done $0x0  }
0x6d: {  	s0 =	sadd.s32 s31, s21;
	[sflag:s23] =	ssyncadd.s32 $0xFFFFF830  }
0x6e: {  	[tilespmem:s24], [sflag:$0x1] =	stream.linear.gather [hbm4b:s0+s6], $0x7D0, $0x38;
	[tilespmem:$0x1A00] =	vst v63  }
0x6f: {  	_ =	swait.ge [sflag:s23], $0x7D0  }
0x70: {  	[sflag:s23] =	ssyncset.done $0x0  }
0x71: {  	s3 =	sadd.s32 s31, s20;
	[sflag:s23] =	ssyncadd.s32 $0xFFFFF830  }
0x72: {  	[tilespmem:s6], [sflag:$0x1] =	stream.linear.gather [hbm4b:s3+s6], $0x7D0, $0x38;
	[tilespmem:$0x1A00] =	vst v63  }
0x73: {  	_ =	swait.ge [sflag:s23], $0x7D0  }
0x74: {  	[sflag:s23] =	ssyncset.done $0x0  }
0x75: {  	[sflag:s23] =	ssyncadd.s32 $0xFFFFF830  }
0x76: {  	[spmem:s1] =	stream.indirect.scatter.add.f32 [tilespmem:s6], [sflag:$0x1], $0x1, s24, s25, $0xb8;
	[tilespmem:$0x1A00] =	vst v63  }
0x77: {  	_ =	swait.ge [sflag:s23], $0x7D0  }
0x78: {  	[sflag:s23] =	ssyncset.done $0x0  }
0x79: {  	s9 =	sadd.s32 s31, s19;
	[sflag:s23] =	ssyncadd.s32 $0xFFFFF830  }
0x7a: {  	[tilespmem:s6], [sflag:$0x1] =	stream.linear.gather [hbm4b:s9+s6], $0x7D0, $0x38;
	[tilespmem:$0x1A00] =	vst v63  }
0x7b: {  	_ =	swait.ge [sflag:s23], $0x7D0  }
0x7c: {  	[sflag:s23] =	ssyncset.done $0x0  }
0x7d: {  	[sflag:s23] =	ssyncadd.s32 $0xFFFFF830  }
0x7e: {  	[spmem:s2] =	stream.indirect.scatter.add.f32 [tilespmem:s6], [sflag:$0x1], $0x1, s24, s25, $0xb8;
	[tilespmem:$0x1A00] =	vst v63  }
0x7f: {  	_ =	swait.ge [sflag:s23], $0x7D0  }
0x80: {  	[sflag:s23] =	ssyncset.done $0x0  }
0x81: {  	s10 =	sadd.s32 s31, s18;
	[sflag:s23] =	ssyncadd.s32 $0xFFFFF830  }
0x82: {  	[tilespmem:s6], [sflag:$0x1] =	stream.linear.gather [hbm4b:s10+s6], $0x7D0, $0x38;
	[tilespmem:$0x1A00] =	vst v63  }
0x83: {  	_ =	swait.ge [sflag:s23], $0x7D0  }
0x84: {  	[sflag:s23] =	ssyncset.done $0x0  }
0x85: {  	[sflag:s23] =	ssyncadd.s32 $0xFFFFF830  }
0x86: {  	[spmem:s4] =	stream.indirect.scatter.add.f32 [tilespmem:s6], [sflag:$0x1], $0x1, s24, s25, $0xb8;
	[tilespmem:$0x1A00] =	vst v63  }
0x87: {  	_ =	swait.ge [sflag:s23], $0x7D0  }
0x88: {  	[sflag:s23] =	ssyncset.done $0x0  }
0x89: {  	s31 =	sadd.s32 s31, s17;
	[sflag:s23] =	ssyncadd.s32 $0xFFFFF830  }
0x8a: {  	[tilespmem:s6], [sflag:$0x1] =	stream.linear.gather [hbm4b:s31+s6], $0x7D0, $0x38;
	[tilespmem:$0x1A00] =	vst v63  }
0x8b: {  	_ =	swait.ge [sflag:s23], $0x7D0  }
0x8c: {  	[sflag:s23] =	ssyncset.done $0x0  }
0x8d: {  	[sflag:s23] =	ssyncadd.s32 $0xFFFFF830  }
0x8e: {  	[spmem:s5] =	stream.indirect.scatter.add.f32 [tilespmem:s6], [sflag:$0x1], $0x1, s24, s25, $0xb8;
	[tilespmem:$0x1A00] =	vst v63  }
0x8f: {  	_ =	swait.ge [sflag:s23], $0x7D0  }
0x90: {  	[sflag:s23] =	ssyncset.done $0x0  }
0x91: {  	[sflag:s23] =	ssyncadd.s32 $0xFFFFF830  }
0x92: {  	[bflag:$0x0] =	sbarrier.arrive $0xFFFF  }
0x93: {  	[hbm:s12], [sflag:s8] =	dma.local [spmem:s22], $0x50  }
0x94: {  	_ =	swait.ge [sflag:s23], $0x50  }
0x95: {  	[sflag:s23] =	ssyncset.done $0x0  }
0x96: {  	[sflag:s23] =	ssyncadd.s32 $0xFFFFFFB0  }
0x97: {  	[hbm:s13], [sflag:s8] =	dma.local [spmem:s28], $0x50  }
0x98: {  	_ =	swait.ge [sflag:s23], $0x50  }
0x99: {  	[sflag:s23] =	ssyncset.done $0x0  }
0x9a: {  	[sflag:s23] =	ssyncadd.s32 $0xFFFFFFB0  }
0x9b: {  	[hbm:s14], [sflag:s8] =	dma.local [spmem:s29], $0x50  }
0x9c: {  	s26 =	sadd.s32 $0x1, s26;
	_ =	swait.ge [sflag:s23], $0x50  }
0x9d: {  	p0 =	sne.s32 s26, s16;
	[sflag:s23] =	ssyncset.done $0x0  }
.Ltmp1:
0x9e: {  	[sflag:s23] =	ssyncadd.s32 $0xFFFFFFB0;
	(pc) =	sbr.rel @p0 .LBB2_1-.Ltmp1, $4  }
0x9f: {  	[hbm:s15], [sflag:s8] =	dma.local [spmem:s30], $0x50  }
0xa0: {  	_ =	swait.ge [sflag:s23], $0x50  }
0xa1: {  	[sflag:s23] =	ssyncset.done $0x0  }
0xa2: {  	[sflag:s23] =	ssyncadd.s32 $0xFFFFFFB0  }
0xa3: {  	_ =	sfence.sel $0x180000  }
0xa4: {  	[bflag:$0x0] =	sbarrier.arrive $0xFFFF  }
0xa5: {  	_ =	strace $0x9000005C  }
0xa6: {  	s0 =	stileid.u32;
	[bflag:$0x2] =	sbarrier.arrive $0xFFFF  }
0xa7: {  	p0 =	sne.s32 s0, $0x0;
	s0 =	rddreg [dreg:$0x5]  }
0xa8: {  	s0 =	sadd.s32 @!p0 $0x100000, s0  }
0xa9: {  	[sflag:s0] =	ssyncadd.tile.s32 @!p0 $0x1;
	_ =	shalt  }
.Lfunc_end2:
_tile_overlayer_lowered:
.L_overlay_start_2:
0xaa: {  	(tag) =	ssettag $0x2  }
0xab: {  	s0 =	rddreg [dreg:$0x0];
	s2 =	stileid.u32  }
0xac: {  	s1 =	rddreg [dreg:$0x1];
	p0 =	sne.s32 s2, $0x0  }
0xad: {  	s3 =	rddreg [dreg:$0x2];
	[bflag:$0x3] =	sbarrier.arrive $0xFFFF;
	s2 =	simm.s32 @!p0 $0x1C01  }
0xae: {  	[timem:s3], [sflag:s2] =	dma.local @!p0 [hbm:s0], s1  }
0xaf: {  	s0 =	simm.s32 @!p0 $0x1  }
0xb0: {  	_ =	swait.ge @!p0 [sflag:s0], s1  }
0xb1: {  	s1 =	ssub.s32 @!p0 $0x0, s1;
	[sflag:s0] =	ssyncset.done @!p0 $0x0  }
0xb2: {  	[sflag:s0] =	ssyncadd.s32 @!p0 s1  }
0xb3: {  	[bflag:$0x3] =	sbarrier.arrive $0xFFFF  }
0xb4: {  	_ =	shalt  }

// kernel: kernel.33.cloned.1.call-start
scs
__scs_entry_jumppad:
0x0: {  	(pc) =	sbr.rel $0x88, $3  }
0x1: {  	(tag) =	ssettag $0x0;
	lr =	simm.s32 $0x1  }
0x2: {  	[smem:$0x3F92] =	sst lr;
	_ =	strace $0xD0000000  }
0x3: {  	_ = 	snop  }
0x4: {  	_ = 	snop  }
0x5: {  	_ = 	snop  }
0x6: {  	_ = 	snop  }
0x7: {  	_ = 	snop  }
__scs_overlays_trampoline_lowered:
0x8: {  	[smem:$0x3FA1] =	sst s0  }
0x9: {  	[smem:$0x3FA2] =	sst s1  }
0xa: {  	[smem:$0x3FA3] =	sst s2  }
0xb: {  	[smem:$0x3FA4] =	sst s3  }
0xc: {  	[smem:$0x3FA5] =	sst s4  }
0xd: {  	[smem:$0x3FA6] =	sst s5  }
0xe: {  	[smem:$0x3FA7] =	sst s6  }
0xf: {  	[smem:$0x3FA8] =	sst s7  }
0x10: {  	[smem:$0x3FA9] =	sst s8  }
0x11: {  	[smem:$0x3FAA] =	sst s9;
	s0 =	simm.s32 @!p0 $0x0  }
0x12: {  	s1 =	sld [smem:$0x3F90];
	s0 =	simm.s32 @p0 $0x1  }
0x13: {  	[smem:$0x3FAB] =	sst s0;
	s0 =	simm.s32 @!p1 $0x0  }
0x14: {  	s2 =	sld [smem:$0x3F8F];
	s0 =	simm.s32 @p1 $0x1  }
0x15: {  	[smem:$0x3FAC] =	sst s0;
	s0 =	simm.s32 @!p2 $0x0  }
0x16: {  	s3 =	sld [smem:$0x3FDB];
	s0 =	simm.s32 @p2 $0x1  }
0x17: {  	s4 =	simm.s32 $0x1BF5;
	[smem:$0x3FAE] =	sst s0  }
0x18: {  	s0 =	sld [smem:$0x3F91];
	_ =	swait.ge [sflag:s4], $0x0  }
0x19: {  	s7 =	sld [smem:$0x3F92]  }
0x1a: {  	s8 =	sadd.s32 $0xFFFFE003, lr  }
0x1b: {  	s9 =	sadd.s32 $0xFFFFFEF7, lr;
	s5 =	simm.s32 $0xFFFFFFFF;
	p2 =	slt.u32 s8, $0xFFFFF086  }
0x1c: {  	p1 =	slt.u32 s9, $0xF7A;
	s5 =	simm.s32 @!p2 $0x0  }
0x1d: {  	s5 =	simm.s32 @p1 $0x1;
	p0 =	seq.s32 s7, s2  }
0x1e: {  	s7 =	smul.u32 @!p0 $0xF7A, s2;
	p2 =	seq.s32 @!p0 s5, $0x0  }
0x1f: {  	s9 =	smul.u32 $0xF7A, s1;
	s8 =	simm.s32 @!p0 $0x1BF5;
	p2 =	por !p2, p0  }
0x20: {  	[sflag:s8] =	ssyncset.s32 @!p0 $0xFFFFF086;
	s6 =	sadd.s32 @!p0 s3, s7;
	s7 =	simm.s32 @!p0 $0x108  }
0x21: {  	s3 =	sadd.s32 s3, s9;
	s6 =	sadd.s32 @!p0 $0x88, s6;
	s7 =	simm.s32 @p2 $0x1082  }
0x22: {  	[simem:s7], [sflag:s8] =	dma.local @!p0 [hbm:s6], $0xF7A  }
0x23: {  	s9 =	sor.u32 $0xD0000000, s2;
	s6 =	simm.s32 $0x108;
	_ =	swait.ge @!p0 [sflag:s8], $0x0  }
0x24: {  	s3 =	sadd.s32 $0x88, s3;
	s6 =	simm.s32 @!p1 $0x1082;
	[sflag:s4] =	ssyncset.s32 $0xFFFFF086  }
0x25: {  	[simem:s6], [sflag:s4] =	dma.local [hbm:s3], $0xF7A  }
0x26: {  	[smem:$0x3F92] =	sst s1;
	(tag) =	ssettag s2;
	_ =	strace s9  }
0x27: {  	s1 =	sld [smem:$0x3FA2]  }
0x28: {  	s2 =	sld [smem:$0x3FA3]  }
0x29: {  	s4 =	sld [smem:$0x3FA5]  }
0x2a: {  	p0 =	seq.s32 s5, $0x0;
	s5 =	sld [smem:$0x3FA6]  }
0x2b: {  	s6 =	sld [smem:$0x3FA7]  }
0x2c: {  	s7 =	sld [smem:$0x3FA8]  }
0x2d: {  	s3 =	simm.s32 $0x108;
	s8 =	sld [smem:$0x3FA9]  }
0x2e: {  	s3 =	simm.s32 @!p0 $0x1082;
	s9 =	sld [smem:$0x3FAA]  }
0x2f: {  	lr =	sadd.s32 s0, s3;
	s0 =	sld [smem:$0x3FA1]  }
0x30: {  	s3 =	sld [smem:$0x3FA4]  }
0x31: {  	[smem:$0x3FAD] =	sst s10  }
0x32: {  	s10 =	sld [smem:$0x3FAB];
	_ =	sdelay $0x3  }
0x33: {  	p0 =	seq.s32 s10, $0x1;
	s10 =	sld [smem:$0x3FAD];
	_ =	sdelay $0x3  }
0x34: {  	[smem:$0x3FAD] =	sst s10  }
0x35: {  	s10 =	sld [smem:$0x3FAC];
	_ =	sdelay $0x3  }
0x36: {  	p1 =	seq.s32 s10, $0x1;
	s10 =	sld [smem:$0x3FAD];
	_ =	sdelay $0x3  }
0x37: {  	[smem:$0x3FAD] =	sst s10  }
0x38: {  	s10 =	sld [smem:$0x3FAE]  }
0x39: {  	_ = 	snop;
	(pc) =	sbr.ind lr, $3  }
0x3a: {  	_ = 	snop  }
0x3b: {  	_ = 	snop  }
0x3c: {  	p2 =	seq.s32 s10, $0x1;
	s10 =	sld [smem:$0x3FAD]  }
0x3d: {  	_ =	shalt  }
0x3e: {  	_ =	shalt  }
0x3f: {  	_ =	shalt  }
0x40: {  	_ =	shalt  }
0x41: {  	_ =	shalt  }
0x42: {  	_ =	shalt  }
0x43: {  	_ =	shalt  }
0x44: {  	_ =	shalt  }
0x45: {  	_ =	shalt  }
0x46: {  	_ =	shalt  }
0x47: {  	_ =	shalt  }
0x48: {  	_ =	shalt  }
0x49: {  	_ =	shalt  }
0x4a: {  	_ =	shalt  }
0x4b: {  	_ =	shalt  }
0x4c: {  	_ =	shalt  }
0x4d: {  	_ =	shalt  }
0x4e: {  	_ =	shalt  }
0x4f: {  	_ =	shalt  }
0x50: {  	_ =	shalt  }
0x51: {  	_ =	shalt  }
0x52: {  	_ =	shalt  }
0x53: {  	_ =	shalt  }
0x54: {  	_ =	shalt  }
0x55: {  	_ =	shalt  }
0x56: {  	_ =	shalt  }
0x57: {  	_ =	shalt  }
0x58: {  	_ =	shalt  }
0x59: {  	_ =	shalt  }
0x5a: {  	_ =	shalt  }
0x5b: {  	_ =	shalt  }
0x5c: {  	_ =	shalt  }
0x5d: {  	_ =	shalt  }
0x5e: {  	_ =	shalt  }
0x5f: {  	_ =	shalt  }
0x60: {  	_ =	shalt  }
0x61: {  	_ =	shalt  }
0x62: {  	_ =	shalt  }
0x63: {  	_ =	shalt  }
0x64: {  	_ =	shalt  }
0x65: {  	_ =	shalt  }
0x66: {  	_ =	shalt  }
0x67: {  	_ =	shalt  }
0x68: {  	_ =	shalt  }
0x69: {  	_ =	shalt  }
0x6a: {  	_ =	shalt  }
0x6b: {  	_ =	shalt  }
0x6c: {  	_ =	shalt  }
0x6d: {  	_ =	shalt  }
0x6e: {  	_ =	shalt  }
0x6f: {  	_ =	shalt  }
0x70: {  	_ =	shalt  }
0x71: {  	_ =	shalt  }
0x72: {  	_ =	shalt  }
0x73: {  	_ =	shalt  }
0x74: {  	_ =	shalt  }
0x75: {  	_ =	shalt  }
0x76: {  	_ =	shalt  }
0x77: {  	_ =	shalt  }
0x78: {  	_ =	shalt  }
0x79: {  	_ =	shalt  }
0x7a: {  	_ =	shalt  }
0x7b: {  	_ =	shalt  }
0x7c: {  	_ =	shalt  }
0x7d: {  	_ =	shalt  }
0x7e: {  	_ =	shalt  }
0x7f: {  	_ =	shalt  }
0x80: {  	_ =	shalt  }
0x81: {  	_ =	shalt  }
0x82: {  	_ =	shalt  }
0x83: {  	_ =	shalt  }
0x84: {  	_ =	shalt  }
0x85: {  	_ =	shalt  }
0x86: {  	_ =	shalt  }
0x87: {  	_ =	shalt  }
.Lfunc_end0:
.L_simem_size_0:
called_computation.8_lowered:
.L_overlay_start_0:
0x88: {  	s2 =	sld [smem:$0x3FD9]  }
0x89: {  	s3 =	sld [smem:$0x3FFE];
	_ =	sdelay $0x1  }
0x8a: {  	s1 =	srdreg.scid  }
0x8b: {  	s0 =	sand.u32 $0x1, s1  }
0x8c: {  	s16 =	sshll.u32 s0, $0xA;
	s2 =	sadd.s32 s3, s2  }
0x8d: {  	s2 =	sadd.s32 s2, s16  }
0x8e: {  	[smem:$0x3FB9] =	sst s2  }
0x8f: {  	_ = 	snop  }
0x90: {  	(tm) =	ssettm $0x1  }
0x91: {  	s17 =	sld [smem:$0x3FFB];
	_ =	sdelay $0x3  }
0x92: {  	_ =	strace s17  }
0x93: {  	s2 =	sld [smem:$0x3FFC];
	_ =	sdelay $0x3  }
0x94: {  	_ =	strace s2  }
0x95: {  	s2 =	sld [smem:$0x3FFD];
	_ =	sdelay $0x3  }
0x96: {  	_ =	strace s2  }
0x97: {  	_ =	strace $0x8FFFFFFF  }
0x98: {  	s18 =	sld [smem:$0x3FDB];
	_ =	sdelay $0x1  }
0x99: {  	s19 =	simm.s32 $_scs_section_size  }
0x9a: {  	s4 =	simm.s32 $_size__tile_overlayer_lowered;
	s5 =	simm.s32 $_tile_overlayer_lowered  }
0x9b: {  	s22 =	simm.s32 $0x1BFF;
	s21 =	sshll.u32 s5, $0x1;
	s2 =	sadd.s32 s19, s18  }
0x9c: {  	s6 =	simm.s32 $0x0;
	s20 =	sshll.u32 s4, $0x1;
	s4 =	sadd.s32 s21, s2  }
0x9d: {  	[timem:s6], [sflag:s22] =	dma.local [hbm:s4], s20  }
0x9e: {  	_ =	swait.ge [sflag:s22], s20  }
0x9f: {  	s3 =	ssub.s32 $0x0, s20;
	[sflag:s22] =	ssyncset.done $0x0  }
0xa0: {  	[sflag:s22] =	ssyncadd.s32 s3;
	_ =	sdelay $0x1  }
0xa1: {  	s23 =	simm.s32 $0x1B8B  }
0xa2: {  	_ =	swait.ge [sflag:s23], $0x1  }
0xa3: {  	[sflag:s23] =	ssyncset.done $0x0  }
0xa4: {  	s25 =	simm.s32 $0x1B8E;
	s24 =	sld [smem:$0x3FFE];
	[sflag:s23] =	ssyncadd.s32 $0xFFFFFFFF  }
0xa5: {  	s26 =	simm.s32 $execute0_lowered;
	[smem:$0x3FD2] =	sst s25  }
0xa6: {  	s4 =	sshll.u32 s26, $0x1;
	_ =	strace $0x8000005E;
	[dreg:$0x1] =	wrdreg $0xFFFFFFFF  }
0xa7: {  	s28 =	simm.s32 $_size_execute0_lowered;
	s2 =	sadd.s32 s2, s4;
	[dreg:$0x0] =	wrdreg $0x0  }
0xa8: {  	s4 =	sshll.u32 s28, $0x1;
	[dreg:$0x2] =	wrdreg s2  }
0xa9: {  	[dreg:$0x3] =	wrdreg s4  }
0xaa: {  	[dreg:$0x4] =	wrdreg $0xC0  }
0xab: {  	_ =	task [dreg:s6], $0x5FFFF  }
0xac: {  	[dreg:$0x1] =	wrdreg $0xFFFFFFFF  }
0xad: {  	[dreg:$0x0] =	wrdreg $0x60  }
0xae: {  	[dreg:$0x2] =	wrdreg s24  }
0xaf: {  	[dreg:$0x3] =	wrdreg $0x9  }
0xb0: {  	_ =	task.clear_ibuf [dreg:s6], $0x4FFFF;
	_ =	strace $0x9000005E  }
0xb1: {  	s29 =	simm.s32 $0x9;
	_ =	strace $0x80000060  }
0xb2: {  	_ =	swait.ge [sflag:s29], $0x1  }
0xb3: {  	[sflag:s29] =	ssyncadd.s32 $0xFFFFFFFF  }
0xb4: {  	_ =	strace $0x90000060  }
0xb5: {  	_ =	sfence  }
0xb6: {  	s30 =	sld [smem:$0x0];
	_ =	sdelay $0x2  }
0xb7: {  	s31 =	sshll.u32 s1, $0xD;
	s1 =	sshrl.u32 s1, $0x2  }
0xb8: {  	s3 =	sand.u32 $0x4000, s31;
	s1 =	sadd.s32 s1, s30  }
0xb9: {  	s0 =	sor.u32 s3, s0;
	s1 =	sshll.u32 s1, $0x11  }
0xba: {  	s0 =	sor.u32 s1, s0  }
0xbb: {  	s0 =	sadd.s32 $0x8F2B, s0  }
0xbc: {  	[sflag:s0] =	ssyncadd.remote.s32 $0x1  }
0xbd: {  	_ =	sfence.sel $0xFFFF  }
0xbe: {  	[dreg:$0x0] =	wrdreg $0xFFFFFFFF;
	(pc) =	sbr.abs _section_cstart, $3  }
0xbf: {  	[dreg:$0x1] =	wrdreg $0xFFFFFFFF  }
0xc0: {  	_ =	task.clear_ibuf [dreg:s6], $0x2FFFF;
	_ =	strace $0x9FFFFFFF  }
0xc1: {  	(tm) =	ssettm $0x7FFFFFFF  }
tec
execute0_lowered:
.L_overlay_start_1:
0x0: {  	(tag) =	ssettag $0x1  }
0x1: {  	s0 =	rddreg [dreg:$0x0];
	s2 =	simm.s32 $0x0;
	s1 =	srdreg.scid  }
0x2: {  	s10 =	stileid.u32;
	s16 =	simm.s32 $0x2;
	s30 =	simm.s32 $0x880  }
0x3: {  	s20 =	simm.s32 $0x1;
	s21 =	simm.s32 $0xA080;
	s28 =	simm.s32 $0x80  }
0x4: {  	s31 =	simm.s32 $0x5080;
	s18 =	simm.s32 $0x7880;
	s19 =	simm.s32 $0x8080  }
0x5: {  	s17 =	simm.s32 $0x8880;
	[smem:$0x7FF] =	sst s2;
	s1 =	sand.u32 $0x1, s1  }
0x6: {  	s8 =	smul.u32 $0x4E20, s10;
	s3 =	sadd.s32 $0x12D800, s0;
	s4 =	sadd.s32 $0x1B200, s0  }
0x7: {  	s5 =	sadd.s32 $0x1AC00, s0;
	s6 =	sadd.s32 $0x1A600, s0;
	s22 =	smul.u32 $0x138800, s10  }
0x8: {  	s7 =	sadd.s32 $0x1A000, s0;
	s9 =	smul.u32 $0x2710, s1;
	s23 =	ssub.s32 $0x2, s1  }
0x9: {  	_ =	strace $0x8000005F;
	s1 =	smul.u32 $0x9C400, s1;
	s24 =	sshrl.u32 s23, $0x1  }
0xa: {  	s8 =	sadd.s32 s9, s8;
	s9 =	sadd.s32 s22, s0;
	s10 =	ssub.s32 s23, s24  }
0xb: {  	s22 =	simm.s32 $0x7D0;
	s23 =	simm.s32 $0xA880;
	s8 =	sshrl.u32 s8, $0x3  }
0xc: {  	s25 =	smax.u32 s10, $0x1;
	s26 =	sadd.s32 s1, s9;
	s9 =	simm.s32 $0x6880  }
0xd: {  	s10 =	simm.s32 $0x7080;
	s1 =	simm.s32 $0x9880;
	s15 =	sadd.s32 s8, s0  }
0xe: {  	s8 =	sadd.s32 $0x12D900, s0;
	[dreg:$0x3] =	wrdreg s25;
	s0 =	sadd.s32 $0x1CA600, s26  }
0xf: {  	v2 =	vlaneseq.u32;
	s29 =	sadd.s32 $0x6400, s15;
	[dreg:$0x4] =	wrdreg s0;
	s11 =	sadd.s32 $0x39200, s15  }
0x10: {  	vm0 =	vmmov $0xffff;
	v1 =	vshrl.u32 v2, $0x3;
	s12 =	sadd.s32 $0x2F400, s15;
	s13 =	sadd.s32 $0x25600, s15;
	s14 =	sadd.s32 $0x1B800, s15  }
0x11: {  	v0 =	vand.u32 $0x7, v2;
	v2 =	vor.u32 $0x8, v2;
	v1 =	vmul.u32 $0x8, v1;
	s15 =	sadd.s32 $0x10200, s15;
	s0 =	simm.s32 $0x0;
	[dreg:$0x2] =	wrdreg s29  }
.LBB2_1:
0x12: {  	[dreg:$0x5] =	wrdreg s0  }
0x13: {  	s24 =	rddreg [dreg:$0x4];
	s25 =	simm.s32 $0x0;
	s0 =	simm.s32 $0x9080  }
.LBB2_2:
0x14: {  	s26 =	rddreg [dreg:$0x2]  }
0x15: {  	s29 =	sadd.s32 s25, s26;
	s26 =	simm.s32 $0x0  }
0x16: {  	[tilespmem:s26], [sflag:$0x2] =	stream.linear.gather [hbm4b:s29+s26], $0x50, $0x38;
	[tilespmem:$0xB080] =	vst v63  }
0x17: {  	_ =	swait.ge [sflag:s16], $0x50  }
0x18: {  	[sflag:s16] =	ssyncset.done $0x0  }
0x19: {  	[sflag:s16] =	ssyncadd.s32 $0xFFFFFFB0  }
0x1a: {  	v3 =	vld [tilespmem:$0x0];
	_ =	sdelay $0x4  }
0x1b: {  	v4 =	vshll.u32 v3, $0x2  }
0x1c: {  	v3 =	vand.u32 $0x7, v3;
	v4 =	vand.u32 $0xFFFFFFE0, v4  }
0x1d: {  	v3 =	vor.u32 v3, v4  }
0x1e: {  	v4 =	vperm.xlane v3, v0;
	_ =	sdelay $0x1  }
0x1f: {  	v4 =	vadd.s32 v1, v4;
	_ =	sdelay $0x1  }
0x20: {  	v3 =	vperm.xlane v3, v2;
	_ =	sdelay $0x1  }
0x21: {  	v3 =	vadd.s32 v1, v3  }
0x22: {  	[tilespmem:s28], [sflag:$0x1] =	stream.indirect_vreg.gather [hbm4b:s3+s26], $0x80, v4, vm0, $0xb8;
	[tilespmem:$0xB080] =	vst v63  }
0x23: {  	_ = 	snop  }
0x24: {  	[tilespmem:s30], [sflag:$0x1] =	stream.indirect_vreg.gather [hbm4b:s8+s26], $0x80, v4, vm0, $0xb8;
	[tilespmem:$0xB080] =	vst v63  }
0x25: {  	s29 =	simm.s32 $0x1080  }
0x26: {  	[tilespmem:s29], [sflag:$0x1] =	stream.indirect_vreg.gather [hbm4b:s3+s26], $0x80, v3, vm0, $0xb8;
	[tilespmem:$0xB080] =	vst v63  }
0x27: {  	s29 =	simm.s32 $0x1880  }
0x28: {  	[tilespmem:s29], [sflag:$0x1] =	stream.indirect_vreg.gather [hbm4b:s8+s26], $0x80, v3, vm0, $0xb8;
	[tilespmem:$0xB080] =	vst v63  }
0x29: {  	v3 =	vld [tilespmem:$0x10];
	_ =	sdelay $0x4  }
0x2a: {  	v59 =	vshll.u32 v3, $0x2  }
0x2b: {  	v3 =	vand.u32 $0x7, v3;
	v4 =	vand.u32 $0xFFFFFFE0, v59  }
0x2c: {  	v3 =	vor.u32 v3, v4  }
0x2d: {  	v4 =	vperm.xlane v3, v0;
	_ =	sdelay $0x1  }
0x2e: {  	v4 =	vadd.s32 v1, v4;
	_ =	sdelay $0x1  }
0x2f: {  	v3 =	vperm.xlane v3, v2;
	_ =	sdelay $0x1  }
0x30: {  	s29 =	simm.s32 $0x2080;
	v3 =	vadd.s32 v1, v3  }
0x31: {  	[tilespmem:s29], [sflag:$0x1] =	stream.indirect_vreg.gather [hbm4b:s3+s26], $0x80, v4, vm0, $0xb8;
	[tilespmem:$0xB080] =	vst v63  }
0x32: {  	s29 =	simm.s32 $0x2880  }
0x33: {  	[tilespmem:s29], [sflag:$0x1] =	stream.indirect_vreg.gather [hbm4b:s8+s26], $0x80, v4, vm0, $0xb8;
	[tilespmem:$0xB080] =	vst v63  }
0x34: {  	s29 =	simm.s32 $0x3080  }
0x35: {  	[tilespmem:s29], [sflag:$0x1] =	stream.indirect_vreg.gather [hbm4b:s3+s26], $0x80, v3, vm0, $0xb8;
	[tilespmem:$0xB080] =	vst v63  }
0x36: {  	s29 =	simm.s32 $0x3880  }
0x37: {  	[tilespmem:s29], [sflag:$0x1] =	stream.indirect_vreg.gather [hbm4b:s8+s26], $0x80, v3, vm0, $0xb8;
	[tilespmem:$0xB080] =	vst v63  }
0x38: {  	v3 =	vld.msk [tilespmem:$0x20], $0xff;
	_ =	sdelay $0x4  }
0x39: {  	v60 =	vshll.u32 v3, $0x2  }
0x3a: {  	v3 =	vand.u32 $0x7, v3;
	v4 =	vand.u32 $0xFFFFFFE0, v60  }
0x3b: {  	v3 =	vor.u32 v3, v4  }
0x3c: {  	v3 =	vperm.xlane v3, v0;
	_ =	sdelay $0x1  }
0x3d: {  	v3 =	vadd.s32 v1, v3;
	_ =	sdelay $0x3  }
0x3e: {  	s29 =	simm.s32 $0x4080  }
0x3f: {  	[tilespmem:s29], [sflag:$0x1] =	stream.indirect_vreg.gather [hbm4b:s3+s26], $0x80, v3, vm0, $0xb8;
	[tilespmem:$0xB080] =	vst v63  }
0x40: {  	s29 =	simm.s32 $0x4880  }
0x41: {  	[tilespmem:s29], [sflag:$0x1] =	stream.indirect_vreg.gather [hbm4b:s8+s26], $0x80, v3, vm0, $0xb8;
	[tilespmem:$0xB080] =	vst v63  }
0x42: {  	v3 =	vld [tilespmem:$0x28];
	_ =	sdelay $0x4  }
0x43: {  	v61 =	vshll.u32 v3, $0x2  }
0x44: {  	v3 =	vand.u32 $0x7, v3;
	v4 =	vand.u32 $0xFFFFFFE0, v61  }
0x45: {  	v3 =	vor.u32 v3, v4  }
0x46: {  	v4 =	vperm.xlane v3, v0;
	_ =	sdelay $0x1  }
0x47: {  	v4 =	vadd.s32 v1, v4;
	_ =	sdelay $0x1  }
0x48: {  	v3 =	vperm.xlane v3, v2;
	_ =	sdelay $0x1  }
0x49: {  	v3 =	vadd.s32 v1, v3  }
0x4a: {  	[tilespmem:s31], [sflag:$0x1] =	stream.indirect_vreg.gather [hbm4b:s3+s26], $0x80, v4, vm0, $0xb8;
	[tilespmem:$0xB080] =	vst v63  }
0x4b: {  	s29 =	simm.s32 $0x5880  }
0x4c: {  	[tilespmem:s29], [sflag:$0x1] =	stream.indirect_vreg.gather [hbm4b:s8+s26], $0x80, v4, vm0, $0xb8;
	[tilespmem:$0xB080] =	vst v63  }
0x4d: {  	s29 =	simm.s32 $0x6080  }
0x4e: {  	[tilespmem:s29], [sflag:$0x1] =	stream.indirect_vreg.gather [hbm4b:s3+s26], $0x80, v3, vm0, $0xb8;
	[tilespmem:$0xB080] =	vst v63  }
0x4f: {  	_ = 	snop  }
0x50: {  	[tilespmem:s9], [sflag:$0x1] =	stream.indirect_vreg.gather [hbm4b:s8+s26], $0x80, v3, vm0, $0xb8;
	[tilespmem:$0xB080] =	vst v63  }
0x51: {  	v3 =	vld [tilespmem:$0x38];
	_ =	sdelay $0x4  }
0x52: {  	v62 =	vshll.u32 v3, $0x2  }
0x53: {  	v3 =	vand.u32 $0x7, v3;
	v4 =	vand.u32 $0xFFFFFFE0, v62  }
0x54: {  	v3 =	vor.u32 v3, v4  }
0x55: {  	v4 =	vperm.xlane v3, v0;
	_ =	sdelay $0x1  }
0x56: {  	v4 =	vadd.s32 v1, v4;
	_ =	sdelay $0x1  }
0x57: {  	v3 =	vperm.xlane v3, v2;
	_ =	sdelay $0x1  }
0x58: {  	v3 =	vadd.s32 v1, v3  }
0x59: {  	[tilespmem:s10], [sflag:$0x1] =	stream.indirect_vreg.gather [hbm4b:s3+s26], $0x80, v4, vm0, $0xb8;
	[tilespmem:$0xB080] =	vst v63  }
0x5a: {  	_ = 	snop  }
0x5b: {  	[tilespmem:s18], [sflag:$0x1] =	stream.indirect_vreg.gather [hbm4b:s8+s26], $0x80, v4, vm0, $0xb8;
	[tilespmem:$0xB080] =	vst v63  }
0x5c: {  	_ = 	snop  }
0x5d: {  	[tilespmem:s19], [sflag:$0x1] =	stream.indirect_vreg.gather [hbm4b:s3+s26], $0x80, v3, vm0, $0xb8;
	[tilespmem:$0xB080] =	vst v63  }
0x5e: {  	_ = 	snop  }
0x5f: {  	[tilespmem:s17], [sflag:$0x1] =	stream.indirect_vreg.gather [hbm4b:s8+s26], $0x80, v3, vm0, $0xb8;
	[tilespmem:$0xB080] =	vst v63  }
0x60: {  	v3 =	vld.msk [tilespmem:$0x48], $0xff;
	_ =	sdelay $0x4  }
0x61: {  	v63 =	vshll.u32 v3, $0x2  }
0x62: {  	v3 =	vand.u32 $0x7, v3;
	v4 =	vand.u32 $0xFFFFFFE0, v63  }
0x63: {  	v3 =	vor.u32 v3, v4  }
0x64: {  	v3 =	vperm.xlane v3, v0;
	_ =	sdelay $0x1  }
0x65: {  	v3 =	vadd.s32 v1, v3;
	_ =	sdelay $0x4  }
0x66: {  	[tilespmem:s0], [sflag:$0x1] =	stream.indirect_vreg.gather [hbm4b:s3+s26], $0x80, v3, vm0, $0xb8;
	[tilespmem:$0xB080] =	vst v63  }
0x67: {  	_ = 	snop  }
0x68: {  	[tilespmem:s1], [sflag:$0x1] =	stream.indirect_vreg.gather [hbm4b:s8+s26], $0x80, v3, vm0, $0xb8;
	[tilespmem:$0xB080] =	vst v63  }
0x69: {  	_ =	swait.ge [sflag:s20], $0x5000  }
0x6a: {  	[sflag:s20] =	ssyncset.done $0x0  }
0x6b: {  	s29 =	sadd.s32 $0xFFFFF600, s24;
	[sflag:s20] =	ssyncadd.s32 $0xFFFFB000  }
0x6c: {  	[hbm4b:s29+s26] =	stream.linear.scatter [tilespmem:s28], [sflag:$0x2], $0x5000, $0x38;
	[tilespmem:$0xB080] =	vst v63  }
0x6d: {  	_ =	swait.ge [sflag:s16], $0x5000  }
0x6e: {  	[sflag:s16] =	ssyncset.done $0x0  }
0x6f: {  	[sflag:s16] =	ssyncadd.s32 $0xFFFFB000  }
0x70: {  	_ =	swait.ge [sflag:s20], $0x5000  }
0x71: {  	p0 =	sne.s32 s25, $0x4D8;
	[sflag:s20] =	ssyncset.done $0x0  }
.Ltmp0:
0x72: {  	[sflag:s20] =	ssyncadd.s32 $0xFFFFB000;
	(pc) =	sbr.rel @p0 .LBB2_2-.Ltmp0, $4  }
0x73: {  	[hbm4b:s24+s26] =	stream.linear.scatter [tilespmem:s31], [sflag:$0x2], $0x5000, $0x38;
	[tilespmem:$0xB080] =	vst v63  }
0x74: {  	_ =	swait.ge [sflag:s16], $0x5000  }
0x75: {  	[sflag:s16] =	ssyncset.done $0x0  }
0x76: {  	s25 =	sadd.s32 $0xA, s25;
	s24 =	sadd.s32 $0x1400, s24;
	[sflag:s16] =	ssyncadd.s32 $0xFFFFB000  }
0x77: {  	s24 =	sadd.s32 $0x0, s15  }
0x78: {  	[tilespmem:s21], [sflag:$0x2] =	stream.linear.gather [hbm4b:s24+s2], $0x7D0, $0x38;
	[tilespmem:$0xB080] =	vst v63  }
0x79: {  	_ =	swait.ge [sflag:s16], $0x7D0  }
0x7a: {  	[sflag:s16] =	ssyncset.done $0x0  }
0x7b: {  	[sflag:s16] =	ssyncadd.s32 $0xFFFFF830  }
0x7c: {  	[tilespmem:s23], [sflag:$0x1] =	stream.indirect.gather [hbm4b:s4+s22], $0x1, s21, s22, $0xb8;
	[tilespmem:$0xB080] =	vst v63  }
0x7d: {  	_ =	swait.ge [sflag:s20], $0x7D0  }
0x7e: {  	[sflag:s20] =	ssyncset.done $0x0  }
0x7f: {  	s25 =	sadd.s32 $0x0, s14;
	[sflag:s20] =	ssyncadd.s32 $0xFFFFF830  }
0x80: {  	[hbm4b:s25+s2] =	stream.linear.scatter [tilespmem:s23], [sflag:$0x2], $0x7D0, $0x38;
	[tilespmem:$0xB080] =	vst v63  }
0x81: {  	_ =	swait.ge [sflag:s16], $0x7D0  }
0x82: {  	[sflag:s16] =	ssyncset.done $0x0  }
0x83: {  	[sflag:s16] =	ssyncadd.s32 $0xFFFFF830  }
0x84: {  	[tilespmem:s23], [sflag:$0x1] =	stream.indirect.gather [hbm4b:s5+s22], $0x1, s21, s22, $0xb8;
	[tilespmem:$0xB080] =	vst v63  }
0x85: {  	_ =	swait.ge [sflag:s20], $0x7D0  }
0x86: {  	[sflag:s20] =	ssyncset.done $0x0  }
0x87: {  	s26 =	sadd.s32 $0x0, s13;
	[sflag:s20] =	ssyncadd.s32 $0xFFFFF830  }
0x88: {  	[hbm4b:s26+s2] =	stream.linear.scatter [tilespmem:s23], [sflag:$0x2], $0x7D0, $0x38;
	[tilespmem:$0xB080] =	vst v63  }
0x89: {  	_ =	swait.ge [sflag:s16], $0x7D0  }
0x8a: {  	[sflag:s16] =	ssyncset.done $0x0  }
0x8b: {  	[sflag:s16] =	ssyncadd.s32 $0xFFFFF830  }
0x8c: {  	[tilespmem:s23], [sflag:$0x1] =	stream.indirect.gather [hbm4b:s6+s22], $0x1, s21, s22, $0xb8;
	[tilespmem:$0xB080] =	vst v63  }
0x8d: {  	_ =	swait.ge [sflag:s20], $0x7D0  }
0x8e: {  	[sflag:s20] =	ssyncset.done $0x0  }
0x8f: {  	s29 =	sadd.s32 $0x0, s12;
	[sflag:s20] =	ssyncadd.s32 $0xFFFFF830  }
0x90: {  	[hbm4b:s29+s2] =	stream.linear.scatter [tilespmem:s23], [sflag:$0x2], $0x7D0, $0x38;
	[tilespmem:$0xB080] =	vst v63  }
0x91: {  	_ =	swait.ge [sflag:s16], $0x7D0  }
0x92: {  	[sflag:s16] =	ssyncset.done $0x0  }
0x93: {  	[sflag:s16] =	ssyncadd.s32 $0xFFFFF830  }
0x94: {  	[tilespmem:s23], [sflag:$0x1] =	stream.indirect.gather [hbm4b:s7+s22], $0x1, s21, s22, $0xb8;
	[tilespmem:$0xB080] =	vst v63  }
0x95: {  	_ =	swait.ge [sflag:s20], $0x7D0  }
0x96: {  	[sflag:s20] =	ssyncset.done $0x0  }
0x97: {  	s30 =	sadd.s32 $0x0, s11;
	[sflag:s20] =	ssyncadd.s32 $0xFFFFF830  }
0x98: {  	[hbm4b:s30+s2] =	stream.linear.scatter [tilespmem:s23], [sflag:$0x2], $0x7D0, $0x38;
	[tilespmem:$0xB080] =	vst v63  }
0x99: {  	_ =	swait.ge [sflag:s16], $0x7D0  }
0x9a: {  	s24 =	simm.s32 $0xFA;
	s25 =	simm.s32 $0x1F4;
	[sflag:s16] =	ssyncset.done $0x0  }
.LBB2_4:
0x9b: {  	s30 =	sadd.s32 s24, s15  }
0x9c: {  	[sflag:s16] =	ssyncadd.s32 $0xFFFFF830;
	s26 =	smov.u32 s25;
	s29 =	sadd.s32 $0xFA, s25  }
0x9d: {  	[tilespmem:s21], [sflag:$0x2] =	stream.linear.gather [hbm4b:s30+s2], $0x7D0, $0x38;
	[tilespmem:$0xB080] =	vst v63  }
0x9e: {  	p0 =	sne.s32 s25, $0x3E8;
	_ =	swait.ge [sflag:s16], $0x7D0  }
0x9f: {  	[sflag:s16] =	ssyncset.done $0x0  }
0xa0: {  	[sflag:s16] =	ssyncadd.s32 $0xFFFFF830  }
0xa1: {  	[tilespmem:s23], [sflag:$0x1] =	stream.indirect.gather [hbm4b:s4+s22], $0x1, s21, s22, $0xb8;
	[tilespmem:$0xB080] =	vst v63  }
0xa2: {  	_ =	swait.ge [sflag:s20], $0x7D0  }
0xa3: {  	[sflag:s20] =	ssyncset.done $0x0  }
0xa4: {  	s25 =	sadd.s32 s24, s14;
	[sflag:s20] =	ssyncadd.s32 $0xFFFFF830  }
0xa5: {  	[hbm4b:s25+s2] =	stream.linear.scatter [tilespmem:s23], [sflag:$0x2], $0x7D0, $0x38;
	[tilespmem:$0xB080] =	vst v63  }
0xa6: {  	_ =	swait.ge [sflag:s16], $0x7D0  }
0xa7: {  	[sflag:s16] =	ssyncset.done $0x0  }
0xa8: {  	[sflag:s16] =	ssyncadd.s32 $0xFFFFF830  }
0xa9: {  	[tilespmem:s23], [sflag:$0x1] =	stream.indirect.gather [hbm4b:s5+s22], $0x1, s21, s22, $0xb8;
	[tilespmem:$0xB080] =	vst v63  }
0xaa: {  	_ =	swait.ge [sflag:s20], $0x7D0  }
0xab: {  	[sflag:s20] =	ssyncset.done $0x0  }
0xac: {  	s25 =	sadd.s32 s24, s13;
	[sflag:s20] =	ssyncadd.s32 $0xFFFFF830  }
0xad: {  	[hbm4b:s25+s2] =	stream.linear.scatter [tilespmem:s23], [sflag:$0x2], $0x7D0, $0x38;
	[tilespmem:$0xB080] =	vst v63  }
0xae: {  	_ =	swait.ge [sflag:s16], $0x7D0  }
0xaf: {  	[sflag:s16] =	ssyncset.done $0x0  }
0xb0: {  	[sflag:s16] =	ssyncadd.s32 $0xFFFFF830  }
0xb1: {  	[tilespmem:s23], [sflag:$0x1] =	stream.indirect.gather [hbm4b:s6+s22], $0x1, s21, s22, $0xb8;
	[tilespmem:$0xB080] =	vst v63  }
0xb2: {  	_ =	swait.ge [sflag:s20], $0x7D0  }
0xb3: {  	[sflag:s20] =	ssyncset.done $0x0  }
0xb4: {  	s25 =	sadd.s32 s24, s12;
	[sflag:s20] =	ssyncadd.s32 $0xFFFFF830  }
0xb5: {  	[hbm4b:s25+s2] =	stream.linear.scatter [tilespmem:s23], [sflag:$0x2], $0x7D0, $0x38;
	[tilespmem:$0xB080] =	vst v63  }
0xb6: {  	_ =	swait.ge [sflag:s16], $0x7D0  }
0xb7: {  	[sflag:s16] =	ssyncset.done $0x0  }
0xb8: {  	[sflag:s16] =	ssyncadd.s32 $0xFFFFF830  }
0xb9: {  	[tilespmem:s23], [sflag:$0x1] =	stream.indirect.gather [hbm4b:s7+s22], $0x1, s21, s22, $0xb8;
	[tilespmem:$0xB080] =	vst v63  }
0xba: {  	_ =	swait.ge [sflag:s20], $0x7D0  }
.Ltmp1:
0xbb: {  	[sflag:s20] =	ssyncset.done $0x0;
	(pc) =	sbr.rel @p0 .LBB2_4-.Ltmp1, $4  }
0xbc: {  	s25 =	sadd.s32 s24, s11;
	s24 =	smov.u32 s26;
	[sflag:s20] =	ssyncadd.s32 $0xFFFFF830  }
0xbd: {  	[hbm4b:s25+s2] =	stream.linear.scatter [tilespmem:s23], [sflag:$0x2], $0x7D0, $0x38;
	[tilespmem:$0xB080] =	vst v63  }
0xbe: {  	_ =	swait.ge [sflag:s16], $0x7D0  }
0xbf: {  	s25 =	smov.u32 s29;
	[sflag:s16] =	ssyncset.done $0x0  }
0xc0: {  	s25 =	sadd.s32 s24, s15;
	[sflag:s16] =	ssyncadd.s32 $0xFFFFF830  }
0xc1: {  	[tilespmem:s21], [sflag:$0x2] =	stream.linear.gather [hbm4b:s25+s2], $0x7D0, $0x38;
	[tilespmem:$0xB080] =	vst v63  }
0xc2: {  	_ =	swait.ge [sflag:s16], $0x7D0  }
0xc3: {  	[sflag:s16] =	ssyncset.done $0x0  }
0xc4: {  	[sflag:s16] =	ssyncadd.s32 $0xFFFFF830  }
0xc5: {  	[tilespmem:s23], [sflag:$0x1] =	stream.indirect.gather [hbm4b:s4+s22], $0x1, s21, s22, $0xb8;
	[tilespmem:$0xB080] =	vst v63  }
0xc6: {  	_ =	swait.ge [sflag:s20], $0x7D0  }
0xc7: {  	[sflag:s20] =	ssyncset.done $0x0  }
0xc8: {  	s26 =	sadd.s32 s24, s14;
	[sflag:s20] =	ssyncadd.s32 $0xFFFFF830  }
0xc9: {  	[hbm4b:s26+s2] =	stream.linear.scatter [tilespmem:s23], [sflag:$0x2], $0x7D0, $0x38;
	[tilespmem:$0xB080] =	vst v63  }
0xca: {  	_ =	swait.ge [sflag:s16], $0x7D0  }
0xcb: {  	[sflag:s16] =	ssyncset.done $0x0  }
0xcc: {  	[sflag:s16] =	ssyncadd.s32 $0xFFFFF830  }
0xcd: {  	[tilespmem:s23], [sflag:$0x1] =	stream.indirect.gather [hbm4b:s5+s22], $0x1, s21, s22, $0xb8;
	[tilespmem:$0xB080] =	vst v63  }
0xce: {  	_ =	swait.ge [sflag:s20], $0x7D0  }
0xcf: {  	[sflag:s20] =	ssyncset.done $0x0  }
0xd0: {  	s29 =	sadd.s32 s24, s13;
	[sflag:s20] =	ssyncadd.s32 $0xFFFFF830  }
0xd1: {  	[hbm4b:s29+s2] =	stream.linear.scatter [tilespmem:s23], [sflag:$0x2], $0x7D0, $0x38;
	[tilespmem:$0xB080] =	vst v63  }
0xd2: {  	_ =	swait.ge [sflag:s16], $0x7D0  }
0xd3: {  	[sflag:s16] =	ssyncset.done $0x0  }
0xd4: {  	[sflag:s16] =	ssyncadd.s32 $0xFFFFF830  }
0xd5: {  	[tilespmem:s23], [sflag:$0x1] =	stream.indirect.gather [hbm4b:s6+s22], $0x1, s21, s22, $0xb8;
	[tilespmem:$0xB080] =	vst v63  }
0xd6: {  	_ =	swait.ge [sflag:s20], $0x7D0  }
0xd7: {  	[sflag:s20] =	ssyncset.done $0x0  }
0xd8: {  	s0 =	sadd.s32 s24, s12;
	[sflag:s20] =	ssyncadd.s32 $0xFFFFF830  }
0xd9: {  	[hbm4b:s0+s2] =	stream.linear.scatter [tilespmem:s23], [sflag:$0x2], $0x7D0, $0x38;
	[tilespmem:$0xB080] =	vst v63  }
0xda: {  	_ =	swait.ge [sflag:s16], $0x7D0  }
0xdb: {  	[sflag:s16] =	ssyncset.done $0x0  }
0xdc: {  	[sflag:s16] =	ssyncadd.s32 $0xFFFFF830  }
0xdd: {  	[tilespmem:s23], [sflag:$0x1] =	stream.indirect.gather [hbm4b:s7+s22], $0x1, s21, s22, $0xb8;
	[tilespmem:$0xB080] =	vst v63  }
0xde: {  	_ =	swait.ge [sflag:s20], $0x7D0  }
0xdf: {  	[sflag:s20] =	ssyncset.done $0x0  }
0xe0: {  	s26 =	sadd.s32 s24, s11;
	[sflag:s20] =	ssyncadd.s32 $0xFFFFF830  }
0xe1: {  	[hbm4b:s26+s2] =	stream.linear.scatter [tilespmem:s23], [sflag:$0x2], $0x7D0, $0x38;
	[tilespmem:$0xB080] =	vst v63  }
0xe2: {  	_ =	swait.ge [sflag:s16], $0x7D0  }
0xe3: {  	s0 =	rddreg [dreg:$0x5]  }
0xe4: {  	s29 =	rddreg [dreg:$0x3];
	s0 =	sadd.s32 $0x1, s0  }
0xe5: {  	p0 =	sne.s32 s0, s29  }
.Ltmp2:
0xe6: {  	_ = 	snop;
	(pc) =	sbr.rel @p0 .LBB2_1-.Ltmp2, $3  }
0xe7: {  	_ =	sdelay $0x1  }
0xe8: {  	[sflag:s16] =	ssyncset.done $0x0  }
0xe9: {  	s30 =	simm.s32 $0x880;
	[sflag:s16] =	ssyncadd.s32 $0xFFFFF830  }
0xea: {  	_ =	sfence.sel $0x180000  }
0xeb: {  	[bflag:$0x0] =	sbarrier.arrive $0xFFFF  }
0xec: {  	_ =	strace $0x9000005F  }
0xed: {  	s0 =	stileid.u32;
	[bflag:$0x2] =	sbarrier.arrive $0xFFFF  }
0xee: {  	p0 =	sne.s32 s0, $0x0;
	s0 =	rddreg [dreg:$0x1]  }
0xef: {  	s0 =	sadd.s32 @!p0 $0x100000, s0  }
0xf0: {  	[sflag:s0] =	ssyncadd.tile.s32 @!p0 $0x1;
	_ =	shalt  }
.Lfunc_end2:
_tile_overlayer_lowered:
.L_overlay_start_2:
0xf1: {  	(tag) =	ssettag $0x2  }
0xf2: {  	s0 =	rddreg [dreg:$0x0];
	s2 =	stileid.u32  }
0xf3: {  	s1 =	rddreg [dreg:$0x1];
	p0 =	sne.s32 s2, $0x0  }
0xf4: {  	s3 =	rddreg [dreg:$0x2];
	[bflag:$0x3] =	sbarrier.arrive $0xFFFF;
	s2 =	simm.s32 @!p0 $0x1C02  }
0xf5: {  	[timem:s3], [sflag:s2] =	dma.local @!p0 [hbm:s0], s1  }
0xf6: {  	s0 =	simm.s32 @!p0 $0x2  }
0xf7: {  	_ =	swait.ge @!p0 [sflag:s0], s1  }
0xf8: {  	s1 =	ssub.s32 @!p0 $0x0, s1;
	[sflag:s0] =	ssyncset.done @!p0 $0x0  }
0xf9: {  	[sflag:s0] =	ssyncadd.s32 @!p0 s1  }
0xfa: {  	[bflag:$0x3] =	sbarrier.arrive $0xFFFF  }
0xfb: {  	_ =	shalt  }

// kernel: kernel.36.cloned.1.call-start
scs
__scs_entry_jumppad:
0x0: {  	(pc) =	sbr.rel $0x88, $3  }
0x1: {  	(tag) =	ssettag $0x0;
	lr =	simm.s32 $0x1  }
0x2: {  	[smem:$0x3F92] =	sst lr;
	_ =	strace $0xD0000000  }
0x3: {  	_ = 	snop  }
0x4: {  	_ = 	snop  }
0x5: {  	_ = 	snop  }
0x6: {  	_ = 	snop  }
0x7: {  	_ = 	snop  }
__scs_overlays_trampoline_lowered:
0x8: {  	[smem:$0x3FA1] =	sst s0  }
0x9: {  	[smem:$0x3FA2] =	sst s1  }
0xa: {  	[smem:$0x3FA3] =	sst s2  }
0xb: {  	[smem:$0x3FA4] =	sst s3  }
0xc: {  	[smem:$0x3FA5] =	sst s4  }
0xd: {  	[smem:$0x3FA6] =	sst s5  }
0xe: {  	[smem:$0x3FA7] =	sst s6  }
0xf: {  	[smem:$0x3FA8] =	sst s7  }
0x10: {  	[smem:$0x3FA9] =	sst s8  }
0x11: {  	[smem:$0x3FAA] =	sst s9;
	s0 =	simm.s32 @!p0 $0x0  }
0x12: {  	s1 =	sld [smem:$0x3F90];
	s0 =	simm.s32 @p0 $0x1  }
0x13: {  	[smem:$0x3FAB] =	sst s0;
	s0 =	simm.s32 @!p1 $0x0  }
0x14: {  	s2 =	sld [smem:$0x3F8F];
	s0 =	simm.s32 @p1 $0x1  }
0x15: {  	[smem:$0x3FAC] =	sst s0;
	s0 =	simm.s32 @!p2 $0x0  }
0x16: {  	s3 =	sld [smem:$0x3FDB];
	s0 =	simm.s32 @p2 $0x1  }
0x17: {  	s4 =	simm.s32 $0x1BF5;
	[smem:$0x3FAE] =	sst s0  }
0x18: {  	s0 =	sld [smem:$0x3F91];
	_ =	swait.ge [sflag:s4], $0x0  }
0x19: {  	s7 =	sld [smem:$0x3F92]  }
0x1a: {  	s8 =	sadd.s32 $0xFFFFE003, lr  }
0x1b: {  	s9 =	sadd.s32 $0xFFFFFEF7, lr;
	s5 =	simm.s32 $0xFFFFFFFF;
	p2 =	slt.u32 s8, $0xFFFFF086  }
0x1c: {  	p1 =	slt.u32 s9, $0xF7A;
	s5 =	simm.s32 @!p2 $0x0  }
0x1d: {  	s5 =	simm.s32 @p1 $0x1;
	p0 =	seq.s32 s7, s2  }
0x1e: {  	s7 =	smul.u32 @!p0 $0xF7A, s2;
	p2 =	seq.s32 @!p0 s5, $0x0  }
0x1f: {  	s9 =	smul.u32 $0xF7A, s1;
	s8 =	simm.s32 @!p0 $0x1BF5;
	p2 =	por !p2, p0  }
0x20: {  	[sflag:s8] =	ssyncset.s32 @!p0 $0xFFFFF086;
	s6 =	sadd.s32 @!p0 s3, s7;
	s7 =	simm.s32 @!p0 $0x108  }
0x21: {  	s3 =	sadd.s32 s3, s9;
	s6 =	sadd.s32 @!p0 $0x88, s6;
	s7 =	simm.s32 @p2 $0x1082  }
0x22: {  	[simem:s7], [sflag:s8] =	dma.local @!p0 [hbm:s6], $0xF7A  }
0x23: {  	s9 =	sor.u32 $0xD0000000, s2;
	s6 =	simm.s32 $0x108;
	_ =	swait.ge @!p0 [sflag:s8], $0x0  }
0x24: {  	s3 =	sadd.s32 $0x88, s3;
	s6 =	simm.s32 @!p1 $0x1082;
	[sflag:s4] =	ssyncset.s32 $0xFFFFF086  }
0x25: {  	[simem:s6], [sflag:s4] =	dma.local [hbm:s3], $0xF7A  }
0x26: {  	[smem:$0x3F92] =	sst s1;
	(tag) =	ssettag s2;
	_ =	strace s9  }
0x27: {  	s1 =	sld [smem:$0x3FA2]  }
0x28: {  	s2 =	sld [smem:$0x3FA3]  }
0x29: {  	s4 =	sld [smem:$0x3FA5]  }
0x2a: {  	p0 =	seq.s32 s5, $0x0;
	s5 =	sld [smem:$0x3FA6]  }
0x2b: {  	s6 =	sld [smem:$0x3FA7]  }
0x2c: {  	s7 =	sld [smem:$0x3FA8]  }
0x2d: {  	s3 =	simm.s32 $0x108;
	s8 =	sld [smem:$0x3FA9]  }
0x2e: {  	s3 =	simm.s32 @!p0 $0x1082;
	s9 =	sld [smem:$0x3FAA]  }
0x2f: {  	lr =	sadd.s32 s0, s3;
	s0 =	sld [smem:$0x3FA1]  }
0x30: {  	s3 =	sld [smem:$0x3FA4]  }
0x31: {  	[smem:$0x3FAD] =	sst s10  }
0x32: {  	s10 =	sld [smem:$0x3FAB];
	_ =	sdelay $0x3  }
0x33: {  	p0 =	seq.s32 s10, $0x1;
	s10 =	sld [smem:$0x3FAD];
	_ =	sdelay $0x3  }
0x34: {  	[smem:$0x3FAD] =	sst s10  }
0x35: {  	s10 =	sld [smem:$0x3FAC];
	_ =	sdelay $0x3  }
0x36: {  	p1 =	seq.s32 s10, $0x1;
	s10 =	sld [smem:$0x3FAD];
	_ =	sdelay $0x3  }
0x37: {  	[smem:$0x3FAD] =	sst s10  }
0x38: {  	s10 =	sld [smem:$0x3FAE]  }
0x39: {  	_ = 	snop;
	(pc) =	sbr.ind lr, $3  }
0x3a: {  	_ = 	snop  }
0x3b: {  	_ = 	snop  }
0x3c: {  	p2 =	seq.s32 s10, $0x1;
	s10 =	sld [smem:$0x3FAD]  }
0x3d: {  	_ =	shalt  }
0x3e: {  	_ =	shalt  }
0x3f: {  	_ =	shalt  }
0x40: {  	_ =	shalt  }
0x41: {  	_ =	shalt  }
0x42: {  	_ =	shalt  }
0x43: {  	_ =	shalt  }
0x44: {  	_ =	shalt  }
0x45: {  	_ =	shalt  }
0x46: {  	_ =	shalt  }
0x47: {  	_ =	shalt  }
0x48: {  	_ =	shalt  }
0x49: {  	_ =	shalt  }
0x4a: {  	_ =	shalt  }
0x4b: {  	_ =	shalt  }
0x4c: {  	_ =	shalt  }
0x4d: {  	_ =	shalt  }
0x4e: {  	_ =	shalt  }
0x4f: {  	_ =	shalt  }
0x50: {  	_ =	shalt  }
0x51: {  	_ =	shalt  }
0x52: {  	_ =	shalt  }
0x53: {  	_ =	shalt  }
0x54: {  	_ =	shalt  }
0x55: {  	_ =	shalt  }
0x56: {  	_ =	shalt  }
0x57: {  	_ =	shalt  }
0x58: {  	_ =	shalt  }
0x59: {  	_ =	shalt  }
0x5a: {  	_ =	shalt  }
0x5b: {  	_ =	shalt  }
0x5c: {  	_ =	shalt  }
0x5d: {  	_ =	shalt  }
0x5e: {  	_ =	shalt  }
0x5f: {  	_ =	shalt  }
0x60: {  	_ =	shalt  }
0x61: {  	_ =	shalt  }
0x62: {  	_ =	shalt  }
0x63: {  	_ =	shalt  }
0x64: {  	_ =	shalt  }
0x65: {  	_ =	shalt  }
0x66: {  	_ =	shalt  }
0x67: {  	_ =	shalt  }
0x68: {  	_ =	shalt  }
0x69: {  	_ =	shalt  }
0x6a: {  	_ =	shalt  }
0x6b: {  	_ =	shalt  }
0x6c: {  	_ =	shalt  }
0x6d: {  	_ =	shalt  }
0x6e: {  	_ =	shalt  }
0x6f: {  	_ =	shalt  }
0x70: {  	_ =	shalt  }
0x71: {  	_ =	shalt  }
0x72: {  	_ =	shalt  }
0x73: {  	_ =	shalt  }
0x74: {  	_ =	shalt  }
0x75: {  	_ =	shalt  }
0x76: {  	_ =	shalt  }
0x77: {  	_ =	shalt  }
0x78: {  	_ =	shalt  }
0x79: {  	_ =	shalt  }
0x7a: {  	_ =	shalt  }
0x7b: {  	_ =	shalt  }
0x7c: {  	_ =	shalt  }
0x7d: {  	_ =	shalt  }
0x7e: {  	_ =	shalt  }
0x7f: {  	_ =	shalt  }
0x80: {  	_ =	shalt  }
0x81: {  	_ =	shalt  }
0x82: {  	_ =	shalt  }
0x83: {  	_ =	shalt  }
0x84: {  	_ =	shalt  }
0x85: {  	_ =	shalt  }
0x86: {  	_ =	shalt  }
0x87: {  	_ =	shalt  }
.Lfunc_end0:
.L_simem_size_0:
called_computation.9_lowered:
.L_overlay_start_0:
0x88: {  	s2 =	sld [smem:$0x3FD9]  }
0x89: {  	s3 =	sld [smem:$0x3FFE];
	_ =	sdelay $0x1  }
0x8a: {  	s1 =	srdreg.scid  }
0x8b: {  	s0 =	sand.u32 $0x1, s1  }
0x8c: {  	s16 =	sshll.u32 s0, $0xA;
	s2 =	sadd.s32 s3, s2  }
0x8d: {  	s2 =	sadd.s32 s2, s16  }
0x8e: {  	[smem:$0x3FB9] =	sst s2  }
0x8f: {  	_ = 	snop  }
0x90: {  	(tm) =	ssettm $0x1  }
0x91: {  	s17 =	sld [smem:$0x3FFB];
	_ =	sdelay $0x3  }
0x92: {  	_ =	strace s17  }
0x93: {  	s2 =	sld [smem:$0x3FFC];
	_ =	sdelay $0x3  }
0x94: {  	_ =	strace s2  }
0x95: {  	s2 =	sld [smem:$0x3FFD];
	_ =	sdelay $0x3  }
0x96: {  	_ =	strace s2  }
0x97: {  	_ =	strace $0x8FFFFFFF  }
0x98: {  	s18 =	sld [smem:$0x3FDB];
	_ =	sdelay $0x1  }
0x99: {  	s19 =	simm.s32 $_scs_section_size  }
0x9a: {  	s4 =	simm.s32 $_size__tile_overlayer_lowered;
	s5 =	simm.s32 $_tile_overlayer_lowered  }
0x9b: {  	s22 =	simm.s32 $0x1BFF;
	s21 =	sshll.u32 s5, $0x1;
	s2 =	sadd.s32 s19, s18  }
0x9c: {  	s6 =	simm.s32 $0x0;
	s20 =	sshll.u32 s4, $0x1;
	s4 =	sadd.s32 s21, s2  }
0x9d: {  	[timem:s6], [sflag:s22] =	dma.local [hbm:s4], s20  }
0x9e: {  	_ =	swait.ge [sflag:s22], s20  }
0x9f: {  	s3 =	ssub.s32 $0x0, s20;
	[sflag:s22] =	ssyncset.done $0x0  }
0xa0: {  	[sflag:s22] =	ssyncadd.s32 s3;
	_ =	sdelay $0x1  }
0xa1: {  	s23 =	simm.s32 $0x1B8B  }
0xa2: {  	_ =	swait.ge [sflag:s23], $0x1  }
0xa3: {  	[sflag:s23] =	ssyncset.done $0x0  }
0xa4: {  	s25 =	simm.s32 $0x1B8E;
	s24 =	sld [smem:$0x3FFE];
	[sflag:s23] =	ssyncadd.s32 $0xFFFFFFFF  }
0xa5: {  	s26 =	simm.s32 $execute0_lowered;
	[smem:$0x3FD2] =	sst s25  }
0xa6: {  	s4 =	sshll.u32 s26, $0x1;
	_ =	strace $0x80000061;
	[dreg:$0x1] =	wrdreg $0xFFFFFFFF  }
0xa7: {  	s28 =	simm.s32 $_size_execute0_lowered;
	s2 =	sadd.s32 s2, s4;
	[dreg:$0x0] =	wrdreg $0x0  }
0xa8: {  	s4 =	sshll.u32 s28, $0x1;
	[dreg:$0x2] =	wrdreg s2  }
0xa9: {  	[dreg:$0x3] =	wrdreg s4  }
0xaa: {  	[dreg:$0x4] =	wrdreg $0xC0  }
0xab: {  	_ =	task [dreg:s6], $0x5FFFF  }
0xac: {  	[dreg:$0x1] =	wrdreg $0xFFFFFFFF  }
0xad: {  	[dreg:$0x0] =	wrdreg $0x60  }
0xae: {  	[dreg:$0x2] =	wrdreg s24  }
0xaf: {  	[dreg:$0x3] =	wrdreg $0x51000  }
0xb0: {  	[dreg:$0x4] =	wrdreg $0x9  }
0xb1: {  	_ =	task.clear_ibuf [dreg:s6], $0x5FFFF;
	_ =	strace $0x90000061  }
0xb2: {  	s29 =	simm.s32 $0x9;
	_ =	strace $0x80000063  }
0xb3: {  	_ =	swait.ge [sflag:s29], $0x1  }
0xb4: {  	[sflag:s29] =	ssyncadd.s32 $0xFFFFFFFF  }
0xb5: {  	_ =	strace $0x90000063  }
0xb6: {  	_ =	sfence  }
0xb7: {  	s30 =	sld [smem:$0x0];
	_ =	sdelay $0x2  }
0xb8: {  	s31 =	sshll.u32 s1, $0xD;
	s1 =	sshrl.u32 s1, $0x2  }
0xb9: {  	s3 =	sand.u32 $0x4000, s31;
	s1 =	sadd.s32 s1, s30  }
0xba: {  	s0 =	sor.u32 s3, s0;
	s1 =	sshll.u32 s1, $0x11  }
0xbb: {  	s0 =	sor.u32 s1, s0  }
0xbc: {  	s0 =	sadd.s32 $0x8F2B, s0  }
0xbd: {  	[sflag:s0] =	ssyncadd.remote.s32 $0x1  }
0xbe: {  	_ =	sfence.sel $0xFFFF  }
0xbf: {  	[dreg:$0x0] =	wrdreg $0xFFFFFFFF;
	(pc) =	sbr.abs _section_cstart, $3  }
0xc0: {  	[dreg:$0x1] =	wrdreg $0xFFFFFFFF  }
0xc1: {  	_ =	task.clear_ibuf [dreg:s6], $0x2FFFF;
	_ =	strace $0x9FFFFFFF  }
0xc2: {  	(tm) =	ssettm $0x7FFFFFFF  }
0xc3: {  	_ =	shalt  }
tec
execute0_lowered:
.L_overlay_start_1:
0x0: {  	(tag) =	ssettag $0x1  }
0x1: {  	s1 =	stileid.u32  }
0x2: {  	s4 =	rddreg [dreg:$0x0];
	s7 =	smul.u32 $0x9C4, s1  }
0x3: {  	s0 =	srdreg.scid;
	s8 =	smul.u32 $0x2800, s1  }
0x4: {  	s2 =	rddreg [dreg:$0x1];
	s3 =	simm.s32 $0x0;
	s28 =	smul.u32 $0x50000, s1  }
0x5: {  	s5 =	sand.u32 $0x1, s0;
	s0 =	rddreg [dreg:$0x2];
	s13 =	smul.u32 $0x4E200, s1  }
0x6: {  	s14 =	simm.s32 $0x0;
	[smem:$0x7FF] =	sst s3;
	s6 =	smul.u32 $0x4E2000, s5  }
0x7: {  	s31 =	sshll.u32 s1, $0x6;
	_ =	strace $0x80000062;
	s26 =	smul.u32 $0x28000, s5  }
0x8: {  	s5 =	ssub.s32 $0x2, s5;
	s10 =	sadd.s32 s7, s4;
	s11 =	sadd.s32 s8, s4  }
0x9: {  	s29 =	sshrl.u32 s5, $0x1;
	s30 =	sshrl.u32 s28, $0x2;
	s9 =	sadd.s32 s6, s4  }
0xa: {  	s6 =	sadd.s32 s8, s26;
	s8 =	ssub.s32 s5, s29;
	s12 =	sadd.s32 s30, s2  }
0xb: {  	s5 =	sor.u32 $0x1C01, s31;
	s6 =	sadd.s32 s6, s4;
	s4 =	sadd.s32 $0x69400, s11  }
0xc: {  	s7 =	smax.u32 s8, $0x1;
	s8 =	sadd.s32 $0x10200, s10;
	s9 =	sadd.s32 s13, s9  }
0xd: {  	s10 =	sshrl.u32 s12, $0x3;
	s11 =	simm.s32 $0x1;
	s12 =	simm.s32 $0x5000  }
0xe: {  	s13 =	simm.s32 $0xA0;
	s6 =	sadd.s32 $0x91400, s6;
	s9 =	sadd.s32 $0x1A33C00, s9  }
.LBB2_1:
0xf: {  	[spmem:s10], [sflag:s5] =	dma.local [hbm:s4], $0x2800  }
0x10: {  	_ =	swait.ge [sflag:s11], $0x2800  }
0x11: {  	[sflag:s11] =	ssyncset.done $0x0  }
0x12: {  	[sflag:s11] =	ssyncadd.s32 $0xFFFFD800  }
0x13: {  	s15 =	sadd.s32 $0x0, s8;
	[bflag:$0x0] =	sbarrier.arrive $0xFFFF  }
0x14: {  	[tilespmem:s12], [sflag:$0x1] =	stream.linear.gather [hbm4b:s15+s3], $0xA0, $0x38;
	[tilespmem:$0x19100] =	vst v63  }
0x15: {  	_ =	swait.ge [sflag:s11], $0xA0  }
0x16: {  	[sflag:s11] =	ssyncset.done $0x0  }
0x17: {  	[sflag:s11] =	ssyncadd.s32 $0xFFFFFF60  }
0x18: {  	[tilespmem:s3], [sflag:$0x1] =	stream.linear.gather [hbm4b:s9+s3], $0x5000, $0x38;
	[tilespmem:$0x19100] =	vst v63  }
0x19: {  	_ =	swait.ge [sflag:s11], $0x5000  }
0x1a: {  	[sflag:s11] =	ssyncset.done $0x0  }
0x1b: {  	[sflag:s11] =	ssyncadd.s32 $0xFFFFB000  }
0x1c: {  	[spmem:s2] =	stream.indirect.scatter.add.f32 [tilespmem:s3], [sflag:$0x1], $0x80, s12, s13, $0xb8;
	[tilespmem:$0x19100] =	vst v63  }
0x1d: {  	s16 =	simm.s32 $0x14;
	_ =	swait.ge [sflag:s11], $0x5000  }
0x1e: {  	s17 =	simm.s32 $0x28;
	s15 =	sadd.s32 $0xA00, s9;
	[sflag:s11] =	ssyncset.done $0x0  }
.LBB2_2:
0x1f: {  	s18 =	sadd.s32 s16, s8  }
0x20: {  	[sflag:s11] =	ssyncadd.s32 $0xFFFFB000;
	s16 =	smov.u32 s17;
	s19 =	sadd.s32 $0x14, s17  }
0x21: {  	[tilespmem:s12], [sflag:$0x1] =	stream.linear.gather [hbm4b:s18+s3], $0xA0, $0x38;
	[tilespmem:$0x19100] =	vst v63  }
0x22: {  	p0 =	sne.s32 s17, $0x9B0;
	_ =	swait.ge [sflag:s11], $0xA0  }
0x23: {  	[sflag:s11] =	ssyncset.done $0x0  }
0x24: {  	[sflag:s11] =	ssyncadd.s32 $0xFFFFFF60  }
0x25: {  	[tilespmem:s3], [sflag:$0x1] =	stream.linear.gather [hbm4b:s15+s3], $0x5000, $0x38;
	[tilespmem:$0x19100] =	vst v63  }
0x26: {  	_ =	swait.ge [sflag:s11], $0x5000  }
.Ltmp0:
0x27: {  	[sflag:s11] =	ssyncset.done $0x0;
	(pc) =	sbr.rel @p0 .LBB2_2-.Ltmp0, $4  }
0x28: {  	[sflag:s11] =	ssyncadd.s32 $0xFFFFB000  }
0x29: {  	[spmem:s2] =	stream.indirect.scatter.add.f32 [tilespmem:s3], [sflag:$0x1], $0x80, s12, s13, $0xb8;
	[tilespmem:$0x19100] =	vst v63  }
0x2a: {  	_ =	swait.ge [sflag:s11], $0x5000  }
0x2b: {  	s17 =	smov.u32 s19;
	s15 =	sadd.s32 $0xA00, s15;
	[sflag:s11] =	ssyncset.done $0x0  }
0x2c: {  	s16 =	sadd.s32 s16, s8;
	[sflag:s11] =	ssyncadd.s32 $0xFFFFB000  }
0x2d: {  	[tilespmem:s12], [sflag:$0x1] =	stream.linear.gather [hbm4b:s16+s3], $0xA0, $0x38;
	[tilespmem:$0x19100] =	vst v63  }
0x2e: {  	_ =	swait.ge [sflag:s11], $0xA0  }
0x2f: {  	[sflag:s11] =	ssyncset.done $0x0  }
0x30: {  	[sflag:s11] =	ssyncadd.s32 $0xFFFFFF60  }
0x31: {  	[tilespmem:s3], [sflag:$0x1] =	stream.linear.gather [hbm4b:s15+s3], $0x5000, $0x38;
	[tilespmem:$0x19100] =	vst v63  }
0x32: {  	_ =	swait.ge [sflag:s11], $0x5000  }
0x33: {  	[sflag:s11] =	ssyncset.done $0x0  }
0x34: {  	[sflag:s11] =	ssyncadd.s32 $0xFFFFB000  }
0x35: {  	[spmem:s2] =	stream.indirect.scatter.add.f32 [tilespmem:s3], [sflag:$0x1], $0x80, s12, s13, $0xb8;
	[tilespmem:$0x19100] =	vst v63  }
0x36: {  	_ =	swait.ge [sflag:s11], $0x5000  }
0x37: {  	s14 =	sadd.s32 $0x1, s14;
	[sflag:s11] =	ssyncset.done $0x0  }
0x38: {  	p0 =	sne.s32 s14, s7;
	[sflag:s11] =	ssyncadd.s32 $0xFFFFB000  }
.Ltmp1:
0x39: {  	[bflag:$0x0] =	sbarrier.arrive $0xFFFF;
	(pc) =	sbr.rel @p0 .LBB2_1-.Ltmp1, $4  }
0x3a: {  	[hbm:s6], [sflag:s5] =	dma.local [spmem:s10], $0x2800  }
0x3b: {  	_ =	swait.ge [sflag:s11], $0x2800  }
0x3c: {  	[sflag:s11] =	ssyncset.done $0x0  }
0x3d: {  	[sflag:s11] =	ssyncadd.s32 $0xFFFFD800  }
0x3e: {  	_ =	sfence.sel $0x180000  }
0x3f: {  	[bflag:$0x0] =	sbarrier.arrive $0xFFFF  }
0x40: {  	p0 =	sne.s32 s1, $0x0;
	_ =	strace $0x90000062  }
0x41: {  	s0 =	sadd.s32 @!p0 $0x100000, s0;
	[bflag:$0x2] =	sbarrier.arrive $0xFFFF  }
0x42: {  	[sflag:s0] =	ssyncadd.tile.s32 @!p0 $0x1;
	_ =	shalt  }
.Lfunc_end2:
_tile_overlayer_lowered:
.L_overlay_start_2:
0x43: {  	(tag) =	ssettag $0x2  }
0x44: {  	s0 =	rddreg [dreg:$0x0];
	s2 =	stileid.u32  }
0x45: {  	s1 =	rddreg [dreg:$0x1];
	p0 =	sne.s32 s2, $0x0  }
0x46: {  	s3 =	rddreg [dreg:$0x2];
	[bflag:$0x3] =	sbarrier.arrive $0xFFFF;
	s2 =	simm.s32 @!p0 $0x1C01  }
0x47: {  	[timem:s3], [sflag:s2] =	dma.local @!p0 [hbm:s0], s1  }
0x48: {  	s0 =	simm.s32 @!p0 $0x1  }
0x49: {  	_ =	swait.ge @!p0 [sflag:s0], s1  }
0x4a: {  	s1 =	ssub.s32 @!p0 $0x0, s1;
	[sflag:s0] =	ssyncset.done @!p0 $0x0  }
0x4b: {  	[sflag:s0] =	ssyncadd.s32 @!p0 s1  }
0x4c: {  	[bflag:$0x3] =	sbarrier.arrive $0xFFFF  }
0x4d: {  	_ =	shalt  }

// kernel: sparse-core-data-format-call.1.cloned.1.call-start
scs
called_computation.1_lowered:
.L_overlay_start_0:
0x0: {  	s2 =	sld [smem:$0x3FD9]  }
0x1: {  	s3 =	sld [smem:$0x3FFE];
	_ =	sdelay $0x1  }
0x2: {  	s1 =	srdreg.scid  }
0x3: {  	s0 =	sand.u32 $0x1, s1  }
0x4: {  	s18 =	sshll.u32 s0, $0xA;
	s2 =	sadd.s32 s3, s2  }
0x5: {  	s2 =	sadd.s32 s2, s18  }
0x6: {  	[smem:$0x3FB9] =	sst s2  }
0x7: {  	_ = 	snop  }
0x8: {  	(tm) =	ssettm $0x1  }
0x9: {  	s19 =	sld [smem:$0x3FFB];
	_ =	sdelay $0x3  }
0xa: {  	_ =	strace s19  }
0xb: {  	s2 =	sld [smem:$0x3FFC];
	_ =	sdelay $0x3  }
0xc: {  	_ =	strace s2  }
0xd: {  	s2 =	sld [smem:$0x3FFD];
	_ =	sdelay $0x3  }
0xe: {  	_ =	strace s2  }
0xf: {  	_ =	strace $0x8FFFFFFF  }
0x10: {  	s20 =	sld [smem:$0x3FDB];
	_ =	sdelay $0x1  }
0x11: {  	s21 =	simm.s32 $_scs_section_size  }
0x12: {  	s4 =	simm.s32 $_size__tile_overlayer_lowered;
	s5 =	simm.s32 $_tile_overlayer_lowered  }
0x13: {  	s6 =	simm.s32 $0x1BFF;
	s22 =	sshll.u32 s5, $0x1;
	s3 =	sadd.s32 s21, s20  }
0x14: {  	s23 =	simm.s32 $0x0;
	s4 =	sshll.u32 s4, $0x1;
	s5 =	sadd.s32 s22, s3  }
0x15: {  	[timem:s23], [sflag:s6] =	dma.local [hbm:s5], s4  }
0x16: {  	_ =	swait.ge [sflag:s6], s4  }
0x17: {  	s4 =	ssub.s32 $0x0, s4;
	[sflag:s6] =	ssyncset.done $0x0  }
0x18: {  	[sflag:s6] =	ssyncadd.s32 s4;
	_ =	sdelay $0x1  }
0x19: {  	s24 =	simm.s32 $0x1B8B  }
0x1a: {  	_ =	swait.ge [sflag:s24], $0x1  }
0x1b: {  	[sflag:s24] =	ssyncset.done $0x0  }
0x1c: {  	[sflag:s24] =	ssyncadd.s32 $0xFFFFFFFF  }
0x1d: {  	s4 =	sld [smem:$0x0]  }
0x1e: {  	s5 =	sand.u32 $0xFFFFFFFE, s1  }
0x1f: {  	p0 =	sne.s32 s1, s5  }
0x20: {  	s5 =	sshll.u32 @p0 s5, $0xE  }
0x21: {  	s5 =	sadd.s32 @p0 $0x11B8D, s5;
	s6 =	sshll.u32 @p0 s4, $0x11  }
0x22: {  	s5 =	sor.u32 @p0 s6, s5  }
0x23: {  	[sflag:s5] =	ssyncadd.remote.s32 @p0 $0x1;
	_ =	sdelay $0x1  }
0x24: {  	s5 =	simm.s32 @p0 $0x1B8D  }
0x25: {  	_ =	swait.eq @p0 [sflag:s5], $0x1  }
0x26: {  	[sflag:s5] =	ssyncadd.s32 @p0 $0xFFFFFFFF  }
0x27: {  	s6 =	sshll.u32 @!p0 s1, $0xE  }
0x28: {  	s6 =	sor.u32 @!p0 $0x4000, s6;
	s5 =	simm.s32 @!p0 $0x1B8D  }
0x29: {  	s4 =	sshll.u32 @!p0 s4, $0x11;
	s6 =	sadd.s32 @!p0 $0x11B8D, s6;
	_ =	swait.eq @!p0 [sflag:s5], $0x1  }
0x2a: {  	s4 =	sor.u32 @!p0 s4, s6;
	[sflag:s5] =	ssyncadd.s32 @!p0 $0xFFFFFFFF  }
0x2b: {  	s26 =	simm.s32 $0x1B8E;
	s25 =	sld [smem:$0x3FFE];
	[sflag:s4] =	ssyncadd.remote.s32 @!p0 $0x1  }
0x2c: {  	s27 =	simm.s32 $execute0_lowered;
	[smem:$0x3FD2] =	sst s26  }
0x2d: {  	s5 =	sshll.u32 s27, $0x1;
	_ =	strace $0x80000052;
	[dreg:$0x1] =	wrdreg $0xFFFFFFFF  }
0x2e: {  	s28 =	simm.s32 $_size_execute0_lowered;
	s3 =	sadd.s32 s3, s5;
	[dreg:$0x0] =	wrdreg $0x0  }
0x2f: {  	s5 =	sshll.u32 s28, $0x1;
	[dreg:$0x2] =	wrdreg s3  }
0x30: {  	[dreg:$0x3] =	wrdreg s5  }
0x31: {  	[dreg:$0x4] =	wrdreg $0xC0  }
0x32: {  	_ =	task [dreg:s23], $0x5FFFF  }
0x33: {  	[dreg:$0x1] =	wrdreg $0xFFFFFFFF  }
0x34: {  	[dreg:$0x0] =	wrdreg $0x60  }
0x35: {  	[dreg:$0x2] =	wrdreg s25  }
0x36: {  	[dreg:$0x3] =	wrdreg $0xA  }
0x37: {  	_ =	task.clear_ibuf [dreg:s23], $0x4FFFF;
	_ =	strace $0x90000052  }
0x38: {  	s29 =	simm.s32 $0xA;
	_ =	strace $0x80000054  }
0x39: {  	_ =	swait.ge [sflag:s29], $0x1  }
0x3a: {  	[sflag:s29] =	ssyncadd.s32 $0xFFFFFFFF  }
0x3b: {  	_ =	strace $0x90000054  }
0x3c: {  	_ =	sfence  }
0x3d: {  	s30 =	sld [smem:$0x0];
	_ =	sdelay $0x2  }
0x3e: {  	s31 =	sshll.u32 s1, $0xD;
	s1 =	sshrl.u32 s1, $0x2  }
0x3f: {  	s4 =	sand.u32 $0x4000, s31;
	s1 =	sadd.s32 s1, s30  }
0x40: {  	s0 =	sor.u32 s4, s0;
	s1 =	sshll.u32 s1, $0x11  }
0x41: {  	s0 =	sor.u32 s1, s0  }
0x42: {  	s0 =	sadd.s32 $0x8F2B, s0  }
0x43: {  	[sflag:s0] =	ssyncadd.remote.s32 $0x1  }
0x44: {  	_ =	sfence.sel $0xFFFF  }
0x45: {  	[dreg:$0x0] =	wrdreg $0xFFFFFFFF;
	(pc) =	sbr.abs _section_cstart, $3  }
0x46: {  	[dreg:$0x1] =	wrdreg $0xFFFFFFFF  }
0x47: {  	_ =	task.clear_ibuf [dreg:s23], $0x2FFFF;
	_ =	strace $0x9FFFFFFF  }
0x48: {  	(tm) =	ssettm $0x7FFFFFFF  }
0x49: {  	_ =	shalt  }
tec
execute0_lowered:
.L_overlay_start_1:
0x0: {  	(tag) =	ssettag $0x1  }
0x1: {  	s0 =	srdreg.scid  }
0x2: {  	s1 =	sshll.u32 s0, $0x4  }
0x3: {  	s7 =	rddreg [dreg:$0x0];
	s0 =	stileid.u32;
	s1 =	sand.u32 $0x10, s1  }
0x4: {  	s31 =	simm.s32 $0x2;
	s14 =	simm.s32 $0x0;
	s8 =	sor.u32 s0, s1  }
0x5: {  	s13 =	simm.s32 $0x0;
	s12 =	simm.s32 $0x0;
	s2 =	sshll.u32 s8, $0x5  }
0x6: {  	s3 =	sadd.s32 $0x91400, s7;
	s4 =	sshll.u32 s0, $0x7;
	s2 =	sand.u32 $0x380, s2  }
0x7: {  	s1 =	rddreg [dreg:$0x1];
	s4 =	sand.u32 $0x180, s4;
	s5 =	ssub.s32 $0x400, s2  }
0x8: {  	_ =	strace $0x80000053;
	s9 =	ssub.s32 $0x2700, s4;
	s6 =	sand.u32 $0x380, s5  }
0x9: {  	s9 =	sshrl.u32 s9, $0x9;
	p0 =	sne.s32 s6, $0x0;
	s6 =	simm.s32 $0x1  }
.Ltmp0:
0xa: {  	s10 =	sshrl.u32 s5, $0xA;
	s6 =	simm.s32 @!p0 $0x0;
	(pc) =	sbr.rel .LBB1_1-.Ltmp0, $4  }
0xb: {  	s9 =	sadd.s32 $0x1, s9;
	s5 =	simm.s32 $0x1;
	s6 =	sadd.s32 s6, s10  }
0xc: {  	s7 =	sadd.s32 $0x4DA800, s7;
	[sflag:s5] =	ssyncpa.u1 $0x0;
	s6 =	smul.u32 s9, s6  }
0xd: {  	s8 =	sshll.u32 s8, $0x8;
	s11 =	smov.u32 s4;
	[sflag:s31] =	ssyncpa.u1 $0x0  }
0xe: {  	p0 =	por $0x0, $0x0;
	s10 =	simm.s32 $0x13C00;
	s9 =	sadd.s32 $0x1, s6  }
.LBB1_4:
0xf: {  	s14 =	sshrl.u32 s14, $0x3  }
0x10: {  	s20 =	sshll.u32 s13, $0x3;
	s14 =	smul.u32 $0x13C00, s14  }
0x11: {  	v5 =	vld [tilespmem:s18+$0xFFFFFFD0];
	[tilespmem:s17+$0x2040 ss:$0x81] =	vst.msk $0xffff, v4;
	s20 =	sand.u32 $0xFFFFFC00, s20  }
0x12: {  	v58 =	vld [tilespmem:s18+$0xFFFFFFE0];
	[tilespmem:s17+$0x2850 ss:$0x81] =	vst.msk $0xffff, v3;
	s30 =	sand.u32 $0x7F, s13;
	s14 =	sadd.s32 s20, s14  }
0x13: {  	s19 =	sshra.s32 s19, $0x2;
	v59 =	vld [tilespmem:s18+$0xFFFFFFF0];
	[tilespmem:s17+$0x3060 ss:$0x81] =	vst.msk $0xffff, v2;
	s13 =	sor.u32 s30, s14  }
0x14: {  	v60 =	vld [tilespmem:s18+$0x0];
	[tilespmem:s17+$0x0 ss:$0x81] =	vst.msk $0xffff, v0;
	s16 =	sadd.s32 s19, s16;
	s31 =	smulhi.u32 $0xCF6474A9, s13  }
0x15: {  	v61 =	vld [tilespmem:s18+$0x10];
	[tilespmem:s16+$0x3870 ss:$0x81] =	vst.msk $0xffff, v1  }
0x16: {  	v62 =	vld [tilespmem:s18+$0x20];
	s14 =	smulhi.u32 $0xCF6474A9, s14;
	[tilespmem:s16+$0x810 ss:$0x81] =	vst.msk $0xffff, v5;
	s17 =	sshrl.u32 s31, $0xD  }
0x17: {  	v63 =	vld [tilespmem:s18+$0xFFFFFFC0];
	[tilespmem:s16+$0x1020 ss:$0x81] =	vst.msk $0xffff, v58;
	s17 =	smul.u32 $0x2780, s17  }
0x18: {  	[tilespmem:s16+$0x1830 ss:$0x81] =	vst.msk $0xffff, v59;
	s14 =	sshrl.u32 s14, $0xD  }
0x19: {  	[tilespmem:s16+$0x2040 ss:$0x81] =	vst.msk $0xffff, v60;
	s14 =	sand.u32 $0x3FF, s14;
	s13 =	ssub.s32 s13, s17  }
0x1a: {  	[tilespmem:s16+$0x2850 ss:$0x81] =	vst.msk $0xffff, v61;
	s14 =	smul.u32 $0x4F0, s14;
	s17 =	sshrl.u32 s13, $0x3;
	s13 =	sand.u32 $0x7, s13  }
0x1b: {  	[tilespmem:s16+$0x3060 ss:$0x81] =	vst.msk $0xffff, v62;
	s17 =	sadd.s32 s7, s17;
	s13 =	sshll.u32 s13, $0x12  }
0x1c: {  	[tilespmem:s16+$0x0 ss:$0x81] =	vst.msk $0xffff, v63;
	s14 =	sadd.s32 s14, s17;
	s13 =	sor.u32 $0x400, s13  }
0x1d: {  	[hbm4b:s14+s13] =	stream.strided.scatter [tilespmem:s15], [sflag:$0x2], $0x4000, s10, s13, $0x20;
	[tilespmem:$0x10100] =	vst v63  }
.LBB1_5:
0x1e: {  	s15 =	sadd.s32 $0x200, s11  }
0x1f: {  	p2 =	sgt.s32 s15, $0x270F  }
0x20: {  	s15 =	smov.u32 @p2 s4;
	p2 =	sne.s32 s12, s9  }
.Ltmp1:
0x21: {  	p1 =	slt.u32 s12, $0x2;
	(pc) =	sbr.rel @!p2 .LBB1_6-.Ltmp1, $4  }
0x22: {  	s14 =	simm.s32 @!p1 $0x2  }
0x23: {  	s16 =	sadd.s32 $0x1, s12;
	s13 =	smov.u32 s11;
	_ =	swait.ge @!p1 [sflag:s14], $0x4000  }
0x24: {  	p0 =	por !p0, !p0;
	s12 =	smov.u32 s16;
	[sflag:s14] =	ssyncset.done @!p1 $0x0  }
0x25: {  	s11 =	smov.u32 s15;
	[sflag:s14] =	ssyncadd.s32 @!p1 $0xFFFFC000;
	s14 =	smov.u32 s2  }
.LBB1_1:
0x26: {  	p1 =	sge.u32 s12, s6  }
0x27: {  	s15 =	sshll.u32 @!p1 s11, $0xA  }
0x28: {  	s15 =	sand.u32 @!p1 $0xFFFFE000, s15  }
0x29: {  	s15 =	sor.u32 @!p1 s8, s15  }
0x2a: {  	s17 =	smov.u32 s11;
	p2 =	sgt.s32 @!p1 s11, $0x2690;
	s15 =	sshrl.u32 @!p1 s15, $0xA  }
0x2b: {  	s18 =	sshra.s32 @!p1 s11, $0x1F;
	p2 =	por !p2, p1;
	s16 =	smulhi.u32 @!p1 $0x1A36E3, s15  }
0x2c: {  	s31 =	sadd.s32 $0xFFFFFFFF, s12;
	s18 =	sand.u32 @!p1 s18, s11;
	s17 =	simm.s32 @p2 $0x2690  }
0x2d: {  	s19 =	sxor.u32 @!p1 $0xFFFFFFFF, s12;
	s17 =	ssub.s32 @!p1 s17, s18;
	s16 =	sshrl.u32 @!p1 s16, $0x2  }
0x2e: {  	s18 =	sshll.u32 @!p1 s19, $0xE;
	s17 =	sadd.s32 @!p1 $0xFFFFD970, s17;
	s16 =	smul.u32 @!p1 $0x2710, s16  }
0x2f: {  	s19 =	simm.s32 @!p1 $0x2000;
	s18 =	sand.u32 @!p1 $0x4000, s18;
	p2 =	sgt.s32 @!p1 s17, $0x7F  }
0x30: {  	s15 =	ssub.s32 @!p1 s15, s16;
	s16 =	sshll.u32 @!p1 s17, $0x7;
	s17 =	sshll.u32 @!p1 s11, $0x4  }
0x31: {  	p2 =	por !p2, p1;
	s16 =	ssub.s32 @!p1 $0x4000, s16;
	s17 =	sand.u32 @!p1 $0x70, s17  }
0x32: {  	s15 =	sshll.u32 @!p1 s15, $0x7;
	s16 =	sand.u32 @!p1 $0x3FFFFF80, s16;
	s17 =	sadd.s32 @!p1 s3, s17  }
0x33: {  	s16 =	simm.s32 @!p2 $0x0;
	s15 =	sadd.s32 @!p1 s15, s17;
	s17 =	simm.s32 @!p1 $0x400  }
0x34: {  	[tilespmem:s18], [sflag:$0x1] =	stream.strided.gather @!p1 [hbm4b:s15+s17], s16, s19, s17, $0x38;
	[tilespmem:$0x10100] =	vst v63  }
0x35: {  	p1 =	sge.u32 s31, s6  }
.Ltmp2:
0x36: {  	_ = 	snop;
	(pc) =	sbr.rel @p1 .LBB1_5-.Ltmp2, $1  }
0x37: {  	_ =	sdelay $0x3  }
0x38: {  	p1 =	sgt.s32 s13, $0x2690;
	s15 =	smov.u32 s13;
	s16 =	sshra.s32 s13, $0x1F  }
0x39: {  	s15 =	simm.s32 @!p1 $0x2690;
	s16 =	sand.u32 s16, s13  }
0x3a: {  	s15 =	ssub.s32 s15, s16  }
0x3b: {  	s15 =	sadd.s32 $0xFFFFD970, s15  }
0x3c: {  	s29 =	sshll.u32 s15, $0x7  }
0x3d: {  	s16 =	ssub.s32 $0x4000, s29  }
0x3e: {  	p1 =	sgt.s32 s15, $0x7F;
	s15 =	sand.u32 $0x3FFFFF80, s16  }
0x3f: {  	s16 =	simm.s32 $0x1;
	s15 =	simm.s32 @p1 $0x0  }
0x40: {  	s16 =	simm.s32 @!p0 $0x0;
	_ =	swait.ge [sflag:s5], s15  }
0x41: {  	s17 =	sshll.u32 s16, $0xE;
	s15 =	ssub.s32 $0x0, s15;
	[sflag:s5] =	ssyncset.done $0x0  }
0x42: {  	s18 =	sor.u32 $0x40, s17;
	[sflag:s5] =	ssyncadd.s32 s15  }
0x43: {  	s30 =	smul.u32 $0x10200, s16;
	v0 =	vld [tilespmem:s18+$0x30]  }
0x44: {  	v1 =	vld [tilespmem:s18+$0xFFFFFFD0]  }
0x45: {  	s15 =	sshrl.u32 s30, $0x2;
	v5 =	vld [tilespmem:s18+$0xFFFFFFE0]  }
0x46: {  	s16 =	sor.u32 $0x8000, s15;
	v6 =	vld [tilespmem:s18+$0xFFFFFFF0]  }
0x47: {  	s31 =	sand.u32 $0x1, s12;
	v4 =	vld [tilespmem:s18+$0x0];
	s17 =	sadd.s32 $0x0, s16  }
0x48: {  	s15 =	smul.u32 $0x10200, s31;
	v3 =	vld [tilespmem:s18+$0x10];
	[tilespmem:s17+$0x3870 ss:$0x81] =	vst.msk $0xffff, v0  }
0x49: {  	v2 =	vld [tilespmem:s18+$0x20];
	[tilespmem:s17+$0x810 ss:$0x81] =	vst.msk $0xffff, v1  }
0x4a: {  	s15 =	sshrl.u32 s15, $0x2;
	v0 =	vld [tilespmem:s18+$0xFFFFFFC0];
	[tilespmem:s17+$0x1020 ss:$0x81] =	vst.msk $0xffff, v5;
	s18 =	sadd.s32 $0x80, s18  }
0x4b: {  	s19 =	simm.s32 $0x4;
	s20 =	simm.s32 $0x8;
	s15 =	sor.u32 $0x8000, s15;
	[tilespmem:s17+$0x1830 ss:$0x81] =	vst.msk $0xffff, v6;
	v1 =	vld [tilespmem:s18+$0x30]  }
.LBB1_3:
0x4c: {  	p1 =	sne.s32 s20, $0x1FC;
	v5 =	vld [tilespmem:s18+$0xFFFFFFD0];
	[tilespmem:s17+$0x2040 ss:$0x81] =	vst.msk $0xffff, v4  }
0x4d: {  	v6 =	vld [tilespmem:s18+$0xFFFFFFE0];
	[tilespmem:s17+$0x2850 ss:$0x81] =	vst.msk $0xffff, v3  }
0x4e: {  	s21 =	sshra.s32 s19, $0x2;
	s19 =	smov.u32 s20;
	v7 =	vld [tilespmem:s18+$0xFFFFFFF0];
	[tilespmem:s17+$0x3060 ss:$0x81] =	vst.msk $0xffff, v2  }
.Ltmp3:
0x4f: {  	v4 =	vld [tilespmem:s18+$0x0];
	[tilespmem:s17+$0x0 ss:$0x81] =	vst.msk $0xffff, v0;
	s17 =	sadd.s32 s21, s16;
	(pc) =	sbr.rel @p1 .LBB1_3-.Ltmp3, $4  }
0x50: {  	v3 =	vld [tilespmem:s18+$0x10];
	[tilespmem:s17+$0x3870 ss:$0x81] =	vst.msk $0xffff, v1  }
0x51: {  	[tilespmem:s17+$0x810 ss:$0x81] =	vst.msk $0xffff, v5;
	v2 =	vld [tilespmem:s18+$0x20]  }
0x52: {  	v0 =	vld [tilespmem:s18+$0xFFFFFFC0];
	[tilespmem:s17+$0x1020 ss:$0x81] =	vst.msk $0xffff, v6;
	s18 =	sadd.s32 $0x80, s18  }
0x53: {  	s20 =	sadd.s32 $0x4, s20;
	v1 =	vld [tilespmem:s18+$0x30];
	[tilespmem:s17+$0x1830 ss:$0x81] =	vst.msk $0xffff, v7  }
.Ltmp4:
0x54: {  	_ = 	snop;
	(pc) =	sbr.rel .LBB1_4-.Ltmp4, $1  }
0x55: {  	_ =	sdelay $0x3  }
.LBB1_6:
0x56: {  	_ =	sfence.sel $0x180000  }
0x57: {  	s2 =	simm.s32 $0x1;
	[bflag:$0x0] =	sbarrier.arrive $0xFFFF  }
0x58: {  	s31 =	simm.s32 $0x2;
	[sflag:s2] =	ssyncpa.u1 $0x1  }
0x59: {  	[sflag:s31] =	ssyncpa.u1 $0x1  }
0x5a: {  	p0 =	sne.s32 s0, $0x0;
	_ =	strace $0x90000053  }
0x5b: {  	s0 =	sadd.s32 @!p0 $0x100000, s1;
	[bflag:$0x2] =	sbarrier.arrive $0xFFFF  }
0x5c: {  	[sflag:s0] =	ssyncadd.tile.s32 @!p0 $0x1;
	_ =	shalt  }
.Lfunc_end1:
_tile_overlayer_lowered:
.L_overlay_start_2:
0x5d: {  	(tag) =	ssettag $0x2  }
0x5e: {  	s0 =	rddreg [dreg:$0x0];
	s2 =	stileid.u32  }
0x5f: {  	s1 =	rddreg [dreg:$0x1];
	p0 =	sne.s32 s2, $0x0  }
0x60: {  	s3 =	rddreg [dreg:$0x2];
	[bflag:$0x3] =	sbarrier.arrive $0xFFFF;
	s2 =	simm.s32 @!p0 $0x1C01  }
0x61: {  	[timem:s3], [sflag:s2] =	dma.local @!p0 [hbm:s0], s1  }
0x62: {  	s0 =	simm.s32 @!p0 $0x1  }
0x63: {  	_ =	swait.ge @!p0 [sflag:s0], s1  }
0x64: {  	s1 =	ssub.s32 @!p0 $0x0, s1;
	[sflag:s0] =	ssyncset.done @!p0 $0x0  }
0x65: {  	[sflag:s0] =	ssyncadd.s32 @!p0 s1  }
0x66: {  	[bflag:$0x3] =	sbarrier.arrive $0xFFFF  }
0x67: {  	_ =	shalt  }

// kernel: sparse-core-data-format-call.2.cloned.1.call-start
scs
called_computation.2_lowered:
.L_overlay_start_0:
0x0: {  	s2 =	sld [smem:$0x3FD9]  }
0x1: {  	s3 =	sld [smem:$0x3FFE];
	_ =	sdelay $0x1  }
0x2: {  	s1 =	srdreg.scid  }
0x3: {  	s0 =	sand.u32 $0x1, s1  }
0x4: {  	s18 =	sshll.u32 s0, $0xA;
	s2 =	sadd.s32 s3, s2  }
0x5: {  	s2 =	sadd.s32 s2, s18  }
0x6: {  	[smem:$0x3FB9] =	sst s2  }
0x7: {  	_ = 	snop  }
0x8: {  	(tm) =	ssettm $0x1  }
0x9: {  	s19 =	sld [smem:$0x3FFB];
	_ =	sdelay $0x3  }
0xa: {  	_ =	strace s19  }
0xb: {  	s2 =	sld [smem:$0x3FFC];
	_ =	sdelay $0x3  }
0xc: {  	_ =	strace s2  }
0xd: {  	s2 =	sld [smem:$0x3FFD];
	_ =	sdelay $0x3  }
0xe: {  	_ =	strace s2  }
0xf: {  	_ =	strace $0x8FFFFFFF  }
0x10: {  	s20 =	sld [smem:$0x3FDB];
	_ =	sdelay $0x1  }
0x11: {  	s21 =	simm.s32 $_scs_section_size  }
0x12: {  	s4 =	simm.s32 $_size__tile_overlayer_lowered;
	s5 =	simm.s32 $_tile_overlayer_lowered  }
0x13: {  	s6 =	simm.s32 $0x1BFF;
	s22 =	sshll.u32 s5, $0x1;
	s3 =	sadd.s32 s21, s20  }
0x14: {  	s23 =	simm.s32 $0x0;
	s4 =	sshll.u32 s4, $0x1;
	s5 =	sadd.s32 s22, s3  }
0x15: {  	[timem:s23], [sflag:s6] =	dma.local [hbm:s5], s4  }
0x16: {  	_ =	swait.ge [sflag:s6], s4  }
0x17: {  	s4 =	ssub.s32 $0x0, s4;
	[sflag:s6] =	ssyncset.done $0x0  }
0x18: {  	[sflag:s6] =	ssyncadd.s32 s4;
	_ =	sdelay $0x1  }
0x19: {  	s24 =	simm.s32 $0x1B8B  }
0x1a: {  	_ =	swait.ge [sflag:s24], $0x1  }
0x1b: {  	[sflag:s24] =	ssyncset.done $0x0  }
0x1c: {  	[sflag:s24] =	ssyncadd.s32 $0xFFFFFFFF  }
0x1d: {  	s4 =	sld [smem:$0x0]  }
0x1e: {  	s5 =	sand.u32 $0xFFFFFFFE, s1  }
0x1f: {  	p0 =	sne.s32 s1, s5  }
0x20: {  	s5 =	sshll.u32 @p0 s5, $0xE  }
0x21: {  	s5 =	sadd.s32 @p0 $0x11B8D, s5;
	s6 =	sshll.u32 @p0 s4, $0x11  }
0x22: {  	s5 =	sor.u32 @p0 s6, s5  }
0x23: {  	[sflag:s5] =	ssyncadd.remote.s32 @p0 $0x1;
	_ =	sdelay $0x1  }
0x24: {  	s5 =	simm.s32 @p0 $0x1B8D  }
0x25: {  	_ =	swait.eq @p0 [sflag:s5], $0x1  }
0x26: {  	[sflag:s5] =	ssyncadd.s32 @p0 $0xFFFFFFFF  }
0x27: {  	s6 =	sshll.u32 @!p0 s1, $0xE  }
0x28: {  	s6 =	sor.u32 @!p0 $0x4000, s6;
	s5 =	simm.s32 @!p0 $0x1B8D  }
0x29: {  	s4 =	sshll.u32 @!p0 s4, $0x11;
	s6 =	sadd.s32 @!p0 $0x11B8D, s6;
	_ =	swait.eq @!p0 [sflag:s5], $0x1  }
0x2a: {  	s4 =	sor.u32 @!p0 s4, s6;
	[sflag:s5] =	ssyncadd.s32 @!p0 $0xFFFFFFFF  }
0x2b: {  	s26 =	simm.s32 $0x1B8E;
	s25 =	sld [smem:$0x3FFE];
	[sflag:s4] =	ssyncadd.remote.s32 @!p0 $0x1  }
0x2c: {  	s27 =	simm.s32 $execute0_lowered;
	[smem:$0x3FD2] =	sst s26  }
0x2d: {  	s5 =	sshll.u32 s27, $0x1;
	_ =	strace $0x80000058;
	[dreg:$0x1] =	wrdreg $0xFFFFFFFF  }
0x2e: {  	s28 =	simm.s32 $_size_execute0_lowered;
	s3 =	sadd.s32 s3, s5;
	[dreg:$0x0] =	wrdreg $0x0  }
0x2f: {  	s5 =	sshll.u32 s28, $0x1;
	[dreg:$0x2] =	wrdreg s3  }
0x30: {  	[dreg:$0x3] =	wrdreg s5  }
0x31: {  	[dreg:$0x4] =	wrdreg $0xC0  }
0x32: {  	_ =	task [dreg:s23], $0x5FFFF  }
0x33: {  	[dreg:$0x1] =	wrdreg $0xFFFFFFFF  }
0x34: {  	[dreg:$0x0] =	wrdreg $0x60  }
0x35: {  	[dreg:$0x2] =	wrdreg s25  }
0x36: {  	[dreg:$0x3] =	wrdreg $0x9  }
0x37: {  	_ =	task.clear_ibuf [dreg:s23], $0x4FFFF;
	_ =	strace $0x90000058  }
0x38: {  	s29 =	simm.s32 $0x9;
	_ =	strace $0x8000005A  }
0x39: {  	_ =	swait.ge [sflag:s29], $0x1  }
0x3a: {  	[sflag:s29] =	ssyncadd.s32 $0xFFFFFFFF  }
0x3b: {  	_ =	strace $0x9000005A  }
0x3c: {  	_ =	sfence  }
0x3d: {  	s30 =	sld [smem:$0x0];
	_ =	sdelay $0x2  }
0x3e: {  	s31 =	sshll.u32 s1, $0xD;
	s1 =	sshrl.u32 s1, $0x2  }
0x3f: {  	s4 =	sand.u32 $0x4000, s31;
	s1 =	sadd.s32 s1, s30  }
0x40: {  	s0 =	sor.u32 s4, s0;
	s1 =	sshll.u32 s1, $0x11  }
0x41: {  	s0 =	sor.u32 s1, s0  }
0x42: {  	s0 =	sadd.s32 $0x8F2B, s0  }
0x43: {  	[sflag:s0] =	ssyncadd.remote.s32 $0x1  }
0x44: {  	_ =	sfence.sel $0xFFFF  }
0x45: {  	[dreg:$0x0] =	wrdreg $0xFFFFFFFF;
	(pc) =	sbr.abs _section_cstart, $3  }
0x46: {  	[dreg:$0x1] =	wrdreg $0xFFFFFFFF  }
0x47: {  	_ =	task.clear_ibuf [dreg:s23], $0x2FFFF;
	_ =	strace $0x9FFFFFFF  }
0x48: {  	(tm) =	ssettm $0x7FFFFFFF  }
0x49: {  	_ =	shalt  }
tec
execute0_lowered:
.L_overlay_start_1:
0x0: {  	(tag) =	ssettag $0x1  }
0x1: {  	s0 =	srdreg.scid  }
0x2: {  	s1 =	sshll.u32 s0, $0x4  }
0x3: {  	s7 =	rddreg [dreg:$0x0];
	s0 =	stileid.u32;
	s1 =	sand.u32 $0x10, s1  }
0x4: {  	s31 =	simm.s32 $0x2;
	s14 =	simm.s32 $0x0;
	s8 =	sor.u32 s0, s1  }
0x5: {  	s13 =	simm.s32 $0x0;
	s12 =	simm.s32 $0x0;
	s2 =	sshll.u32 s8, $0x5  }
0x6: {  	s3 =	sadd.s32 $0x12D800, s7;
	s4 =	sshll.u32 s0, $0x7;
	s2 =	sand.u32 $0x380, s2  }
0x7: {  	s1 =	rddreg [dreg:$0x1];
	s4 =	sand.u32 $0x180, s4;
	s5 =	ssub.s32 $0x400, s2  }
0x8: {  	_ =	strace $0x80000059;
	s9 =	ssub.s32 $0x2700, s4;
	s6 =	sand.u32 $0x380, s5  }
0x9: {  	s9 =	sshrl.u32 s9, $0x9;
	p0 =	sne.s32 s6, $0x0;
	s6 =	simm.s32 $0x1  }
.Ltmp0:
0xa: {  	s10 =	sshrl.u32 s5, $0xA;
	s6 =	simm.s32 @!p0 $0x0;
	(pc) =	sbr.rel .LBB1_1-.Ltmp0, $4  }
0xb: {  	s9 =	sadd.s32 $0x1, s9;
	s5 =	simm.s32 $0x1;
	s6 =	sadd.s32 s6, s10  }
0xc: {  	s7 =	sadd.s32 $0x2AAE800, s7;
	[sflag:s5] =	ssyncpa.u1 $0x0;
	s6 =	smul.u32 s9, s6  }
0xd: {  	s8 =	sshll.u32 s8, $0x8;
	s11 =	smov.u32 s4;
	[sflag:s31] =	ssyncpa.u1 $0x0  }
0xe: {  	p0 =	por $0x0, $0x0;
	s10 =	simm.s32 $0x13C00;
	s9 =	sadd.s32 $0x1, s6  }
.LBB1_4:
0xf: {  	s14 =	sshrl.u32 s14, $0x3  }
0x10: {  	s20 =	sshll.u32 s13, $0x3;
	s14 =	smul.u32 $0x13C00, s14  }
0x11: {  	v5 =	vld [tilespmem:s18+$0xFFFFFFD0];
	[tilespmem:s17+$0x2040 ss:$0x81] =	vst.msk $0xffff, v4;
	s20 =	sand.u32 $0xFFFFFC00, s20  }
0x12: {  	v58 =	vld [tilespmem:s18+$0xFFFFFFE0];
	[tilespmem:s17+$0x2850 ss:$0x81] =	vst.msk $0xffff, v3;
	s30 =	sand.u32 $0x7F, s13;
	s14 =	sadd.s32 s20, s14  }
0x13: {  	s19 =	sshra.s32 s19, $0x2;
	v59 =	vld [tilespmem:s18+$0xFFFFFFF0];
	[tilespmem:s17+$0x3060 ss:$0x81] =	vst.msk $0xffff, v2;
	s13 =	sor.u32 s30, s14  }
0x14: {  	v60 =	vld [tilespmem:s18+$0x0];
	[tilespmem:s17+$0x0 ss:$0x81] =	vst.msk $0xffff, v0;
	s16 =	sadd.s32 s19, s16;
	s31 =	smulhi.u32 $0xCF6474A9, s13  }
0x15: {  	v61 =	vld [tilespmem:s18+$0x10];
	[tilespmem:s16+$0x3870 ss:$0x81] =	vst.msk $0xffff, v1  }
0x16: {  	v62 =	vld [tilespmem:s18+$0x20];
	s14 =	smulhi.u32 $0xCF6474A9, s14;
	[tilespmem:s16+$0x810 ss:$0x81] =	vst.msk $0xffff, v5;
	s17 =	sshrl.u32 s31, $0xD  }
0x17: {  	v63 =	vld [tilespmem:s18+$0xFFFFFFC0];
	[tilespmem:s16+$0x1020 ss:$0x81] =	vst.msk $0xffff, v58;
	s17 =	smul.u32 $0x2780, s17  }
0x18: {  	[tilespmem:s16+$0x1830 ss:$0x81] =	vst.msk $0xffff, v59;
	s14 =	sshrl.u32 s14, $0xD  }
0x19: {  	[tilespmem:s16+$0x2040 ss:$0x81] =	vst.msk $0xffff, v60;
	s14 =	sand.u32 $0x3FF, s14;
	s13 =	ssub.s32 s13, s17  }
0x1a: {  	[tilespmem:s16+$0x2850 ss:$0x81] =	vst.msk $0xffff, v61;
	s14 =	smul.u32 $0x4F0, s14;
	s17 =	sshrl.u32 s13, $0x3;
	s13 =	sand.u32 $0x7, s13  }
0x1b: {  	[tilespmem:s16+$0x3060 ss:$0x81] =	vst.msk $0xffff, v62;
	s17 =	sadd.s32 s7, s17;
	s13 =	sshll.u32 s13, $0x12  }
0x1c: {  	[tilespmem:s16+$0x0 ss:$0x81] =	vst.msk $0xffff, v63;
	s14 =	sadd.s32 s14, s17;
	s13 =	sor.u32 $0x400, s13  }
0x1d: {  	[hbm4b:s14+s13] =	stream.strided.scatter [tilespmem:s15], [sflag:$0x2], $0x4000, s10, s13, $0x20;
	[tilespmem:$0x10100] =	vst v63  }
.LBB1_5:
0x1e: {  	s15 =	sadd.s32 $0x200, s11  }
0x1f: {  	p2 =	sgt.s32 s15, $0x270F  }
0x20: {  	s15 =	smov.u32 @p2 s4;
	p2 =	sne.s32 s12, s9  }
.Ltmp1:
0x21: {  	p1 =	slt.u32 s12, $0x2;
	(pc) =	sbr.rel @!p2 .LBB1_6-.Ltmp1, $4  }
0x22: {  	s14 =	simm.s32 @!p1 $0x2  }
0x23: {  	s16 =	sadd.s32 $0x1, s12;
	s13 =	smov.u32 s11;
	_ =	swait.ge @!p1 [sflag:s14], $0x4000  }
0x24: {  	p0 =	por !p0, !p0;
	s12 =	smov.u32 s16;
	[sflag:s14] =	ssyncset.done @!p1 $0x0  }
0x25: {  	s11 =	smov.u32 s15;
	[sflag:s14] =	ssyncadd.s32 @!p1 $0xFFFFC000;
	s14 =	smov.u32 s2  }
.LBB1_1:
0x26: {  	p1 =	sge.u32 s12, s6  }
0x27: {  	s15 =	sshll.u32 @!p1 s11, $0xA  }
0x28: {  	s15 =	sand.u32 @!p1 $0xFFFFE000, s15  }
0x29: {  	s15 =	sor.u32 @!p1 s8, s15  }
0x2a: {  	s17 =	smov.u32 s11;
	p2 =	sgt.s32 @!p1 s11, $0x2690;
	s15 =	sshrl.u32 @!p1 s15, $0xA  }
0x2b: {  	s18 =	sshra.s32 @!p1 s11, $0x1F;
	p2 =	por !p2, p1;
	s16 =	smulhi.u32 @!p1 $0x1A36E3, s15  }
0x2c: {  	s31 =	sadd.s32 $0xFFFFFFFF, s12;
	s18 =	sand.u32 @!p1 s18, s11;
	s17 =	simm.s32 @p2 $0x2690  }
0x2d: {  	s19 =	sxor.u32 @!p1 $0xFFFFFFFF, s12;
	s17 =	ssub.s32 @!p1 s17, s18;
	s16 =	sshrl.u32 @!p1 s16, $0x2  }
0x2e: {  	s18 =	sshll.u32 @!p1 s19, $0xE;
	s17 =	sadd.s32 @!p1 $0xFFFFD970, s17;
	s16 =	smul.u32 @!p1 $0x2710, s16  }
0x2f: {  	s19 =	simm.s32 @!p1 $0x2000;
	s18 =	sand.u32 @!p1 $0x4000, s18;
	p2 =	sgt.s32 @!p1 s17, $0x7F  }
0x30: {  	s15 =	ssub.s32 @!p1 s15, s16;
	s16 =	sshll.u32 @!p1 s17, $0x7;
	s17 =	sshll.u32 @!p1 s11, $0x4  }
0x31: {  	p2 =	por !p2, p1;
	s16 =	ssub.s32 @!p1 $0x4000, s16;
	s17 =	sand.u32 @!p1 $0x70, s17  }
0x32: {  	s15 =	sshll.u32 @!p1 s15, $0x7;
	s16 =	sand.u32 @!p1 $0x3FFFFF80, s16;
	s17 =	sadd.s32 @!p1 s3, s17  }
0x33: {  	s16 =	simm.s32 @!p2 $0x0;
	s15 =	sadd.s32 @!p1 s15, s17;
	s17 =	simm.s32 @!p1 $0x400  }
0x34: {  	[tilespmem:s18], [sflag:$0x1] =	stream.strided.gather @!p1 [hbm4b:s15+s17], s16, s19, s17, $0x38;
	[tilespmem:$0x10100] =	vst v63  }
0x35: {  	p1 =	sge.u32 s31, s6  }
.Ltmp2:
0x36: {  	_ = 	snop;
	(pc) =	sbr.rel @p1 .LBB1_5-.Ltmp2, $1  }
0x37: {  	_ =	sdelay $0x3  }
0x38: {  	p1 =	sgt.s32 s13, $0x2690;
	s15 =	smov.u32 s13;
	s16 =	sshra.s32 s13, $0x1F  }
0x39: {  	s15 =	simm.s32 @!p1 $0x2690;
	s16 =	sand.u32 s16, s13  }
0x3a: {  	s15 =	ssub.s32 s15, s16  }
0x3b: {  	s15 =	sadd.s32 $0xFFFFD970, s15  }
0x3c: {  	s29 =	sshll.u32 s15, $0x7  }
0x3d: {  	s16 =	ssub.s32 $0x4000, s29  }
0x3e: {  	p1 =	sgt.s32 s15, $0x7F;
	s15 =	sand.u32 $0x3FFFFF80, s16  }
0x3f: {  	s16 =	simm.s32 $0x1;
	s15 =	simm.s32 @p1 $0x0  }
0x40: {  	s16 =	simm.s32 @!p0 $0x0;
	_ =	swait.ge [sflag:s5], s15  }
0x41: {  	s17 =	sshll.u32 s16, $0xE;
	s15 =	ssub.s32 $0x0, s15;
	[sflag:s5] =	ssyncset.done $0x0  }
0x42: {  	s18 =	sor.u32 $0x40, s17;
	[sflag:s5] =	ssyncadd.s32 s15  }
0x43: {  	s30 =	smul.u32 $0x10200, s16;
	v0 =	vld [tilespmem:s18+$0x30]  }
0x44: {  	v1 =	vld [tilespmem:s18+$0xFFFFFFD0]  }
0x45: {  	s15 =	sshrl.u32 s30, $0x2;
	v5 =	vld [tilespmem:s18+$0xFFFFFFE0]  }
0x46: {  	s16 =	sor.u32 $0x8000, s15;
	v6 =	vld [tilespmem:s18+$0xFFFFFFF0]  }
0x47: {  	s31 =	sand.u32 $0x1, s12;
	v4 =	vld [tilespmem:s18+$0x0];
	s17 =	sadd.s32 $0x0, s16  }
0x48: {  	s15 =	smul.u32 $0x10200, s31;
	v3 =	vld [tilespmem:s18+$0x10];
	[tilespmem:s17+$0x3870 ss:$0x81] =	vst.msk $0xffff, v0  }
0x49: {  	v2 =	vld [tilespmem:s18+$0x20];
	[tilespmem:s17+$0x810 ss:$0x81] =	vst.msk $0xffff, v1  }
0x4a: {  	s15 =	sshrl.u32 s15, $0x2;
	v0 =	vld [tilespmem:s18+$0xFFFFFFC0];
	[tilespmem:s17+$0x1020 ss:$0x81] =	vst.msk $0xffff, v5;
	s18 =	sadd.s32 $0x80, s18  }
0x4b: {  	s19 =	simm.s32 $0x4;
	s20 =	simm.s32 $0x8;
	s15 =	sor.u32 $0x8000, s15;
	[tilespmem:s17+$0x1830 ss:$0x81] =	vst.msk $0xffff, v6;
	v1 =	vld [tilespmem:s18+$0x30]  }
.LBB1_3:
0x4c: {  	p1 =	sne.s32 s20, $0x1FC;
	v5 =	vld [tilespmem:s18+$0xFFFFFFD0];
	[tilespmem:s17+$0x2040 ss:$0x81] =	vst.msk $0xffff, v4  }
0x4d: {  	v6 =	vld [tilespmem:s18+$0xFFFFFFE0];
	[tilespmem:s17+$0x2850 ss:$0x81] =	vst.msk $0xffff, v3  }
0x4e: {  	s21 =	sshra.s32 s19, $0x2;
	s19 =	smov.u32 s20;
	v7 =	vld [tilespmem:s18+$0xFFFFFFF0];
	[tilespmem:s17+$0x3060 ss:$0x81] =	vst.msk $0xffff, v2  }
.Ltmp3:
0x4f: {  	v4 =	vld [tilespmem:s18+$0x0];
	[tilespmem:s17+$0x0 ss:$0x81] =	vst.msk $0xffff, v0;
	s17 =	sadd.s32 s21, s16;
	(pc) =	sbr.rel @p1 .LBB1_3-.Ltmp3, $4  }
0x50: {  	v3 =	vld [tilespmem:s18+$0x10];
	[tilespmem:s17+$0x3870 ss:$0x81] =	vst.msk $0xffff, v1  }
0x51: {  	[tilespmem:s17+$0x810 ss:$0x81] =	vst.msk $0xffff, v5;
	v2 =	vld [tilespmem:s18+$0x20]  }
0x52: {  	v0 =	vld [tilespmem:s18+$0xFFFFFFC0];
	[tilespmem:s17+$0x1020 ss:$0x81] =	vst.msk $0xffff, v6;
	s18 =	sadd.s32 $0x80, s18  }
0x53: {  	s20 =	sadd.s32 $0x4, s20;
	v1 =	vld [tilespmem:s18+$0x30];
	[tilespmem:s17+$0x1830 ss:$0x81] =	vst.msk $0xffff, v7  }
.Ltmp4:
0x54: {  	_ = 	snop;
	(pc) =	sbr.rel .LBB1_4-.Ltmp4, $1  }
0x55: {  	_ =	sdelay $0x3  }
.LBB1_6:
0x56: {  	_ =	sfence.sel $0x180000  }
0x57: {  	s2 =	simm.s32 $0x1;
	[bflag:$0x0] =	sbarrier.arrive $0xFFFF  }
0x58: {  	s31 =	simm.s32 $0x2;
	[sflag:s2] =	ssyncpa.u1 $0x1  }
0x59: {  	[sflag:s31] =	ssyncpa.u1 $0x1  }
0x5a: {  	p0 =	sne.s32 s0, $0x0;
	_ =	strace $0x90000059  }
0x5b: {  	s0 =	sadd.s32 @!p0 $0x100000, s1;
	[bflag:$0x2] =	sbarrier.arrive $0xFFFF  }
0x5c: {  	[sflag:s0] =	ssyncadd.tile.s32 @!p0 $0x1;
	_ =	shalt  }
.Lfunc_end1:
_tile_overlayer_lowered:
.L_overlay_start_2:
0x5d: {  	(tag) =	ssettag $0x2  }
0x5e: {  	s0 =	rddreg [dreg:$0x0];
	s2 =	stileid.u32  }
0x5f: {  	s1 =	rddreg [dreg:$0x1];
	p0 =	sne.s32 s2, $0x0  }
0x60: {  	s3 =	rddreg [dreg:$0x2];
	[bflag:$0x3] =	sbarrier.arrive $0xFFFF;
	s2 =	simm.s32 @!p0 $0x1C01  }
0x61: {  	[timem:s3], [sflag:s2] =	dma.local @!p0 [hbm:s0], s1  }
0x62: {  	s0 =	simm.s32 @!p0 $0x1  }
0x63: {  	_ =	swait.ge @!p0 [sflag:s0], s1  }
0x64: {  	s1 =	ssub.s32 @!p0 $0x0, s1;
	[sflag:s0] =	ssyncset.done @!p0 $0x0  }
0x65: {  	[sflag:s0] =	ssyncadd.s32 @!p0 s1  }
0x66: {  	[bflag:$0x3] =	sbarrier.arrive $0xFFFF  }
0x67: {  	_ =	shalt  }

// kernel: sparse-core-data-format-call.cloned.1.call-start
scs
called_computation_lowered:
.L_overlay_start_0:
0x0: {  	s1 =	sld [smem:$0x3FD9]  }
0x1: {  	s2 =	sld [smem:$0x3FFE];
	_ =	sdelay $0x1  }
0x2: {  	s3 =	srdreg.scid  }
0x3: {  	s0 =	sand.u32 $0x1, s3  }
0x4: {  	s17 =	sshll.u32 s0, $0xA;
	s1 =	sadd.s32 s2, s1  }
0x5: {  	s1 =	sadd.s32 s1, s17  }
0x6: {  	[smem:$0x3FB9] =	sst s1  }
0x7: {  	_ = 	snop  }
0x8: {  	(tm) =	ssettm $0x1  }
0x9: {  	s18 =	sld [smem:$0x3FFB];
	_ =	sdelay $0x3  }
0xa: {  	_ =	strace s18  }
0xb: {  	s1 =	sld [smem:$0x3FFC];
	_ =	sdelay $0x3  }
0xc: {  	_ =	strace s1  }
0xd: {  	s1 =	sld [smem:$0x3FFD];
	_ =	sdelay $0x3  }
0xe: {  	_ =	strace s1  }
0xf: {  	_ =	strace $0x8FFFFFFF  }
0x10: {  	s19 =	sld [smem:$0x3FDB];
	_ =	sdelay $0x1  }
0x11: {  	s20 =	simm.s32 $_scs_section_size  }
0x12: {  	s4 =	simm.s32 $_size__tile_overlayer_lowered;
	s5 =	simm.s32 $_tile_overlayer_lowered  }
0x13: {  	s23 =	simm.s32 $0x1BFF;
	s22 =	sshll.u32 s5, $0x1;
	s1 =	sadd.s32 s20, s19  }
0x14: {  	s6 =	simm.s32 $0x0;
	s21 =	sshll.u32 s4, $0x1;
	s4 =	sadd.s32 s22, s1  }
0x15: {  	[timem:s6], [sflag:s23] =	dma.local [hbm:s4], s21  }
0x16: {  	_ =	swait.ge [sflag:s23], s21  }
0x17: {  	s2 =	ssub.s32 $0x0, s21;
	[sflag:s23] =	ssyncset.done $0x0  }
0x18: {  	[sflag:s23] =	ssyncadd.s32 s2;
	_ =	sdelay $0x1  }
0x19: {  	s24 =	simm.s32 $0x1B8B  }
0x1a: {  	_ =	swait.ge [sflag:s24], $0x1  }
0x1b: {  	[sflag:s24] =	ssyncset.done $0x0  }
0x1c: {  	s26 =	simm.s32 $0x1B8E;
	s25 =	sld [smem:$0x3FFE];
	[sflag:s24] =	ssyncadd.s32 $0xFFFFFFFF  }
0x1d: {  	s27 =	simm.s32 $execute0_lowered;
	[smem:$0x3FD2] =	sst s26  }
0x1e: {  	s4 =	sshll.u32 s27, $0x1;
	_ =	strace $0x8000004F;
	[dreg:$0x1] =	wrdreg $0xFFFFFFFF  }
0x1f: {  	s28 =	simm.s32 $_size_execute0_lowered;
	s1 =	sadd.s32 s1, s4;
	[dreg:$0x0] =	wrdreg $0x0  }
0x20: {  	s4 =	sshll.u32 s28, $0x1;
	[dreg:$0x2] =	wrdreg s1  }
0x21: {  	[dreg:$0x3] =	wrdreg s4  }
0x22: {  	[dreg:$0x4] =	wrdreg $0xC0  }
0x23: {  	_ =	task [dreg:s6], $0x5FFFF  }
0x24: {  	[dreg:$0x1] =	wrdreg $0xFFFFFFFF  }
0x25: {  	[dreg:$0x0] =	wrdreg $0x60  }
0x26: {  	[dreg:$0x2] =	wrdreg s25  }
0x27: {  	[dreg:$0x3] =	wrdreg $0x9  }
0x28: {  	_ =	task.clear_ibuf [dreg:s6], $0x4FFFF;
	_ =	strace $0x9000004F  }
0x29: {  	s29 =	simm.s32 $0x9;
	_ =	strace $0x80000051  }
0x2a: {  	_ =	swait.ge [sflag:s29], $0x1  }
0x2b: {  	[sflag:s29] =	ssyncadd.s32 $0xFFFFFFFF  }
0x2c: {  	_ =	strace $0x90000051  }
0x2d: {  	_ =	sfence  }
0x2e: {  	s30 =	sld [smem:$0x0];
	_ =	sdelay $0x2  }
0x2f: {  	s31 =	sshll.u32 s3, $0xD;
	s3 =	sshrl.u32 s3, $0x2  }
0x30: {  	s2 =	sand.u32 $0x4000, s31;
	s1 =	sadd.s32 s3, s30  }
0x31: {  	s0 =	sor.u32 s2, s0;
	s1 =	sshll.u32 s1, $0x11  }
0x32: {  	s0 =	sor.u32 s1, s0  }
0x33: {  	s0 =	sadd.s32 $0x8F2B, s0  }
0x34: {  	[sflag:s0] =	ssyncadd.remote.s32 $0x1  }
0x35: {  	_ =	sfence.sel $0xFFFF  }
0x36: {  	[dreg:$0x0] =	wrdreg $0xFFFFFFFF;
	(pc) =	sbr.abs _section_cstart, $3  }
0x37: {  	[dreg:$0x1] =	wrdreg $0xFFFFFFFF  }
0x38: {  	_ =	task.clear_ibuf [dreg:s6], $0x2FFFF;
	_ =	strace $0x9FFFFFFF  }
0x39: {  	(tm) =	ssettm $0x7FFFFFFF  }
tec
execute0_lowered:
.L_overlay_start_1:
0x0: {  	(tag) =	ssettag $0x1  }
0x1: {  	s0 =	srdreg.scid  }
0x2: {  	s1 =	sshll.u32 s0, $0x4  }
0x3: {  	s7 =	rddreg [dreg:$0x0];
	s0 =	stileid.u32;
	s1 =	sand.u32 $0x10, s1  }
0x4: {  	s31 =	simm.s32 $0x2;
	s14 =	simm.s32 $0x0;
	s8 =	sor.u32 s0, s1  }
0x5: {  	s13 =	simm.s32 $0x0;
	s12 =	simm.s32 $0x0;
	s2 =	sshll.u32 s8, $0x5  }
0x6: {  	s3 =	sadd.s32 $0x266000, s7;
	s4 =	sshll.u32 s0, $0x7;
	s2 =	sand.u32 $0x380, s2  }
0x7: {  	s1 =	rddreg [dreg:$0x1];
	s4 =	sand.u32 $0x180, s4;
	s5 =	ssub.s32 $0x400, s2  }
0x8: {  	_ =	strace $0x80000050;
	s9 =	ssub.s32 $0x2700, s4;
	s6 =	sand.u32 $0x380, s5  }
0x9: {  	s9 =	sshrl.u32 s9, $0x9;
	p0 =	sne.s32 s6, $0x0;
	s6 =	simm.s32 $0x1  }
.Ltmp0:
0xa: {  	s10 =	sshrl.u32 s5, $0xA;
	s6 =	simm.s32 @!p0 $0x0;
	(pc) =	sbr.rel .LBB1_1-.Ltmp0, $4  }
0xb: {  	s9 =	sadd.s32 $0x1, s9;
	s5 =	simm.s32 $0x1;
	s6 =	sadd.s32 s6, s10  }
0xc: {  	s7 =	sadd.s32 $0x39E800, s7;
	[sflag:s5] =	ssyncpa.u1 $0x0;
	s6 =	smul.u32 s9, s6  }
0xd: {  	s8 =	sshll.u32 s8, $0x8;
	s11 =	smov.u32 s4;
	[sflag:s31] =	ssyncpa.u1 $0x0  }
0xe: {  	p0 =	por $0x0, $0x0;
	s10 =	simm.s32 $0x13C00;
	s9 =	sadd.s32 $0x1, s6  }
.LBB1_4:
0xf: {  	s14 =	sshrl.u32 s14, $0x3  }
0x10: {  	s20 =	sshll.u32 s13, $0x3;
	s14 =	smul.u32 $0x13C00, s14  }
0x11: {  	v5 =	vld [tilespmem:s18+$0xFFFFFFD0];
	[tilespmem:s17+$0x2040 ss:$0x81] =	vst.msk $0xffff, v4;
	s20 =	sand.u32 $0xFFFFFC00, s20  }
0x12: {  	v58 =	vld [tilespmem:s18+$0xFFFFFFE0];
	[tilespmem:s17+$0x2850 ss:$0x81] =	vst.msk $0xffff, v3;
	s30 =	sand.u32 $0x7F, s13;
	s14 =	sadd.s32 s20, s14  }
0x13: {  	s19 =	sshra.s32 s19, $0x2;
	v59 =	vld [tilespmem:s18+$0xFFFFFFF0];
	[tilespmem:s17+$0x3060 ss:$0x81] =	vst.msk $0xffff, v2;
	s13 =	sor.u32 s30, s14  }
0x14: {  	v60 =	vld [tilespmem:s18+$0x0];
	[tilespmem:s17+$0x0 ss:$0x81] =	vst.msk $0xffff, v0;
	s16 =	sadd.s32 s19, s16;
	s31 =	smulhi.u32 $0xCF6474A9, s13  }
0x15: {  	v61 =	vld [tilespmem:s18+$0x10];
	[tilespmem:s16+$0x3870 ss:$0x81] =	vst.msk $0xffff, v1  }
0x16: {  	v62 =	vld [tilespmem:s18+$0x20];
	s14 =	smulhi.u32 $0xCF6474A9, s14;
	[tilespmem:s16+$0x810 ss:$0x81] =	vst.msk $0xffff, v5;
	s17 =	sshrl.u32 s31, $0xD  }
0x17: {  	v63 =	vld [tilespmem:s18+$0xFFFFFFC0];
	[tilespmem:s16+$0x1020 ss:$0x81] =	vst.msk $0xffff, v58;
	s17 =	smul.u32 $0x2780, s17  }
0x18: {  	[tilespmem:s16+$0x1830 ss:$0x81] =	vst.msk $0xffff, v59;
	s14 =	sshrl.u32 s14, $0xD  }
0x19: {  	[tilespmem:s16+$0x2040 ss:$0x81] =	vst.msk $0xffff, v60;
	s14 =	sand.u32 $0x3FF, s14;
	s13 =	ssub.s32 s13, s17  }
0x1a: {  	[tilespmem:s16+$0x2850 ss:$0x81] =	vst.msk $0xffff, v61;
	s14 =	smul.u32 $0x4F0, s14;
	s17 =	sshrl.u32 s13, $0x3;
	s13 =	sand.u32 $0x7, s13  }
0x1b: {  	[tilespmem:s16+$0x3060 ss:$0x81] =	vst.msk $0xffff, v62;
	s17 =	sadd.s32 s7, s17;
	s13 =	sshll.u32 s13, $0x12  }
0x1c: {  	[tilespmem:s16+$0x0 ss:$0x81] =	vst.msk $0xffff, v63;
	s14 =	sadd.s32 s14, s17;
	s13 =	sor.u32 $0x400, s13  }
0x1d: {  	[hbm4b:s14+s13] =	stream.strided.scatter [tilespmem:s15], [sflag:$0x2], $0x4000, s10, s13, $0x20;
	[tilespmem:$0x10100] =	vst v63  }
.LBB1_5:
0x1e: {  	s15 =	sadd.s32 $0x200, s11  }
0x1f: {  	p2 =	sgt.s32 s15, $0x270F  }
0x20: {  	s15 =	smov.u32 @p2 s4;
	p2 =	sne.s32 s12, s9  }
.Ltmp1:
0x21: {  	p1 =	slt.u32 s12, $0x2;
	(pc) =	sbr.rel @!p2 .LBB1_6-.Ltmp1, $4  }
0x22: {  	s14 =	simm.s32 @!p1 $0x2  }
0x23: {  	s16 =	sadd.s32 $0x1, s12;
	s13 =	smov.u32 s11;
	_ =	swait.ge @!p1 [sflag:s14], $0x4000  }
0x24: {  	p0 =	por !p0, !p0;
	s12 =	smov.u32 s16;
	[sflag:s14] =	ssyncset.done @!p1 $0x0  }
0x25: {  	s11 =	smov.u32 s15;
	[sflag:s14] =	ssyncadd.s32 @!p1 $0xFFFFC000;
	s14 =	smov.u32 s2  }
.LBB1_1:
0x26: {  	p1 =	sge.u32 s12, s6  }
0x27: {  	s15 =	sshll.u32 @!p1 s11, $0xA  }
0x28: {  	s15 =	sand.u32 @!p1 $0xFFFFE000, s15  }
0x29: {  	s15 =	sor.u32 @!p1 s8, s15  }
0x2a: {  	s17 =	smov.u32 s11;
	p2 =	sgt.s32 @!p1 s11, $0x2690;
	s15 =	sshrl.u32 @!p1 s15, $0xA  }
0x2b: {  	s18 =	sshra.s32 @!p1 s11, $0x1F;
	p2 =	por !p2, p1;
	s16 =	smulhi.u32 @!p1 $0x1A36E3, s15  }
0x2c: {  	s31 =	sadd.s32 $0xFFFFFFFF, s12;
	s18 =	sand.u32 @!p1 s18, s11;
	s17 =	simm.s32 @p2 $0x2690  }
0x2d: {  	s19 =	sxor.u32 @!p1 $0xFFFFFFFF, s12;
	s17 =	ssub.s32 @!p1 s17, s18;
	s16 =	sshrl.u32 @!p1 s16, $0x2  }
0x2e: {  	s18 =	sshll.u32 @!p1 s19, $0xE;
	s17 =	sadd.s32 @!p1 $0xFFFFD970, s17;
	s16 =	smul.u32 @!p1 $0x2710, s16  }
0x2f: {  	s19 =	simm.s32 @!p1 $0x2000;
	s18 =	sand.u32 @!p1 $0x4000, s18;
	p2 =	sgt.s32 @!p1 s17, $0x7F  }
0x30: {  	s15 =	ssub.s32 @!p1 s15, s16;
	s16 =	sshll.u32 @!p1 s17, $0x7;
	s17 =	sshll.u32 @!p1 s11, $0x4  }
0x31: {  	p2 =	por !p2, p1;
	s16 =	ssub.s32 @!p1 $0x4000, s16;
	s17 =	sand.u32 @!p1 $0x70, s17  }
0x32: {  	s15 =	sshll.u32 @!p1 s15, $0x7;
	s16 =	sand.u32 @!p1 $0x3FFFFF80, s16;
	s17 =	sadd.s32 @!p1 s3, s17  }
0x33: {  	s16 =	simm.s32 @!p2 $0x0;
	s15 =	sadd.s32 @!p1 s15, s17;
	s17 =	simm.s32 @!p1 $0x400  }
0x34: {  	[tilespmem:s18], [sflag:$0x1] =	stream.strided.gather @!p1 [hbm4b:s15+s17], s16, s19, s17, $0x38;
	[tilespmem:$0x10100] =	vst v63  }
0x35: {  	p1 =	sge.u32 s31, s6  }
.Ltmp2:
0x36: {  	_ = 	snop;
	(pc) =	sbr.rel @p1 .LBB1_5-.Ltmp2, $1  }
0x37: {  	_ =	sdelay $0x3  }
0x38: {  	p1 =	sgt.s32 s13, $0x2690;
	s15 =	smov.u32 s13;
	s16 =	sshra.s32 s13, $0x1F  }
0x39: {  	s15 =	simm.s32 @!p1 $0x2690;
	s16 =	sand.u32 s16, s13  }
0x3a: {  	s15 =	ssub.s32 s15, s16  }
0x3b: {  	s15 =	sadd.s32 $0xFFFFD970, s15  }
0x3c: {  	s29 =	sshll.u32 s15, $0x7  }
0x3d: {  	s16 =	ssub.s32 $0x4000, s29  }
0x3e: {  	p1 =	sgt.s32 s15, $0x7F;
	s15 =	sand.u32 $0x3FFFFF80, s16  }
0x3f: {  	s16 =	simm.s32 $0x1;
	s15 =	simm.s32 @p1 $0x0  }
0x40: {  	s16 =	simm.s32 @!p0 $0x0;
	_ =	swait.ge [sflag:s5], s15  }
0x41: {  	s17 =	sshll.u32 s16, $0xE;
	s15 =	ssub.s32 $0x0, s15;
	[sflag:s5] =	ssyncset.done $0x0  }
0x42: {  	s18 =	sor.u32 $0x40, s17;
	[sflag:s5] =	ssyncadd.s32 s15  }
0x43: {  	s30 =	smul.u32 $0x10200, s16;
	v0 =	vld [tilespmem:s18+$0x30]  }
0x44: {  	v1 =	vld [tilespmem:s18+$0xFFFFFFD0]  }
0x45: {  	s15 =	sshrl.u32 s30, $0x2;
	v5 =	vld [tilespmem:s18+$0xFFFFFFE0]  }
0x46: {  	s16 =	sor.u32 $0x8000, s15;
	v6 =	vld [tilespmem:s18+$0xFFFFFFF0]  }
0x47: {  	s31 =	sand.u32 $0x1, s12;
	v4 =	vld [tilespmem:s18+$0x0];
	s17 =	sadd.s32 $0x0, s16  }
0x48: {  	s15 =	smul.u32 $0x10200, s31;
	v3 =	vld [tilespmem:s18+$0x10];
	[tilespmem:s17+$0x3870 ss:$0x81] =	vst.msk $0xffff, v0  }
0x49: {  	v2 =	vld [tilespmem:s18+$0x20];
	[tilespmem:s17+$0x810 ss:$0x81] =	vst.msk $0xffff, v1  }
0x4a: {  	s15 =	sshrl.u32 s15, $0x2;
	v0 =	vld [tilespmem:s18+$0xFFFFFFC0];
	[tilespmem:s17+$0x1020 ss:$0x81] =	vst.msk $0xffff, v5;
	s18 =	sadd.s32 $0x80, s18  }
0x4b: {  	s19 =	simm.s32 $0x4;
	s20 =	simm.s32 $0x8;
	s15 =	sor.u32 $0x8000, s15;
	[tilespmem:s17+$0x1830 ss:$0x81] =	vst.msk $0xffff, v6;
	v1 =	vld [tilespmem:s18+$0x30]  }
.LBB1_3:
0x4c: {  	p1 =	sne.s32 s20, $0x1FC;
	v5 =	vld [tilespmem:s18+$0xFFFFFFD0];
	[tilespmem:s17+$0x2040 ss:$0x81] =	vst.msk $0xffff, v4  }
0x4d: {  	v6 =	vld [tilespmem:s18+$0xFFFFFFE0];
	[tilespmem:s17+$0x2850 ss:$0x81] =	vst.msk $0xffff, v3  }
0x4e: {  	s21 =	sshra.s32 s19, $0x2;
	s19 =	smov.u32 s20;
	v7 =	vld [tilespmem:s18+$0xFFFFFFF0];
	[tilespmem:s17+$0x3060 ss:$0x81] =	vst.msk $0xffff, v2  }
.Ltmp3:
0x4f: {  	v4 =	vld [tilespmem:s18+$0x0];
	[tilespmem:s17+$0x0 ss:$0x81] =	vst.msk $0xffff, v0;
	s17 =	sadd.s32 s21, s16;
	(pc) =	sbr.rel @p1 .LBB1_3-.Ltmp3, $4  }
0x50: {  	v3 =	vld [tilespmem:s18+$0x10];
	[tilespmem:s17+$0x3870 ss:$0x81] =	vst.msk $0xffff, v1  }
0x51: {  	[tilespmem:s17+$0x810 ss:$0x81] =	vst.msk $0xffff, v5;
	v2 =	vld [tilespmem:s18+$0x20]  }
0x52: {  	v0 =	vld [tilespmem:s18+$0xFFFFFFC0];
	[tilespmem:s17+$0x1020 ss:$0x81] =	vst.msk $0xffff, v6;
	s18 =	sadd.s32 $0x80, s18  }
0x53: {  	s20 =	sadd.s32 $0x4, s20;
	v1 =	vld [tilespmem:s18+$0x30];
	[tilespmem:s17+$0x1830 ss:$0x81] =	vst.msk $0xffff, v7  }
.Ltmp4:
0x54: {  	_ = 	snop;
	(pc) =	sbr.rel .LBB1_4-.Ltmp4, $1  }
0x55: {  	_ =	sdelay $0x3  }
.LBB1_6:
0x56: {  	_ =	sfence.sel $0x180000  }
0x57: {  	s2 =	simm.s32 $0x1;
	[bflag:$0x0] =	sbarrier.arrive $0xFFFF  }
0x58: {  	s31 =	simm.s32 $0x2;
	[sflag:s2] =	ssyncpa.u1 $0x1  }
0x59: {  	[sflag:s31] =	ssyncpa.u1 $0x1  }
0x5a: {  	p0 =	sne.s32 s0, $0x0;
	_ =	strace $0x90000050  }
0x5b: {  	s0 =	sadd.s32 @!p0 $0x100000, s1;
	[bflag:$0x2] =	sbarrier.arrive $0xFFFF  }
0x5c: {  	[sflag:s0] =	ssyncadd.tile.s32 @!p0 $0x1;
	_ =	shalt  }
.Lfunc_end1:
_tile_overlayer_lowered:
.L_overlay_start_2:
0x5d: {  	(tag) =	ssettag $0x2  }
0x5e: {  	s0 =	rddreg [dreg:$0x0];
	s2 =	stileid.u32  }
0x5f: {  	s1 =	rddreg [dreg:$0x1];
	p0 =	sne.s32 s2, $0x0  }
0x60: {  	s3 =	rddreg [dreg:$0x2];
	[bflag:$0x3] =	sbarrier.arrive $0xFFFF;
	s2 =	simm.s32 @!p0 $0x1C01  }
0x61: {  	[timem:s3], [sflag:s2] =	dma.local @!p0 [hbm:s0], s1  }
0x62: {  	s0 =	simm.s32 @!p0 $0x1  }
0x63: {  	_ =	swait.ge @!p0 [sflag:s0], s1  }
0x64: {  	s1 =	ssub.s32 @!p0 $0x0, s1;
	[sflag:s0] =	ssyncset.done @!p0 $0x0  }
0x65: {  	[sflag:s0] =	ssyncadd.s32 @!p0 s1  }
0x66: {  	[bflag:$0x3] =	sbarrier.arrive $0xFFFF  }
0x67: {  	_ =	shalt  }

</sc_bundles>
